<compile_context>
chip_gen: v7x
topology: tpu7x:2x2x1
jax: 0.10.2.dev20260603
libtpu: 0.0.44.dev20260713+nightly
codegen_flags: <defaults>
</compile_context>

<pallas_src>
import functools

import jax
import jax.numpy as jnp
from jax import lax
from jax.experimental import pallas as pl
from jax.experimental.pallas import tpu as pltpu, tpu_sc as plsc

N_CORES = 2
N_SUB = 16
N_W = N_CORES * N_SUB
CH = 80


def _mesh():
    return plsc.VectorSubcoreMesh(
        core_axis_name="c", subcore_axis_name="s",
        num_cores=N_CORES, num_subcores=N_SUB)



def _sc_gather(table, idx):
    r, d = table.shape
    b = idx.shape[0]
    per_w = b // N_W
    n_it = per_w // CH

    @functools.partial(
        pl.kernel, mesh=_mesh(),
        out_type=jax.ShapeDtypeStruct((b, d), jnp.float32),
        scratch_types=[
            pltpu.VMEM((CH,), jnp.int32),
            pltpu.VMEM((CH, d), jnp.float32),
            pltpu.SemaphoreType.DMA,
        ],
    )
    def k(tbl, ix, out, ixv, rows, sem):
        wid = lax.axis_index("s") * N_CORES + lax.axis_index("c")
        base = wid * per_w

        def body(i, carry):
            off = base + i * CH
            pltpu.sync_copy(ix.at[pl.ds(off, CH)], ixv)
            pltpu.async_copy(tbl.at[ixv], rows, sem).wait()
            pltpu.sync_copy(rows, out.at[pl.ds(off, CH)])
            return carry

        lax.fori_loop(0, n_it, body, 0)

    return k(table, idx)


def _sc_scatter_add(vals, idx, zeros, col):
    b = vals.shape[0]
    t = zeros.shape[0]
    per_w = b // N_W
    n_it = per_w // CH

    @functools.partial(
        pl.kernel, mesh=_mesh(),
        out_type=jax.ShapeDtypeStruct((N_CORES, t, 128), jnp.float32),
        scratch_types=[
            pltpu.VMEM((CH,), jnp.int32),
            pltpu.VMEM((CH, 128), jnp.float32),
            pltpu.VMEM_SHARED((t, 128), jnp.float32),
        ],
    )
    def k(v, ix, zer, out, ixv, valv, shared):
        c = lax.axis_index("c")
        s = lax.axis_index("s")
        wid = s * N_CORES + c
        base = wid * per_w

        @pl.when(s == 0)
        def _init():
            pltpu.sync_copy(zer, shared)

        plsc.subcore_barrier()

        def body(i, carry):
            off = base + i * CH
            pltpu.sync_copy(ix.at[pl.ds(off, CH)], ixv)
            pltpu.sync_copy(v.at[pl.ds(off, CH), pl.ds(col, 128)], valv)
            pltpu.sync_copy(valv, shared.at[ixv], add=True)
            return carry

        lax.fori_loop(0, n_it, body, 0)
        plsc.subcore_barrier()

        @pl.when(s == 0)
        def _flush():
            pltpu.sync_copy(shared, out.at[c])

    return k(vals, idx, zeros)



def _node_prep(x, w, ablk_s, ablk_d):
    n = x.shape[0]
    hc = w.shape[1]
    dw = (hc + 8 + 127) // 128 * 128
    pad = dw - hc - 8

    bn = 2000
    grid = n // bn

    def body(x_ref, w_ref, as_ref, ad_ref, s_ref, dp_ref, m_ref):
        i = pl.program_id(0)
        xp = jnp.dot(x_ref[...], w_ref[...], preferred_element_type=jnp.float32)
        a_s = jnp.dot(xp, as_ref[...], preferred_element_type=jnp.float32)
        a_d = jnp.dot(xp, ad_ref[...], preferred_element_type=jnp.float32)
        z = jnp.zeros((xp.shape[0], pad), jnp.float32)
        zd = jnp.zeros((xp.shape[0], 120), jnp.float32)
        s_ref[...] = jnp.concatenate([xp, a_s, z], axis=1)
        dp_ref[...] = jnp.concatenate([a_d, zd], axis=1)
        m = (jnp.max(a_s, axis=0, keepdims=True)
             + jnp.max(a_d, axis=0, keepdims=True))
        m = jnp.concatenate([m, jnp.zeros_like(m)], axis=1)

        @pl.when(i == 0)
        def _():
            m_ref[...] = m

        @pl.when(i > 0)
        def _():
            m_ref[...] = jnp.maximum(m_ref[...], m)

    return pl.pallas_call(
        body,
        grid=(grid,),
        in_specs=[
            pl.BlockSpec((bn, x.shape[1]), lambda i: (i, 0)),
            pl.BlockSpec(w.shape, lambda i: (0, 0)),
            pl.BlockSpec(ablk_s.shape, lambda i: (0, 0)),
            pl.BlockSpec(ablk_d.shape, lambda i: (0, 0)),
        ],
        out_specs=(
            pl.BlockSpec((bn, dw), lambda i: (i, 0)),
            pl.BlockSpec((bn, 128), lambda i: (i, 0)),
            pl.BlockSpec((1, 16), lambda i: (0, 0)),
        ),
        out_shape=(
            jax.ShapeDtypeStruct((n, dw), jnp.float32),
            jax.ShapeDtypeStruct((n, 128), jnp.float32),
            jax.ShapeDtypeStruct((1, 16), jnp.float32),
        ),
    )(x, w, ablk_s, ablk_d)


def _edge_compute(g1, de, m, b8, hc):
    e = g1.shape[0]
    dw = (hc + 8 + 127) // 128 * 128
    pad = dw - hc - 8
    be = 2000
    grid = e // be

    def body(g1_ref, de_ref, m_ref, b8_ref, out_ref):
        g1b = g1_ref[...]
        gx = g1b[:, :hc]
        ae = g1b[:, hc:hc + 8]
        t = ae + de_ref[:, :8]
        t = jnp.where(t >= 0.0, t, 0.2 * t)
        mv = m_ref[:, :8]
        mlr = jnp.where(mv >= 0.0, mv, 0.2 * mv)
        w = jnp.exp(t - mlr)
        wf = jnp.dot(w, b8_ref[...], preferred_element_type=jnp.float32)
        z = jnp.zeros((gx.shape[0], pad), jnp.float32)
        out_ref[...] = jnp.concatenate([gx * wf, w, z], axis=1)

    return pl.pallas_call(
        body,
        grid=(grid,),
        in_specs=[
            pl.BlockSpec((be, dw), lambda i: (i, 0)),
            pl.BlockSpec((be, 128), lambda i: (i, 0)),
            pl.BlockSpec((1, 16), lambda i: (0, 0)),
            pl.BlockSpec((8, hc), lambda i: (0, 0)),
        ],
        out_specs=pl.BlockSpec((be, dw), lambda i: (i, 0)),
        out_shape=jax.ShapeDtypeStruct((e, dw), jnp.float32),
    )(g1, de, m, b8)


def _finalize12(pa, pb, b8, bias, x_res):
    n = pa.shape[1]
    args = [pa[0], pa[1], pb[0], pb[1], b8, bias] + (
        [] if x_res is None else [x_res])

    bn = 2000
    grid = n // bn

    def body(*refs):
        out_ref = refs[-1]
        num = refs[0][...] + refs[1][...]
        wacc = refs[2][...] + refs[3][...]
        den = wacc[:, :8]
        denb = jnp.dot(den, refs[4][...], preferred_element_type=jnp.float32)
        o = num / (denb + 1e-16) + refs[5][...]
        if x_res is not None:
            o = o + refs[6][...]
        oneg = jnp.minimum(o, 0.0)
        out_ref[...] = jnp.where(o > 0.0, o, jnp.exp(oneg) - 1.0)

    row = lambda i: (i, 0)
    const = lambda i: (0, 0)
    in_specs = [pl.BlockSpec((bn, 128), row)] * 4 + [
        pl.BlockSpec((8, 128), const), pl.BlockSpec((1, 128), const)]
    if x_res is not None:
        in_specs.append(pl.BlockSpec((bn, 128), row))
    return pl.pallas_call(
        body,
        grid=(grid,),
        in_specs=in_specs,
        out_specs=pl.BlockSpec((bn, 128), row),
        out_shape=jax.ShapeDtypeStruct((n, 128), jnp.float32),
    )(*args)


def _finalize3(pa, pb, pc, rep, bias):
    n = pa.shape[1]

    bn = 2000
    grid = n // bn

    def body(a0, a1, b0, b1, c0, c1, rep_ref, bias_ref, out_ref):
        acc_a = a0[...] + a1[...]
        acc_b = b0[...] + b1[...]
        acc_c = c0[...] + c1[...]
        num = jnp.concatenate([acc_a, acc_b, acc_c[:, :64]], axis=1)
        den = acc_c[:, 64:72]
        repm = rep_ref[...]
        denb = jnp.dot(den, repm, preferred_element_type=jnp.float32)
        o = num / (denb + 1e-16)
        s = jnp.zeros((o.shape[0], 40), jnp.float32)
        for h in range(8):
            s = s + o[:, h * 40:(h + 1) * 40]
        out_ref[...] = s * 0.125 + bias_ref[...]

    row = lambda i: (i, 0)
    const = lambda i: (0, 0)
    return pl.pallas_call(
        body,
        grid=(grid,),
        in_specs=[pl.BlockSpec((bn, 128), row)] * 6 + [
            pl.BlockSpec((8, 320), const), pl.BlockSpec((1, 40), const)],
        out_specs=pl.BlockSpec((bn, 40), row),
        out_shape=jax.ShapeDtypeStruct((n, 40), jnp.float32),
    )(pa[0], pa[1], pb[0], pb[1], pc[0], pc[1], rep, bias)



def _blockdiag(att):
    h, c = att.shape
    return (att[:, :, None] * jnp.eye(h, dtype=att.dtype)[:, None, :]).reshape(h * c, h)


def _gat_layer(x, src, dst, w, att_src, att_dst, hc):
    s_tbl, d_tbl, m = _node_prep(x, w, _blockdiag(att_src), _blockdiag(att_dst))
    g1 = _sc_gather(s_tbl, src)
    de = _sc_gather(d_tbl, dst)
    b8 = jnp.repeat(jnp.eye(8, dtype=jnp.float32), hc // 8, axis=1)
    msg = _edge_compute(g1, de, m, b8, hc)
    return msg, b8


def kernel(x, edge_index, batch, W1, att_src1, att_dst1, b1,
           W2, att_src2, att_dst2, b2, W3, att_src3, att_dst3, b3):
    n = x.shape[0]
    src = edge_index[0].astype(jnp.int32)
    dst = edge_index[1].astype(jnp.int32)
    z = jnp.zeros((n, 128), jnp.float32)

    msg, b8 = _gat_layer(x, src, dst, W1, att_src1, att_dst1, 128)
    pa = _sc_scatter_add(msg, dst, z, 0)
    pb = _sc_scatter_add(msg, dst, z, 128)
    x1 = _finalize12(pa, pb, b8, b1.reshape(1, 128), None)

    msg, _ = _gat_layer(x1, src, dst, W2, att_src2, att_dst2, 128)
    pa = _sc_scatter_add(msg, dst, z, 0)
    pb = _sc_scatter_add(msg, dst, z, 128)
    x2 = _finalize12(pa, pb, b8, b2.reshape(1, 128), x1)

    msg, _ = _gat_layer(x2, src, dst, W3, att_src3, att_dst3, 320)
    pa = _sc_scatter_add(msg, dst, z, 0)
    pb = _sc_scatter_add(msg, dst, z, 128)
    pc = _sc_scatter_add(msg, dst, z, 256)
    rep = jnp.repeat(jnp.eye(8, dtype=jnp.float32), 40, axis=1)
    return _finalize3(pa, pb, pc, rep, b3.reshape(1, 40))

# --- scband reference (transcript-rebuilt; emitter-appended) ---
"""Pipeline reference for scband-gat-32530082300265 (READ-ONLY COPY).

The authoritative reference and input builder live on the scoring server;
editing this copy changes nothing except your own understanding.
"""

import jax, jax.numpy as jnp
import numpy as np

N = 10000
E = 320000
F = 128
H = 8
C = 16
NC = 40


def _glorot(key, shape):
    fan_in, fan_out = shape[0], shape[-1]
    limit = float(np.sqrt(6.0 / (fan_in + fan_out)))
    return jax.random.uniform(key, shape, jnp.float32, -limit, limit)


def setup_inputs(seed: int = 0) -> dict:
    key = jax.random.key(seed)
    ks = jax.random.split(key, 16)
    x = jax.random.normal(ks[0], (N, F), jnp.float32)
    edge_index = jax.random.randint(ks[1], (2, E), 0, N, jnp.int64)
    batch = jnp.zeros((N,), jnp.int64)
    # layer 1: in=128 -> heads=8, ch=16, concat -> out 128
    W1 = _glorot(ks[2], (F, H * C))
    att_src1 = _glorot(ks[3], (H, C))
    att_dst1 = _glorot(ks[4], (H, C))
    b1 = jnp.zeros((H * C,), jnp.float32)
    # layer 2: in=128 -> heads=8, ch=16, concat -> out 128
    W2 = _glorot(ks[5], (H * C, H * C))
    att_src2 = _glorot(ks[6], (H, C))
    att_dst2 = _glorot(ks[7], (H, C))
    b2 = jnp.zeros((H * C,), jnp.float32)
    # layer 3: in=128 -> heads=8, ch=40, mean over heads -> out 40
    W3 = _glorot(ks[8], (H * C, H * NC))
    att_src3 = _glorot(ks[9], (H, NC))
    att_dst3 = _glorot(ks[10], (H, NC))
    b3 = jnp.zeros((NC,), jnp.float32)
    return {"x": x, "edge_index": edge_index, "batch": batch,
            "W1": W1, "att_src1": att_src1, "att_dst1": att_dst1, "b1": b1,
            "W2": W2, "att_src2": att_src2, "att_dst2": att_dst2, "b2": b2,
            "W3": W3, "att_src3": att_src3, "att_dst3": att_dst3, "b3": b3}


def gat_conv(x, edge_index, W, att_src, att_dst, bias, concat):
    n = x.shape[0]
    h, c = att_src.shape
    src = edge_index[0]
    dst = edge_index[1]
    xp = (x @ W).reshape(n, h, c)
    a_src = (xp * att_src[None, :, :]).sum(-1)  # [N, H]
    a_dst = (xp * att_dst[None, :, :]).sum(-1)  # [N, H]
    alpha = a_src[src] + a_dst[dst]             # [E, H]
    alpha = jax.nn.leaky_relu(alpha, 0.2)
    m = jax.ops.segment_max(alpha, dst, num_segments=n)
    m = jnp.where(jnp.isfinite(m), m, 0.0)
    e = jnp.exp(alpha - m[dst])
    denom = jax.ops.segment_sum(e, dst, num_segments=n)
    coef = e / (denom[dst] + 1e-16)             # softmax over incoming edges
    out = jax.ops.segment_sum(coef[:, :, None] * xp[src], dst, num_segments=n)
    if concat:
        out = out.reshape(n, h * c)
    else:
        out = out.mean(axis=1)
    return out + bias


def reference(x, edge_index, batch, W1, att_src1, att_dst1, b1, W2, att_src2, att_dst2, b2, W3, att_src3, att_dst3, b3):
    x1 = jax.nn.elu(gat_conv(x, edge_index, W1, att_src1, att_dst1, b1, True))
    x2 = jax.nn.elu(gat_conv(x1, edge_index, W2, att_src2, att_dst2, b2, True) + x1)
    out = gat_conv(x2, edge_index, W3, att_src3, att_dst3, b3, False)
    return out

if __name__ == "__main__":
    import jax
    _d = setup_inputs()
    print(jax.jit(kernel)(*tuple(_d.values())))

</pallas_src>

<mosaic_0001>
#map = affine_map<(d0, d1) -> (0, 0)>
#map1 = affine_map<(d0, d1) -> (0)>
module attributes {stable_mosaic.version = 14 : i64} {
  func.func @k(%arg0: i32, %arg1: i32, %arg2: memref<10000x128xf32, #tpu.memory_space<hbm>>, %arg3: memref<320000xi32, #tpu.memory_space<hbm>>, %arg4: memref<320000x128xf32, #tpu.memory_space<hbm>>, %arg5: memref<80xi32, #tpu.memory_space<vmem>>, %arg6: memref<80x128xf32, #tpu.memory_space<vmem>>, %arg7: memref<!tpu.dma_semaphore, #tpu.memory_space<semaphore_mem>>) attributes {dimension_semantics = [#tpu.dimension_semantics<core_parallel>, #tpu.dimension_semantics<subcore_parallel>], iteration_bounds = array<i64: 2, 16>, scalar_prefetch = 0 : i64, scratch_operands = 3 : i64, tpu.core_type = #tpu.core_type<sc_vector_subcore>, window_params = [{transform_indices = #map}, {transform_indices = #map1}, {transform_indices = #map}]} {
    %mul3A = arith.constant 2 : i32
    %mul3A_0 = arith.muli %arg1, %mul3A : i32
    %add3A = arith.addi %mul3A_0, %arg0 : i32
    %mul3A_1 = arith.constant 10000 : i32
    %mul3A_2 = arith.muli %add3A, %mul3A_1 : i32
    %scan3A = arith.constant 0 : i32
    %scan3A_3 = arith.constant 0 : i32
    %scan3A_4 = arith.constant 125 : i32
    %scan3A_5 = arith.addi %scan3A_3, %scan3A_4 : i32
    %scan3A_6 = arith.constant 1 : i32
    scf.for %scan3A_8 = %scan3A_3 to %scan3A_5 step %scan3A_6  : i32 {
      %mul3A_9 = arith.constant 80 : i32
      %mul3A_10 = arith.muli %scan3A_8, %mul3A_9 : i32
      %add3A_11 = arith.addi %mul3A_2, %mul3A_10 : i32
      "tpu.region"() ({
        %run_scoped3A = tpu.sem_alloc : memref<!tpu.dma_semaphore, #tpu.memory_space<semaphore_mem>>
        %dma_start3A_16 = tpu.memref_slice %arg3[%add3A_11] : memref<320000xi32, #tpu.memory_space<hbm>> -> memref<80xi32, #tpu.memory_space<hbm>>
        %dma_start3A_17 = tpu.memref_slice %arg3[%add3A_11] : memref<320000xi32, #tpu.memory_space<hbm>> -> memref<80xi32, #tpu.memory_space<hbm>>
        tpu.enqueue_dma source(%dma_start3A_17 : memref<80xi32, #tpu.memory_space<hbm>>) target(%arg5 : memref<80xi32, #tpu.memory_space<vmem>>) target_semaphore(%run_scoped3A : memref<!tpu.dma_semaphore, #tpu.memory_space<semaphore_mem>>)
        %dma_wait3A_18 = tpu.memref_slice %arg3[%add3A_11] : memref<320000xi32, #tpu.memory_space<hbm>> -> memref<80xi32, #tpu.memory_space<hbm>>
        %dma_wait3A_19 = tpu.memref_slice %arg3[%add3A_11] : memref<320000xi32, #tpu.memory_space<hbm>> -> memref<80xi32, #tpu.memory_space<hbm>>
        tpu.wait_dma2 semaphore(%run_scoped3A : memref<!tpu.dma_semaphore, #tpu.memory_space<semaphore_mem>>) src(%dma_wait3A_19 : memref<80xi32, #tpu.memory_space<hbm>>) dst(%arg5 : memref<80xi32, #tpu.memory_space<vmem>>)
        tpu.yield
      }) : () -> ()
      %dma_start3A = arith.constant 0 : i32
      %dma_start3A_12 = arith.constant 0 : i32
      %dma_start3A_13 = tpu.memref_slice %arg2[%dma_start3A, %dma_start3A_12] : memref<10000x128xf32, #tpu.memory_space<hbm>> -> memref<10000x128xf32, #tpu.memory_space<hbm>>
      tpu.enqueue_indirect_dma source(%dma_start3A_13 : memref<10000x128xf32, #tpu.memory_space<hbm>>) target(%arg6 : memref<80x128xf32, #tpu.memory_space<vmem>>) offsets(%arg5 : memref<80xi32, #tpu.memory_space<vmem>>) semaphore(%arg7 : memref<!tpu.dma_semaphore, #tpu.memory_space<semaphore_mem>>)
      %dma_wait3A = arith.constant 0 : i32
      %dma_wait3A_14 = arith.constant 0 : i32
      %dma_wait3A_15 = tpu.memref_slice %arg2[%dma_wait3A, %dma_wait3A_14] : memref<10000x128xf32, #tpu.memory_space<hbm>> -> memref<10000x128xf32, #tpu.memory_space<hbm>>
      tpu.wait_indirect_dma semaphore(%arg7 : memref<!tpu.dma_semaphore, #tpu.memory_space<semaphore_mem>>) src(%dma_wait3A_15 : memref<10000x128xf32, #tpu.memory_space<hbm>>) dst(%arg6 : memref<80x128xf32, #tpu.memory_space<vmem>>)
      "tpu.region"() ({
        %run_scoped3A = tpu.sem_alloc : memref<!tpu.dma_semaphore, #tpu.memory_space<semaphore_mem>>
        %dma_start3A_16 = arith.constant 0 : i32
        %dma_start3A_17 = tpu.memref_slice %arg4[%add3A_11, %dma_start3A_16] : memref<320000x128xf32, #tpu.memory_space<hbm>> -> memref<80x128xf32, #tpu.memory_space<hbm>>
        %dma_start3A_18 = arith.constant 0 : i32
        %dma_start3A_19 = tpu.memref_slice %arg4[%add3A_11, %dma_start3A_18] : memref<320000x128xf32, #tpu.memory_space<hbm>> -> memref<80x128xf32, #tpu.memory_space<hbm>>
        tpu.enqueue_dma source(%arg6 : memref<80x128xf32, #tpu.memory_space<vmem>>) target(%dma_start3A_19 : memref<80x128xf32, #tpu.memory_space<hbm>>) target_semaphore(%run_scoped3A : memref<!tpu.dma_semaphore, #tpu.memory_space<semaphore_mem>>)
        %dma_wait3A_20 = arith.constant 0 : i32
        %dma_wait3A_21 = tpu.memref_slice %arg4[%add3A_11, %dma_wait3A_20] : memref<320000x128xf32, #tpu.memory_space<hbm>> -> memref<80x128xf32, #tpu.memory_space<hbm>>
        %dma_wait3A_22 = arith.constant 0 : i32
        %dma_wait3A_23 = tpu.memref_slice %arg4[%add3A_11, %dma_wait3A_22] : memref<320000x128xf32, #tpu.memory_space<hbm>> -> memref<80x128xf32, #tpu.memory_space<hbm>>
        tpu.wait_dma2 semaphore(%run_scoped3A : memref<!tpu.dma_semaphore, #tpu.memory_space<semaphore_mem>>) src(%arg6 : memref<80x128xf32, #tpu.memory_space<vmem>>) dst(%dma_wait3A_23 : memref<80x128xf32, #tpu.memory_space<hbm>>)
        tpu.yield
      }) : () -> ()
    }
    %scan3A_7 = arith.constant 125 : i32
    return
  }
}

#map = affine_map<(d0, d1) -> (0, 0)>
#map1 = affine_map<(d0, d1) -> (0)>
module attributes {stable_mosaic.version = 14 : i64} {
  func.func @k(%arg0: i32, %arg1: i32, %arg2: memref<10000x256xf32, #tpu.memory_space<hbm>>, %arg3: memref<320000xi32, #tpu.memory_space<hbm>>, %arg4: memref<320000x256xf32, #tpu.memory_space<hbm>>, %arg5: memref<80xi32, #tpu.memory_space<vmem>>, %arg6: memref<80x256xf32, #tpu.memory_space<vmem>>, %arg7: memref<!tpu.dma_semaphore, #tpu.memory_space<semaphore_mem>>) attributes {dimension_semantics = [#tpu.dimension_semantics<core_parallel>, #tpu.dimension_semantics<subcore_parallel>], iteration_bounds = array<i64: 2, 16>, scalar_prefetch = 0 : i64, scratch_operands = 3 : i64, tpu.core_type = #tpu.core_type<sc_vector_subcore>, window_params = [{transform_indices = #map}, {transform_indices = #map1}, {transform_indices = #map}]} {
    %mul3A = arith.constant 2 : i32
    %mul3A_0 = arith.muli %arg1, %mul3A : i32
    %add3A = arith.addi %mul3A_0, %arg0 : i32
    %mul3A_1 = arith.constant 10000 : i32
    %mul3A_2 = arith.muli %add3A, %mul3A_1 : i32
    %scan3A = arith.constant 0 : i32
    %scan3A_3 = arith.constant 0 : i32
    %scan3A_4 = arith.constant 125 : i32
    %scan3A_5 = arith.addi %scan3A_3, %scan3A_4 : i32
    %scan3A_6 = arith.constant 1 : i32
    scf.for %scan3A_8 = %scan3A_3 to %scan3A_5 step %scan3A_6  : i32 {
      %mul3A_9 = arith.constant 80 : i32
      %mul3A_10 = arith.muli %scan3A_8, %mul3A_9 : i32
      %add3A_11 = arith.addi %mul3A_2, %mul3A_10 : i32
      "tpu.region"() ({
        %run_scoped3A = tpu.sem_alloc : memref<!tpu.dma_semaphore, #tpu.memory_space<semaphore_mem>>
        %dma_start3A_16 = tpu.memref_slice %arg3[%add3A_11] : memref<320000xi32, #tpu.memory_space<hbm>> -> memref<80xi32, #tpu.memory_space<hbm>>
        %dma_start3A_17 = tpu.memref_slice %arg3[%add3A_11] : memref<320000xi32, #tpu.memory_space<hbm>> -> memref<80xi32, #tpu.memory_space<hbm>>
        tpu.enqueue_dma source(%dma_start3A_17 : memref<80xi32, #tpu.memory_space<hbm>>) target(%arg5 : memref<80xi32, #tpu.memory_space<vmem>>) target_semaphore(%run_scoped3A : memref<!tpu.dma_semaphore, #tpu.memory_space<semaphore_mem>>)
        %dma_wait3A_18 = tpu.memref_slice %arg3[%add3A_11] : memref<320000xi32, #tpu.memory_space<hbm>> -> memref<80xi32, #tpu.memory_space<hbm>>
        %dma_wait3A_19 = tpu.memref_slice %arg3[%add3A_11] : memref<320000xi32, #tpu.memory_space<hbm>> -> memref<80xi32, #tpu.memory_space<hbm>>
        tpu.wait_dma2 semaphore(%run_scoped3A : memref<!tpu.dma_semaphore, #tpu.memory_space<semaphore_mem>>) src(%dma_wait3A_19 : memref<80xi32, #tpu.memory_space<hbm>>) dst(%arg5 : memref<80xi32, #tpu.memory_space<vmem>>)
        tpu.yield
      }) : () -> ()
      %dma_start3A = arith.constant 0 : i32
      %dma_start3A_12 = arith.constant 0 : i32
      %dma_start3A_13 = tpu.memref_slice %arg2[%dma_start3A, %dma_start3A_12] : memref<10000x256xf32, #tpu.memory_space<hbm>> -> memref<10000x256xf32, #tpu.memory_space<hbm>>
      tpu.enqueue_indirect_dma source(%dma_start3A_13 : memref<10000x256xf32, #tpu.memory_space<hbm>>) target(%arg6 : memref<80x256xf32, #tpu.memory_space<vmem>>) offsets(%arg5 : memref<80xi32, #tpu.memory_space<vmem>>) semaphore(%arg7 : memref<!tpu.dma_semaphore, #tpu.memory_space<semaphore_mem>>)
      %dma_wait3A = arith.constant 0 : i32
      %dma_wait3A_14 = arith.constant 0 : i32
      %dma_wait3A_15 = tpu.memref_slice %arg2[%dma_wait3A, %dma_wait3A_14] : memref<10000x256xf32, #tpu.memory_space<hbm>> -> memref<10000x256xf32, #tpu.memory_space<hbm>>
      tpu.wait_indirect_dma semaphore(%arg7 : memref<!tpu.dma_semaphore, #tpu.memory_space<semaphore_mem>>) src(%dma_wait3A_15 : memref<10000x256xf32, #tpu.memory_space<hbm>>) dst(%arg6 : memref<80x256xf32, #tpu.memory_space<vmem>>)
      "tpu.region"() ({
        %run_scoped3A = tpu.sem_alloc : memref<!tpu.dma_semaphore, #tpu.memory_space<semaphore_mem>>
        %dma_start3A_16 = arith.constant 0 : i32
        %dma_start3A_17 = tpu.memref_slice %arg4[%add3A_11, %dma_start3A_16] : memref<320000x256xf32, #tpu.memory_space<hbm>> -> memref<80x256xf32, #tpu.memory_space<hbm>>
        %dma_start3A_18 = arith.constant 0 : i32
        %dma_start3A_19 = tpu.memref_slice %arg4[%add3A_11, %dma_start3A_18] : memref<320000x256xf32, #tpu.memory_space<hbm>> -> memref<80x256xf32, #tpu.memory_space<hbm>>
        tpu.enqueue_dma source(%arg6 : memref<80x256xf32, #tpu.memory_space<vmem>>) target(%dma_start3A_19 : memref<80x256xf32, #tpu.memory_space<hbm>>) target_semaphore(%run_scoped3A : memref<!tpu.dma_semaphore, #tpu.memory_space<semaphore_mem>>)
        %dma_wait3A_20 = arith.constant 0 : i32
        %dma_wait3A_21 = tpu.memref_slice %arg4[%add3A_11, %dma_wait3A_20] : memref<320000x256xf32, #tpu.memory_space<hbm>> -> memref<80x256xf32, #tpu.memory_space<hbm>>
        %dma_wait3A_22 = arith.constant 0 : i32
        %dma_wait3A_23 = tpu.memref_slice %arg4[%add3A_11, %dma_wait3A_22] : memref<320000x256xf32, #tpu.memory_space<hbm>> -> memref<80x256xf32, #tpu.memory_space<hbm>>
        tpu.wait_dma2 semaphore(%run_scoped3A : memref<!tpu.dma_semaphore, #tpu.memory_space<semaphore_mem>>) src(%arg6 : memref<80x256xf32, #tpu.memory_space<vmem>>) dst(%dma_wait3A_23 : memref<80x256xf32, #tpu.memory_space<hbm>>)
        tpu.yield
      }) : () -> ()
    }
    %scan3A_7 = arith.constant 125 : i32
    return
  }
}

#map = affine_map<(d0, d1) -> (0, 0)>
#map1 = affine_map<(d0, d1) -> (0)>
#map2 = affine_map<(d0, d1) -> (0, 0, 0)>
module attributes {stable_mosaic.version = 14 : i64} {
  func.func @k(%arg0: i32, %arg1: i32, %arg2: memref<320000x256xf32, #tpu.memory_space<hbm>>, %arg3: memref<320000xi32, #tpu.memory_space<hbm>>, %arg4: memref<10000x128xf32, #tpu.memory_space<hbm>>, %arg5: memref<2x10000x128xf32, #tpu.memory_space<hbm>>, %arg6: memref<80xi32, #tpu.memory_space<vmem>>, %arg7: memref<80x128xf32, #tpu.memory_space<vmem>>, %arg8: memref<10000x128xf32, #tpu.memory_space<vmem_shared>>) attributes {dimension_semantics = [#tpu.dimension_semantics<core_parallel>, #tpu.dimension_semantics<subcore_parallel>], iteration_bounds = array<i64: 2, 16>, scalar_prefetch = 0 : i64, scratch_operands = 3 : i64, tpu.core_type = #tpu.core_type<sc_vector_subcore>, window_params = [{transform_indices = #map}, {transform_indices = #map1}, {transform_indices = #map}, {transform_indices = #map2}]} {
    %mul3A = arith.constant 2 : i32
    %mul3A_0 = arith.muli %arg1, %mul3A : i32
    %add3A = arith.addi %mul3A_0, %arg0 : i32
    %mul3A_1 = arith.constant 10000 : i32
    %mul3A_2 = arith.muli %add3A, %mul3A_1 : i32
    %eq3A = arith.constant 0 : i32
    %eq3A_3 = arith.cmpi eq, %arg1, %eq3A : i32
    %convert_element_type3A = arith.extui %eq3A_3 : i1 to i32
    %cond3A = arith.constant 0 : i32
    %cond3A_4 = arith.cmpi ne, %convert_element_type3A, %cond3A : i32
    scf.if %cond3A_4 {
      "tpu.region"() ({
        %run_scoped3A = tpu.sem_alloc : memref<!tpu.dma_semaphore, #tpu.memory_space<semaphore_mem>>
        tpu.enqueue_dma source(%arg4 : memref<10000x128xf32, #tpu.memory_space<hbm>>) target(%arg8 : memref<10000x128xf32, #tpu.memory_space<vmem_shared>>) target_semaphore(%run_scoped3A : memref<!tpu.dma_semaphore, #tpu.memory_space<semaphore_mem>>)
        tpu.wait_dma2 semaphore(%run_scoped3A : memref<!tpu.dma_semaphore, #tpu.memory_space<semaphore_mem>>) src(%arg4 : memref<10000x128xf32, #tpu.memory_space<hbm>>) dst(%arg8 : memref<10000x128xf32, #tpu.memory_space<vmem_shared>>)
        tpu.yield
      }) : () -> ()
    } else {
    }
    %barrier3A = arith.constant 0 : index
    tpu.barrier barrier_id(%barrier3A)
    %scan3A = arith.constant 0 : i32
    %scan3A_5 = arith.constant 0 : i32
    %scan3A_6 = arith.constant 125 : i32
    %scan3A_7 = arith.addi %scan3A_5, %scan3A_6 : i32
    %scan3A_8 = arith.constant 1 : i32
    scf.for %scan3A_16 = %scan3A_5 to %scan3A_7 step %scan3A_8  : i32 {
      %mul3A_17 = arith.constant 80 : i32
      %mul3A_18 = arith.muli %scan3A_16, %mul3A_17 : i32
      %add3A_19 = arith.addi %mul3A_2, %mul3A_18 : i32
      "tpu.region"() ({
        %run_scoped3A = tpu.sem_alloc : memref<!tpu.dma_semaphore, #tpu.memory_space<semaphore_mem>>
        %dma_start3A = tpu.memref_slice %arg3[%add3A_19] : memref<320000xi32, #tpu.memory_space<hbm>> -> memref<80xi32, #tpu.memory_space<hbm>>
        %dma_start3A_20 = tpu.memref_slice %arg3[%add3A_19] : memref<320000xi32, #tpu.memory_space<hbm>> -> memref<80xi32, #tpu.memory_space<hbm>>
        tpu.enqueue_dma source(%dma_start3A_20 : memref<80xi32, #tpu.memory_space<hbm>>) target(%arg6 : memref<80xi32, #tpu.memory_space<vmem>>) target_semaphore(%run_scoped3A : memref<!tpu.dma_semaphore, #tpu.memory_space<semaphore_mem>>)
        %dma_wait3A = tpu.memref_slice %arg3[%add3A_19] : memref<320000xi32, #tpu.memory_space<hbm>> -> memref<80xi32, #tpu.memory_space<hbm>>
        %dma_wait3A_21 = tpu.memref_slice %arg3[%add3A_19] : memref<320000xi32, #tpu.memory_space<hbm>> -> memref<80xi32, #tpu.memory_space<hbm>>
        tpu.wait_dma2 semaphore(%run_scoped3A : memref<!tpu.dma_semaphore, #tpu.memory_space<semaphore_mem>>) src(%dma_wait3A_21 : memref<80xi32, #tpu.memory_space<hbm>>) dst(%arg6 : memref<80xi32, #tpu.memory_space<vmem>>)
        tpu.yield
      }) : () -> ()
      "tpu.region"() ({
        %run_scoped3A = tpu.sem_alloc : memref<!tpu.dma_semaphore, #tpu.memory_space<semaphore_mem>>
        %dma_start3A = arith.constant 128 : i32
        %dma_start3A_20 = tpu.memref_slice %arg2[%add3A_19, %dma_start3A] : memref<320000x256xf32, #tpu.memory_space<hbm>> -> memref<80x128xf32, #tpu.memory_space<hbm>>
        %dma_start3A_21 = arith.constant 128 : i32
        %dma_start3A_22 = tpu.memref_slice %arg2[%add3A_19, %dma_start3A_21] : memref<320000x256xf32, #tpu.memory_space<hbm>> -> memref<80x128xf32, #tpu.memory_space<hbm>>
        tpu.enqueue_dma source(%dma_start3A_22 : memref<80x128xf32, #tpu.memory_space<hbm>>) target(%arg7 : memref<80x128xf32, #tpu.memory_space<vmem>>) target_semaphore(%run_scoped3A : memref<!tpu.dma_semaphore, #tpu.memory_space<semaphore_mem>>)
        %dma_wait3A = arith.constant 128 : i32
        %dma_wait3A_23 = tpu.memref_slice %arg2[%add3A_19, %dma_wait3A] : memref<320000x256xf32, #tpu.memory_space<hbm>> -> memref<80x128xf32, #tpu.memory_space<hbm>>
        %dma_wait3A_24 = arith.constant 128 : i32
        %dma_wait3A_25 = tpu.memref_slice %arg2[%add3A_19, %dma_wait3A_24] : memref<320000x256xf32, #tpu.memory_space<hbm>> -> memref<80x128xf32, #tpu.memory_space<hbm>>
        tpu.wait_dma2 semaphore(%run_scoped3A : memref<!tpu.dma_semaphore, #tpu.memory_space<semaphore_mem>>) src(%dma_wait3A_25 : memref<80x128xf32, #tpu.memory_space<hbm>>) dst(%arg7 : memref<80x128xf32, #tpu.memory_space<vmem>>)
        tpu.yield
      }) : () -> ()
      "tpu.region"() ({
        %run_scoped3A = tpu.sem_alloc : memref<!tpu.dma_semaphore, #tpu.memory_space<semaphore_mem>>
        %dma_start3A = arith.constant 0 : i32
        %dma_start3A_20 = arith.constant 0 : i32
        %dma_start3A_21 = tpu.memref_slice %arg8[%dma_start3A, %dma_start3A_20] : memref<10000x128xf32, #tpu.memory_space<vmem_shared>> -> memref<10000x128xf32, #tpu.memory_space<vmem_shared>>
        tpu.enqueue_indirect_dma source(%arg7 : memref<80x128xf32, #tpu.memory_space<vmem>>) target(%dma_start3A_21 : memref<10000x128xf32, #tpu.memory_space<vmem_shared>>) offsets(%arg6 : memref<80xi32, #tpu.memory_space<vmem>>) semaphore(%run_scoped3A : memref<!tpu.dma_semaphore, #tpu.memory_space<semaphore_mem>>) {add = true}
        %dma_wait3A = arith.constant 0 : i32
        %dma_wait3A_22 = arith.constant 0 : i32
        %dma_wait3A_23 = tpu.memref_slice %arg8[%dma_wait3A, %dma_wait3A_22] : memref<10000x128xf32, #tpu.memory_space<vmem_shared>> -> memref<10000x128xf32, #tpu.memory_space<vmem_shared>>
        tpu.wait_indirect_dma semaphore(%run_scoped3A : memref<!tpu.dma_semaphore, #tpu.memory_space<semaphore_mem>>) src(%arg7 : memref<80x128xf32, #tpu.memory_space<vmem>>) dst(%dma_wait3A_23 : memref<10000x128xf32, #tpu.memory_space<vmem_shared>>)
        tpu.yield
      }) : () -> ()
    }
    %scan3A_9 = arith.constant 125 : i32
    %barrier3A_10 = arith.constant 0 : index
    tpu.barrier barrier_id(%barrier3A_10)
    %eq3A_11 = arith.constant 0 : i32
    %eq3A_12 = arith.cmpi eq, %arg1, %eq3A_11 : i32
    %convert_element_type3A_13 = arith.extui %eq3A_12 : i1 to i32
    %cond3A_14 = arith.constant 0 : i32
    %cond3A_15 = arith.cmpi ne, %convert_element_type3A_13, %cond3A_14 : i32
    scf.if %cond3A_15 {
      "tpu.region"() ({
        %run_scoped3A = tpu.sem_alloc : memref<!tpu.dma_semaphore, #tpu.memory_space<semaphore_mem>>
        %dma_start3A = arith.constant 0 : i32
        %dma_start3A_16 = arith.constant 0 : i32
        %dma_start3A_17 = tpu.memref_slice %arg5[%arg0, %dma_start3A, %dma_start3A_16] : memref<2x10000x128xf32, #tpu.memory_space<hbm>> -> memref<1x10000x128xf32, #tpu.memory_space<hbm>>
        %dma_start3A_18 = tpu.memref_squeeze %dma_start3A_17 : memref<1x10000x128xf32, #tpu.memory_space<hbm>> -> memref<10000x128xf32, #tpu.memory_space<hbm>>
        tpu.enqueue_dma source(%arg8 : memref<10000x128xf32, #tpu.memory_space<vmem_shared>>) target(%dma_start3A_18 : memref<10000x128xf32, #tpu.memory_space<hbm>>) target_semaphore(%run_scoped3A : memref<!tpu.dma_semaphore, #tpu.memory_space<semaphore_mem>>)
        %dma_wait3A = arith.constant 0 : i32
        %dma_wait3A_19 = arith.constant 0 : i32
        %dma_wait3A_20 = tpu.memref_slice %arg5[%arg0, %dma_wait3A, %dma_wait3A_19] : memref<2x10000x128xf32, #tpu.memory_space<hbm>> -> memref<1x10000x128xf32, #tpu.memory_space<hbm>>
        %dma_wait3A_21 = tpu.memref_squeeze %dma_wait3A_20 : memref<1x10000x128xf32, #tpu.memory_space<hbm>> -> memref<10000x128xf32, #tpu.memory_space<hbm>>
        tpu.wait_dma2 semaphore(%run_scoped3A : memref<!tpu.dma_semaphore, #tpu.memory_space<semaphore_mem>>) src(%arg8 : memref<10000x128xf32, #tpu.memory_space<vmem_shared>>) dst(%dma_wait3A_21 : memref<10000x128xf32, #tpu.memory_space<hbm>>)
        tpu.yield
      }) : () -> ()
    } else {
    }
    return
  }
}

#map = affine_map<(d0, d1) -> (0, 0)>
#map1 = affine_map<(d0, d1) -> (0)>
#map2 = affine_map<(d0, d1) -> (0, 0, 0)>
module attributes {stable_mosaic.version = 14 : i64} {
  func.func @k(%arg0: i32, %arg1: i32, %arg2: memref<320000x256xf32, #tpu.memory_space<hbm>>, %arg3: memref<320000xi32, #tpu.memory_space<hbm>>, %arg4: memref<10000x128xf32, #tpu.memory_space<hbm>>, %arg5: memref<2x10000x128xf32, #tpu.memory_space<hbm>>, %arg6: memref<80xi32, #tpu.memory_space<vmem>>, %arg7: memref<80x128xf32, #tpu.memory_space<vmem>>, %arg8: memref<10000x128xf32, #tpu.memory_space<vmem_shared>>) attributes {dimension_semantics = [#tpu.dimension_semantics<core_parallel>, #tpu.dimension_semantics<subcore_parallel>], iteration_bounds = array<i64: 2, 16>, scalar_prefetch = 0 : i64, scratch_operands = 3 : i64, tpu.core_type = #tpu.core_type<sc_vector_subcore>, window_params = [{transform_indices = #map}, {transform_indices = #map1}, {transform_indices = #map}, {transform_indices = #map2}]} {
    %mul3A = arith.constant 2 : i32
    %mul3A_0 = arith.muli %arg1, %mul3A : i32
    %add3A = arith.addi %mul3A_0, %arg0 : i32
    %mul3A_1 = arith.constant 10000 : i32
    %mul3A_2 = arith.muli %add3A, %mul3A_1 : i32
    %eq3A = arith.constant 0 : i32
    %eq3A_3 = arith.cmpi eq, %arg1, %eq3A : i32
    %convert_element_type3A = arith.extui %eq3A_3 : i1 to i32
    %cond3A = arith.constant 0 : i32
    %cond3A_4 = arith.cmpi ne, %convert_element_type3A, %cond3A : i32
    scf.if %cond3A_4 {
      "tpu.region"() ({
        %run_scoped3A = tpu.sem_alloc : memref<!tpu.dma_semaphore, #tpu.memory_space<semaphore_mem>>
        tpu.enqueue_dma source(%arg4 : memref<10000x128xf32, #tpu.memory_space<hbm>>) target(%arg8 : memref<10000x128xf32, #tpu.memory_space<vmem_shared>>) target_semaphore(%run_scoped3A : memref<!tpu.dma_semaphore, #tpu.memory_space<semaphore_mem>>)
        tpu.wait_dma2 semaphore(%run_scoped3A : memref<!tpu.dma_semaphore, #tpu.memory_space<semaphore_mem>>) src(%arg4 : memref<10000x128xf32, #tpu.memory_space<hbm>>) dst(%arg8 : memref<10000x128xf32, #tpu.memory_space<vmem_shared>>)
        tpu.yield
      }) : () -> ()
    } else {
    }
    %barrier3A = arith.constant 0 : index
    tpu.barrier barrier_id(%barrier3A)
    %scan3A = arith.constant 0 : i32
    %scan3A_5 = arith.constant 0 : i32
    %scan3A_6 = arith.constant 125 : i32
    %scan3A_7 = arith.addi %scan3A_5, %scan3A_6 : i32
    %scan3A_8 = arith.constant 1 : i32
    scf.for %scan3A_16 = %scan3A_5 to %scan3A_7 step %scan3A_8  : i32 {
      %mul3A_17 = arith.constant 80 : i32
      %mul3A_18 = arith.muli %scan3A_16, %mul3A_17 : i32
      %add3A_19 = arith.addi %mul3A_2, %mul3A_18 : i32
      "tpu.region"() ({
        %run_scoped3A = tpu.sem_alloc : memref<!tpu.dma_semaphore, #tpu.memory_space<semaphore_mem>>
        %dma_start3A = tpu.memref_slice %arg3[%add3A_19] : memref<320000xi32, #tpu.memory_space<hbm>> -> memref<80xi32, #tpu.memory_space<hbm>>
        %dma_start3A_20 = tpu.memref_slice %arg3[%add3A_19] : memref<320000xi32, #tpu.memory_space<hbm>> -> memref<80xi32, #tpu.memory_space<hbm>>
        tpu.enqueue_dma source(%dma_start3A_20 : memref<80xi32, #tpu.memory_space<hbm>>) target(%arg6 : memref<80xi32, #tpu.memory_space<vmem>>) target_semaphore(%run_scoped3A : memref<!tpu.dma_semaphore, #tpu.memory_space<semaphore_mem>>)
        %dma_wait3A = tpu.memref_slice %arg3[%add3A_19] : memref<320000xi32, #tpu.memory_space<hbm>> -> memref<80xi32, #tpu.memory_space<hbm>>
        %dma_wait3A_21 = tpu.memref_slice %arg3[%add3A_19] : memref<320000xi32, #tpu.memory_space<hbm>> -> memref<80xi32, #tpu.memory_space<hbm>>
        tpu.wait_dma2 semaphore(%run_scoped3A : memref<!tpu.dma_semaphore, #tpu.memory_space<semaphore_mem>>) src(%dma_wait3A_21 : memref<80xi32, #tpu.memory_space<hbm>>) dst(%arg6 : memref<80xi32, #tpu.memory_space<vmem>>)
        tpu.yield
      }) : () -> ()
      "tpu.region"() ({
        %run_scoped3A = tpu.sem_alloc : memref<!tpu.dma_semaphore, #tpu.memory_space<semaphore_mem>>
        %dma_start3A = arith.constant 0 : i32
        %dma_start3A_20 = tpu.memref_slice %arg2[%add3A_19, %dma_start3A] : memref<320000x256xf32, #tpu.memory_space<hbm>> -> memref<80x128xf32, #tpu.memory_space<hbm>>
        %dma_start3A_21 = arith.constant 0 : i32
        %dma_start3A_22 = tpu.memref_slice %arg2[%add3A_19, %dma_start3A_21] : memref<320000x256xf32, #tpu.memory_space<hbm>> -> memref<80x128xf32, #tpu.memory_space<hbm>>
        tpu.enqueue_dma source(%dma_start3A_22 : memref<80x128xf32, #tpu.memory_space<hbm>>) target(%arg7 : memref<80x128xf32, #tpu.memory_space<vmem>>) target_semaphore(%run_scoped3A : memref<!tpu.dma_semaphore, #tpu.memory_space<semaphore_mem>>)
        %dma_wait3A = arith.constant 0 : i32
        %dma_wait3A_23 = tpu.memref_slice %arg2[%add3A_19, %dma_wait3A] : memref<320000x256xf32, #tpu.memory_space<hbm>> -> memref<80x128xf32, #tpu.memory_space<hbm>>
        %dma_wait3A_24 = arith.constant 0 : i32
        %dma_wait3A_25 = tpu.memref_slice %arg2[%add3A_19, %dma_wait3A_24] : memref<320000x256xf32, #tpu.memory_space<hbm>> -> memref<80x128xf32, #tpu.memory_space<hbm>>
        tpu.wait_dma2 semaphore(%run_scoped3A : memref<!tpu.dma_semaphore, #tpu.memory_space<semaphore_mem>>) src(%dma_wait3A_25 : memref<80x128xf32, #tpu.memory_space<hbm>>) dst(%arg7 : memref<80x128xf32, #tpu.memory_space<vmem>>)
        tpu.yield
      }) : () -> ()
      "tpu.region"() ({
        %run_scoped3A = tpu.sem_alloc : memref<!tpu.dma_semaphore, #tpu.memory_space<semaphore_mem>>
        %dma_start3A = arith.constant 0 : i32
        %dma_start3A_20 = arith.constant 0 : i32
        %dma_start3A_21 = tpu.memref_slice %arg8[%dma_start3A, %dma_start3A_20] : memref<10000x128xf32, #tpu.memory_space<vmem_shared>> -> memref<10000x128xf32, #tpu.memory_space<vmem_shared>>
        tpu.enqueue_indirect_dma source(%arg7 : memref<80x128xf32, #tpu.memory_space<vmem>>) target(%dma_start3A_21 : memref<10000x128xf32, #tpu.memory_space<vmem_shared>>) offsets(%arg6 : memref<80xi32, #tpu.memory_space<vmem>>) semaphore(%run_scoped3A : memref<!tpu.dma_semaphore, #tpu.memory_space<semaphore_mem>>) {add = true}
        %dma_wait3A = arith.constant 0 : i32
        %dma_wait3A_22 = arith.constant 0 : i32
        %dma_wait3A_23 = tpu.memref_slice %arg8[%dma_wait3A, %dma_wait3A_22] : memref<10000x128xf32, #tpu.memory_space<vmem_shared>> -> memref<10000x128xf32, #tpu.memory_space<vmem_shared>>
        tpu.wait_indirect_dma semaphore(%run_scoped3A : memref<!tpu.dma_semaphore, #tpu.memory_space<semaphore_mem>>) src(%arg7 : memref<80x128xf32, #tpu.memory_space<vmem>>) dst(%dma_wait3A_23 : memref<10000x128xf32, #tpu.memory_space<vmem_shared>>)
        tpu.yield
      }) : () -> ()
    }
    %scan3A_9 = arith.constant 125 : i32
    %barrier3A_10 = arith.constant 0 : index
    tpu.barrier barrier_id(%barrier3A_10)
    %eq3A_11 = arith.constant 0 : i32
    %eq3A_12 = arith.cmpi eq, %arg1, %eq3A_11 : i32
    %convert_element_type3A_13 = arith.extui %eq3A_12 : i1 to i32
    %cond3A_14 = arith.constant 0 : i32
    %cond3A_15 = arith.cmpi ne, %convert_element_type3A_13, %cond3A_14 : i32
    scf.if %cond3A_15 {
      "tpu.region"() ({
        %run_scoped3A = tpu.sem_alloc : memref<!tpu.dma_semaphore, #tpu.memory_space<semaphore_mem>>
        %dma_start3A = arith.constant 0 : i32
        %dma_start3A_16 = arith.constant 0 : i32
        %dma_start3A_17 = tpu.memref_slice %arg5[%arg0, %dma_start3A, %dma_start3A_16] : memref<2x10000x128xf32, #tpu.memory_space<hbm>> -> memref<1x10000x128xf32, #tpu.memory_space<hbm>>
        %dma_start3A_18 = tpu.memref_squeeze %dma_start3A_17 : memref<1x10000x128xf32, #tpu.memory_space<hbm>> -> memref<10000x128xf32, #tpu.memory_space<hbm>>
        tpu.enqueue_dma source(%arg8 : memref<10000x128xf32, #tpu.memory_space<vmem_shared>>) target(%dma_start3A_18 : memref<10000x128xf32, #tpu.memory_space<hbm>>) target_semaphore(%run_scoped3A : memref<!tpu.dma_semaphore, #tpu.memory_space<semaphore_mem>>)
        %dma_wait3A = arith.constant 0 : i32
        %dma_wait3A_19 = arith.constant 0 : i32
        %dma_wait3A_20 = tpu.memref_slice %arg5[%arg0, %dma_wait3A, %dma_wait3A_19] : memref<2x10000x128xf32, #tpu.memory_space<hbm>> -> memref<1x10000x128xf32, #tpu.memory_space<hbm>>
        %dma_wait3A_21 = tpu.memref_squeeze %dma_wait3A_20 : memref<1x10000x128xf32, #tpu.memory_space<hbm>> -> memref<10000x128xf32, #tpu.memory_space<hbm>>
        tpu.wait_dma2 semaphore(%run_scoped3A : memref<!tpu.dma_semaphore, #tpu.memory_space<semaphore_mem>>) src(%arg8 : memref<10000x128xf32, #tpu.memory_space<vmem_shared>>) dst(%dma_wait3A_21 : memref<10000x128xf32, #tpu.memory_space<hbm>>)
        tpu.yield
      }) : () -> ()
    } else {
    }
    return
  }
}

#map = affine_map<(d0, d1) -> (0, 0)>
#map1 = affine_map<(d0, d1) -> (0)>
module attributes {stable_mosaic.version = 14 : i64} {
  func.func @k(%arg0: i32, %arg1: i32, %arg2: memref<10000x128xf32, #tpu.memory_space<hbm>>, %arg3: memref<320000xi32, #tpu.memory_space<hbm>>, %arg4: memref<320000x128xf32, #tpu.memory_space<hbm>>, %arg5: memref<80xi32, #tpu.memory_space<vmem>>, %arg6: memref<80x128xf32, #tpu.memory_space<vmem>>, %arg7: memref<!tpu.dma_semaphore, #tpu.memory_space<semaphore_mem>>) attributes {dimension_semantics = [#tpu.dimension_semantics<core_parallel>, #tpu.dimension_semantics<subcore_parallel>], iteration_bounds = array<i64: 2, 16>, scalar_prefetch = 0 : i64, scratch_operands = 3 : i64, tpu.core_type = #tpu.core_type<sc_vector_subcore>, window_params = [{transform_indices = #map}, {transform_indices = #map1}, {transform_indices = #map}]} {
    %mul3A = arith.constant 2 : i32
    %mul3A_0 = arith.muli %arg1, %mul3A : i32
    %add3A = arith.addi %mul3A_0, %arg0 : i32
    %mul3A_1 = arith.constant 10000 : i32
    %mul3A_2 = arith.muli %add3A, %mul3A_1 : i32
    %scan3A = arith.constant 0 : i32
    %scan3A_3 = arith.constant 0 : i32
    %scan3A_4 = arith.constant 125 : i32
    %scan3A_5 = arith.addi %scan3A_3, %scan3A_4 : i32
    %scan3A_6 = arith.constant 1 : i32
    scf.for %scan3A_8 = %scan3A_3 to %scan3A_5 step %scan3A_6  : i32 {
      %mul3A_9 = arith.constant 80 : i32
      %mul3A_10 = arith.muli %scan3A_8, %mul3A_9 : i32
      %add3A_11 = arith.addi %mul3A_2, %mul3A_10 : i32
      "tpu.region"() ({
        %run_scoped3A = tpu.sem_alloc : memref<!tpu.dma_semaphore, #tpu.memory_space<semaphore_mem>>
        %dma_start3A_16 = tpu.memref_slice %arg3[%add3A_11] : memref<320000xi32, #tpu.memory_space<hbm>> -> memref<80xi32, #tpu.memory_space<hbm>>
        %dma_start3A_17 = tpu.memref_slice %arg3[%add3A_11] : memref<320000xi32, #tpu.memory_space<hbm>> -> memref<80xi32, #tpu.memory_space<hbm>>
        tpu.enqueue_dma source(%dma_start3A_17 : memref<80xi32, #tpu.memory_space<hbm>>) target(%arg5 : memref<80xi32, #tpu.memory_space<vmem>>) target_semaphore(%run_scoped3A : memref<!tpu.dma_semaphore, #tpu.memory_space<semaphore_mem>>)
        %dma_wait3A_18 = tpu.memref_slice %arg3[%add3A_11] : memref<320000xi32, #tpu.memory_space<hbm>> -> memref<80xi32, #tpu.memory_space<hbm>>
        %dma_wait3A_19 = tpu.memref_slice %arg3[%add3A_11] : memref<320000xi32, #tpu.memory_space<hbm>> -> memref<80xi32, #tpu.memory_space<hbm>>
        tpu.wait_dma2 semaphore(%run_scoped3A : memref<!tpu.dma_semaphore, #tpu.memory_space<semaphore_mem>>) src(%dma_wait3A_19 : memref<80xi32, #tpu.memory_space<hbm>>) dst(%arg5 : memref<80xi32, #tpu.memory_space<vmem>>)
        tpu.yield
      }) : () -> ()
      %dma_start3A = arith.constant 0 : i32
      %dma_start3A_12 = arith.constant 0 : i32
      %dma_start3A_13 = tpu.memref_slice %arg2[%dma_start3A, %dma_start3A_12] : memref<10000x128xf32, #tpu.memory_space<hbm>> -> memref<10000x128xf32, #tpu.memory_space<hbm>>
      tpu.enqueue_indirect_dma source(%dma_start3A_13 : memref<10000x128xf32, #tpu.memory_space<hbm>>) target(%arg6 : memref<80x128xf32, #tpu.memory_space<vmem>>) offsets(%arg5 : memref<80xi32, #tpu.memory_space<vmem>>) semaphore(%arg7 : memref<!tpu.dma_semaphore, #tpu.memory_space<semaphore_mem>>)
      %dma_wait3A = arith.constant 0 : i32
      %dma_wait3A_14 = arith.constant 0 : i32
      %dma_wait3A_15 = tpu.memref_slice %arg2[%dma_wait3A, %dma_wait3A_14] : memref<10000x128xf32, #tpu.memory_space<hbm>> -> memref<10000x128xf32, #tpu.memory_space<hbm>>
      tpu.wait_indirect_dma semaphore(%arg7 : memref<!tpu.dma_semaphore, #tpu.memory_space<semaphore_mem>>) src(%dma_wait3A_15 : memref<10000x128xf32, #tpu.memory_space<hbm>>) dst(%arg6 : memref<80x128xf32, #tpu.memory_space<vmem>>)
      "tpu.region"() ({
        %run_scoped3A = tpu.sem_alloc : memref<!tpu.dma_semaphore, #tpu.memory_space<semaphore_mem>>
        %dma_start3A_16 = arith.constant 0 : i32
        %dma_start3A_17 = tpu.memref_slice %arg4[%add3A_11, %dma_start3A_16] : memref<320000x128xf32, #tpu.memory_space<hbm>> -> memref<80x128xf32, #tpu.memory_space<hbm>>
        %dma_start3A_18 = arith.constant 0 : i32
        %dma_start3A_19 = tpu.memref_slice %arg4[%add3A_11, %dma_start3A_18] : memref<320000x128xf32, #tpu.memory_space<hbm>> -> memref<80x128xf32, #tpu.memory_space<hbm>>
        tpu.enqueue_dma source(%arg6 : memref<80x128xf32, #tpu.memory_space<vmem>>) target(%dma_start3A_19 : memref<80x128xf32, #tpu.memory_space<hbm>>) target_semaphore(%run_scoped3A : memref<!tpu.dma_semaphore, #tpu.memory_space<semaphore_mem>>)
        %dma_wait3A_20 = arith.constant 0 : i32
        %dma_wait3A_21 = tpu.memref_slice %arg4[%add3A_11, %dma_wait3A_20] : memref<320000x128xf32, #tpu.memory_space<hbm>> -> memref<80x128xf32, #tpu.memory_space<hbm>>
        %dma_wait3A_22 = arith.constant 0 : i32
        %dma_wait3A_23 = tpu.memref_slice %arg4[%add3A_11, %dma_wait3A_22] : memref<320000x128xf32, #tpu.memory_space<hbm>> -> memref<80x128xf32, #tpu.memory_space<hbm>>
        tpu.wait_dma2 semaphore(%run_scoped3A : memref<!tpu.dma_semaphore, #tpu.memory_space<semaphore_mem>>) src(%arg6 : memref<80x128xf32, #tpu.memory_space<vmem>>) dst(%dma_wait3A_23 : memref<80x128xf32, #tpu.memory_space<hbm>>)
        tpu.yield
      }) : () -> ()
    }
    %scan3A_7 = arith.constant 125 : i32
    return
  }
}

#map = affine_map<(d0, d1) -> (0, 0)>
#map1 = affine_map<(d0, d1) -> (0)>
module attributes {stable_mosaic.version = 14 : i64} {
  func.func @k(%arg0: i32, %arg1: i32, %arg2: memref<10000x256xf32, #tpu.memory_space<hbm>>, %arg3: memref<320000xi32, #tpu.memory_space<hbm>>, %arg4: memref<320000x256xf32, #tpu.memory_space<hbm>>, %arg5: memref<80xi32, #tpu.memory_space<vmem>>, %arg6: memref<80x256xf32, #tpu.memory_space<vmem>>, %arg7: memref<!tpu.dma_semaphore, #tpu.memory_space<semaphore_mem>>) attributes {dimension_semantics = [#tpu.dimension_semantics<core_parallel>, #tpu.dimension_semantics<subcore_parallel>], iteration_bounds = array<i64: 2, 16>, scalar_prefetch = 0 : i64, scratch_operands = 3 : i64, tpu.core_type = #tpu.core_type<sc_vector_subcore>, window_params = [{transform_indices = #map}, {transform_indices = #map1}, {transform_indices = #map}]} {
    %mul3A = arith.constant 2 : i32
    %mul3A_0 = arith.muli %arg1, %mul3A : i32
    %add3A = arith.addi %mul3A_0, %arg0 : i32
    %mul3A_1 = arith.constant 10000 : i32
    %mul3A_2 = arith.muli %add3A, %mul3A_1 : i32
    %scan3A = arith.constant 0 : i32
    %scan3A_3 = arith.constant 0 : i32
    %scan3A_4 = arith.constant 125 : i32
    %scan3A_5 = arith.addi %scan3A_3, %scan3A_4 : i32
    %scan3A_6 = arith.constant 1 : i32
    scf.for %scan3A_8 = %scan3A_3 to %scan3A_5 step %scan3A_6  : i32 {
      %mul3A_9 = arith.constant 80 : i32
      %mul3A_10 = arith.muli %scan3A_8, %mul3A_9 : i32
      %add3A_11 = arith.addi %mul3A_2, %mul3A_10 : i32
      "tpu.region"() ({
        %run_scoped3A = tpu.sem_alloc : memref<!tpu.dma_semaphore, #tpu.memory_space<semaphore_mem>>
        %dma_start3A_16 = tpu.memref_slice %arg3[%add3A_11] : memref<320000xi32, #tpu.memory_space<hbm>> -> memref<80xi32, #tpu.memory_space<hbm>>
        %dma_start3A_17 = tpu.memref_slice %arg3[%add3A_11] : memref<320000xi32, #tpu.memory_space<hbm>> -> memref<80xi32, #tpu.memory_space<hbm>>
        tpu.enqueue_dma source(%dma_start3A_17 : memref<80xi32, #tpu.memory_space<hbm>>) target(%arg5 : memref<80xi32, #tpu.memory_space<vmem>>) target_semaphore(%run_scoped3A : memref<!tpu.dma_semaphore, #tpu.memory_space<semaphore_mem>>)
        %dma_wait3A_18 = tpu.memref_slice %arg3[%add3A_11] : memref<320000xi32, #tpu.memory_space<hbm>> -> memref<80xi32, #tpu.memory_space<hbm>>
        %dma_wait3A_19 = tpu.memref_slice %arg3[%add3A_11] : memref<320000xi32, #tpu.memory_space<hbm>> -> memref<80xi32, #tpu.memory_space<hbm>>
        tpu.wait_dma2 semaphore(%run_scoped3A : memref<!tpu.dma_semaphore, #tpu.memory_space<semaphore_mem>>) src(%dma_wait3A_19 : memref<80xi32, #tpu.memory_space<hbm>>) dst(%arg5 : memref<80xi32, #tpu.memory_space<vmem>>)
        tpu.yield
      }) : () -> ()
      %dma_start3A = arith.constant 0 : i32
      %dma_start3A_12 = arith.constant 0 : i32
      %dma_start3A_13 = tpu.memref_slice %arg2[%dma_start3A, %dma_start3A_12] : memref<10000x256xf32, #tpu.memory_space<hbm>> -> memref<10000x256xf32, #tpu.memory_space<hbm>>
      tpu.enqueue_indirect_dma source(%dma_start3A_13 : memref<10000x256xf32, #tpu.memory_space<hbm>>) target(%arg6 : memref<80x256xf32, #tpu.memory_space<vmem>>) offsets(%arg5 : memref<80xi32, #tpu.memory_space<vmem>>) semaphore(%arg7 : memref<!tpu.dma_semaphore, #tpu.memory_space<semaphore_mem>>)
      %dma_wait3A = arith.constant 0 : i32
      %dma_wait3A_14 = arith.constant 0 : i32
      %dma_wait3A_15 = tpu.memref_slice %arg2[%dma_wait3A, %dma_wait3A_14] : memref<10000x256xf32, #tpu.memory_space<hbm>> -> memref<10000x256xf32, #tpu.memory_space<hbm>>
      tpu.wait_indirect_dma semaphore(%arg7 : memref<!tpu.dma_semaphore, #tpu.memory_space<semaphore_mem>>) src(%dma_wait3A_15 : memref<10000x256xf32, #tpu.memory_space<hbm>>) dst(%arg6 : memref<80x256xf32, #tpu.memory_space<vmem>>)
      "tpu.region"() ({
        %run_scoped3A = tpu.sem_alloc : memref<!tpu.dma_semaphore, #tpu.memory_space<semaphore_mem>>
        %dma_start3A_16 = arith.constant 0 : i32
        %dma_start3A_17 = tpu.memref_slice %arg4[%add3A_11, %dma_start3A_16] : memref<320000x256xf32, #tpu.memory_space<hbm>> -> memref<80x256xf32, #tpu.memory_space<hbm>>
        %dma_start3A_18 = arith.constant 0 : i32
        %dma_start3A_19 = tpu.memref_slice %arg4[%add3A_11, %dma_start3A_18] : memref<320000x256xf32, #tpu.memory_space<hbm>> -> memref<80x256xf32, #tpu.memory_space<hbm>>
        tpu.enqueue_dma source(%arg6 : memref<80x256xf32, #tpu.memory_space<vmem>>) target(%dma_start3A_19 : memref<80x256xf32, #tpu.memory_space<hbm>>) target_semaphore(%run_scoped3A : memref<!tpu.dma_semaphore, #tpu.memory_space<semaphore_mem>>)
        %dma_wait3A_20 = arith.constant 0 : i32
        %dma_wait3A_21 = tpu.memref_slice %arg4[%add3A_11, %dma_wait3A_20] : memref<320000x256xf32, #tpu.memory_space<hbm>> -> memref<80x256xf32, #tpu.memory_space<hbm>>
        %dma_wait3A_22 = arith.constant 0 : i32
        %dma_wait3A_23 = tpu.memref_slice %arg4[%add3A_11, %dma_wait3A_22] : memref<320000x256xf32, #tpu.memory_space<hbm>> -> memref<80x256xf32, #tpu.memory_space<hbm>>
        tpu.wait_dma2 semaphore(%run_scoped3A : memref<!tpu.dma_semaphore, #tpu.memory_space<semaphore_mem>>) src(%arg6 : memref<80x256xf32, #tpu.memory_space<vmem>>) dst(%dma_wait3A_23 : memref<80x256xf32, #tpu.memory_space<hbm>>)
        tpu.yield
      }) : () -> ()
    }
    %scan3A_7 = arith.constant 125 : i32
    return
  }
}

#map = affine_map<(d0, d1) -> (0, 0)>
#map1 = affine_map<(d0, d1) -> (0)>
#map2 = affine_map<(d0, d1) -> (0, 0, 0)>
module attributes {stable_mosaic.version = 14 : i64} {
  func.func @k(%arg0: i32, %arg1: i32, %arg2: memref<320000x256xf32, #tpu.memory_space<hbm>>, %arg3: memref<320000xi32, #tpu.memory_space<hbm>>, %arg4: memref<10000x128xf32, #tpu.memory_space<hbm>>, %arg5: memref<2x10000x128xf32, #tpu.memory_space<hbm>>, %arg6: memref<80xi32, #tpu.memory_space<vmem>>, %arg7: memref<80x128xf32, #tpu.memory_space<vmem>>, %arg8: memref<10000x128xf32, #tpu.memory_space<vmem_shared>>) attributes {dimension_semantics = [#tpu.dimension_semantics<core_parallel>, #tpu.dimension_semantics<subcore_parallel>], iteration_bounds = array<i64: 2, 16>, scalar_prefetch = 0 : i64, scratch_operands = 3 : i64, tpu.core_type = #tpu.core_type<sc_vector_subcore>, window_params = [{transform_indices = #map}, {transform_indices = #map1}, {transform_indices = #map}, {transform_indices = #map2}]} {
    %mul3A = arith.constant 2 : i32
    %mul3A_0 = arith.muli %arg1, %mul3A : i32
    %add3A = arith.addi %mul3A_0, %arg0 : i32
    %mul3A_1 = arith.constant 10000 : i32
    %mul3A_2 = arith.muli %add3A, %mul3A_1 : i32
    %eq3A = arith.constant 0 : i32
    %eq3A_3 = arith.cmpi eq, %arg1, %eq3A : i32
    %convert_element_type3A = arith.extui %eq3A_3 : i1 to i32
    %cond3A = arith.constant 0 : i32
    %cond3A_4 = arith.cmpi ne, %convert_element_type3A, %cond3A : i32
    scf.if %cond3A_4 {
      "tpu.region"() ({
        %run_scoped3A = tpu.sem_alloc : memref<!tpu.dma_semaphore, #tpu.memory_space<semaphore_mem>>
        tpu.enqueue_dma source(%arg4 : memref<10000x128xf32, #tpu.memory_space<hbm>>) target(%arg8 : memref<10000x128xf32, #tpu.memory_space<vmem_shared>>) target_semaphore(%run_scoped3A : memref<!tpu.dma_semaphore, #tpu.memory_space<semaphore_mem>>)
        tpu.wait_dma2 semaphore(%run_scoped3A : memref<!tpu.dma_semaphore, #tpu.memory_space<semaphore_mem>>) src(%arg4 : memref<10000x128xf32, #tpu.memory_space<hbm>>) dst(%arg8 : memref<10000x128xf32, #tpu.memory_space<vmem_shared>>)
        tpu.yield
      }) : () -> ()
    } else {
    }
    %barrier3A = arith.constant 0 : index
    tpu.barrier barrier_id(%barrier3A)
    %scan3A = arith.constant 0 : i32
    %scan3A_5 = arith.constant 0 : i32
    %scan3A_6 = arith.constant 125 : i32
    %scan3A_7 = arith.addi %scan3A_5, %scan3A_6 : i32
    %scan3A_8 = arith.constant 1 : i32
    scf.for %scan3A_16 = %scan3A_5 to %scan3A_7 step %scan3A_8  : i32 {
      %mul3A_17 = arith.constant 80 : i32
      %mul3A_18 = arith.muli %scan3A_16, %mul3A_17 : i32
      %add3A_19 = arith.addi %mul3A_2, %mul3A_18 : i32
      "tpu.region"() ({
        %run_scoped3A = tpu.sem_alloc : memref<!tpu.dma_semaphore, #tpu.memory_space<semaphore_mem>>
        %dma_start3A = tpu.memref_slice %arg3[%add3A_19] : memref<320000xi32, #tpu.memory_space<hbm>> -> memref<80xi32, #tpu.memory_space<hbm>>
        %dma_start3A_20 = tpu.memref_slice %arg3[%add3A_19] : memref<320000xi32, #tpu.memory_space<hbm>> -> memref<80xi32, #tpu.memory_space<hbm>>
        tpu.enqueue_dma source(%dma_start3A_20 : memref<80xi32, #tpu.memory_space<hbm>>) target(%arg6 : memref<80xi32, #tpu.memory_space<vmem>>) target_semaphore(%run_scoped3A : memref<!tpu.dma_semaphore, #tpu.memory_space<semaphore_mem>>)
        %dma_wait3A = tpu.memref_slice %arg3[%add3A_19] : memref<320000xi32, #tpu.memory_space<hbm>> -> memref<80xi32, #tpu.memory_space<hbm>>
        %dma_wait3A_21 = tpu.memref_slice %arg3[%add3A_19] : memref<320000xi32, #tpu.memory_space<hbm>> -> memref<80xi32, #tpu.memory_space<hbm>>
        tpu.wait_dma2 semaphore(%run_scoped3A : memref<!tpu.dma_semaphore, #tpu.memory_space<semaphore_mem>>) src(%dma_wait3A_21 : memref<80xi32, #tpu.memory_space<hbm>>) dst(%arg6 : memref<80xi32, #tpu.memory_space<vmem>>)
        tpu.yield
      }) : () -> ()
      "tpu.region"() ({
        %run_scoped3A = tpu.sem_alloc : memref<!tpu.dma_semaphore, #tpu.memory_space<semaphore_mem>>
        %dma_start3A = arith.constant 128 : i32
        %dma_start3A_20 = tpu.memref_slice %arg2[%add3A_19, %dma_start3A] : memref<320000x256xf32, #tpu.memory_space<hbm>> -> memref<80x128xf32, #tpu.memory_space<hbm>>
        %dma_start3A_21 = arith.constant 128 : i32
        %dma_start3A_22 = tpu.memref_slice %arg2[%add3A_19, %dma_start3A_21] : memref<320000x256xf32, #tpu.memory_space<hbm>> -> memref<80x128xf32, #tpu.memory_space<hbm>>
        tpu.enqueue_dma source(%dma_start3A_22 : memref<80x128xf32, #tpu.memory_space<hbm>>) target(%arg7 : memref<80x128xf32, #tpu.memory_space<vmem>>) target_semaphore(%run_scoped3A : memref<!tpu.dma_semaphore, #tpu.memory_space<semaphore_mem>>)
        %dma_wait3A = arith.constant 128 : i32
        %dma_wait3A_23 = tpu.memref_slice %arg2[%add3A_19, %dma_wait3A] : memref<320000x256xf32, #tpu.memory_space<hbm>> -> memref<80x128xf32, #tpu.memory_space<hbm>>
        %dma_wait3A_24 = arith.constant 128 : i32
        %dma_wait3A_25 = tpu.memref_slice %arg2[%add3A_19, %dma_wait3A_24] : memref<320000x256xf32, #tpu.memory_space<hbm>> -> memref<80x128xf32, #tpu.memory_space<hbm>>
        tpu.wait_dma2 semaphore(%run_scoped3A : memref<!tpu.dma_semaphore, #tpu.memory_space<semaphore_mem>>) src(%dma_wait3A_25 : memref<80x128xf32, #tpu.memory_space<hbm>>) dst(%arg7 : memref<80x128xf32, #tpu.memory_space<vmem>>)
        tpu.yield
      }) : () -> ()
      "tpu.region"() ({
        %run_scoped3A = tpu.sem_alloc : memref<!tpu.dma_semaphore, #tpu.memory_space<semaphore_mem>>
        %dma_start3A = arith.constant 0 : i32
        %dma_start3A_20 = arith.constant 0 : i32
        %dma_start3A_21 = tpu.memref_slice %arg8[%dma_start3A, %dma_start3A_20] : memref<10000x128xf32, #tpu.memory_space<vmem_shared>> -> memref<10000x128xf32, #tpu.memory_space<vmem_shared>>
        tpu.enqueue_indirect_dma source(%arg7 : memref<80x128xf32, #tpu.memory_space<vmem>>) target(%dma_start3A_21 : memref<10000x128xf32, #tpu.memory_space<vmem_shared>>) offsets(%arg6 : memref<80xi32, #tpu.memory_space<vmem>>) semaphore(%run_scoped3A : memref<!tpu.dma_semaphore, #tpu.memory_space<semaphore_mem>>) {add = true}
        %dma_wait3A = arith.constant 0 : i32
        %dma_wait3A_22 = arith.constant 0 : i32
        %dma_wait3A_23 = tpu.memref_slice %arg8[%dma_wait3A, %dma_wait3A_22] : memref<10000x128xf32, #tpu.memory_space<vmem_shared>> -> memref<10000x128xf32, #tpu.memory_space<vmem_shared>>
        tpu.wait_indirect_dma semaphore(%run_scoped3A : memref<!tpu.dma_semaphore, #tpu.memory_space<semaphore_mem>>) src(%arg7 : memref<80x128xf32, #tpu.memory_space<vmem>>) dst(%dma_wait3A_23 : memref<10000x128xf32, #tpu.memory_space<vmem_shared>>)
        tpu.yield
      }) : () -> ()
    }
    %scan3A_9 = arith.constant 125 : i32
    %barrier3A_10 = arith.constant 0 : index
    tpu.barrier barrier_id(%barrier3A_10)
    %eq3A_11 = arith.constant 0 : i32
    %eq3A_12 = arith.cmpi eq, %arg1, %eq3A_11 : i32
    %convert_element_type3A_13 = arith.extui %eq3A_12 : i1 to i32
    %cond3A_14 = arith.constant 0 : i32
    %cond3A_15 = arith.cmpi ne, %convert_element_type3A_13, %cond3A_14 : i32
    scf.if %cond3A_15 {
      "tpu.region"() ({
        %run_scoped3A = tpu.sem_alloc : memref<!tpu.dma_semaphore, #tpu.memory_space<semaphore_mem>>
        %dma_start3A = arith.constant 0 : i32
        %dma_start3A_16 = arith.constant 0 : i32
        %dma_start3A_17 = tpu.memref_slice %arg5[%arg0, %dma_start3A, %dma_start3A_16] : memref<2x10000x128xf32, #tpu.memory_space<hbm>> -> memref<1x10000x128xf32, #tpu.memory_space<hbm>>
        %dma_start3A_18 = tpu.memref_squeeze %dma_start3A_17 : memref<1x10000x128xf32, #tpu.memory_space<hbm>> -> memref<10000x128xf32, #tpu.memory_space<hbm>>
        tpu.enqueue_dma source(%arg8 : memref<10000x128xf32, #tpu.memory_space<vmem_shared>>) target(%dma_start3A_18 : memref<10000x128xf32, #tpu.memory_space<hbm>>) target_semaphore(%run_scoped3A : memref<!tpu.dma_semaphore, #tpu.memory_space<semaphore_mem>>)
        %dma_wait3A = arith.constant 0 : i32
        %dma_wait3A_19 = arith.constant 0 : i32
        %dma_wait3A_20 = tpu.memref_slice %arg5[%arg0, %dma_wait3A, %dma_wait3A_19] : memref<2x10000x128xf32, #tpu.memory_space<hbm>> -> memref<1x10000x128xf32, #tpu.memory_space<hbm>>
        %dma_wait3A_21 = tpu.memref_squeeze %dma_wait3A_20 : memref<1x10000x128xf32, #tpu.memory_space<hbm>> -> memref<10000x128xf32, #tpu.memory_space<hbm>>
        tpu.wait_dma2 semaphore(%run_scoped3A : memref<!tpu.dma_semaphore, #tpu.memory_space<semaphore_mem>>) src(%arg8 : memref<10000x128xf32, #tpu.memory_space<vmem_shared>>) dst(%dma_wait3A_21 : memref<10000x128xf32, #tpu.memory_space<hbm>>)
        tpu.yield
      }) : () -> ()
    } else {
    }
    return
  }
}

#map = affine_map<(d0, d1) -> (0, 0)>
#map1 = affine_map<(d0, d1) -> (0)>
#map2 = affine_map<(d0, d1) -> (0, 0, 0)>
module attributes {stable_mosaic.version = 14 : i64} {
  func.func @k(%arg0: i32, %arg1: i32, %arg2: memref<320000x256xf32, #tpu.memory_space<hbm>>, %arg3: memref<320000xi32, #tpu.memory_space<hbm>>, %arg4: memref<10000x128xf32, #tpu.memory_space<hbm>>, %arg5: memref<2x10000x128xf32, #tpu.memory_space<hbm>>, %arg6: memref<80xi32, #tpu.memory_space<vmem>>, %arg7: memref<80x128xf32, #tpu.memory_space<vmem>>, %arg8: memref<10000x128xf32, #tpu.memory_space<vmem_shared>>) attributes {dimension_semantics = [#tpu.dimension_semantics<core_parallel>, #tpu.dimension_semantics<subcore_parallel>], iteration_bounds = array<i64: 2, 16>, scalar_prefetch = 0 : i64, scratch_operands = 3 : i64, tpu.core_type = #tpu.core_type<sc_vector_subcore>, window_params = [{transform_indices = #map}, {transform_indices = #map1}, {transform_indices = #map}, {transform_indices = #map2}]} {
    %mul3A = arith.constant 2 : i32
    %mul3A_0 = arith.muli %arg1, %mul3A : i32
    %add3A = arith.addi %mul3A_0, %arg0 : i32
    %mul3A_1 = arith.constant 10000 : i32
    %mul3A_2 = arith.muli %add3A, %mul3A_1 : i32
    %eq3A = arith.constant 0 : i32
    %eq3A_3 = arith.cmpi eq, %arg1, %eq3A : i32
    %convert_element_type3A = arith.extui %eq3A_3 : i1 to i32
    %cond3A = arith.constant 0 : i32
    %cond3A_4 = arith.cmpi ne, %convert_element_type3A, %cond3A : i32
    scf.if %cond3A_4 {
      "tpu.region"() ({
        %run_scoped3A = tpu.sem_alloc : memref<!tpu.dma_semaphore, #tpu.memory_space<semaphore_mem>>
        tpu.enqueue_dma source(%arg4 : memref<10000x128xf32, #tpu.memory_space<hbm>>) target(%arg8 : memref<10000x128xf32, #tpu.memory_space<vmem_shared>>) target_semaphore(%run_scoped3A : memref<!tpu.dma_semaphore, #tpu.memory_space<semaphore_mem>>)
        tpu.wait_dma2 semaphore(%run_scoped3A : memref<!tpu.dma_semaphore, #tpu.memory_space<semaphore_mem>>) src(%arg4 : memref<10000x128xf32, #tpu.memory_space<hbm>>) dst(%arg8 : memref<10000x128xf32, #tpu.memory_space<vmem_shared>>)
        tpu.yield
      }) : () -> ()
    } else {
    }
    %barrier3A = arith.constant 0 : index
    tpu.barrier barrier_id(%barrier3A)
    %scan3A = arith.constant 0 : i32
    %scan3A_5 = arith.constant 0 : i32
    %scan3A_6 = arith.constant 125 : i32
    %scan3A_7 = arith.addi %scan3A_5, %scan3A_6 : i32
    %scan3A_8 = arith.constant 1 : i32
    scf.for %scan3A_16 = %scan3A_5 to %scan3A_7 step %scan3A_8  : i32 {
      %mul3A_17 = arith.constant 80 : i32
      %mul3A_18 = arith.muli %scan3A_16, %mul3A_17 : i32
      %add3A_19 = arith.addi %mul3A_2, %mul3A_18 : i32
      "tpu.region"() ({
        %run_scoped3A = tpu.sem_alloc : memref<!tpu.dma_semaphore, #tpu.memory_space<semaphore_mem>>
        %dma_start3A = tpu.memref_slice %arg3[%add3A_19] : memref<320000xi32, #tpu.memory_space<hbm>> -> memref<80xi32, #tpu.memory_space<hbm>>
        %dma_start3A_20 = tpu.memref_slice %arg3[%add3A_19] : memref<320000xi32, #tpu.memory_space<hbm>> -> memref<80xi32, #tpu.memory_space<hbm>>
        tpu.enqueue_dma source(%dma_start3A_20 : memref<80xi32, #tpu.memory_space<hbm>>) target(%arg6 : memref<80xi32, #tpu.memory_space<vmem>>) target_semaphore(%run_scoped3A : memref<!tpu.dma_semaphore, #tpu.memory_space<semaphore_mem>>)
        %dma_wait3A = tpu.memref_slice %arg3[%add3A_19] : memref<320000xi32, #tpu.memory_space<hbm>> -> memref<80xi32, #tpu.memory_space<hbm>>
        %dma_wait3A_21 = tpu.memref_slice %arg3[%add3A_19] : memref<320000xi32, #tpu.memory_space<hbm>> -> memref<80xi32, #tpu.memory_space<hbm>>
        tpu.wait_dma2 semaphore(%run_scoped3A : memref<!tpu.dma_semaphore, #tpu.memory_space<semaphore_mem>>) src(%dma_wait3A_21 : memref<80xi32, #tpu.memory_space<hbm>>) dst(%arg6 : memref<80xi32, #tpu.memory_space<vmem>>)
        tpu.yield
      }) : () -> ()
      "tpu.region"() ({
        %run_scoped3A = tpu.sem_alloc : memref<!tpu.dma_semaphore, #tpu.memory_space<semaphore_mem>>
        %dma_start3A = arith.constant 0 : i32
        %dma_start3A_20 = tpu.memref_slice %arg2[%add3A_19, %dma_start3A] : memref<320000x256xf32, #tpu.memory_space<hbm>> -> memref<80x128xf32, #tpu.memory_space<hbm>>
        %dma_start3A_21 = arith.constant 0 : i32
        %dma_start3A_22 = tpu.memref_slice %arg2[%add3A_19, %dma_start3A_21] : memref<320000x256xf32, #tpu.memory_space<hbm>> -> memref<80x128xf32, #tpu.memory_space<hbm>>
        tpu.enqueue_dma source(%dma_start3A_22 : memref<80x128xf32, #tpu.memory_space<hbm>>) target(%arg7 : memref<80x128xf32, #tpu.memory_space<vmem>>) target_semaphore(%run_scoped3A : memref<!tpu.dma_semaphore, #tpu.memory_space<semaphore_mem>>)
        %dma_wait3A = arith.constant 0 : i32
        %dma_wait3A_23 = tpu.memref_slice %arg2[%add3A_19, %dma_wait3A] : memref<320000x256xf32, #tpu.memory_space<hbm>> -> memref<80x128xf32, #tpu.memory_space<hbm>>
        %dma_wait3A_24 = arith.constant 0 : i32
        %dma_wait3A_25 = tpu.memref_slice %arg2[%add3A_19, %dma_wait3A_24] : memref<320000x256xf32, #tpu.memory_space<hbm>> -> memref<80x128xf32, #tpu.memory_space<hbm>>
        tpu.wait_dma2 semaphore(%run_scoped3A : memref<!tpu.dma_semaphore, #tpu.memory_space<semaphore_mem>>) src(%dma_wait3A_25 : memref<80x128xf32, #tpu.memory_space<hbm>>) dst(%arg7 : memref<80x128xf32, #tpu.memory_space<vmem>>)
        tpu.yield
      }) : () -> ()
      "tpu.region"() ({
        %run_scoped3A = tpu.sem_alloc : memref<!tpu.dma_semaphore, #tpu.memory_space<semaphore_mem>>
        %dma_start3A = arith.constant 0 : i32
        %dma_start3A_20 = arith.constant 0 : i32
        %dma_start3A_21 = tpu.memref_slice %arg8[%dma_start3A, %dma_start3A_20] : memref<10000x128xf32, #tpu.memory_space<vmem_shared>> -> memref<10000x128xf32, #tpu.memory_space<vmem_shared>>
        tpu.enqueue_indirect_dma source(%arg7 : memref<80x128xf32, #tpu.memory_space<vmem>>) target(%dma_start3A_21 : memref<10000x128xf32, #tpu.memory_space<vmem_shared>>) offsets(%arg6 : memref<80xi32, #tpu.memory_space<vmem>>) semaphore(%run_scoped3A : memref<!tpu.dma_semaphore, #tpu.memory_space<semaphore_mem>>) {add = true}
        %dma_wait3A = arith.constant 0 : i32
        %dma_wait3A_22 = arith.constant 0 : i32
        %dma_wait3A_23 = tpu.memref_slice %arg8[%dma_wait3A, %dma_wait3A_22] : memref<10000x128xf32, #tpu.memory_space<vmem_shared>> -> memref<10000x128xf32, #tpu.memory_space<vmem_shared>>
        tpu.wait_indirect_dma semaphore(%run_scoped3A : memref<!tpu.dma_semaphore, #tpu.memory_space<semaphore_mem>>) src(%arg7 : memref<80x128xf32, #tpu.memory_space<vmem>>) dst(%dma_wait3A_23 : memref<10000x128xf32, #tpu.memory_space<vmem_shared>>)
        tpu.yield
      }) : () -> ()
    }
    %scan3A_9 = arith.constant 125 : i32
    %barrier3A_10 = arith.constant 0 : index
    tpu.barrier barrier_id(%barrier3A_10)
    %eq3A_11 = arith.constant 0 : i32
    %eq3A_12 = arith.cmpi eq, %arg1, %eq3A_11 : i32
    %convert_element_type3A_13 = arith.extui %eq3A_12 : i1 to i32
    %cond3A_14 = arith.constant 0 : i32
    %cond3A_15 = arith.cmpi ne, %convert_element_type3A_13, %cond3A_14 : i32
    scf.if %cond3A_15 {
      "tpu.region"() ({
        %run_scoped3A = tpu.sem_alloc : memref<!tpu.dma_semaphore, #tpu.memory_space<semaphore_mem>>
        %dma_start3A = arith.constant 0 : i32
        %dma_start3A_16 = arith.constant 0 : i32
        %dma_start3A_17 = tpu.memref_slice %arg5[%arg0, %dma_start3A, %dma_start3A_16] : memref<2x10000x128xf32, #tpu.memory_space<hbm>> -> memref<1x10000x128xf32, #tpu.memory_space<hbm>>
        %dma_start3A_18 = tpu.memref_squeeze %dma_start3A_17 : memref<1x10000x128xf32, #tpu.memory_space<hbm>> -> memref<10000x128xf32, #tpu.memory_space<hbm>>
        tpu.enqueue_dma source(%arg8 : memref<10000x128xf32, #tpu.memory_space<vmem_shared>>) target(%dma_start3A_18 : memref<10000x128xf32, #tpu.memory_space<hbm>>) target_semaphore(%run_scoped3A : memref<!tpu.dma_semaphore, #tpu.memory_space<semaphore_mem>>)
        %dma_wait3A = arith.constant 0 : i32
        %dma_wait3A_19 = arith.constant 0 : i32
        %dma_wait3A_20 = tpu.memref_slice %arg5[%arg0, %dma_wait3A, %dma_wait3A_19] : memref<2x10000x128xf32, #tpu.memory_space<hbm>> -> memref<1x10000x128xf32, #tpu.memory_space<hbm>>
        %dma_wait3A_21 = tpu.memref_squeeze %dma_wait3A_20 : memref<1x10000x128xf32, #tpu.memory_space<hbm>> -> memref<10000x128xf32, #tpu.memory_space<hbm>>
        tpu.wait_dma2 semaphore(%run_scoped3A : memref<!tpu.dma_semaphore, #tpu.memory_space<semaphore_mem>>) src(%arg8 : memref<10000x128xf32, #tpu.memory_space<vmem_shared>>) dst(%dma_wait3A_21 : memref<10000x128xf32, #tpu.memory_space<hbm>>)
        tpu.yield
      }) : () -> ()
    } else {
    }
    return
  }
}

#map = affine_map<(d0, d1) -> (0, 0)>
#map1 = affine_map<(d0, d1) -> (0)>
module attributes {stable_mosaic.version = 14 : i64} {
  func.func @k(%arg0: i32, %arg1: i32, %arg2: memref<10000x128xf32, #tpu.memory_space<hbm>>, %arg3: memref<320000xi32, #tpu.memory_space<hbm>>, %arg4: memref<320000x128xf32, #tpu.memory_space<hbm>>, %arg5: memref<80xi32, #tpu.memory_space<vmem>>, %arg6: memref<80x128xf32, #tpu.memory_space<vmem>>, %arg7: memref<!tpu.dma_semaphore, #tpu.memory_space<semaphore_mem>>) attributes {dimension_semantics = [#tpu.dimension_semantics<core_parallel>, #tpu.dimension_semantics<subcore_parallel>], iteration_bounds = array<i64: 2, 16>, scalar_prefetch = 0 : i64, scratch_operands = 3 : i64, tpu.core_type = #tpu.core_type<sc_vector_subcore>, window_params = [{transform_indices = #map}, {transform_indices = #map1}, {transform_indices = #map}]} {
    %mul3A = arith.constant 2 : i32
    %mul3A_0 = arith.muli %arg1, %mul3A : i32
    %add3A = arith.addi %mul3A_0, %arg0 : i32
    %mul3A_1 = arith.constant 10000 : i32
    %mul3A_2 = arith.muli %add3A, %mul3A_1 : i32
    %scan3A = arith.constant 0 : i32
    %scan3A_3 = arith.constant 0 : i32
    %scan3A_4 = arith.constant 125 : i32
    %scan3A_5 = arith.addi %scan3A_3, %scan3A_4 : i32
    %scan3A_6 = arith.constant 1 : i32
    scf.for %scan3A_8 = %scan3A_3 to %scan3A_5 step %scan3A_6  : i32 {
      %mul3A_9 = arith.constant 80 : i32
      %mul3A_10 = arith.muli %scan3A_8, %mul3A_9 : i32
      %add3A_11 = arith.addi %mul3A_2, %mul3A_10 : i32
      "tpu.region"() ({
        %run_scoped3A = tpu.sem_alloc : memref<!tpu.dma_semaphore, #tpu.memory_space<semaphore_mem>>
        %dma_start3A_16 = tpu.memref_slice %arg3[%add3A_11] : memref<320000xi32, #tpu.memory_space<hbm>> -> memref<80xi32, #tpu.memory_space<hbm>>
        %dma_start3A_17 = tpu.memref_slice %arg3[%add3A_11] : memref<320000xi32, #tpu.memory_space<hbm>> -> memref<80xi32, #tpu.memory_space<hbm>>
        tpu.enqueue_dma source(%dma_start3A_17 : memref<80xi32, #tpu.memory_space<hbm>>) target(%arg5 : memref<80xi32, #tpu.memory_space<vmem>>) target_semaphore(%run_scoped3A : memref<!tpu.dma_semaphore, #tpu.memory_space<semaphore_mem>>)
        %dma_wait3A_18 = tpu.memref_slice %arg3[%add3A_11] : memref<320000xi32, #tpu.memory_space<hbm>> -> memref<80xi32, #tpu.memory_space<hbm>>
        %dma_wait3A_19 = tpu.memref_slice %arg3[%add3A_11] : memref<320000xi32, #tpu.memory_space<hbm>> -> memref<80xi32, #tpu.memory_space<hbm>>
        tpu.wait_dma2 semaphore(%run_scoped3A : memref<!tpu.dma_semaphore, #tpu.memory_space<semaphore_mem>>) src(%dma_wait3A_19 : memref<80xi32, #tpu.memory_space<hbm>>) dst(%arg5 : memref<80xi32, #tpu.memory_space<vmem>>)
        tpu.yield
      }) : () -> ()
      %dma_start3A = arith.constant 0 : i32
      %dma_start3A_12 = arith.constant 0 : i32
      %dma_start3A_13 = tpu.memref_slice %arg2[%dma_start3A, %dma_start3A_12] : memref<10000x128xf32, #tpu.memory_space<hbm>> -> memref<10000x128xf32, #tpu.memory_space<hbm>>
      tpu.enqueue_indirect_dma source(%dma_start3A_13 : memref<10000x128xf32, #tpu.memory_space<hbm>>) target(%arg6 : memref<80x128xf32, #tpu.memory_space<vmem>>) offsets(%arg5 : memref<80xi32, #tpu.memory_space<vmem>>) semaphore(%arg7 : memref<!tpu.dma_semaphore, #tpu.memory_space<semaphore_mem>>)
      %dma_wait3A = arith.constant 0 : i32
      %dma_wait3A_14 = arith.constant 0 : i32
      %dma_wait3A_15 = tpu.memref_slice %arg2[%dma_wait3A, %dma_wait3A_14] : memref<10000x128xf32, #tpu.memory_space<hbm>> -> memref<10000x128xf32, #tpu.memory_space<hbm>>
      tpu.wait_indirect_dma semaphore(%arg7 : memref<!tpu.dma_semaphore, #tpu.memory_space<semaphore_mem>>) src(%dma_wait3A_15 : memref<10000x128xf32, #tpu.memory_space<hbm>>) dst(%arg6 : memref<80x128xf32, #tpu.memory_space<vmem>>)
      "tpu.region"() ({
        %run_scoped3A = tpu.sem_alloc : memref<!tpu.dma_semaphore, #tpu.memory_space<semaphore_mem>>
        %dma_start3A_16 = arith.constant 0 : i32
        %dma_start3A_17 = tpu.memref_slice %arg4[%add3A_11, %dma_start3A_16] : memref<320000x128xf32, #tpu.memory_space<hbm>> -> memref<80x128xf32, #tpu.memory_space<hbm>>
        %dma_start3A_18 = arith.constant 0 : i32
        %dma_start3A_19 = tpu.memref_slice %arg4[%add3A_11, %dma_start3A_18] : memref<320000x128xf32, #tpu.memory_space<hbm>> -> memref<80x128xf32, #tpu.memory_space<hbm>>
        tpu.enqueue_dma source(%arg6 : memref<80x128xf32, #tpu.memory_space<vmem>>) target(%dma_start3A_19 : memref<80x128xf32, #tpu.memory_space<hbm>>) target_semaphore(%run_scoped3A : memref<!tpu.dma_semaphore, #tpu.memory_space<semaphore_mem>>)
        %dma_wait3A_20 = arith.constant 0 : i32
        %dma_wait3A_21 = tpu.memref_slice %arg4[%add3A_11, %dma_wait3A_20] : memref<320000x128xf32, #tpu.memory_space<hbm>> -> memref<80x128xf32, #tpu.memory_space<hbm>>
        %dma_wait3A_22 = arith.constant 0 : i32
        %dma_wait3A_23 = tpu.memref_slice %arg4[%add3A_11, %dma_wait3A_22] : memref<320000x128xf32, #tpu.memory_space<hbm>> -> memref<80x128xf32, #tpu.memory_space<hbm>>
        tpu.wait_dma2 semaphore(%run_scoped3A : memref<!tpu.dma_semaphore, #tpu.memory_space<semaphore_mem>>) src(%arg6 : memref<80x128xf32, #tpu.memory_space<vmem>>) dst(%dma_wait3A_23 : memref<80x128xf32, #tpu.memory_space<hbm>>)
        tpu.yield
      }) : () -> ()
    }
    %scan3A_7 = arith.constant 125 : i32
    return
  }
}

#map = affine_map<(d0, d1) -> (0, 0)>
#map1 = affine_map<(d0, d1) -> (0)>
module attributes {stable_mosaic.version = 14 : i64} {
  func.func @k(%arg0: i32, %arg1: i32, %arg2: memref<10000x384xf32, #tpu.memory_space<hbm>>, %arg3: memref<320000xi32, #tpu.memory_space<hbm>>, %arg4: memref<320000x384xf32, #tpu.memory_space<hbm>>, %arg5: memref<80xi32, #tpu.memory_space<vmem>>, %arg6: memref<80x384xf32, #tpu.memory_space<vmem>>, %arg7: memref<!tpu.dma_semaphore, #tpu.memory_space<semaphore_mem>>) attributes {dimension_semantics = [#tpu.dimension_semantics<core_parallel>, #tpu.dimension_semantics<subcore_parallel>], iteration_bounds = array<i64: 2, 16>, scalar_prefetch = 0 : i64, scratch_operands = 3 : i64, tpu.core_type = #tpu.core_type<sc_vector_subcore>, window_params = [{transform_indices = #map}, {transform_indices = #map1}, {transform_indices = #map}]} {
    %mul3A = arith.constant 2 : i32
    %mul3A_0 = arith.muli %arg1, %mul3A : i32
    %add3A = arith.addi %mul3A_0, %arg0 : i32
    %mul3A_1 = arith.constant 10000 : i32
    %mul3A_2 = arith.muli %add3A, %mul3A_1 : i32
    %scan3A = arith.constant 0 : i32
    %scan3A_3 = arith.constant 0 : i32
    %scan3A_4 = arith.constant 125 : i32
    %scan3A_5 = arith.addi %scan3A_3, %scan3A_4 : i32
    %scan3A_6 = arith.constant 1 : i32
    scf.for %scan3A_8 = %scan3A_3 to %scan3A_5 step %scan3A_6  : i32 {
      %mul3A_9 = arith.constant 80 : i32
      %mul3A_10 = arith.muli %scan3A_8, %mul3A_9 : i32
      %add3A_11 = arith.addi %mul3A_2, %mul3A_10 : i32
      "tpu.region"() ({
        %run_scoped3A = tpu.sem_alloc : memref<!tpu.dma_semaphore, #tpu.memory_space<semaphore_mem>>
        %dma_start3A_16 = tpu.memref_slice %arg3[%add3A_11] : memref<320000xi32, #tpu.memory_space<hbm>> -> memref<80xi32, #tpu.memory_space<hbm>>
        %dma_start3A_17 = tpu.memref_slice %arg3[%add3A_11] : memref<320000xi32, #tpu.memory_space<hbm>> -> memref<80xi32, #tpu.memory_space<hbm>>
        tpu.enqueue_dma source(%dma_start3A_17 : memref<80xi32, #tpu.memory_space<hbm>>) target(%arg5 : memref<80xi32, #tpu.memory_space<vmem>>) target_semaphore(%run_scoped3A : memref<!tpu.dma_semaphore, #tpu.memory_space<semaphore_mem>>)
        %dma_wait3A_18 = tpu.memref_slice %arg3[%add3A_11] : memref<320000xi32, #tpu.memory_space<hbm>> -> memref<80xi32, #tpu.memory_space<hbm>>
        %dma_wait3A_19 = tpu.memref_slice %arg3[%add3A_11] : memref<320000xi32, #tpu.memory_space<hbm>> -> memref<80xi32, #tpu.memory_space<hbm>>
        tpu.wait_dma2 semaphore(%run_scoped3A : memref<!tpu.dma_semaphore, #tpu.memory_space<semaphore_mem>>) src(%dma_wait3A_19 : memref<80xi32, #tpu.memory_space<hbm>>) dst(%arg5 : memref<80xi32, #tpu.memory_space<vmem>>)
        tpu.yield
      }) : () -> ()
      %dma_start3A = arith.constant 0 : i32
      %dma_start3A_12 = arith.constant 0 : i32
      %dma_start3A_13 = tpu.memref_slice %arg2[%dma_start3A, %dma_start3A_12] : memref<10000x384xf32, #tpu.memory_space<hbm>> -> memref<10000x384xf32, #tpu.memory_space<hbm>>
      tpu.enqueue_indirect_dma source(%dma_start3A_13 : memref<10000x384xf32, #tpu.memory_space<hbm>>) target(%arg6 : memref<80x384xf32, #tpu.memory_space<vmem>>) offsets(%arg5 : memref<80xi32, #tpu.memory_space<vmem>>) semaphore(%arg7 : memref<!tpu.dma_semaphore, #tpu.memory_space<semaphore_mem>>)
      %dma_wait3A = arith.constant 0 : i32
      %dma_wait3A_14 = arith.constant 0 : i32
      %dma_wait3A_15 = tpu.memref_slice %arg2[%dma_wait3A, %dma_wait3A_14] : memref<10000x384xf32, #tpu.memory_space<hbm>> -> memref<10000x384xf32, #tpu.memory_space<hbm>>
      tpu.wait_indirect_dma semaphore(%arg7 : memref<!tpu.dma_semaphore, #tpu.memory_space<semaphore_mem>>) src(%dma_wait3A_15 : memref<10000x384xf32, #tpu.memory_space<hbm>>) dst(%arg6 : memref<80x384xf32, #tpu.memory_space<vmem>>)
      "tpu.region"() ({
        %run_scoped3A = tpu.sem_alloc : memref<!tpu.dma_semaphore, #tpu.memory_space<semaphore_mem>>
        %dma_start3A_16 = arith.constant 0 : i32
        %dma_start3A_17 = tpu.memref_slice %arg4[%add3A_11, %dma_start3A_16] : memref<320000x384xf32, #tpu.memory_space<hbm>> -> memref<80x384xf32, #tpu.memory_space<hbm>>
        %dma_start3A_18 = arith.constant 0 : i32
        %dma_start3A_19 = tpu.memref_slice %arg4[%add3A_11, %dma_start3A_18] : memref<320000x384xf32, #tpu.memory_space<hbm>> -> memref<80x384xf32, #tpu.memory_space<hbm>>
        tpu.enqueue_dma source(%arg6 : memref<80x384xf32, #tpu.memory_space<vmem>>) target(%dma_start3A_19 : memref<80x384xf32, #tpu.memory_space<hbm>>) target_semaphore(%run_scoped3A : memref<!tpu.dma_semaphore, #tpu.memory_space<semaphore_mem>>)
        %dma_wait3A_20 = arith.constant 0 : i32
        %dma_wait3A_21 = tpu.memref_slice %arg4[%add3A_11, %dma_wait3A_20] : memref<320000x384xf32, #tpu.memory_space<hbm>> -> memref<80x384xf32, #tpu.memory_space<hbm>>
        %dma_wait3A_22 = arith.constant 0 : i32
        %dma_wait3A_23 = tpu.memref_slice %arg4[%add3A_11, %dma_wait3A_22] : memref<320000x384xf32, #tpu.memory_space<hbm>> -> memref<80x384xf32, #tpu.memory_space<hbm>>
        tpu.wait_dma2 semaphore(%run_scoped3A : memref<!tpu.dma_semaphore, #tpu.memory_space<semaphore_mem>>) src(%arg6 : memref<80x384xf32, #tpu.memory_space<vmem>>) dst(%dma_wait3A_23 : memref<80x384xf32, #tpu.memory_space<hbm>>)
        tpu.yield
      }) : () -> ()
    }
    %scan3A_7 = arith.constant 125 : i32
    return
  }
}

#map = affine_map<(d0, d1) -> (0, 0)>
#map1 = affine_map<(d0, d1) -> (0)>
#map2 = affine_map<(d0, d1) -> (0, 0, 0)>
module attributes {stable_mosaic.version = 14 : i64} {
  func.func @k(%arg0: i32, %arg1: i32, %arg2: memref<320000x384xf32, #tpu.memory_space<hbm>>, %arg3: memref<320000xi32, #tpu.memory_space<hbm>>, %arg4: memref<10000x128xf32, #tpu.memory_space<hbm>>, %arg5: memref<2x10000x128xf32, #tpu.memory_space<hbm>>, %arg6: memref<80xi32, #tpu.memory_space<vmem>>, %arg7: memref<80x128xf32, #tpu.memory_space<vmem>>, %arg8: memref<10000x128xf32, #tpu.memory_space<vmem_shared>>) attributes {dimension_semantics = [#tpu.dimension_semantics<core_parallel>, #tpu.dimension_semantics<subcore_parallel>], iteration_bounds = array<i64: 2, 16>, scalar_prefetch = 0 : i64, scratch_operands = 3 : i64, tpu.core_type = #tpu.core_type<sc_vector_subcore>, window_params = [{transform_indices = #map}, {transform_indices = #map1}, {transform_indices = #map}, {transform_indices = #map2}]} {
    %mul3A = arith.constant 2 : i32
    %mul3A_0 = arith.muli %arg1, %mul3A : i32
    %add3A = arith.addi %mul3A_0, %arg0 : i32
    %mul3A_1 = arith.constant 10000 : i32
    %mul3A_2 = arith.muli %add3A, %mul3A_1 : i32
    %eq3A = arith.constant 0 : i32
    %eq3A_3 = arith.cmpi eq, %arg1, %eq3A : i32
    %convert_element_type3A = arith.extui %eq3A_3 : i1 to i32
    %cond3A = arith.constant 0 : i32
    %cond3A_4 = arith.cmpi ne, %convert_element_type3A, %cond3A : i32
    scf.if %cond3A_4 {
      "tpu.region"() ({
        %run_scoped3A = tpu.sem_alloc : memref<!tpu.dma_semaphore, #tpu.memory_space<semaphore_mem>>
        tpu.enqueue_dma source(%arg4 : memref<10000x128xf32, #tpu.memory_space<hbm>>) target(%arg8 : memref<10000x128xf32, #tpu.memory_space<vmem_shared>>) target_semaphore(%run_scoped3A : memref<!tpu.dma_semaphore, #tpu.memory_space<semaphore_mem>>)
        tpu.wait_dma2 semaphore(%run_scoped3A : memref<!tpu.dma_semaphore, #tpu.memory_space<semaphore_mem>>) src(%arg4 : memref<10000x128xf32, #tpu.memory_space<hbm>>) dst(%arg8 : memref<10000x128xf32, #tpu.memory_space<vmem_shared>>)
        tpu.yield
      }) : () -> ()
    } else {
    }
    %barrier3A = arith.constant 0 : index
    tpu.barrier barrier_id(%barrier3A)
    %scan3A = arith.constant 0 : i32
    %scan3A_5 = arith.constant 0 : i32
    %scan3A_6 = arith.constant 125 : i32
    %scan3A_7 = arith.addi %scan3A_5, %scan3A_6 : i32
    %scan3A_8 = arith.constant 1 : i32
    scf.for %scan3A_16 = %scan3A_5 to %scan3A_7 step %scan3A_8  : i32 {
      %mul3A_17 = arith.constant 80 : i32
      %mul3A_18 = arith.muli %scan3A_16, %mul3A_17 : i32
      %add3A_19 = arith.addi %mul3A_2, %mul3A_18 : i32
      "tpu.region"() ({
        %run_scoped3A = tpu.sem_alloc : memref<!tpu.dma_semaphore, #tpu.memory_space<semaphore_mem>>
        %dma_start3A = tpu.memref_slice %arg3[%add3A_19] : memref<320000xi32, #tpu.memory_space<hbm>> -> memref<80xi32, #tpu.memory_space<hbm>>
        %dma_start3A_20 = tpu.memref_slice %arg3[%add3A_19] : memref<320000xi32, #tpu.memory_space<hbm>> -> memref<80xi32, #tpu.memory_space<hbm>>
        tpu.enqueue_dma source(%dma_start3A_20 : memref<80xi32, #tpu.memory_space<hbm>>) target(%arg6 : memref<80xi32, #tpu.memory_space<vmem>>) target_semaphore(%run_scoped3A : memref<!tpu.dma_semaphore, #tpu.memory_space<semaphore_mem>>)
        %dma_wait3A = tpu.memref_slice %arg3[%add3A_19] : memref<320000xi32, #tpu.memory_space<hbm>> -> memref<80xi32, #tpu.memory_space<hbm>>
        %dma_wait3A_21 = tpu.memref_slice %arg3[%add3A_19] : memref<320000xi32, #tpu.memory_space<hbm>> -> memref<80xi32, #tpu.memory_space<hbm>>
        tpu.wait_dma2 semaphore(%run_scoped3A : memref<!tpu.dma_semaphore, #tpu.memory_space<semaphore_mem>>) src(%dma_wait3A_21 : memref<80xi32, #tpu.memory_space<hbm>>) dst(%arg6 : memref<80xi32, #tpu.memory_space<vmem>>)
        tpu.yield
      }) : () -> ()
      "tpu.region"() ({
        %run_scoped3A = tpu.sem_alloc : memref<!tpu.dma_semaphore, #tpu.memory_space<semaphore_mem>>
        %dma_start3A = arith.constant 256 : i32
        %dma_start3A_20 = tpu.memref_slice %arg2[%add3A_19, %dma_start3A] : memref<320000x384xf32, #tpu.memory_space<hbm>> -> memref<80x128xf32, #tpu.memory_space<hbm>>
        %dma_start3A_21 = arith.constant 256 : i32
        %dma_start3A_22 = tpu.memref_slice %arg2[%add3A_19, %dma_start3A_21] : memref<320000x384xf32, #tpu.memory_space<hbm>> -> memref<80x128xf32, #tpu.memory_space<hbm>>
        tpu.enqueue_dma source(%dma_start3A_22 : memref<80x128xf32, #tpu.memory_space<hbm>>) target(%arg7 : memref<80x128xf32, #tpu.memory_space<vmem>>) target_semaphore(%run_scoped3A : memref<!tpu.dma_semaphore, #tpu.memory_space<semaphore_mem>>)
        %dma_wait3A = arith.constant 256 : i32
        %dma_wait3A_23 = tpu.memref_slice %arg2[%add3A_19, %dma_wait3A] : memref<320000x384xf32, #tpu.memory_space<hbm>> -> memref<80x128xf32, #tpu.memory_space<hbm>>
        %dma_wait3A_24 = arith.constant 256 : i32
        %dma_wait3A_25 = tpu.memref_slice %arg2[%add3A_19, %dma_wait3A_24] : memref<320000x384xf32, #tpu.memory_space<hbm>> -> memref<80x128xf32, #tpu.memory_space<hbm>>
        tpu.wait_dma2 semaphore(%run_scoped3A : memref<!tpu.dma_semaphore, #tpu.memory_space<semaphore_mem>>) src(%dma_wait3A_25 : memref<80x128xf32, #tpu.memory_space<hbm>>) dst(%arg7 : memref<80x128xf32, #tpu.memory_space<vmem>>)
        tpu.yield
      }) : () -> ()
      "tpu.region"() ({
        %run_scoped3A = tpu.sem_alloc : memref<!tpu.dma_semaphore, #tpu.memory_space<semaphore_mem>>
        %dma_start3A = arith.constant 0 : i32
        %dma_start3A_20 = arith.constant 0 : i32
        %dma_start3A_21 = tpu.memref_slice %arg8[%dma_start3A, %dma_start3A_20] : memref<10000x128xf32, #tpu.memory_space<vmem_shared>> -> memref<10000x128xf32, #tpu.memory_space<vmem_shared>>
        tpu.enqueue_indirect_dma source(%arg7 : memref<80x128xf32, #tpu.memory_space<vmem>>) target(%dma_start3A_21 : memref<10000x128xf32, #tpu.memory_space<vmem_shared>>) offsets(%arg6 : memref<80xi32, #tpu.memory_space<vmem>>) semaphore(%run_scoped3A : memref<!tpu.dma_semaphore, #tpu.memory_space<semaphore_mem>>) {add = true}
        %dma_wait3A = arith.constant 0 : i32
        %dma_wait3A_22 = arith.constant 0 : i32
        %dma_wait3A_23 = tpu.memref_slice %arg8[%dma_wait3A, %dma_wait3A_22] : memref<10000x128xf32, #tpu.memory_space<vmem_shared>> -> memref<10000x128xf32, #tpu.memory_space<vmem_shared>>
        tpu.wait_indirect_dma semaphore(%run_scoped3A : memref<!tpu.dma_semaphore, #tpu.memory_space<semaphore_mem>>) src(%arg7 : memref<80x128xf32, #tpu.memory_space<vmem>>) dst(%dma_wait3A_23 : memref<10000x128xf32, #tpu.memory_space<vmem_shared>>)
        tpu.yield
      }) : () -> ()
    }
    %scan3A_9 = arith.constant 125 : i32
    %barrier3A_10 = arith.constant 0 : index
    tpu.barrier barrier_id(%barrier3A_10)
    %eq3A_11 = arith.constant 0 : i32
    %eq3A_12 = arith.cmpi eq, %arg1, %eq3A_11 : i32
    %convert_element_type3A_13 = arith.extui %eq3A_12 : i1 to i32
    %cond3A_14 = arith.constant 0 : i32
    %cond3A_15 = arith.cmpi ne, %convert_element_type3A_13, %cond3A_14 : i32
    scf.if %cond3A_15 {
      "tpu.region"() ({
        %run_scoped3A = tpu.sem_alloc : memref<!tpu.dma_semaphore, #tpu.memory_space<semaphore_mem>>
        %dma_start3A = arith.constant 0 : i32
        %dma_start3A_16 = arith.constant 0 : i32
        %dma_start3A_17 = tpu.memref_slice %arg5[%arg0, %dma_start3A, %dma_start3A_16] : memref<2x10000x128xf32, #tpu.memory_space<hbm>> -> memref<1x10000x128xf32, #tpu.memory_space<hbm>>
        %dma_start3A_18 = tpu.memref_squeeze %dma_start3A_17 : memref<1x10000x128xf32, #tpu.memory_space<hbm>> -> memref<10000x128xf32, #tpu.memory_space<hbm>>
        tpu.enqueue_dma source(%arg8 : memref<10000x128xf32, #tpu.memory_space<vmem_shared>>) target(%dma_start3A_18 : memref<10000x128xf32, #tpu.memory_space<hbm>>) target_semaphore(%run_scoped3A : memref<!tpu.dma_semaphore, #tpu.memory_space<semaphore_mem>>)
        %dma_wait3A = arith.constant 0 : i32
        %dma_wait3A_19 = arith.constant 0 : i32
        %dma_wait3A_20 = tpu.memref_slice %arg5[%arg0, %dma_wait3A, %dma_wait3A_19] : memref<2x10000x128xf32, #tpu.memory_space<hbm>> -> memref<1x10000x128xf32, #tpu.memory_space<hbm>>
        %dma_wait3A_21 = tpu.memref_squeeze %dma_wait3A_20 : memref<1x10000x128xf32, #tpu.memory_space<hbm>> -> memref<10000x128xf32, #tpu.memory_space<hbm>>
        tpu.wait_dma2 semaphore(%run_scoped3A : memref<!tpu.dma_semaphore, #tpu.memory_space<semaphore_mem>>) src(%arg8 : memref<10000x128xf32, #tpu.memory_space<vmem_shared>>) dst(%dma_wait3A_21 : memref<10000x128xf32, #tpu.memory_space<hbm>>)
        tpu.yield
      }) : () -> ()
    } else {
    }
    return
  }
}

#map = affine_map<(d0, d1) -> (0, 0)>
#map1 = affine_map<(d0, d1) -> (0)>
#map2 = affine_map<(d0, d1) -> (0, 0, 0)>
module attributes {stable_mosaic.version = 14 : i64} {
  func.func @k(%arg0: i32, %arg1: i32, %arg2: memref<320000x384xf32, #tpu.memory_space<hbm>>, %arg3: memref<320000xi32, #tpu.memory_space<hbm>>, %arg4: memref<10000x128xf32, #tpu.memory_space<hbm>>, %arg5: memref<2x10000x128xf32, #tpu.memory_space<hbm>>, %arg6: memref<80xi32, #tpu.memory_space<vmem>>, %arg7: memref<80x128xf32, #tpu.memory_space<vmem>>, %arg8: memref<10000x128xf32, #tpu.memory_space<vmem_shared>>) attributes {dimension_semantics = [#tpu.dimension_semantics<core_parallel>, #tpu.dimension_semantics<subcore_parallel>], iteration_bounds = array<i64: 2, 16>, scalar_prefetch = 0 : i64, scratch_operands = 3 : i64, tpu.core_type = #tpu.core_type<sc_vector_subcore>, window_params = [{transform_indices = #map}, {transform_indices = #map1}, {transform_indices = #map}, {transform_indices = #map2}]} {
    %mul3A = arith.constant 2 : i32
    %mul3A_0 = arith.muli %arg1, %mul3A : i32
    %add3A = arith.addi %mul3A_0, %arg0 : i32
    %mul3A_1 = arith.constant 10000 : i32
    %mul3A_2 = arith.muli %add3A, %mul3A_1 : i32
    %eq3A = arith.constant 0 : i32
    %eq3A_3 = arith.cmpi eq, %arg1, %eq3A : i32
    %convert_element_type3A = arith.extui %eq3A_3 : i1 to i32
    %cond3A = arith.constant 0 : i32
    %cond3A_4 = arith.cmpi ne, %convert_element_type3A, %cond3A : i32
    scf.if %cond3A_4 {
      "tpu.region"() ({
        %run_scoped3A = tpu.sem_alloc : memref<!tpu.dma_semaphore, #tpu.memory_space<semaphore_mem>>
        tpu.enqueue_dma source(%arg4 : memref<10000x128xf32, #tpu.memory_space<hbm>>) target(%arg8 : memref<10000x128xf32, #tpu.memory_space<vmem_shared>>) target_semaphore(%run_scoped3A : memref<!tpu.dma_semaphore, #tpu.memory_space<semaphore_mem>>)
        tpu.wait_dma2 semaphore(%run_scoped3A : memref<!tpu.dma_semaphore, #tpu.memory_space<semaphore_mem>>) src(%arg4 : memref<10000x128xf32, #tpu.memory_space<hbm>>) dst(%arg8 : memref<10000x128xf32, #tpu.memory_space<vmem_shared>>)
        tpu.yield
      }) : () -> ()
    } else {
    }
    %barrier3A = arith.constant 0 : index
    tpu.barrier barrier_id(%barrier3A)
    %scan3A = arith.constant 0 : i32
    %scan3A_5 = arith.constant 0 : i32
    %scan3A_6 = arith.constant 125 : i32
    %scan3A_7 = arith.addi %scan3A_5, %scan3A_6 : i32
    %scan3A_8 = arith.constant 1 : i32
    scf.for %scan3A_16 = %scan3A_5 to %scan3A_7 step %scan3A_8  : i32 {
      %mul3A_17 = arith.constant 80 : i32
      %mul3A_18 = arith.muli %scan3A_16, %mul3A_17 : i32
      %add3A_19 = arith.addi %mul3A_2, %mul3A_18 : i32
      "tpu.region"() ({
        %run_scoped3A = tpu.sem_alloc : memref<!tpu.dma_semaphore, #tpu.memory_space<semaphore_mem>>
        %dma_start3A = tpu.memref_slice %arg3[%add3A_19] : memref<320000xi32, #tpu.memory_space<hbm>> -> memref<80xi32, #tpu.memory_space<hbm>>
        %dma_start3A_20 = tpu.memref_slice %arg3[%add3A_19] : memref<320000xi32, #tpu.memory_space<hbm>> -> memref<80xi32, #tpu.memory_space<hbm>>
        tpu.enqueue_dma source(%dma_start3A_20 : memref<80xi32, #tpu.memory_space<hbm>>) target(%arg6 : memref<80xi32, #tpu.memory_space<vmem>>) target_semaphore(%run_scoped3A : memref<!tpu.dma_semaphore, #tpu.memory_space<semaphore_mem>>)
        %dma_wait3A = tpu.memref_slice %arg3[%add3A_19] : memref<320000xi32, #tpu.memory_space<hbm>> -> memref<80xi32, #tpu.memory_space<hbm>>
        %dma_wait3A_21 = tpu.memref_slice %arg3[%add3A_19] : memref<320000xi32, #tpu.memory_space<hbm>> -> memref<80xi32, #tpu.memory_space<hbm>>
        tpu.wait_dma2 semaphore(%run_scoped3A : memref<!tpu.dma_semaphore, #tpu.memory_space<semaphore_mem>>) src(%dma_wait3A_21 : memref<80xi32, #tpu.memory_space<hbm>>) dst(%arg6 : memref<80xi32, #tpu.memory_space<vmem>>)
        tpu.yield
      }) : () -> ()
      "tpu.region"() ({
        %run_scoped3A = tpu.sem_alloc : memref<!tpu.dma_semaphore, #tpu.memory_space<semaphore_mem>>
        %dma_start3A = arith.constant 128 : i32
        %dma_start3A_20 = tpu.memref_slice %arg2[%add3A_19, %dma_start3A] : memref<320000x384xf32, #tpu.memory_space<hbm>> -> memref<80x128xf32, #tpu.memory_space<hbm>>
        %dma_start3A_21 = arith.constant 128 : i32
        %dma_start3A_22 = tpu.memref_slice %arg2[%add3A_19, %dma_start3A_21] : memref<320000x384xf32, #tpu.memory_space<hbm>> -> memref<80x128xf32, #tpu.memory_space<hbm>>
        tpu.enqueue_dma source(%dma_start3A_22 : memref<80x128xf32, #tpu.memory_space<hbm>>) target(%arg7 : memref<80x128xf32, #tpu.memory_space<vmem>>) target_semaphore(%run_scoped3A : memref<!tpu.dma_semaphore, #tpu.memory_space<semaphore_mem>>)
        %dma_wait3A = arith.constant 128 : i32
        %dma_wait3A_23 = tpu.memref_slice %arg2[%add3A_19, %dma_wait3A] : memref<320000x384xf32, #tpu.memory_space<hbm>> -> memref<80x128xf32, #tpu.memory_space<hbm>>
        %dma_wait3A_24 = arith.constant 128 : i32
        %dma_wait3A_25 = tpu.memref_slice %arg2[%add3A_19, %dma_wait3A_24] : memref<320000x384xf32, #tpu.memory_space<hbm>> -> memref<80x128xf32, #tpu.memory_space<hbm>>
        tpu.wait_dma2 semaphore(%run_scoped3A : memref<!tpu.dma_semaphore, #tpu.memory_space<semaphore_mem>>) src(%dma_wait3A_25 : memref<80x128xf32, #tpu.memory_space<hbm>>) dst(%arg7 : memref<80x128xf32, #tpu.memory_space<vmem>>)
        tpu.yield
      }) : () -> ()
      "tpu.region"() ({
        %run_scoped3A = tpu.sem_alloc : memref<!tpu.dma_semaphore, #tpu.memory_space<semaphore_mem>>
        %dma_start3A = arith.constant 0 : i32
        %dma_start3A_20 = arith.constant 0 : i32
        %dma_start3A_21 = tpu.memref_slice %arg8[%dma_start3A, %dma_start3A_20] : memref<10000x128xf32, #tpu.memory_space<vmem_shared>> -> memref<10000x128xf32, #tpu.memory_space<vmem_shared>>
        tpu.enqueue_indirect_dma source(%arg7 : memref<80x128xf32, #tpu.memory_space<vmem>>) target(%dma_start3A_21 : memref<10000x128xf32, #tpu.memory_space<vmem_shared>>) offsets(%arg6 : memref<80xi32, #tpu.memory_space<vmem>>) semaphore(%run_scoped3A : memref<!tpu.dma_semaphore, #tpu.memory_space<semaphore_mem>>) {add = true}
        %dma_wait3A = arith.constant 0 : i32
        %dma_wait3A_22 = arith.constant 0 : i32
        %dma_wait3A_23 = tpu.memref_slice %arg8[%dma_wait3A, %dma_wait3A_22] : memref<10000x128xf32, #tpu.memory_space<vmem_shared>> -> memref<10000x128xf32, #tpu.memory_space<vmem_shared>>
        tpu.wait_indirect_dma semaphore(%run_scoped3A : memref<!tpu.dma_semaphore, #tpu.memory_space<semaphore_mem>>) src(%arg7 : memref<80x128xf32, #tpu.memory_space<vmem>>) dst(%dma_wait3A_23 : memref<10000x128xf32, #tpu.memory_space<vmem_shared>>)
        tpu.yield
      }) : () -> ()
    }
    %scan3A_9 = arith.constant 125 : i32
    %barrier3A_10 = arith.constant 0 : index
    tpu.barrier barrier_id(%barrier3A_10)
    %eq3A_11 = arith.constant 0 : i32
    %eq3A_12 = arith.cmpi eq, %arg1, %eq3A_11 : i32
    %convert_element_type3A_13 = arith.extui %eq3A_12 : i1 to i32
    %cond3A_14 = arith.constant 0 : i32
    %cond3A_15 = arith.cmpi ne, %convert_element_type3A_13, %cond3A_14 : i32
    scf.if %cond3A_15 {
      "tpu.region"() ({
        %run_scoped3A = tpu.sem_alloc : memref<!tpu.dma_semaphore, #tpu.memory_space<semaphore_mem>>
        %dma_start3A = arith.constant 0 : i32
        %dma_start3A_16 = arith.constant 0 : i32
        %dma_start3A_17 = tpu.memref_slice %arg5[%arg0, %dma_start3A, %dma_start3A_16] : memref<2x10000x128xf32, #tpu.memory_space<hbm>> -> memref<1x10000x128xf32, #tpu.memory_space<hbm>>
        %dma_start3A_18 = tpu.memref_squeeze %dma_start3A_17 : memref<1x10000x128xf32, #tpu.memory_space<hbm>> -> memref<10000x128xf32, #tpu.memory_space<hbm>>
        tpu.enqueue_dma source(%arg8 : memref<10000x128xf32, #tpu.memory_space<vmem_shared>>) target(%dma_start3A_18 : memref<10000x128xf32, #tpu.memory_space<hbm>>) target_semaphore(%run_scoped3A : memref<!tpu.dma_semaphore, #tpu.memory_space<semaphore_mem>>)
        %dma_wait3A = arith.constant 0 : i32
        %dma_wait3A_19 = arith.constant 0 : i32
        %dma_wait3A_20 = tpu.memref_slice %arg5[%arg0, %dma_wait3A, %dma_wait3A_19] : memref<2x10000x128xf32, #tpu.memory_space<hbm>> -> memref<1x10000x128xf32, #tpu.memory_space<hbm>>
        %dma_wait3A_21 = tpu.memref_squeeze %dma_wait3A_20 : memref<1x10000x128xf32, #tpu.memory_space<hbm>> -> memref<10000x128xf32, #tpu.memory_space<hbm>>
        tpu.wait_dma2 semaphore(%run_scoped3A : memref<!tpu.dma_semaphore, #tpu.memory_space<semaphore_mem>>) src(%arg8 : memref<10000x128xf32, #tpu.memory_space<vmem_shared>>) dst(%dma_wait3A_21 : memref<10000x128xf32, #tpu.memory_space<hbm>>)
        tpu.yield
      }) : () -> ()
    } else {
    }
    return
  }
}

#map = affine_map<(d0, d1) -> (0, 0)>
#map1 = affine_map<(d0, d1) -> (0)>
#map2 = affine_map<(d0, d1) -> (0, 0, 0)>
module attributes {stable_mosaic.version = 14 : i64} {
  func.func @k(%arg0: i32, %arg1: i32, %arg2: memref<320000x384xf32, #tpu.memory_space<hbm>>, %arg3: memref<320000xi32, #tpu.memory_space<hbm>>, %arg4: memref<10000x128xf32, #tpu.memory_space<hbm>>, %arg5: memref<2x10000x128xf32, #tpu.memory_space<hbm>>, %arg6: memref<80xi32, #tpu.memory_space<vmem>>, %arg7: memref<80x128xf32, #tpu.memory_space<vmem>>, %arg8: memref<10000x128xf32, #tpu.memory_space<vmem_shared>>) attributes {dimension_semantics = [#tpu.dimension_semantics<core_parallel>, #tpu.dimension_semantics<subcore_parallel>], iteration_bounds = array<i64: 2, 16>, scalar_prefetch = 0 : i64, scratch_operands = 3 : i64, tpu.core_type = #tpu.core_type<sc_vector_subcore>, window_params = [{transform_indices = #map}, {transform_indices = #map1}, {transform_indices = #map}, {transform_indices = #map2}]} {
    %mul3A = arith.constant 2 : i32
    %mul3A_0 = arith.muli %arg1, %mul3A : i32
    %add3A = arith.addi %mul3A_0, %arg0 : i32
    %mul3A_1 = arith.constant 10000 : i32
    %mul3A_2 = arith.muli %add3A, %mul3A_1 : i32
    %eq3A = arith.constant 0 : i32
    %eq3A_3 = arith.cmpi eq, %arg1, %eq3A : i32
    %convert_element_type3A = arith.extui %eq3A_3 : i1 to i32
    %cond3A = arith.constant 0 : i32
    %cond3A_4 = arith.cmpi ne, %convert_element_type3A, %cond3A : i32
    scf.if %cond3A_4 {
      "tpu.region"() ({
        %run_scoped3A = tpu.sem_alloc : memref<!tpu.dma_semaphore, #tpu.memory_space<semaphore_mem>>
        tpu.enqueue_dma source(%arg4 : memref<10000x128xf32, #tpu.memory_space<hbm>>) target(%arg8 : memref<10000x128xf32, #tpu.memory_space<vmem_shared>>) target_semaphore(%run_scoped3A : memref<!tpu.dma_semaphore, #tpu.memory_space<semaphore_mem>>)
        tpu.wait_dma2 semaphore(%run_scoped3A : memref<!tpu.dma_semaphore, #tpu.memory_space<semaphore_mem>>) src(%arg4 : memref<10000x128xf32, #tpu.memory_space<hbm>>) dst(%arg8 : memref<10000x128xf32, #tpu.memory_space<vmem_shared>>)
        tpu.yield
      }) : () -> ()
    } else {
    }
    %barrier3A = arith.constant 0 : index
    tpu.barrier barrier_id(%barrier3A)
    %scan3A = arith.constant 0 : i32
    %scan3A_5 = arith.constant 0 : i32
    %scan3A_6 = arith.constant 125 : i32
    %scan3A_7 = arith.addi %scan3A_5, %scan3A_6 : i32
    %scan3A_8 = arith.constant 1 : i32
    scf.for %scan3A_16 = %scan3A_5 to %scan3A_7 step %scan3A_8  : i32 {
      %mul3A_17 = arith.constant 80 : i32
      %mul3A_18 = arith.muli %scan3A_16, %mul3A_17 : i32
      %add3A_19 = arith.addi %mul3A_2, %mul3A_18 : i32
      "tpu.region"() ({
        %run_scoped3A = tpu.sem_alloc : memref<!tpu.dma_semaphore, #tpu.memory_space<semaphore_mem>>
        %dma_start3A = tpu.memref_slice %arg3[%add3A_19] : memref<320000xi32, #tpu.memory_space<hbm>> -> memref<80xi32, #tpu.memory_space<hbm>>
        %dma_start3A_20 = tpu.memref_slice %arg3[%add3A_19] : memref<320000xi32, #tpu.memory_space<hbm>> -> memref<80xi32, #tpu.memory_space<hbm>>
        tpu.enqueue_dma source(%dma_start3A_20 : memref<80xi32, #tpu.memory_space<hbm>>) target(%arg6 : memref<80xi32, #tpu.memory_space<vmem>>) target_semaphore(%run_scoped3A : memref<!tpu.dma_semaphore, #tpu.memory_space<semaphore_mem>>)
        %dma_wait3A = tpu.memref_slice %arg3[%add3A_19] : memref<320000xi32, #tpu.memory_space<hbm>> -> memref<80xi32, #tpu.memory_space<hbm>>
        %dma_wait3A_21 = tpu.memref_slice %arg3[%add3A_19] : memref<320000xi32, #tpu.memory_space<hbm>> -> memref<80xi32, #tpu.memory_space<hbm>>
        tpu.wait_dma2 semaphore(%run_scoped3A : memref<!tpu.dma_semaphore, #tpu.memory_space<semaphore_mem>>) src(%dma_wait3A_21 : memref<80xi32, #tpu.memory_space<hbm>>) dst(%arg6 : memref<80xi32, #tpu.memory_space<vmem>>)
        tpu.yield
      }) : () -> ()
      "tpu.region"() ({
        %run_scoped3A = tpu.sem_alloc : memref<!tpu.dma_semaphore, #tpu.memory_space<semaphore_mem>>
        %dma_start3A = arith.constant 0 : i32
        %dma_start3A_20 = tpu.memref_slice %arg2[%add3A_19, %dma_start3A] : memref<320000x384xf32, #tpu.memory_space<hbm>> -> memref<80x128xf32, #tpu.memory_space<hbm>>
        %dma_start3A_21 = arith.constant 0 : i32
        %dma_start3A_22 = tpu.memref_slice %arg2[%add3A_19, %dma_start3A_21] : memref<320000x384xf32, #tpu.memory_space<hbm>> -> memref<80x128xf32, #tpu.memory_space<hbm>>
        tpu.enqueue_dma source(%dma_start3A_22 : memref<80x128xf32, #tpu.memory_space<hbm>>) target(%arg7 : memref<80x128xf32, #tpu.memory_space<vmem>>) target_semaphore(%run_scoped3A : memref<!tpu.dma_semaphore, #tpu.memory_space<semaphore_mem>>)
        %dma_wait3A = arith.constant 0 : i32
        %dma_wait3A_23 = tpu.memref_slice %arg2[%add3A_19, %dma_wait3A] : memref<320000x384xf32, #tpu.memory_space<hbm>> -> memref<80x128xf32, #tpu.memory_space<hbm>>
        %dma_wait3A_24 = arith.constant 0 : i32
        %dma_wait3A_25 = tpu.memref_slice %arg2[%add3A_19, %dma_wait3A_24] : memref<320000x384xf32, #tpu.memory_space<hbm>> -> memref<80x128xf32, #tpu.memory_space<hbm>>
        tpu.wait_dma2 semaphore(%run_scoped3A : memref<!tpu.dma_semaphore, #tpu.memory_space<semaphore_mem>>) src(%dma_wait3A_25 : memref<80x128xf32, #tpu.memory_space<hbm>>) dst(%arg7 : memref<80x128xf32, #tpu.memory_space<vmem>>)
        tpu.yield
      }) : () -> ()
      "tpu.region"() ({
        %run_scoped3A = tpu.sem_alloc : memref<!tpu.dma_semaphore, #tpu.memory_space<semaphore_mem>>
        %dma_start3A = arith.constant 0 : i32
        %dma_start3A_20 = arith.constant 0 : i32
        %dma_start3A_21 = tpu.memref_slice %arg8[%dma_start3A, %dma_start3A_20] : memref<10000x128xf32, #tpu.memory_space<vmem_shared>> -> memref<10000x128xf32, #tpu.memory_space<vmem_shared>>
        tpu.enqueue_indirect_dma source(%arg7 : memref<80x128xf32, #tpu.memory_space<vmem>>) target(%dma_start3A_21 : memref<10000x128xf32, #tpu.memory_space<vmem_shared>>) offsets(%arg6 : memref<80xi32, #tpu.memory_space<vmem>>) semaphore(%run_scoped3A : memref<!tpu.dma_semaphore, #tpu.memory_space<semaphore_mem>>) {add = true}
        %dma_wait3A = arith.constant 0 : i32
        %dma_wait3A_22 = arith.constant 0 : i32
        %dma_wait3A_23 = tpu.memref_slice %arg8[%dma_wait3A, %dma_wait3A_22] : memref<10000x128xf32, #tpu.memory_space<vmem_shared>> -> memref<10000x128xf32, #tpu.memory_space<vmem_shared>>
        tpu.wait_indirect_dma semaphore(%run_scoped3A : memref<!tpu.dma_semaphore, #tpu.memory_space<semaphore_mem>>) src(%arg7 : memref<80x128xf32, #tpu.memory_space<vmem>>) dst(%dma_wait3A_23 : memref<10000x128xf32, #tpu.memory_space<vmem_shared>>)
        tpu.yield
      }) : () -> ()
    }
    %scan3A_9 = arith.constant 125 : i32
    %barrier3A_10 = arith.constant 0 : index
    tpu.barrier barrier_id(%barrier3A_10)
    %eq3A_11 = arith.constant 0 : i32
    %eq3A_12 = arith.cmpi eq, %arg1, %eq3A_11 : i32
    %convert_element_type3A_13 = arith.extui %eq3A_12 : i1 to i32
    %cond3A_14 = arith.constant 0 : i32
    %cond3A_15 = arith.cmpi ne, %convert_element_type3A_13, %cond3A_14 : i32
    scf.if %cond3A_15 {
      "tpu.region"() ({
        %run_scoped3A = tpu.sem_alloc : memref<!tpu.dma_semaphore, #tpu.memory_space<semaphore_mem>>
        %dma_start3A = arith.constant 0 : i32
        %dma_start3A_16 = arith.constant 0 : i32
        %dma_start3A_17 = tpu.memref_slice %arg5[%arg0, %dma_start3A, %dma_start3A_16] : memref<2x10000x128xf32, #tpu.memory_space<hbm>> -> memref<1x10000x128xf32, #tpu.memory_space<hbm>>
        %dma_start3A_18 = tpu.memref_squeeze %dma_start3A_17 : memref<1x10000x128xf32, #tpu.memory_space<hbm>> -> memref<10000x128xf32, #tpu.memory_space<hbm>>
        tpu.enqueue_dma source(%arg8 : memref<10000x128xf32, #tpu.memory_space<vmem_shared>>) target(%dma_start3A_18 : memref<10000x128xf32, #tpu.memory_space<hbm>>) target_semaphore(%run_scoped3A : memref<!tpu.dma_semaphore, #tpu.memory_space<semaphore_mem>>)
        %dma_wait3A = arith.constant 0 : i32
        %dma_wait3A_19 = arith.constant 0 : i32
        %dma_wait3A_20 = tpu.memref_slice %arg5[%arg0, %dma_wait3A, %dma_wait3A_19] : memref<2x10000x128xf32, #tpu.memory_space<hbm>> -> memref<1x10000x128xf32, #tpu.memory_space<hbm>>
        %dma_wait3A_21 = tpu.memref_squeeze %dma_wait3A_20 : memref<1x10000x128xf32, #tpu.memory_space<hbm>> -> memref<10000x128xf32, #tpu.memory_space<hbm>>
        tpu.wait_dma2 semaphore(%run_scoped3A : memref<!tpu.dma_semaphore, #tpu.memory_space<semaphore_mem>>) src(%arg8 : memref<10000x128xf32, #tpu.memory_space<vmem_shared>>) dst(%dma_wait3A_21 : memref<10000x128xf32, #tpu.memory_space<hbm>>)
        tpu.yield
      }) : () -> ()
    } else {
    }
    return
  }
}

module attributes {stable_mosaic.version = 14 : i64} {
  func.func @body(%arg0: i32, %arg1: memref<2000x128xf32, #tpu.memory_space<vmem>>, %arg2: memref<128x128xf32, #tpu.memory_space<vmem>>, %arg3: memref<128x8xf32, #tpu.memory_space<vmem>>, %arg4: memref<128x8xf32, #tpu.memory_space<vmem>>, %arg5: memref<2000x256xf32, #tpu.memory_space<vmem>>, %arg6: memref<2000x128xf32, #tpu.memory_space<vmem>>, %arg7: memref<1x16xf32, #tpu.memory_space<vmem>>) attributes {dimension_semantics = [#tpu.dimension_semantics<arbitrary>], iteration_bounds = array<i64: 5>, scalar_prefetch = 0 : i64, scratch_operands = 0 : i64, tpu.core_type = #tpu.core_type<tc>, window_params = [{transform_indices = @transform_0, window_bounds = array<i64: 2000, 128>}, {pipeline_mode = #tpu.pipeline_mode<synchronous>, transform_indices = @transform_1, window_bounds = array<i64: 128, 128>}, {pipeline_mode = #tpu.pipeline_mode<synchronous>, transform_indices = @transform_2, window_bounds = array<i64: 128, 8>}, {pipeline_mode = #tpu.pipeline_mode<synchronous>, transform_indices = @transform_3, window_bounds = array<i64: 128, 8>}, {transform_indices = @transform_4, window_bounds = array<i64: 2000, 256>}, {transform_indices = @transform_5, window_bounds = array<i64: 2000, 128>}, {pipeline_mode = #tpu.pipeline_mode<synchronous>, transform_indices = @transform_6, window_bounds = array<i64: 1, 16>}]} {
    %get3A = arith.constant 0 : index
    %get3A_0 = arith.constant 0 : index
    %get3A_1 = vector.load %arg1[%get3A, %get3A_0] : memref<2000x128xf32, #tpu.memory_space<vmem>>, vector<2000x128xf32>
    %get3A_2 = arith.constant 0 : index
    %get3A_3 = arith.constant 0 : index
    %get3A_4 = vector.load %arg2[%get3A_2, %get3A_3] : memref<128x128xf32, #tpu.memory_space<vmem>>, vector<128x128xf32>
    %dot_general3A = arith.constant dense<0.000000e+00> : vector<2000x128xf32>
    %dot_general3A_5 = tpu.matmul %get3A_1, %get3A_4, %dot_general3A {dimension_numbers = #tpu.dot_dimension_numbers<[1], [0], [0], [1], [0, 0, 1, 1], [], []>, transpose_lhs_hint = false} : vector<2000x128xf32>, vector<128x128xf32>, vector<2000x128xf32> -> vector<2000x128xf32>
    %get3A_6 = arith.constant 0 : index
    %get3A_7 = arith.constant 0 : index
    %get3A_8 = vector.load %arg3[%get3A_6, %get3A_7] : memref<128x8xf32, #tpu.memory_space<vmem>>, vector<128x8xf32>
    %dot_general3A_9 = arith.constant dense<0.000000e+00> : vector<2000x8xf32>
    %dot_general3A_10 = tpu.matmul %dot_general3A_5, %get3A_8, %dot_general3A_9 {dimension_numbers = #tpu.dot_dimension_numbers<[1], [0], [0], [1], [0, 0, 1, 1], [], []>, transpose_lhs_hint = false} : vector<2000x128xf32>, vector<128x8xf32>, vector<2000x8xf32> -> vector<2000x8xf32>
    %get3A_11 = arith.constant 0 : index
    %get3A_12 = arith.constant 0 : index
    %get3A_13 = vector.load %arg4[%get3A_11, %get3A_12] : memref<128x8xf32, #tpu.memory_space<vmem>>, vector<128x8xf32>
    %dot_general3A_14 = arith.constant dense<0.000000e+00> : vector<2000x8xf32>
    %dot_general3A_15 = tpu.matmul %dot_general3A_5, %get3A_13, %dot_general3A_14 {dimension_numbers = #tpu.dot_dimension_numbers<[1], [0], [0], [1], [0, 0, 1, 1], [], []>, transpose_lhs_hint = false} : vector<2000x128xf32>, vector<128x8xf32>, vector<2000x8xf32> -> vector<2000x8xf32>
    %broadcast_in_dim3A = arith.constant 0.000000e+00 : f32
    %broadcast_in_dim3A_16 = vector.broadcast %broadcast_in_dim3A : f32 to vector<2000x120xf32>
    %broadcast_in_dim3A_17 = arith.constant 0.000000e+00 : f32
    %broadcast_in_dim3A_18 = vector.broadcast %broadcast_in_dim3A_17 : f32 to vector<2000x120xf32>
    %concatenate3A = tpu.concatenate %dot_general3A_5, %dot_general3A_10, %broadcast_in_dim3A_16 in 1 : vector<2000x128xf32>, vector<2000x8xf32>, vector<2000x120xf32> -> vector<2000x256xf32>
    %swap3A = arith.constant 0 : index
    %swap3A_19 = arith.constant 0 : index
    %swap3A_20 = vector.load %arg5[%swap3A, %swap3A_19] : memref<2000x256xf32, #tpu.memory_space<vmem>>, vector<2000x256xf32>
    tpu.vector_store %arg5[%swap3A, %swap3A_19], %concatenate3A {strides = array<i32>} : memref<2000x256xf32, #tpu.memory_space<vmem>>, vector<2000x256xf32>,
    %concatenate3A_21 = tpu.concatenate %dot_general3A_15, %broadcast_in_dim3A_18 in 1 : vector<2000x8xf32>, vector<2000x120xf32> -> vector<2000x128xf32>
    %swap3A_22 = arith.constant 0 : index
    %swap3A_23 = arith.constant 0 : index
    %swap3A_24 = vector.load %arg6[%swap3A_22, %swap3A_23] : memref<2000x128xf32, #tpu.memory_space<vmem>>, vector<2000x128xf32>
    tpu.vector_store %arg6[%swap3A_22, %swap3A_23], %concatenate3A_21 {strides = array<i32>} : memref<2000x128xf32, #tpu.memory_space<vmem>>, vector<2000x128xf32>,
    %reduce_max3A = arith.constant dense<0xFF800000> : vector<8xf32>
    %reduce_max3A_25 = vector.multi_reduction <maximumf>, %dot_general3A_10, %reduce_max3A [0] : vector<2000x8xf32> to vector<8xf32>
    %broadcast_in_dim3A_26 = vector.shape_cast %reduce_max3A_25 : vector<8xf32> to vector<1x8xf32>
    %reduce_max3A_27 = arith.constant dense<0xFF800000> : vector<8xf32>
    %reduce_max3A_28 = vector.multi_reduction <maximumf>, %dot_general3A_15, %reduce_max3A_27 [0] : vector<2000x8xf32> to vector<8xf32>
    %broadcast_in_dim3A_29 = vector.shape_cast %reduce_max3A_28 : vector<8xf32> to vector<1x8xf32>
    %add3A = arith.addf %broadcast_in_dim3A_26, %broadcast_in_dim3A_29 : vector<1x8xf32>
    %broadcast_in_dim3A_30 = arith.constant 0.000000e+00 : f32
    %broadcast_in_dim3A_31 = vector.broadcast %broadcast_in_dim3A_30 : f32 to vector<1x8xf32>
    %concatenate3A_32 = tpu.concatenate %add3A, %broadcast_in_dim3A_31 in 1 : vector<1x8xf32>, vector<1x8xf32> -> vector<1x16xf32>
    %eq3A = arith.constant 0 : i32
    %eq3A_33 = arith.cmpi eq, %arg0, %eq3A : i32
    %convert_element_type3A = arith.extui %eq3A_33 : i1 to i32
    %cond3A = arith.constant 0 : i32
    %cond3A_34 = arith.cmpi ne, %convert_element_type3A, %cond3A : i32
    scf.if %cond3A_34 {
      %swap3A_39 = arith.constant 0 : index
      %swap3A_40 = arith.constant 0 : index
      %swap3A_41 = vector.load %arg7[%swap3A_39, %swap3A_40] : memref<1x16xf32, #tpu.memory_space<vmem>>, vector<1x16xf32>
      tpu.vector_store %arg7[%swap3A_39, %swap3A_40], %concatenate3A_32 {strides = array<i32>} : memref<1x16xf32, #tpu.memory_space<vmem>>, vector<1x16xf32>,
    } else {
    }
    %gt3A = arith.constant 0 : i32
    %gt3A_35 = arith.cmpi sgt, %arg0, %gt3A : i32
    %convert_element_type3A_36 = arith.extui %gt3A_35 : i1 to i32
    %cond3A_37 = arith.constant 0 : i32
    %cond3A_38 = arith.cmpi ne, %convert_element_type3A_36, %cond3A_37 : i32
    scf.if %cond3A_38 {
      %get3A_39 = arith.constant 0 : index
      %get3A_40 = arith.constant 0 : index
      %get3A_41 = vector.load %arg7[%get3A_39, %get3A_40] : memref<1x16xf32, #tpu.memory_space<vmem>>, vector<1x16xf32>
      %max3A = arith.maximumf %get3A_41, %concatenate3A_32 : vector<1x16xf32>
      %swap3A_42 = arith.constant 0 : index
      %swap3A_43 = arith.constant 0 : index
      %swap3A_44 = vector.load %arg7[%swap3A_42, %swap3A_43] : memref<1x16xf32, #tpu.memory_space<vmem>>, vector<1x16xf32>
      tpu.vector_store %arg7[%swap3A_42, %swap3A_43], %max3A {strides = array<i32>} : memref<1x16xf32, #tpu.memory_space<vmem>>, vector<1x16xf32>,
    } else {
    }
    return
  }
  func.func @transform_0(%arg0: i32) -> (i32, i32) {
    %c0_i32 = arith.constant 0 : i32
    %c0_i32_0 = arith.constant 0 : i32
    return %arg0, %c0_i32 : i32, i32
  }
  func.func @transform_1(%arg0: i32) -> (i32, i32) {
    %c0_i32 = arith.constant 0 : i32
    %c0_i32_0 = arith.constant 0 : i32
    %c0_i32_1 = arith.constant 0 : i32
    return %c0_i32, %c0_i32_0 : i32, i32
  }
  func.func @transform_2(%arg0: i32) -> (i32, i32) {
    %c0_i32 = arith.constant 0 : i32
    %c0_i32_0 = arith.constant 0 : i32
    %c0_i32_1 = arith.constant 0 : i32
    return %c0_i32, %c0_i32_0 : i32, i32
  }
  func.func @transform_3(%arg0: i32) -> (i32, i32) {
    %c0_i32 = arith.constant 0 : i32
    %c0_i32_0 = arith.constant 0 : i32
    %c0_i32_1 = arith.constant 0 : i32
    return %c0_i32, %c0_i32_0 : i32, i32
  }
  func.func @transform_4(%arg0: i32) -> (i32, i32) {
    %c0_i32 = arith.constant 0 : i32
    %c0_i32_0 = arith.constant 0 : i32
    return %arg0, %c0_i32 : i32, i32
  }
  func.func @transform_5(%arg0: i32) -> (i32, i32) {
    %c0_i32 = arith.constant 0 : i32
    %c0_i32_0 = arith.constant 0 : i32
    return %arg0, %c0_i32 : i32, i32
  }
  func.func @transform_6(%arg0: i32) -> (i32, i32) {
    %c0_i32 = arith.constant 0 : i32
    %c0_i32_0 = arith.constant 0 : i32
    %c0_i32_1 = arith.constant 0 : i32
    return %c0_i32, %c0_i32_0 : i32, i32
  }
}

module attributes {stable_mosaic.version = 14 : i64} {
  func.func @body(%arg0: i32, %arg1: memref<2000x256xf32, #tpu.memory_space<vmem>>, %arg2: memref<2000x128xf32, #tpu.memory_space<vmem>>, %arg3: memref<1x16xf32, #tpu.memory_space<vmem>>, %arg4: memref<8x128xf32, #tpu.memory_space<vmem>>, %arg5: memref<2000x256xf32, #tpu.memory_space<vmem>>) attributes {dimension_semantics = [#tpu.dimension_semantics<arbitrary>], iteration_bounds = array<i64: 160>, scalar_prefetch = 0 : i64, scratch_operands = 0 : i64, tpu.core_type = #tpu.core_type<tc>, window_params = [{transform_indices = @transform_0, window_bounds = array<i64: 2000, 256>}, {transform_indices = @transform_1, window_bounds = array<i64: 2000, 128>}, {pipeline_mode = #tpu.pipeline_mode<synchronous>, transform_indices = @transform_2, window_bounds = array<i64: 1, 16>}, {pipeline_mode = #tpu.pipeline_mode<synchronous>, transform_indices = @transform_3, window_bounds = array<i64: 8, 128>}, {transform_indices = @transform_4, window_bounds = array<i64: 2000, 256>}]} {
    %get3A = arith.constant 0 : index
    %get3A_0 = arith.constant 0 : index
    %get3A_1 = vector.load %arg1[%get3A, %get3A_0] : memref<2000x256xf32, #tpu.memory_space<vmem>>, vector<2000x256xf32>
    %slice3A = vector.extract_strided_slice %get3A_1 {offsets = [0, 0], sizes = [2000, 128], strides = [1, 1]} : vector<2000x256xf32> to vector<2000x128xf32>
    %slice3A_2 = vector.extract_strided_slice %get3A_1 {offsets = [0, 128], sizes = [2000, 8], strides = [1, 1]} : vector<2000x256xf32> to vector<2000x8xf32>
    %get3A_3 = arith.constant 0 : index
    %get3A_4 = arith.constant 0 : index
    %get3A_5 = vector.load %arg2[%get3A_3, %get3A_4] : memref<2000x128xf32, #tpu.memory_space<vmem>>, vector<2000x8xf32>
    %add3A = arith.addf %slice3A_2, %get3A_5 : vector<2000x8xf32>
    %ge3A = arith.constant 0.000000e+00 : f32
    %ge3A_6 = vector.broadcast %ge3A : f32 to vector<2000x8xf32>
    %ge3A_7 = arith.cmpf oge, %add3A, %ge3A_6 : vector<2000x8xf32>
    %mul3A = arith.constant 2.000000e-01 : f32
    %mul3A_8 = vector.broadcast %mul3A : f32 to vector<2000x8xf32>
    %mul3A_9 = arith.mulf %mul3A_8, %add3A : vector<2000x8xf32>
    %select_n3A = arith.select %ge3A_7, %add3A, %mul3A_9 : vector<2000x8xi1>, vector<2000x8xf32>
    %get3A_10 = arith.constant 0 : index
    %get3A_11 = arith.constant 0 : index
    %get3A_12 = vector.load %arg3[%get3A_10, %get3A_11] : memref<1x16xf32, #tpu.memory_space<vmem>>, vector<1x8xf32>
    %ge3A_13 = arith.constant 0.000000e+00 : f32
    %ge3A_14 = vector.broadcast %ge3A_13 : f32 to vector<1x8xf32>
    %ge3A_15 = arith.cmpf oge, %get3A_12, %ge3A_14 : vector<1x8xf32>
    %mul3A_16 = arith.constant 2.000000e-01 : f32
    %mul3A_17 = vector.broadcast %mul3A_16 : f32 to vector<1x8xf32>
    %mul3A_18 = arith.mulf %mul3A_17, %get3A_12 : vector<1x8xf32>
    %select_n3A_19 = arith.select %ge3A_15, %get3A_12, %mul3A_18 : vector<1x8xi1>, vector<1x8xf32>
    %sub3A = vector.broadcast %select_n3A_19 : vector<1x8xf32> to vector<2000x8xf32>
    %sub3A_20 = arith.subf %select_n3A, %sub3A : vector<2000x8xf32>
    %exp3A = math.exp %sub3A_20 : vector<2000x8xf32>
    %get3A_21 = arith.constant 0 : index
    %get3A_22 = arith.constant 0 : index
    %get3A_23 = vector.load %arg4[%get3A_21, %get3A_22] : memref<8x128xf32, #tpu.memory_space<vmem>>, vector<8x128xf32>
    %dot_general3A = arith.constant dense<0.000000e+00> : vector<2000x128xf32>
    %dot_general3A_24 = tpu.matmul %exp3A, %get3A_23, %dot_general3A {dimension_numbers = #tpu.dot_dimension_numbers<[1], [0], [0], [1], [0, 0, 1, 1], [], []>, transpose_lhs_hint = false} : vector<2000x8xf32>, vector<8x128xf32>, vector<2000x128xf32> -> vector<2000x128xf32>
    %broadcast_in_dim3A = arith.constant 0.000000e+00 : f32
    %broadcast_in_dim3A_25 = vector.broadcast %broadcast_in_dim3A : f32 to vector<2000x120xf32>
    %mul3A_26 = arith.mulf %slice3A, %dot_general3A_24 : vector<2000x128xf32>
    %concatenate3A = tpu.concatenate %mul3A_26, %exp3A, %broadcast_in_dim3A_25 in 1 : vector<2000x128xf32>, vector<2000x8xf32>, vector<2000x120xf32> -> vector<2000x256xf32>
    %swap3A = arith.constant 0 : index
    %swap3A_27 = arith.constant 0 : index
    %swap3A_28 = vector.load %arg5[%swap3A, %swap3A_27] : memref<2000x256xf32, #tpu.memory_space<vmem>>, vector<2000x256xf32>
    tpu.vector_store %arg5[%swap3A, %swap3A_27], %concatenate3A {strides = array<i32>} : memref<2000x256xf32, #tpu.memory_space<vmem>>, vector<2000x256xf32>,
    return
  }
  func.func @transform_0(%arg0: i32) -> (i32, i32) {
    %c0_i32 = arith.constant 0 : i32
    %c0_i32_0 = arith.constant 0 : i32
    return %arg0, %c0_i32 : i32, i32
  }
  func.func @transform_1(%arg0: i32) -> (i32, i32) {
    %c0_i32 = arith.constant 0 : i32
    %c0_i32_0 = arith.constant 0 : i32
    return %arg0, %c0_i32 : i32, i32
  }
  func.func @transform_2(%arg0: i32) -> (i32, i32) {
    %c0_i32 = arith.constant 0 : i32
    %c0_i32_0 = arith.constant 0 : i32
    %c0_i32_1 = arith.constant 0 : i32
    return %c0_i32, %c0_i32_0 : i32, i32
  }
  func.func @transform_3(%arg0: i32) -> (i32, i32) {
    %c0_i32 = arith.constant 0 : i32
    %c0_i32_0 = arith.constant 0 : i32
    %c0_i32_1 = arith.constant 0 : i32
    return %c0_i32, %c0_i32_0 : i32, i32
  }
  func.func @transform_4(%arg0: i32) -> (i32, i32) {
    %c0_i32 = arith.constant 0 : i32
    %c0_i32_0 = arith.constant 0 : i32
    return %arg0, %c0_i32 : i32, i32
  }
}

module attributes {stable_mosaic.version = 14 : i64} {
  func.func @body(%arg0: i32, %arg1: memref<2000x128xf32, #tpu.memory_space<vmem>>, %arg2: memref<2000x128xf32, #tpu.memory_space<vmem>>, %arg3: memref<2000x128xf32, #tpu.memory_space<vmem>>, %arg4: memref<2000x128xf32, #tpu.memory_space<vmem>>, %arg5: memref<8x128xf32, #tpu.memory_space<vmem>>, %arg6: memref<1x128xf32, #tpu.memory_space<vmem>>, %arg7: memref<2000x128xf32, #tpu.memory_space<vmem>>) attributes {dimension_semantics = [#tpu.dimension_semantics<arbitrary>], iteration_bounds = array<i64: 5>, scalar_prefetch = 0 : i64, scratch_operands = 0 : i64, tpu.core_type = #tpu.core_type<tc>, window_params = [{transform_indices = @transform_0, window_bounds = array<i64: 2000, 128>}, {transform_indices = @transform_1, window_bounds = array<i64: 2000, 128>}, {transform_indices = @transform_2, window_bounds = array<i64: 2000, 128>}, {transform_indices = @transform_3, window_bounds = array<i64: 2000, 128>}, {pipeline_mode = #tpu.pipeline_mode<synchronous>, transform_indices = @transform_4, window_bounds = array<i64: 8, 128>}, {pipeline_mode = #tpu.pipeline_mode<synchronous>, transform_indices = @transform_5, window_bounds = array<i64: 1, 128>}, {transform_indices = @transform_6, window_bounds = array<i64: 2000, 128>}]} {
    %get3A = arith.constant 0 : index
    %get3A_0 = arith.constant 0 : index
    %get3A_1 = vector.load %arg1[%get3A, %get3A_0] : memref<2000x128xf32, #tpu.memory_space<vmem>>, vector<2000x128xf32>
    %get3A_2 = arith.constant 0 : index
    %get3A_3 = arith.constant 0 : index
    %get3A_4 = vector.load %arg2[%get3A_2, %get3A_3] : memref<2000x128xf32, #tpu.memory_space<vmem>>, vector<2000x128xf32>
    %add3A = arith.addf %get3A_1, %get3A_4 : vector<2000x128xf32>
    %get3A_5 = arith.constant 0 : index
    %get3A_6 = arith.constant 0 : index
    %get3A_7 = vector.load %arg3[%get3A_5, %get3A_6] : memref<2000x128xf32, #tpu.memory_space<vmem>>, vector<2000x128xf32>
    %get3A_8 = arith.constant 0 : index
    %get3A_9 = arith.constant 0 : index
    %get3A_10 = vector.load %arg4[%get3A_8, %get3A_9] : memref<2000x128xf32, #tpu.memory_space<vmem>>, vector<2000x128xf32>
    %add3A_11 = arith.addf %get3A_7, %get3A_10 : vector<2000x128xf32>
    %slice3A = vector.extract_strided_slice %add3A_11 {offsets = [0, 0], sizes = [2000, 8], strides = [1, 1]} : vector<2000x128xf32> to vector<2000x8xf32>
    %get3A_12 = arith.constant 0 : index
    %get3A_13 = arith.constant 0 : index
    %get3A_14 = vector.load %arg5[%get3A_12, %get3A_13] : memref<8x128xf32, #tpu.memory_space<vmem>>, vector<8x128xf32>
    %dot_general3A = arith.constant dense<0.000000e+00> : vector<2000x128xf32>
    %dot_general3A_15 = tpu.matmul %slice3A, %get3A_14, %dot_general3A {dimension_numbers = #tpu.dot_dimension_numbers<[1], [0], [0], [1], [0, 0, 1, 1], [], []>, transpose_lhs_hint = false} : vector<2000x8xf32>, vector<8x128xf32>, vector<2000x128xf32> -> vector<2000x128xf32>
    %add3A_16 = arith.constant 1.000000e-16 : f32
    %add3A_17 = vector.broadcast %add3A_16 : f32 to vector<2000x128xf32>
    %add3A_18 = arith.addf %dot_general3A_15, %add3A_17 : vector<2000x128xf32>
    %div3A = arith.divf %add3A, %add3A_18 : vector<2000x128xf32>
    %get3A_19 = arith.constant 0 : index
    %get3A_20 = arith.constant 0 : index
    %get3A_21 = vector.load %arg6[%get3A_19, %get3A_20] : memref<1x128xf32, #tpu.memory_space<vmem>>, vector<1x128xf32>
    %add3A_22 = vector.broadcast %get3A_21 : vector<1x128xf32> to vector<2000x128xf32>
    %add3A_23 = arith.addf %div3A, %add3A_22 : vector<2000x128xf32>
    %min3A = arith.constant 0.000000e+00 : f32
    %min3A_24 = vector.broadcast %min3A : f32 to vector<2000x128xf32>
    %min3A_25 = arith.minimumf %add3A_23, %min3A_24 : vector<2000x128xf32>
    %gt3A = arith.constant 0.000000e+00 : f32
    %gt3A_26 = vector.broadcast %gt3A : f32 to vector<2000x128xf32>
    %gt3A_27 = arith.cmpf ogt, %add3A_23, %gt3A_26 : vector<2000x128xf32>
    %exp3A = math.exp %min3A_25 : vector<2000x128xf32>
    %sub3A = arith.constant 1.000000e+00 : f32
    %sub3A_28 = vector.broadcast %sub3A : f32 to vector<2000x128xf32>
    %sub3A_29 = arith.subf %exp3A, %sub3A_28 : vector<2000x128xf32>
    %select_n3A = arith.select %gt3A_27, %add3A_23, %sub3A_29 : vector<2000x128xi1>, vector<2000x128xf32>
    %swap3A = arith.constant 0 : index
    %swap3A_30 = arith.constant 0 : index
    %swap3A_31 = vector.load %arg7[%swap3A, %swap3A_30] : memref<2000x128xf32, #tpu.memory_space<vmem>>, vector<2000x128xf32>
    tpu.vector_store %arg7[%swap3A, %swap3A_30], %select_n3A {strides = array<i32>} : memref<2000x128xf32, #tpu.memory_space<vmem>>, vector<2000x128xf32>,
    return
  }
  func.func @transform_0(%arg0: i32) -> (i32, i32) {
    %c0_i32 = arith.constant 0 : i32
    %c0_i32_0 = arith.constant 0 : i32
    return %arg0, %c0_i32 : i32, i32
  }
  func.func @transform_1(%arg0: i32) -> (i32, i32) {
    %c0_i32 = arith.constant 0 : i32
    %c0_i32_0 = arith.constant 0 : i32
    return %arg0, %c0_i32 : i32, i32
  }
  func.func @transform_2(%arg0: i32) -> (i32, i32) {
    %c0_i32 = arith.constant 0 : i32
    %c0_i32_0 = arith.constant 0 : i32
    return %arg0, %c0_i32 : i32, i32
  }
  func.func @transform_3(%arg0: i32) -> (i32, i32) {
    %c0_i32 = arith.constant 0 : i32
    %c0_i32_0 = arith.constant 0 : i32
    return %arg0, %c0_i32 : i32, i32
  }
  func.func @transform_4(%arg0: i32) -> (i32, i32) {
    %c0_i32 = arith.constant 0 : i32
    %c0_i32_0 = arith.constant 0 : i32
    %c0_i32_1 = arith.constant 0 : i32
    return %c0_i32, %c0_i32_0 : i32, i32
  }
  func.func @transform_5(%arg0: i32) -> (i32, i32) {
    %c0_i32 = arith.constant 0 : i32
    %c0_i32_0 = arith.constant 0 : i32
    %c0_i32_1 = arith.constant 0 : i32
    return %c0_i32, %c0_i32_0 : i32, i32
  }
  func.func @transform_6(%arg0: i32) -> (i32, i32) {
    %c0_i32 = arith.constant 0 : i32
    %c0_i32_0 = arith.constant 0 : i32
    return %arg0, %c0_i32 : i32, i32
  }
}

module attributes {stable_mosaic.version = 14 : i64} {
  func.func @body(%arg0: i32, %arg1: memref<2000x128xf32, #tpu.memory_space<vmem>>, %arg2: memref<2000x128xf32, #tpu.memory_space<vmem>>, %arg3: memref<2000x128xf32, #tpu.memory_space<vmem>>, %arg4: memref<2000x128xf32, #tpu.memory_space<vmem>>, %arg5: memref<8x128xf32, #tpu.memory_space<vmem>>, %arg6: memref<1x128xf32, #tpu.memory_space<vmem>>, %arg7: memref<2000x128xf32, #tpu.memory_space<vmem>>, %arg8: memref<2000x128xf32, #tpu.memory_space<vmem>>) attributes {dimension_semantics = [#tpu.dimension_semantics<arbitrary>], iteration_bounds = array<i64: 5>, scalar_prefetch = 0 : i64, scratch_operands = 0 : i64, tpu.core_type = #tpu.core_type<tc>, window_params = [{transform_indices = @transform_0, window_bounds = array<i64: 2000, 128>}, {transform_indices = @transform_1, window_bounds = array<i64: 2000, 128>}, {transform_indices = @transform_2, window_bounds = array<i64: 2000, 128>}, {transform_indices = @transform_3, window_bounds = array<i64: 2000, 128>}, {pipeline_mode = #tpu.pipeline_mode<synchronous>, transform_indices = @transform_4, window_bounds = array<i64: 8, 128>}, {pipeline_mode = #tpu.pipeline_mode<synchronous>, transform_indices = @transform_5, window_bounds = array<i64: 1, 128>}, {transform_indices = @transform_6, window_bounds = array<i64: 2000, 128>}, {transform_indices = @transform_7, window_bounds = array<i64: 2000, 128>}]} {
    %get3A = arith.constant 0 : index
    %get3A_0 = arith.constant 0 : index
    %get3A_1 = vector.load %arg1[%get3A, %get3A_0] : memref<2000x128xf32, #tpu.memory_space<vmem>>, vector<2000x128xf32>
    %get3A_2 = arith.constant 0 : index
    %get3A_3 = arith.constant 0 : index
    %get3A_4 = vector.load %arg2[%get3A_2, %get3A_3] : memref<2000x128xf32, #tpu.memory_space<vmem>>, vector<2000x128xf32>
    %add3A = arith.addf %get3A_1, %get3A_4 : vector<2000x128xf32>
    %get3A_5 = arith.constant 0 : index
    %get3A_6 = arith.constant 0 : index
    %get3A_7 = vector.load %arg3[%get3A_5, %get3A_6] : memref<2000x128xf32, #tpu.memory_space<vmem>>, vector<2000x128xf32>
    %get3A_8 = arith.constant 0 : index
    %get3A_9 = arith.constant 0 : index
    %get3A_10 = vector.load %arg4[%get3A_8, %get3A_9] : memref<2000x128xf32, #tpu.memory_space<vmem>>, vector<2000x128xf32>
    %add3A_11 = arith.addf %get3A_7, %get3A_10 : vector<2000x128xf32>
    %slice3A = vector.extract_strided_slice %add3A_11 {offsets = [0, 0], sizes = [2000, 8], strides = [1, 1]} : vector<2000x128xf32> to vector<2000x8xf32>
    %get3A_12 = arith.constant 0 : index
    %get3A_13 = arith.constant 0 : index
    %get3A_14 = vector.load %arg5[%get3A_12, %get3A_13] : memref<8x128xf32, #tpu.memory_space<vmem>>, vector<8x128xf32>
    %dot_general3A = arith.constant dense<0.000000e+00> : vector<2000x128xf32>
    %dot_general3A_15 = tpu.matmul %slice3A, %get3A_14, %dot_general3A {dimension_numbers = #tpu.dot_dimension_numbers<[1], [0], [0], [1], [0, 0, 1, 1], [], []>, transpose_lhs_hint = false} : vector<2000x8xf32>, vector<8x128xf32>, vector<2000x128xf32> -> vector<2000x128xf32>
    %add3A_16 = arith.constant 1.000000e-16 : f32
    %add3A_17 = vector.broadcast %add3A_16 : f32 to vector<2000x128xf32>
    %add3A_18 = arith.addf %dot_general3A_15, %add3A_17 : vector<2000x128xf32>
    %div3A = arith.divf %add3A, %add3A_18 : vector<2000x128xf32>
    %get3A_19 = arith.constant 0 : index
    %get3A_20 = arith.constant 0 : index
    %get3A_21 = vector.load %arg6[%get3A_19, %get3A_20] : memref<1x128xf32, #tpu.memory_space<vmem>>, vector<1x128xf32>
    %add3A_22 = vector.broadcast %get3A_21 : vector<1x128xf32> to vector<2000x128xf32>
    %add3A_23 = arith.addf %div3A, %add3A_22 : vector<2000x128xf32>
    %get3A_24 = arith.constant 0 : index
    %get3A_25 = arith.constant 0 : index
    %get3A_26 = vector.load %arg7[%get3A_24, %get3A_25] : memref<2000x128xf32, #tpu.memory_space<vmem>>, vector<2000x128xf32>
    %add3A_27 = arith.addf %add3A_23, %get3A_26 : vector<2000x128xf32>
    %min3A = arith.constant 0.000000e+00 : f32
    %min3A_28 = vector.broadcast %min3A : f32 to vector<2000x128xf32>
    %min3A_29 = arith.minimumf %add3A_27, %min3A_28 : vector<2000x128xf32>
    %gt3A = arith.constant 0.000000e+00 : f32
    %gt3A_30 = vector.broadcast %gt3A : f32 to vector<2000x128xf32>
    %gt3A_31 = arith.cmpf ogt, %add3A_27, %gt3A_30 : vector<2000x128xf32>
    %exp3A = math.exp %min3A_29 : vector<2000x128xf32>
    %sub3A = arith.constant 1.000000e+00 : f32
    %sub3A_32 = vector.broadcast %sub3A : f32 to vector<2000x128xf32>
    %sub3A_33 = arith.subf %exp3A, %sub3A_32 : vector<2000x128xf32>
    %select_n3A = arith.select %gt3A_31, %add3A_27, %sub3A_33 : vector<2000x128xi1>, vector<2000x128xf32>
    %swap3A = arith.constant 0 : index
    %swap3A_34 = arith.constant 0 : index
    %swap3A_35 = vector.load %arg8[%swap3A, %swap3A_34] : memref<2000x128xf32, #tpu.memory_space<vmem>>, vector<2000x128xf32>
    tpu.vector_store %arg8[%swap3A, %swap3A_34], %select_n3A {strides = array<i32>} : memref<2000x128xf32, #tpu.memory_space<vmem>>, vector<2000x128xf32>,
    return
  }
  func.func @transform_0(%arg0: i32) -> (i32, i32) {
    %c0_i32 = arith.constant 0 : i32
    %c0_i32_0 = arith.constant 0 : i32
    return %arg0, %c0_i32 : i32, i32
  }
  func.func @transform_1(%arg0: i32) -> (i32, i32) {
    %c0_i32 = arith.constant 0 : i32
    %c0_i32_0 = arith.constant 0 : i32
    return %arg0, %c0_i32 : i32, i32
  }
  func.func @transform_2(%arg0: i32) -> (i32, i32) {
    %c0_i32 = arith.constant 0 : i32
    %c0_i32_0 = arith.constant 0 : i32
    return %arg0, %c0_i32 : i32, i32
  }
  func.func @transform_3(%arg0: i32) -> (i32, i32) {
    %c0_i32 = arith.constant 0 : i32
    %c0_i32_0 = arith.constant 0 : i32
    return %arg0, %c0_i32 : i32, i32
  }
  func.func @transform_4(%arg0: i32) -> (i32, i32) {
    %c0_i32 = arith.constant 0 : i32
    %c0_i32_0 = arith.constant 0 : i32
    %c0_i32_1 = arith.constant 0 : i32
    return %c0_i32, %c0_i32_0 : i32, i32
  }
  func.func @transform_5(%arg0: i32) -> (i32, i32) {
    %c0_i32 = arith.constant 0 : i32
    %c0_i32_0 = arith.constant 0 : i32
    %c0_i32_1 = arith.constant 0 : i32
    return %c0_i32, %c0_i32_0 : i32, i32
  }
  func.func @transform_6(%arg0: i32) -> (i32, i32) {
    %c0_i32 = arith.constant 0 : i32
    %c0_i32_0 = arith.constant 0 : i32
    return %arg0, %c0_i32 : i32, i32
  }
  func.func @transform_7(%arg0: i32) -> (i32, i32) {
    %c0_i32 = arith.constant 0 : i32
    %c0_i32_0 = arith.constant 0 : i32
    return %arg0, %c0_i32 : i32, i32
  }
}

module attributes {stable_mosaic.version = 14 : i64} {
  func.func @body(%arg0: i32, %arg1: memref<2000x128xf32, #tpu.memory_space<vmem>>, %arg2: memref<128x320xf32, #tpu.memory_space<vmem>>, %arg3: memref<320x8xf32, #tpu.memory_space<vmem>>, %arg4: memref<320x8xf32, #tpu.memory_space<vmem>>, %arg5: memref<2000x384xf32, #tpu.memory_space<vmem>>, %arg6: memref<2000x128xf32, #tpu.memory_space<vmem>>, %arg7: memref<1x16xf32, #tpu.memory_space<vmem>>) attributes {dimension_semantics = [#tpu.dimension_semantics<arbitrary>], iteration_bounds = array<i64: 5>, scalar_prefetch = 0 : i64, scratch_operands = 0 : i64, tpu.core_type = #tpu.core_type<tc>, window_params = [{transform_indices = @transform_0, window_bounds = array<i64: 2000, 128>}, {pipeline_mode = #tpu.pipeline_mode<synchronous>, transform_indices = @transform_1, window_bounds = array<i64: 128, 320>}, {pipeline_mode = #tpu.pipeline_mode<synchronous>, transform_indices = @transform_2, window_bounds = array<i64: 320, 8>}, {pipeline_mode = #tpu.pipeline_mode<synchronous>, transform_indices = @transform_3, window_bounds = array<i64: 320, 8>}, {transform_indices = @transform_4, window_bounds = array<i64: 2000, 384>}, {transform_indices = @transform_5, window_bounds = array<i64: 2000, 128>}, {pipeline_mode = #tpu.pipeline_mode<synchronous>, transform_indices = @transform_6, window_bounds = array<i64: 1, 16>}]} {
    %get3A = arith.constant 0 : index
    %get3A_0 = arith.constant 0 : index
    %get3A_1 = vector.load %arg1[%get3A, %get3A_0] : memref<2000x128xf32, #tpu.memory_space<vmem>>, vector<2000x128xf32>
    %get3A_2 = arith.constant 0 : index
    %get3A_3 = arith.constant 0 : index
    %get3A_4 = vector.load %arg2[%get3A_2, %get3A_3] : memref<128x320xf32, #tpu.memory_space<vmem>>, vector<128x320xf32>
    %dot_general3A = arith.constant dense<0.000000e+00> : vector<2000x320xf32>
    %dot_general3A_5 = tpu.matmul %get3A_1, %get3A_4, %dot_general3A {dimension_numbers = #tpu.dot_dimension_numbers<[1], [0], [0], [1], [0, 0, 1, 1], [], []>, transpose_lhs_hint = false} : vector<2000x128xf32>, vector<128x320xf32>, vector<2000x320xf32> -> vector<2000x320xf32>
    %get3A_6 = arith.constant 0 : index
    %get3A_7 = arith.constant 0 : index
    %get3A_8 = vector.load %arg3[%get3A_6, %get3A_7] : memref<320x8xf32, #tpu.memory_space<vmem>>, vector<320x8xf32>
    %dot_general3A_9 = arith.constant dense<0.000000e+00> : vector<2000x8xf32>
    %dot_general3A_10 = tpu.matmul %dot_general3A_5, %get3A_8, %dot_general3A_9 {dimension_numbers = #tpu.dot_dimension_numbers<[1], [0], [0], [1], [0, 0, 1, 1], [], []>, transpose_lhs_hint = false} : vector<2000x320xf32>, vector<320x8xf32>, vector<2000x8xf32> -> vector<2000x8xf32>
    %get3A_11 = arith.constant 0 : index
    %get3A_12 = arith.constant 0 : index
    %get3A_13 = vector.load %arg4[%get3A_11, %get3A_12] : memref<320x8xf32, #tpu.memory_space<vmem>>, vector<320x8xf32>
    %dot_general3A_14 = arith.constant dense<0.000000e+00> : vector<2000x8xf32>
    %dot_general3A_15 = tpu.matmul %dot_general3A_5, %get3A_13, %dot_general3A_14 {dimension_numbers = #tpu.dot_dimension_numbers<[1], [0], [0], [1], [0, 0, 1, 1], [], []>, transpose_lhs_hint = false} : vector<2000x320xf32>, vector<320x8xf32>, vector<2000x8xf32> -> vector<2000x8xf32>
    %broadcast_in_dim3A = arith.constant 0.000000e+00 : f32
    %broadcast_in_dim3A_16 = vector.broadcast %broadcast_in_dim3A : f32 to vector<2000x56xf32>
    %broadcast_in_dim3A_17 = arith.constant 0.000000e+00 : f32
    %broadcast_in_dim3A_18 = vector.broadcast %broadcast_in_dim3A_17 : f32 to vector<2000x120xf32>
    %concatenate3A = tpu.concatenate %dot_general3A_5, %dot_general3A_10, %broadcast_in_dim3A_16 in 1 : vector<2000x320xf32>, vector<2000x8xf32>, vector<2000x56xf32> -> vector<2000x384xf32>
    %swap3A = arith.constant 0 : index
    %swap3A_19 = arith.constant 0 : index
    %swap3A_20 = vector.load %arg5[%swap3A, %swap3A_19] : memref<2000x384xf32, #tpu.memory_space<vmem>>, vector<2000x384xf32>
    tpu.vector_store %arg5[%swap3A, %swap3A_19], %concatenate3A {strides = array<i32>} : memref<2000x384xf32, #tpu.memory_space<vmem>>, vector<2000x384xf32>,
    %concatenate3A_21 = tpu.concatenate %dot_general3A_15, %broadcast_in_dim3A_18 in 1 : vector<2000x8xf32>, vector<2000x120xf32> -> vector<2000x128xf32>
    %swap3A_22 = arith.constant 0 : index
    %swap3A_23 = arith.constant 0 : index
    %swap3A_24 = vector.load %arg6[%swap3A_22, %swap3A_23] : memref<2000x128xf32, #tpu.memory_space<vmem>>, vector<2000x128xf32>
    tpu.vector_store %arg6[%swap3A_22, %swap3A_23], %concatenate3A_21 {strides = array<i32>} : memref<2000x128xf32, #tpu.memory_space<vmem>>, vector<2000x128xf32>,
    %reduce_max3A = arith.constant dense<0xFF800000> : vector<8xf32>
    %reduce_max3A_25 = vector.multi_reduction <maximumf>, %dot_general3A_10, %reduce_max3A [0] : vector<2000x8xf32> to vector<8xf32>
    %broadcast_in_dim3A_26 = vector.shape_cast %reduce_max3A_25 : vector<8xf32> to vector<1x8xf32>
    %reduce_max3A_27 = arith.constant dense<0xFF800000> : vector<8xf32>
    %reduce_max3A_28 = vector.multi_reduction <maximumf>, %dot_general3A_15, %reduce_max3A_27 [0] : vector<2000x8xf32> to vector<8xf32>
    %broadcast_in_dim3A_29 = vector.shape_cast %reduce_max3A_28 : vector<8xf32> to vector<1x8xf32>
    %add3A = arith.addf %broadcast_in_dim3A_26, %broadcast_in_dim3A_29 : vector<1x8xf32>
    %broadcast_in_dim3A_30 = arith.constant 0.000000e+00 : f32
    %broadcast_in_dim3A_31 = vector.broadcast %broadcast_in_dim3A_30 : f32 to vector<1x8xf32>
    %concatenate3A_32 = tpu.concatenate %add3A, %broadcast_in_dim3A_31 in 1 : vector<1x8xf32>, vector<1x8xf32> -> vector<1x16xf32>
    %eq3A = arith.constant 0 : i32
    %eq3A_33 = arith.cmpi eq, %arg0, %eq3A : i32
    %convert_element_type3A = arith.extui %eq3A_33 : i1 to i32
    %cond3A = arith.constant 0 : i32
    %cond3A_34 = arith.cmpi ne, %convert_element_type3A, %cond3A : i32
    scf.if %cond3A_34 {
      %swap3A_39 = arith.constant 0 : index
      %swap3A_40 = arith.constant 0 : index
      %swap3A_41 = vector.load %arg7[%swap3A_39, %swap3A_40] : memref<1x16xf32, #tpu.memory_space<vmem>>, vector<1x16xf32>
      tpu.vector_store %arg7[%swap3A_39, %swap3A_40], %concatenate3A_32 {strides = array<i32>} : memref<1x16xf32, #tpu.memory_space<vmem>>, vector<1x16xf32>,
    } else {
    }
    %gt3A = arith.constant 0 : i32
    %gt3A_35 = arith.cmpi sgt, %arg0, %gt3A : i32
    %convert_element_type3A_36 = arith.extui %gt3A_35 : i1 to i32
    %cond3A_37 = arith.constant 0 : i32
    %cond3A_38 = arith.cmpi ne, %convert_element_type3A_36, %cond3A_37 : i32
    scf.if %cond3A_38 {
      %get3A_39 = arith.constant 0 : index
      %get3A_40 = arith.constant 0 : index
      %get3A_41 = vector.load %arg7[%get3A_39, %get3A_40] : memref<1x16xf32, #tpu.memory_space<vmem>>, vector<1x16xf32>
      %max3A = arith.maximumf %get3A_41, %concatenate3A_32 : vector<1x16xf32>
      %swap3A_42 = arith.constant 0 : index
      %swap3A_43 = arith.constant 0 : index
      %swap3A_44 = vector.load %arg7[%swap3A_42, %swap3A_43] : memref<1x16xf32, #tpu.memory_space<vmem>>, vector<1x16xf32>
      tpu.vector_store %arg7[%swap3A_42, %swap3A_43], %max3A {strides = array<i32>} : memref<1x16xf32, #tpu.memory_space<vmem>>, vector<1x16xf32>,
    } else {
    }
    return
  }
  func.func @transform_0(%arg0: i32) -> (i32, i32) {
    %c0_i32 = arith.constant 0 : i32
    %c0_i32_0 = arith.constant 0 : i32
    return %arg0, %c0_i32 : i32, i32
  }
  func.func @transform_1(%arg0: i32) -> (i32, i32) {
    %c0_i32 = arith.constant 0 : i32
    %c0_i32_0 = arith.constant 0 : i32
    %c0_i32_1 = arith.constant 0 : i32
    return %c0_i32, %c0_i32_0 : i32, i32
  }
  func.func @transform_2(%arg0: i32) -> (i32, i32) {
    %c0_i32 = arith.constant 0 : i32
    %c0_i32_0 = arith.constant 0 : i32
    %c0_i32_1 = arith.constant 0 : i32
    return %c0_i32, %c0_i32_0 : i32, i32
  }
  func.func @transform_3(%arg0: i32) -> (i32, i32) {
    %c0_i32 = arith.constant 0 : i32
    %c0_i32_0 = arith.constant 0 : i32
    %c0_i32_1 = arith.constant 0 : i32
    return %c0_i32, %c0_i32_0 : i32, i32
  }
  func.func @transform_4(%arg0: i32) -> (i32, i32) {
    %c0_i32 = arith.constant 0 : i32
    %c0_i32_0 = arith.constant 0 : i32
    return %arg0, %c0_i32 : i32, i32
  }
  func.func @transform_5(%arg0: i32) -> (i32, i32) {
    %c0_i32 = arith.constant 0 : i32
    %c0_i32_0 = arith.constant 0 : i32
    return %arg0, %c0_i32 : i32, i32
  }
  func.func @transform_6(%arg0: i32) -> (i32, i32) {
    %c0_i32 = arith.constant 0 : i32
    %c0_i32_0 = arith.constant 0 : i32
    %c0_i32_1 = arith.constant 0 : i32
    return %c0_i32, %c0_i32_0 : i32, i32
  }
}

module attributes {stable_mosaic.version = 14 : i64} {
  func.func @body(%arg0: i32, %arg1: memref<2000x384xf32, #tpu.memory_space<vmem>>, %arg2: memref<2000x128xf32, #tpu.memory_space<vmem>>, %arg3: memref<1x16xf32, #tpu.memory_space<vmem>>, %arg4: memref<8x320xf32, #tpu.memory_space<vmem>>, %arg5: memref<2000x384xf32, #tpu.memory_space<vmem>>) attributes {dimension_semantics = [#tpu.dimension_semantics<arbitrary>], iteration_bounds = array<i64: 160>, scalar_prefetch = 0 : i64, scratch_operands = 0 : i64, tpu.core_type = #tpu.core_type<tc>, window_params = [{transform_indices = @transform_0, window_bounds = array<i64: 2000, 384>}, {transform_indices = @transform_1, window_bounds = array<i64: 2000, 128>}, {pipeline_mode = #tpu.pipeline_mode<synchronous>, transform_indices = @transform_2, window_bounds = array<i64: 1, 16>}, {pipeline_mode = #tpu.pipeline_mode<synchronous>, transform_indices = @transform_3, window_bounds = array<i64: 8, 320>}, {transform_indices = @transform_4, window_bounds = array<i64: 2000, 384>}]} {
    %get3A = arith.constant 0 : index
    %get3A_0 = arith.constant 0 : index
    %get3A_1 = vector.load %arg1[%get3A, %get3A_0] : memref<2000x384xf32, #tpu.memory_space<vmem>>, vector<2000x384xf32>
    %slice3A = vector.extract_strided_slice %get3A_1 {offsets = [0, 0], sizes = [2000, 320], strides = [1, 1]} : vector<2000x384xf32> to vector<2000x320xf32>
    %slice3A_2 = vector.extract_strided_slice %get3A_1 {offsets = [0, 320], sizes = [2000, 8], strides = [1, 1]} : vector<2000x384xf32> to vector<2000x8xf32>
    %get3A_3 = arith.constant 0 : index
    %get3A_4 = arith.constant 0 : index
    %get3A_5 = vector.load %arg2[%get3A_3, %get3A_4] : memref<2000x128xf32, #tpu.memory_space<vmem>>, vector<2000x8xf32>
    %add3A = arith.addf %slice3A_2, %get3A_5 : vector<2000x8xf32>
    %ge3A = arith.constant 0.000000e+00 : f32
    %ge3A_6 = vector.broadcast %ge3A : f32 to vector<2000x8xf32>
    %ge3A_7 = arith.cmpf oge, %add3A, %ge3A_6 : vector<2000x8xf32>
    %mul3A = arith.constant 2.000000e-01 : f32
    %mul3A_8 = vector.broadcast %mul3A : f32 to vector<2000x8xf32>
    %mul3A_9 = arith.mulf %mul3A_8, %add3A : vector<2000x8xf32>
    %select_n3A = arith.select %ge3A_7, %add3A, %mul3A_9 : vector<2000x8xi1>, vector<2000x8xf32>
    %get3A_10 = arith.constant 0 : index
    %get3A_11 = arith.constant 0 : index
    %get3A_12 = vector.load %arg3[%get3A_10, %get3A_11] : memref<1x16xf32, #tpu.memory_space<vmem>>, vector<1x8xf32>
    %ge3A_13 = arith.constant 0.000000e+00 : f32
    %ge3A_14 = vector.broadcast %ge3A_13 : f32 to vector<1x8xf32>
    %ge3A_15 = arith.cmpf oge, %get3A_12, %ge3A_14 : vector<1x8xf32>
    %mul3A_16 = arith.constant 2.000000e-01 : f32
    %mul3A_17 = vector.broadcast %mul3A_16 : f32 to vector<1x8xf32>
    %mul3A_18 = arith.mulf %mul3A_17, %get3A_12 : vector<1x8xf32>
    %select_n3A_19 = arith.select %ge3A_15, %get3A_12, %mul3A_18 : vector<1x8xi1>, vector<1x8xf32>
    %sub3A = vector.broadcast %select_n3A_19 : vector<1x8xf32> to vector<2000x8xf32>
    %sub3A_20 = arith.subf %select_n3A, %sub3A : vector<2000x8xf32>
    %exp3A = math.exp %sub3A_20 : vector<2000x8xf32>
    %get3A_21 = arith.constant 0 : index
    %get3A_22 = arith.constant 0 : index
    %get3A_23 = vector.load %arg4[%get3A_21, %get3A_22] : memref<8x320xf32, #tpu.memory_space<vmem>>, vector<8x320xf32>
    %dot_general3A = arith.constant dense<0.000000e+00> : vector<2000x320xf32>
    %dot_general3A_24 = tpu.matmul %exp3A, %get3A_23, %dot_general3A {dimension_numbers = #tpu.dot_dimension_numbers<[1], [0], [0], [1], [0, 0, 1, 1], [], []>, transpose_lhs_hint = false} : vector<2000x8xf32>, vector<8x320xf32>, vector<2000x320xf32> -> vector<2000x320xf32>
    %broadcast_in_dim3A = arith.constant 0.000000e+00 : f32
    %broadcast_in_dim3A_25 = vector.broadcast %broadcast_in_dim3A : f32 to vector<2000x56xf32>
    %mul3A_26 = arith.mulf %slice3A, %dot_general3A_24 : vector<2000x320xf32>
    %concatenate3A = tpu.concatenate %mul3A_26, %exp3A, %broadcast_in_dim3A_25 in 1 : vector<2000x320xf32>, vector<2000x8xf32>, vector<2000x56xf32> -> vector<2000x384xf32>
    %swap3A = arith.constant 0 : index
    %swap3A_27 = arith.constant 0 : index
    %swap3A_28 = vector.load %arg5[%swap3A, %swap3A_27] : memref<2000x384xf32, #tpu.memory_space<vmem>>, vector<2000x384xf32>
    tpu.vector_store %arg5[%swap3A, %swap3A_27], %concatenate3A {strides = array<i32>} : memref<2000x384xf32, #tpu.memory_space<vmem>>, vector<2000x384xf32>,
    return
  }
  func.func @transform_0(%arg0: i32) -> (i32, i32) {
    %c0_i32 = arith.constant 0 : i32
    %c0_i32_0 = arith.constant 0 : i32
    return %arg0, %c0_i32 : i32, i32
  }
  func.func @transform_1(%arg0: i32) -> (i32, i32) {
    %c0_i32 = arith.constant 0 : i32
    %c0_i32_0 = arith.constant 0 : i32
    return %arg0, %c0_i32 : i32, i32
  }
  func.func @transform_2(%arg0: i32) -> (i32, i32) {
    %c0_i32 = arith.constant 0 : i32
    %c0_i32_0 = arith.constant 0 : i32
    %c0_i32_1 = arith.constant 0 : i32
    return %c0_i32, %c0_i32_0 : i32, i32
  }
  func.func @transform_3(%arg0: i32) -> (i32, i32) {
    %c0_i32 = arith.constant 0 : i32
    %c0_i32_0 = arith.constant 0 : i32
    %c0_i32_1 = arith.constant 0 : i32
    return %c0_i32, %c0_i32_0 : i32, i32
  }
  func.func @transform_4(%arg0: i32) -> (i32, i32) {
    %c0_i32 = arith.constant 0 : i32
    %c0_i32_0 = arith.constant 0 : i32
    return %arg0, %c0_i32 : i32, i32
  }
}

module attributes {stable_mosaic.version = 14 : i64} {
  func.func @body(%arg0: i32, %arg1: memref<2000x128xf32, #tpu.memory_space<vmem>>, %arg2: memref<2000x128xf32, #tpu.memory_space<vmem>>, %arg3: memref<2000x128xf32, #tpu.memory_space<vmem>>, %arg4: memref<2000x128xf32, #tpu.memory_space<vmem>>, %arg5: memref<2000x128xf32, #tpu.memory_space<vmem>>, %arg6: memref<2000x128xf32, #tpu.memory_space<vmem>>, %arg7: memref<8x320xf32, #tpu.memory_space<vmem>>, %arg8: memref<1x40xf32, #tpu.memory_space<vmem>>, %arg9: memref<2000x40xf32, #tpu.memory_space<vmem>>) attributes {dimension_semantics = [#tpu.dimension_semantics<arbitrary>], iteration_bounds = array<i64: 5>, scalar_prefetch = 0 : i64, scratch_operands = 0 : i64, tpu.core_type = #tpu.core_type<tc>, window_params = [{transform_indices = @transform_0, window_bounds = array<i64: 2000, 128>}, {transform_indices = @transform_1, window_bounds = array<i64: 2000, 128>}, {transform_indices = @transform_2, window_bounds = array<i64: 2000, 128>}, {transform_indices = @transform_3, window_bounds = array<i64: 2000, 128>}, {transform_indices = @transform_4, window_bounds = array<i64: 2000, 128>}, {transform_indices = @transform_5, window_bounds = array<i64: 2000, 128>}, {pipeline_mode = #tpu.pipeline_mode<synchronous>, transform_indices = @transform_6, window_bounds = array<i64: 8, 320>}, {pipeline_mode = #tpu.pipeline_mode<synchronous>, transform_indices = @transform_7, window_bounds = array<i64: 1, 40>}, {transform_indices = @transform_8, window_bounds = array<i64: 2000, 40>}]} {
    %get3A = arith.constant 0 : index
    %get3A_0 = arith.constant 0 : index
    %get3A_1 = vector.load %arg1[%get3A, %get3A_0] : memref<2000x128xf32, #tpu.memory_space<vmem>>, vector<2000x128xf32>
    %get3A_2 = arith.constant 0 : index
    %get3A_3 = arith.constant 0 : index
    %get3A_4 = vector.load %arg2[%get3A_2, %get3A_3] : memref<2000x128xf32, #tpu.memory_space<vmem>>, vector<2000x128xf32>
    %add3A = arith.addf %get3A_1, %get3A_4 : vector<2000x128xf32>
    %get3A_5 = arith.constant 0 : index
    %get3A_6 = arith.constant 0 : index
    %get3A_7 = vector.load %arg3[%get3A_5, %get3A_6] : memref<2000x128xf32, #tpu.memory_space<vmem>>, vector<2000x128xf32>
    %get3A_8 = arith.constant 0 : index
    %get3A_9 = arith.constant 0 : index
    %get3A_10 = vector.load %arg4[%get3A_8, %get3A_9] : memref<2000x128xf32, #tpu.memory_space<vmem>>, vector<2000x128xf32>
    %add3A_11 = arith.addf %get3A_7, %get3A_10 : vector<2000x128xf32>
    %get3A_12 = arith.constant 0 : index
    %get3A_13 = arith.constant 0 : index
    %get3A_14 = vector.load %arg5[%get3A_12, %get3A_13] : memref<2000x128xf32, #tpu.memory_space<vmem>>, vector<2000x128xf32>
    %get3A_15 = arith.constant 0 : index
    %get3A_16 = arith.constant 0 : index
    %get3A_17 = vector.load %arg6[%get3A_15, %get3A_16] : memref<2000x128xf32, #tpu.memory_space<vmem>>, vector<2000x128xf32>
    %add3A_18 = arith.addf %get3A_14, %get3A_17 : vector<2000x128xf32>
    %slice3A = vector.extract_strided_slice %add3A_18 {offsets = [0, 0], sizes = [2000, 64], strides = [1, 1]} : vector<2000x128xf32> to vector<2000x64xf32>
    %concatenate3A = tpu.concatenate %add3A, %add3A_11, %slice3A in 1 : vector<2000x128xf32>, vector<2000x128xf32>, vector<2000x64xf32> -> vector<2000x320xf32>
    %slice3A_19 = vector.extract_strided_slice %add3A_18 {offsets = [0, 64], sizes = [2000, 8], strides = [1, 1]} : vector<2000x128xf32> to vector<2000x8xf32>
    %get3A_20 = arith.constant 0 : index
    %get3A_21 = arith.constant 0 : index
    %get3A_22 = vector.load %arg7[%get3A_20, %get3A_21] : memref<8x320xf32, #tpu.memory_space<vmem>>, vector<8x320xf32>
    %dot_general3A = arith.constant dense<0.000000e+00> : vector<2000x320xf32>
    %dot_general3A_23 = tpu.matmul %slice3A_19, %get3A_22, %dot_general3A {dimension_numbers = #tpu.dot_dimension_numbers<[1], [0], [0], [1], [0, 0, 1, 1], [], []>, transpose_lhs_hint = false} : vector<2000x8xf32>, vector<8x320xf32>, vector<2000x320xf32> -> vector<2000x320xf32>
    %add3A_24 = arith.constant 1.000000e-16 : f32
    %add3A_25 = vector.broadcast %add3A_24 : f32 to vector<2000x320xf32>
    %add3A_26 = arith.addf %dot_general3A_23, %add3A_25 : vector<2000x320xf32>
    %div3A = arith.divf %concatenate3A, %add3A_26 : vector<2000x320xf32>
    %broadcast_in_dim3A = arith.constant 0.000000e+00 : f32
    %broadcast_in_dim3A_27 = vector.broadcast %broadcast_in_dim3A : f32 to vector<2000x40xf32>
    %slice3A_28 = vector.extract_strided_slice %div3A {offsets = [0, 0], sizes = [2000, 40], strides = [1, 1]} : vector<2000x320xf32> to vector<2000x40xf32>
    %add3A_29 = arith.addf %broadcast_in_dim3A_27, %slice3A_28 : vector<2000x40xf32>
    %slice3A_30 = vector.extract_strided_slice %div3A {offsets = [0, 40], sizes = [2000, 40], strides = [1, 1]} : vector<2000x320xf32> to vector<2000x40xf32>
    %add3A_31 = arith.addf %add3A_29, %slice3A_30 : vector<2000x40xf32>
    %slice3A_32 = vector.extract_strided_slice %div3A {offsets = [0, 80], sizes = [2000, 40], strides = [1, 1]} : vector<2000x320xf32> to vector<2000x40xf32>
    %add3A_33 = arith.addf %add3A_31, %slice3A_32 : vector<2000x40xf32>
    %slice3A_34 = vector.extract_strided_slice %div3A {offsets = [0, 120], sizes = [2000, 40], strides = [1, 1]} : vector<2000x320xf32> to vector<2000x40xf32>
    %add3A_35 = arith.addf %add3A_33, %slice3A_34 : vector<2000x40xf32>
    %slice3A_36 = vector.extract_strided_slice %div3A {offsets = [0, 160], sizes = [2000, 40], strides = [1, 1]} : vector<2000x320xf32> to vector<2000x40xf32>
    %add3A_37 = arith.addf %add3A_35, %slice3A_36 : vector<2000x40xf32>
    %slice3A_38 = vector.extract_strided_slice %div3A {offsets = [0, 200], sizes = [2000, 40], strides = [1, 1]} : vector<2000x320xf32> to vector<2000x40xf32>
    %add3A_39 = arith.addf %add3A_37, %slice3A_38 : vector<2000x40xf32>
    %slice3A_40 = vector.extract_strided_slice %div3A {offsets = [0, 240], sizes = [2000, 40], strides = [1, 1]} : vector<2000x320xf32> to vector<2000x40xf32>
    %add3A_41 = arith.addf %add3A_39, %slice3A_40 : vector<2000x40xf32>
    %slice3A_42 = vector.extract_strided_slice %div3A {offsets = [0, 280], sizes = [2000, 40], strides = [1, 1]} : vector<2000x320xf32> to vector<2000x40xf32>
    %add3A_43 = arith.addf %add3A_41, %slice3A_42 : vector<2000x40xf32>
    %mul3A = arith.constant 1.250000e-01 : f32
    %mul3A_44 = vector.broadcast %mul3A : f32 to vector<2000x40xf32>
    %mul3A_45 = arith.mulf %add3A_43, %mul3A_44 : vector<2000x40xf32>
    %get3A_46 = arith.constant 0 : index
    %get3A_47 = arith.constant 0 : index
    %get3A_48 = vector.load %arg8[%get3A_46, %get3A_47] : memref<1x40xf32, #tpu.memory_space<vmem>>, vector<1x40xf32>
    %add3A_49 = vector.broadcast %get3A_48 : vector<1x40xf32> to vector<2000x40xf32>
    %add3A_50 = arith.addf %mul3A_45, %add3A_49 : vector<2000x40xf32>
    %swap3A = arith.constant 0 : index
    %swap3A_51 = arith.constant 0 : index
    %swap3A_52 = vector.load %arg9[%swap3A, %swap3A_51] : memref<2000x40xf32, #tpu.memory_space<vmem>>, vector<2000x40xf32>
    tpu.vector_store %arg9[%swap3A, %swap3A_51], %add3A_50 {strides = array<i32>} : memref<2000x40xf32, #tpu.memory_space<vmem>>, vector<2000x40xf32>,
    return
  }
  func.func @transform_0(%arg0: i32) -> (i32, i32) {
    %c0_i32 = arith.constant 0 : i32
    %c0_i32_0 = arith.constant 0 : i32
    return %arg0, %c0_i32 : i32, i32
  }
  func.func @transform_1(%arg0: i32) -> (i32, i32) {
    %c0_i32 = arith.constant 0 : i32
    %c0_i32_0 = arith.constant 0 : i32
    return %arg0, %c0_i32 : i32, i32
  }
  func.func @transform_2(%arg0: i32) -> (i32, i32) {
    %c0_i32 = arith.constant 0 : i32
    %c0_i32_0 = arith.constant 0 : i32
    return %arg0, %c0_i32 : i32, i32
  }
  func.func @transform_3(%arg0: i32) -> (i32, i32) {
    %c0_i32 = arith.constant 0 : i32
    %c0_i32_0 = arith.constant 0 : i32
    return %arg0, %c0_i32 : i32, i32
  }
  func.func @transform_4(%arg0: i32) -> (i32, i32) {
    %c0_i32 = arith.constant 0 : i32
    %c0_i32_0 = arith.constant 0 : i32
    return %arg0, %c0_i32 : i32, i32
  }
  func.func @transform_5(%arg0: i32) -> (i32, i32) {
    %c0_i32 = arith.constant 0 : i32
    %c0_i32_0 = arith.constant 0 : i32
    return %arg0, %c0_i32 : i32, i32
  }
  func.func @transform_6(%arg0: i32) -> (i32, i32) {
    %c0_i32 = arith.constant 0 : i32
    %c0_i32_0 = arith.constant 0 : i32
    %c0_i32_1 = arith.constant 0 : i32
    return %c0_i32, %c0_i32_0 : i32, i32
  }
  func.func @transform_7(%arg0: i32) -> (i32, i32) {
    %c0_i32 = arith.constant 0 : i32
    %c0_i32_0 = arith.constant 0 : i32
    %c0_i32_1 = arith.constant 0 : i32
    return %c0_i32, %c0_i32_0 : i32, i32
  }
  func.func @transform_8(%arg0: i32) -> (i32, i32) {
    %c0_i32 = arith.constant 0 : i32
    %c0_i32_0 = arith.constant 0 : i32
    return %arg0, %c0_i32 : i32, i32
  }
}

</mosaic_0001>

<sc_bundles>
// kernel: kernel.24.cloned.1.call-start
scs
__scs_entry_jumppad:
0x0: {  	(pc) =	sbr.rel $0x88, $3  }
0x1: {  	(tag) =	ssettag $0x0;
	lr =	simm.s32 $0x1  }
0x2: {  	[smem:$0x3F93] =	sst lr;
	_ =	strace $0xD0000000  }
0x3: {  	_ = 	snop  }
0x4: {  	_ = 	snop  }
0x5: {  	_ = 	snop  }
0x6: {  	_ = 	snop  }
0x7: {  	_ = 	snop  }
__scs_overlays_trampoline_lowered:
0x8: {  	[smem:$0x3FA2] =	sst s0  }
0x9: {  	[smem:$0x3FA3] =	sst s1  }
0xa: {  	[smem:$0x3FA4] =	sst s2  }
0xb: {  	[smem:$0x3FA5] =	sst s3  }
0xc: {  	[smem:$0x3FA6] =	sst s4  }
0xd: {  	[smem:$0x3FA7] =	sst s5  }
0xe: {  	[smem:$0x3FA8] =	sst s6  }
0xf: {  	[smem:$0x3FA9] =	sst s7  }
0x10: {  	[smem:$0x3FAA] =	sst s8  }
0x11: {  	[smem:$0x3FAB] =	sst s9;
	s0 =	simm.s32 @!p0 $0x0  }
0x12: {  	s1 =	sld [smem:$0x3F91];
	s0 =	simm.s32 @p0 $0x1  }
0x13: {  	[smem:$0x3FAC] =	sst s0;
	s0 =	simm.s32 @!p1 $0x0  }
0x14: {  	s2 =	sld [smem:$0x3F90];
	s0 =	simm.s32 @p1 $0x1  }
0x15: {  	[smem:$0x3FAD] =	sst s0;
	s0 =	simm.s32 @!p2 $0x0  }
0x16: {  	s3 =	sld [smem:$0x3FDB];
	s0 =	simm.s32 @p2 $0x1  }
0x17: {  	s4 =	simm.s32 $0x1BF5;
	[smem:$0x3FAF] =	sst s0  }
0x18: {  	s0 =	sld [smem:$0x3F92];
	_ =	swait.ge [sflag:s4], $0x0  }
0x19: {  	s7 =	sld [smem:$0x3F93]  }
0x1a: {  	s8 =	sadd.s32 $0xFFFFE003, lr  }
0x1b: {  	s9 =	sadd.s32 $0xFFFFFEF7, lr;
	s5 =	simm.s32 $0xFFFFFFFF;
	p2 =	slt.u32 s8, $0xFFFFF086  }
0x1c: {  	p1 =	slt.u32 s9, $0xF7A;
	s5 =	simm.s32 @!p2 $0x0  }
0x1d: {  	s5 =	simm.s32 @p1 $0x1;
	p0 =	seq.s32 s7, s2  }
0x1e: {  	s7 =	smul.u32 @!p0 $0xF7A, s2;
	p2 =	seq.s32 @!p0 s5, $0x0  }
0x1f: {  	s9 =	smul.u32 $0xF7A, s1;
	s8 =	simm.s32 @!p0 $0x1BF5;
	p2 =	por !p2, p0  }
0x20: {  	[sflag:s8] =	ssyncset.s32 @!p0 $0xFFFFF086;
	s6 =	sadd.s32 @!p0 s3, s7;
	s7 =	simm.s32 @!p0 $0x108  }
0x21: {  	s3 =	sadd.s32 s3, s9;
	s6 =	sadd.s32 @!p0 $0x88, s6;
	s7 =	simm.s32 @p2 $0x1082  }
0x22: {  	[simem:s7], [sflag:s8] =	dma.local @!p0 [hbm:s6], $0xF7A  }
0x23: {  	s9 =	sor.u32 $0xD0000000, s2;
	s6 =	simm.s32 $0x108;
	_ =	swait.ge @!p0 [sflag:s8], $0x0  }
0x24: {  	s3 =	sadd.s32 $0x88, s3;
	s6 =	simm.s32 @!p1 $0x1082;
	[sflag:s4] =	ssyncset.s32 $0xFFFFF086  }
0x25: {  	[simem:s6], [sflag:s4] =	dma.local [hbm:s3], $0xF7A  }
0x26: {  	[smem:$0x3F93] =	sst s1;
	(tag) =	ssettag s2;
	_ =	strace s9  }
0x27: {  	s1 =	sld [smem:$0x3FA3]  }
0x28: {  	s2 =	sld [smem:$0x3FA4]  }
0x29: {  	s4 =	sld [smem:$0x3FA6]  }
0x2a: {  	p0 =	seq.s32 s5, $0x0;
	s5 =	sld [smem:$0x3FA7]  }
0x2b: {  	s6 =	sld [smem:$0x3FA8]  }
0x2c: {  	s7 =	sld [smem:$0x3FA9]  }
0x2d: {  	s3 =	simm.s32 $0x108;
	s8 =	sld [smem:$0x3FAA]  }
0x2e: {  	s3 =	simm.s32 @!p0 $0x1082;
	s9 =	sld [smem:$0x3FAB]  }
0x2f: {  	lr =	sadd.s32 s0, s3;
	s0 =	sld [smem:$0x3FA2]  }
0x30: {  	s3 =	sld [smem:$0x3FA5]  }
0x31: {  	[smem:$0x3FAE] =	sst s10  }
0x32: {  	s10 =	sld [smem:$0x3FAC];
	_ =	sdelay $0x3  }
0x33: {  	p0 =	seq.s32 s10, $0x1;
	s10 =	sld [smem:$0x3FAE];
	_ =	sdelay $0x3  }
0x34: {  	[smem:$0x3FAE] =	sst s10  }
0x35: {  	s10 =	sld [smem:$0x3FAD];
	_ =	sdelay $0x3  }
0x36: {  	p1 =	seq.s32 s10, $0x1;
	s10 =	sld [smem:$0x3FAE];
	_ =	sdelay $0x3  }
0x37: {  	[smem:$0x3FAE] =	sst s10  }
0x38: {  	s10 =	sld [smem:$0x3FAF]  }
0x39: {  	_ = 	snop;
	(pc) =	sbr.ind lr, $3  }
0x3a: {  	_ = 	snop  }
0x3b: {  	_ = 	snop  }
0x3c: {  	p2 =	seq.s32 s10, $0x1;
	s10 =	sld [smem:$0x3FAE]  }
0x3d: {  	_ =	shalt  }
0x3e: {  	_ =	shalt  }
0x3f: {  	_ =	shalt  }
0x40: {  	_ =	shalt  }
0x41: {  	_ =	shalt  }
0x42: {  	_ =	shalt  }
0x43: {  	_ =	shalt  }
0x44: {  	_ =	shalt  }
0x45: {  	_ =	shalt  }
0x46: {  	_ =	shalt  }
0x47: {  	_ =	shalt  }
0x48: {  	_ =	shalt  }
0x49: {  	_ =	shalt  }
0x4a: {  	_ =	shalt  }
0x4b: {  	_ =	shalt  }
0x4c: {  	_ =	shalt  }
0x4d: {  	_ =	shalt  }
0x4e: {  	_ =	shalt  }
0x4f: {  	_ =	shalt  }
0x50: {  	_ =	shalt  }
0x51: {  	_ =	shalt  }
0x52: {  	_ =	shalt  }
0x53: {  	_ =	shalt  }
0x54: {  	_ =	shalt  }
0x55: {  	_ =	shalt  }
0x56: {  	_ =	shalt  }
0x57: {  	_ =	shalt  }
0x58: {  	_ =	shalt  }
0x59: {  	_ =	shalt  }
0x5a: {  	_ =	shalt  }
0x5b: {  	_ =	shalt  }
0x5c: {  	_ =	shalt  }
0x5d: {  	_ =	shalt  }
0x5e: {  	_ =	shalt  }
0x5f: {  	_ =	shalt  }
0x60: {  	_ =	shalt  }
0x61: {  	_ =	shalt  }
0x62: {  	_ =	shalt  }
0x63: {  	_ =	shalt  }
0x64: {  	_ =	shalt  }
0x65: {  	_ =	shalt  }
0x66: {  	_ =	shalt  }
0x67: {  	_ =	shalt  }
0x68: {  	_ =	shalt  }
0x69: {  	_ =	shalt  }
0x6a: {  	_ =	shalt  }
0x6b: {  	_ =	shalt  }
0x6c: {  	_ =	shalt  }
0x6d: {  	_ =	shalt  }
0x6e: {  	_ =	shalt  }
0x6f: {  	_ =	shalt  }
0x70: {  	_ =	shalt  }
0x71: {  	_ =	shalt  }
0x72: {  	_ =	shalt  }
0x73: {  	_ =	shalt  }
0x74: {  	_ =	shalt  }
0x75: {  	_ =	shalt  }
0x76: {  	_ =	shalt  }
0x77: {  	_ =	shalt  }
0x78: {  	_ =	shalt  }
0x79: {  	_ =	shalt  }
0x7a: {  	_ =	shalt  }
0x7b: {  	_ =	shalt  }
0x7c: {  	_ =	shalt  }
0x7d: {  	_ =	shalt  }
0x7e: {  	_ =	shalt  }
0x7f: {  	_ =	shalt  }
0x80: {  	_ =	shalt  }
0x81: {  	_ =	shalt  }
0x82: {  	_ =	shalt  }
0x83: {  	_ =	shalt  }
0x84: {  	_ =	shalt  }
0x85: {  	_ =	shalt  }
0x86: {  	_ =	shalt  }
0x87: {  	_ =	shalt  }
.Lfunc_end0:
.L_simem_size_0:
called_computation_lowered:
.L_overlay_start_0:
0x88: {  	s2 =	sld [smem:$0x3FD9]  }
0x89: {  	s3 =	sld [smem:$0x3FFE];
	_ =	sdelay $0x1  }
0x8a: {  	s1 =	srdreg.scid  }
0x8b: {  	s0 =	sand.u32 $0x1, s1  }
0x8c: {  	s17 =	sshll.u32 s0, $0xA;
	s2 =	sadd.s32 s3, s2  }
0x8d: {  	s2 =	sadd.s32 s2, s17  }
0x8e: {  	[smem:$0x3FBA] =	sst s2  }
0x8f: {  	_ = 	snop  }
0x90: {  	(tm) =	ssettm $0x1  }
0x91: {  	s18 =	sld [smem:$0x3FFB];
	_ =	sdelay $0x3  }
0x92: {  	_ =	strace s18  }
0x93: {  	s2 =	sld [smem:$0x3FFC];
	_ =	sdelay $0x3  }
0x94: {  	_ =	strace s2  }
0x95: {  	s2 =	sld [smem:$0x3FFD];
	_ =	sdelay $0x3  }
0x96: {  	_ =	strace s2  }
0x97: {  	_ =	strace $0x8FFFFFFF  }
0x98: {  	s19 =	sld [smem:$0x3FDB];
	_ =	sdelay $0x1  }
0x99: {  	s20 =	simm.s32 $_scs_section_size  }
0x9a: {  	s4 =	simm.s32 $_size__tile_overlayer_lowered;
	s5 =	simm.s32 $_tile_overlayer_lowered  }
0x9b: {  	s6 =	simm.s32 $0x1BFF;
	s21 =	sshll.u32 s5, $0x1;
	s3 =	sadd.s32 s20, s19  }
0x9c: {  	s22 =	simm.s32 $0x0;
	s4 =	sshll.u32 s4, $0x1;
	s5 =	sadd.s32 s21, s3  }
0x9d: {  	[timem:s22], [sflag:s6] =	dma.local [hbm:s5], s4  }
0x9e: {  	_ =	swait.ge [sflag:s6], s4  }
0x9f: {  	s4 =	ssub.s32 $0x0, s4;
	[sflag:s6] =	ssyncset.done $0x0  }
0xa0: {  	[sflag:s6] =	ssyncadd.s32 s4;
	_ =	sdelay $0x1  }
0xa1: {  	s23 =	simm.s32 $0x1B8B  }
0xa2: {  	_ =	swait.ge [sflag:s23], $0x1  }
0xa3: {  	[sflag:s23] =	ssyncset.done $0x0  }
0xa4: {  	[sflag:s23] =	ssyncadd.s32 $0xFFFFFFFF  }
0xa5: {  	s4 =	sld [smem:$0x0]  }
0xa6: {  	s5 =	sand.u32 $0xFFFFFFFE, s1  }
0xa7: {  	p0 =	sne.s32 s1, s5  }
0xa8: {  	s5 =	sshll.u32 @p0 s5, $0xE  }
0xa9: {  	s5 =	sadd.s32 @p0 $0x11B8D, s5;
	s6 =	sshll.u32 @p0 s4, $0x11  }
0xaa: {  	s5 =	sor.u32 @p0 s6, s5  }
0xab: {  	[sflag:s5] =	ssyncadd.remote.s32 @p0 $0x1;
	_ =	sdelay $0x1  }
0xac: {  	s5 =	simm.s32 @p0 $0x1B8D  }
0xad: {  	_ =	swait.eq @p0 [sflag:s5], $0x1  }
0xae: {  	[sflag:s5] =	ssyncadd.s32 @p0 $0xFFFFFFFF  }
0xaf: {  	s6 =	sshll.u32 @!p0 s1, $0xE  }
0xb0: {  	s6 =	sor.u32 @!p0 $0x4000, s6;
	s5 =	simm.s32 @!p0 $0x1B8D  }
0xb1: {  	s4 =	sshll.u32 @!p0 s4, $0x11;
	s6 =	sadd.s32 @!p0 $0x11B8D, s6;
	_ =	swait.eq @!p0 [sflag:s5], $0x1  }
0xb2: {  	s4 =	sor.u32 @!p0 s4, s6;
	[sflag:s5] =	ssyncadd.s32 @!p0 $0xFFFFFFFF  }
0xb3: {  	s25 =	simm.s32 $0x1B8E;
	s24 =	sld [smem:$0x3FFE];
	[sflag:s4] =	ssyncadd.remote.s32 @!p0 $0x1  }
0xb4: {  	s26 =	simm.s32 $execute0_lowered;
	[smem:$0x3FD2] =	sst s25  }
0xb5: {  	s5 =	sshll.u32 s26, $0x1;
	_ =	strace $0x80000049;
	[dreg:$0x1] =	wrdreg $0xFFFFFFFF  }
0xb6: {  	s28 =	simm.s32 $_size_execute0_lowered;
	s3 =	sadd.s32 s3, s5;
	[dreg:$0x0] =	wrdreg $0x0  }
0xb7: {  	s5 =	sshll.u32 s28, $0x1;
	[dreg:$0x2] =	wrdreg s3  }
0xb8: {  	[dreg:$0x3] =	wrdreg s5  }
0xb9: {  	[dreg:$0x4] =	wrdreg $0xC0  }
0xba: {  	_ =	task [dreg:s22], $0x5FFFF  }
0xbb: {  	[dreg:$0x1] =	wrdreg $0xFFFFFFFF  }
0xbc: {  	[dreg:$0x0] =	wrdreg $0x60  }
0xbd: {  	[dreg:$0x2] =	wrdreg s24  }
0xbe: {  	[dreg:$0x3] =	wrdreg $0x9  }
0xbf: {  	_ =	task.clear_ibuf [dreg:s22], $0x4FFFF;
	_ =	strace $0x90000049  }
0xc0: {  	s29 =	simm.s32 $0x9;
	_ =	strace $0x8000004B  }
0xc1: {  	_ =	swait.ge [sflag:s29], $0x1  }
0xc2: {  	[sflag:s29] =	ssyncadd.s32 $0xFFFFFFFF  }
0xc3: {  	_ =	strace $0x9000004B  }
0xc4: {  	_ =	sfence  }
0xc5: {  	s30 =	sld [smem:$0x0];
	_ =	sdelay $0x2  }
0xc6: {  	s31 =	sshll.u32 s1, $0xD;
	s1 =	sshrl.u32 s1, $0x2  }
0xc7: {  	s4 =	sand.u32 $0x4000, s31;
	s1 =	sadd.s32 s1, s30  }
0xc8: {  	s0 =	sor.u32 s4, s0;
	s1 =	sshll.u32 s1, $0x11  }
0xc9: {  	s0 =	sor.u32 s1, s0  }
0xca: {  	s0 =	sadd.s32 $0x8F2B, s0  }
0xcb: {  	[sflag:s0] =	ssyncadd.remote.s32 $0x1  }
0xcc: {  	_ =	sfence.sel $0xFFFF  }
0xcd: {  	[dreg:$0x0] =	wrdreg $0xFFFFFFFF;
	(pc) =	sbr.abs _section_cstart, $3  }
0xce: {  	[dreg:$0x1] =	wrdreg $0xFFFFFFFF  }
0xcf: {  	_ =	task.clear_ibuf [dreg:s22], $0x2FFFF;
	_ =	strace $0x9FFFFFFF  }
0xd0: {  	(tm) =	ssettm $0x7FFFFFFF  }
0xd1: {  	_ =	shalt  }
tec
execute0_lowered:
.L_overlay_start_1:
0x0: {  	(tag) =	ssettag $0x1  }
0x1: {  	s4 =	rddreg [dreg:$0x0]  }
0x2: {  	s0 =	rddreg [dreg:$0x1];
	s2 =	simm.s32 $0x0;
	s3 =	srdreg.scid  }
0x3: {  	s1 =	stileid.u32;
	s10 =	simm.s32 $0x1080;
	s11 =	simm.s32 $0x1880  }
0x4: {  	s12 =	simm.s32 $0x2080;
	s13 =	simm.s32 $0x2880;
	s14 =	simm.s32 $0x3080  }
0x5: {  	s15 =	simm.s32 $0x3880;
	s16 =	simm.s32 $0x4080;
	s17 =	simm.s32 $0x4880  }
0x6: {  	s18 =	simm.s32 $0x1;
	s19 =	simm.s32 $0x0;
	s6 =	smul.u32 $0x4E20, s1  }
0x7: {  	[smem:$0x7FF] =	sst s2;
	s5 =	sand.u32 $0x1, s3;
	s8 =	smul.u32 $0x9C400, s1  }
0x8: {  	s3 =	sadd.s32 $0x3A600, s4;
	s7 =	smul.u32 $0x2710, s5;
	s9 =	ssub.s32 $0x2, s5  }
0x9: {  	_ =	strace $0x8000004A;
	s5 =	smul.u32 $0x4E200, s5;
	s31 =	sshrl.u32 s9, $0x1  }
0xa: {  	s8 =	sadd.s32 s8, s4;
	s6 =	sadd.s32 s7, s6;
	s7 =	ssub.s32 s9, s31  }
0xb: {  	v2 =	vlaneseq.u32;
	s5 =	sadd.s32 s5, s8;
	s8 =	simm.s32 $0x80;
	s6 =	sshrl.u32 s6, $0x3  }
0xc: {  	vm0 =	vmmov $0xffff;
	v1 =	vshrl.u32 v2, $0x3;
	s9 =	simm.s32 $0x880;
	s5 =	sadd.s32 $0x56AA00, s5;
	s6 =	sadd.s32 s6, s4  }
0xd: {  	v0 =	vand.u32 $0x7, v2;
	v2 =	vor.u32 $0x8, v2;
	v1 =	vmul.u32 $0x8, v1;
	s4 =	smax.u32 s7, $0x1;
	s7 =	simm.s32 $0x2;
	s6 =	sadd.s32 $0x8600, s6  }
.LBB2_1:
0xe: {  	s20 =	smov.u32 s5;
	s21 =	simm.s32 $0x0  }
.LBB2_2:
0xf: {  	s22 =	sadd.s32 s21, s6  }
0x10: {  	[tilespmem:s2], [sflag:$0x2] =	stream.linear.gather [hbm4b:s22+s2], $0x50, $0x38;
	[tilespmem:$0x5080] =	vst v63  }
0x11: {  	_ =	swait.ge [sflag:s7], $0x50  }
0x12: {  	[sflag:s7] =	ssyncset.done $0x0  }
0x13: {  	[sflag:s7] =	ssyncadd.s32 $0xFFFFFFB0  }
0x14: {  	v3 =	vld [tilespmem:$0x0];
	_ =	sdelay $0x4  }
0x15: {  	v4 =	vshll.u32 v3, $0x1  }
0x16: {  	v3 =	vand.u32 $0x7, v3;
	v4 =	vand.u32 $0xFFFFFFF0, v4  }
0x17: {  	v3 =	vor.u32 v3, v4  }
0x18: {  	v4 =	vperm.xlane v3, v0;
	_ =	sdelay $0x1  }
0x19: {  	v3 =	vperm.xlane v3, v2;
	v4 =	vadd.s32 v1, v4;
	_ =	sdelay $0x1  }
0x1a: {  	v3 =	vadd.s32 v1, v3;
	_ =	sdelay $0x2  }
0x1b: {  	[tilespmem:s8], [sflag:$0x1] =	stream.indirect_vreg.gather [hbm4b:s3+s2], $0x80, v4, vm0, $0xb8;
	[tilespmem:$0x5080] =	vst v63  }
0x1c: {  	_ = 	snop  }
0x1d: {  	[tilespmem:s9], [sflag:$0x1] =	stream.indirect_vreg.gather [hbm4b:s3+s2], $0x80, v3, vm0, $0xb8;
	[tilespmem:$0x5080] =	vst v63  }
0x1e: {  	v3 =	vld [tilespmem:$0x10];
	_ =	sdelay $0x4  }
0x1f: {  	v60 =	vshll.u32 v3, $0x1  }
0x20: {  	v3 =	vand.u32 $0x7, v3;
	v4 =	vand.u32 $0xFFFFFFF0, v60  }
0x21: {  	v3 =	vor.u32 v3, v4  }
0x22: {  	v4 =	vperm.xlane v3, v0;
	_ =	sdelay $0x1  }
0x23: {  	v3 =	vperm.xlane v3, v2;
	v4 =	vadd.s32 v1, v4;
	_ =	sdelay $0x1  }
0x24: {  	v3 =	vadd.s32 v1, v3;
	_ =	sdelay $0x2  }
0x25: {  	[tilespmem:s10], [sflag:$0x1] =	stream.indirect_vreg.gather [hbm4b:s3+s2], $0x80, v4, vm0, $0xb8;
	[tilespmem:$0x5080] =	vst v63  }
0x26: {  	_ = 	snop  }
0x27: {  	[tilespmem:s11], [sflag:$0x1] =	stream.indirect_vreg.gather [hbm4b:s3+s2], $0x80, v3, vm0, $0xb8;
	[tilespmem:$0x5080] =	vst v63  }
0x28: {  	v3 =	vld [tilespmem:$0x20];
	_ =	sdelay $0x4  }
0x29: {  	v61 =	vshll.u32 v3, $0x1  }
0x2a: {  	v3 =	vand.u32 $0x7, v3;
	v4 =	vand.u32 $0xFFFFFFF0, v61  }
0x2b: {  	v3 =	vor.u32 v3, v4  }
0x2c: {  	v4 =	vperm.xlane v3, v0;
	_ =	sdelay $0x1  }
0x2d: {  	v3 =	vperm.xlane v3, v2;
	v4 =	vadd.s32 v1, v4;
	_ =	sdelay $0x1  }
0x2e: {  	v3 =	vadd.s32 v1, v3;
	_ =	sdelay $0x2  }
0x2f: {  	[tilespmem:s12], [sflag:$0x1] =	stream.indirect_vreg.gather [hbm4b:s3+s2], $0x80, v4, vm0, $0xb8;
	[tilespmem:$0x5080] =	vst v63  }
0x30: {  	_ = 	snop  }
0x31: {  	[tilespmem:s13], [sflag:$0x1] =	stream.indirect_vreg.gather [hbm4b:s3+s2], $0x80, v3, vm0, $0xb8;
	[tilespmem:$0x5080] =	vst v63  }
0x32: {  	v3 =	vld [tilespmem:$0x30];
	_ =	sdelay $0x4  }
0x33: {  	v62 =	vshll.u32 v3, $0x1  }
0x34: {  	v3 =	vand.u32 $0x7, v3;
	v4 =	vand.u32 $0xFFFFFFF0, v62  }
0x35: {  	v3 =	vor.u32 v3, v4  }
0x36: {  	v4 =	vperm.xlane v3, v0;
	_ =	sdelay $0x1  }
0x37: {  	v3 =	vperm.xlane v3, v2;
	v4 =	vadd.s32 v1, v4;
	_ =	sdelay $0x1  }
0x38: {  	v3 =	vadd.s32 v1, v3;
	_ =	sdelay $0x2  }
0x39: {  	[tilespmem:s14], [sflag:$0x1] =	stream.indirect_vreg.gather [hbm4b:s3+s2], $0x80, v4, vm0, $0xb8;
	[tilespmem:$0x5080] =	vst v63  }
0x3a: {  	_ = 	snop  }
0x3b: {  	[tilespmem:s15], [sflag:$0x1] =	stream.indirect_vreg.gather [hbm4b:s3+s2], $0x80, v3, vm0, $0xb8;
	[tilespmem:$0x5080] =	vst v63  }
0x3c: {  	v3 =	vld [tilespmem:$0x40];
	_ =	sdelay $0x4  }
0x3d: {  	v63 =	vshll.u32 v3, $0x1  }
0x3e: {  	v3 =	vand.u32 $0x7, v3;
	v4 =	vand.u32 $0xFFFFFFF0, v63  }
0x3f: {  	v3 =	vor.u32 v3, v4  }
0x40: {  	v4 =	vperm.xlane v3, v0;
	_ =	sdelay $0x1  }
0x41: {  	v3 =	vperm.xlane v3, v2;
	v4 =	vadd.s32 v1, v4;
	_ =	sdelay $0x1  }
0x42: {  	v3 =	vadd.s32 v1, v3;
	_ =	sdelay $0x2  }
0x43: {  	[tilespmem:s16], [sflag:$0x1] =	stream.indirect_vreg.gather [hbm4b:s3+s2], $0x80, v4, vm0, $0xb8;
	[tilespmem:$0x5080] =	vst v63  }
0x44: {  	_ = 	snop  }
0x45: {  	[tilespmem:s17], [sflag:$0x1] =	stream.indirect_vreg.gather [hbm4b:s3+s2], $0x80, v3, vm0, $0xb8;
	[tilespmem:$0x5080] =	vst v63  }
0x46: {  	_ =	swait.ge [sflag:s18], $0x5000  }
0x47: {  	p0 =	sne.s32 s21, $0x4D8;
	[sflag:s18] =	ssyncset.done $0x0  }
.Ltmp0:
0x48: {  	[sflag:s18] =	ssyncadd.s32 $0xFFFFB000;
	(pc) =	sbr.rel @p0 .LBB2_2-.Ltmp0, $4  }
0x49: {  	[hbm4b:s20+s2] =	stream.linear.scatter [tilespmem:s8], [sflag:$0x2], $0x5000, $0x38;
	[tilespmem:$0x5080] =	vst v63  }
0x4a: {  	_ =	swait.ge [sflag:s7], $0x5000  }
0x4b: {  	[sflag:s7] =	ssyncset.done $0x0  }
0x4c: {  	s21 =	sadd.s32 $0xA, s21;
	s20 =	sadd.s32 $0xA00, s20;
	[sflag:s7] =	ssyncadd.s32 $0xFFFFB000  }
0x4d: {  	s19 =	sadd.s32 $0x1, s19  }
0x4e: {  	p0 =	sne.s32 s19, s4  }
.Ltmp1:
0x4f: {  	_ = 	snop;
	(pc) =	sbr.rel @p0 .LBB2_1-.Ltmp1, $1  }
0x50: {  	_ =	sdelay $0x3  }
0x51: {  	_ =	sfence.sel $0x180000  }
0x52: {  	[bflag:$0x0] =	sbarrier.arrive $0xFFFF  }
0x53: {  	p0 =	sne.s32 s1, $0x0;
	_ =	strace $0x9000004A  }
0x54: {  	s0 =	sadd.s32 @!p0 $0x100000, s0;
	[bflag:$0x2] =	sbarrier.arrive $0xFFFF  }
0x55: {  	[sflag:s0] =	ssyncadd.tile.s32 @!p0 $0x1;
	_ =	shalt  }
.Lfunc_end2:
_tile_overlayer_lowered:
.L_overlay_start_2:
0x56: {  	(tag) =	ssettag $0x2  }
0x57: {  	s0 =	rddreg [dreg:$0x0];
	s2 =	stileid.u32  }
0x58: {  	s1 =	rddreg [dreg:$0x1];
	p0 =	sne.s32 s2, $0x0  }
0x59: {  	s3 =	rddreg [dreg:$0x2];
	[bflag:$0x3] =	sbarrier.arrive $0xFFFF;
	s2 =	simm.s32 @!p0 $0x1C02  }
0x5a: {  	[timem:s3], [sflag:s2] =	dma.local @!p0 [hbm:s0], s1  }
0x5b: {  	s0 =	simm.s32 @!p0 $0x2  }
0x5c: {  	_ =	swait.ge @!p0 [sflag:s0], s1  }
0x5d: {  	s1 =	ssub.s32 @!p0 $0x0, s1;
	[sflag:s0] =	ssyncset.done @!p0 $0x0  }
0x5e: {  	[sflag:s0] =	ssyncadd.s32 @!p0 s1  }
0x5f: {  	[bflag:$0x3] =	sbarrier.arrive $0xFFFF  }
0x60: {  	_ =	shalt  }

// kernel: kernel.27.cloned.1.call-start
scs
__scs_entry_jumppad:
0x0: {  	(pc) =	sbr.rel $0x88, $3  }
0x1: {  	(tag) =	ssettag $0x0;
	lr =	simm.s32 $0x1  }
0x2: {  	[smem:$0x3F93] =	sst lr;
	_ =	strace $0xD0000000  }
0x3: {  	_ = 	snop  }
0x4: {  	_ = 	snop  }
0x5: {  	_ = 	snop  }
0x6: {  	_ = 	snop  }
0x7: {  	_ = 	snop  }
__scs_overlays_trampoline_lowered:
0x8: {  	[smem:$0x3FA2] =	sst s0  }
0x9: {  	[smem:$0x3FA3] =	sst s1  }
0xa: {  	[smem:$0x3FA4] =	sst s2  }
0xb: {  	[smem:$0x3FA5] =	sst s3  }
0xc: {  	[smem:$0x3FA6] =	sst s4  }
0xd: {  	[smem:$0x3FA7] =	sst s5  }
0xe: {  	[smem:$0x3FA8] =	sst s6  }
0xf: {  	[smem:$0x3FA9] =	sst s7  }
0x10: {  	[smem:$0x3FAA] =	sst s8  }
0x11: {  	[smem:$0x3FAB] =	sst s9;
	s0 =	simm.s32 @!p0 $0x0  }
0x12: {  	s1 =	sld [smem:$0x3F91];
	s0 =	simm.s32 @p0 $0x1  }
0x13: {  	[smem:$0x3FAC] =	sst s0;
	s0 =	simm.s32 @!p1 $0x0  }
0x14: {  	s2 =	sld [smem:$0x3F90];
	s0 =	simm.s32 @p1 $0x1  }
0x15: {  	[smem:$0x3FAD] =	sst s0;
	s0 =	simm.s32 @!p2 $0x0  }
0x16: {  	s3 =	sld [smem:$0x3FDB];
	s0 =	simm.s32 @p2 $0x1  }
0x17: {  	s4 =	simm.s32 $0x1BF5;
	[smem:$0x3FAF] =	sst s0  }
0x18: {  	s0 =	sld [smem:$0x3F92];
	_ =	swait.ge [sflag:s4], $0x0  }
0x19: {  	s7 =	sld [smem:$0x3F93]  }
0x1a: {  	s8 =	sadd.s32 $0xFFFFE003, lr  }
0x1b: {  	s9 =	sadd.s32 $0xFFFFFEF7, lr;
	s5 =	simm.s32 $0xFFFFFFFF;
	p2 =	slt.u32 s8, $0xFFFFF086  }
0x1c: {  	p1 =	slt.u32 s9, $0xF7A;
	s5 =	simm.s32 @!p2 $0x0  }
0x1d: {  	s5 =	simm.s32 @p1 $0x1;
	p0 =	seq.s32 s7, s2  }
0x1e: {  	s7 =	smul.u32 @!p0 $0xF7A, s2;
	p2 =	seq.s32 @!p0 s5, $0x0  }
0x1f: {  	s9 =	smul.u32 $0xF7A, s1;
	s8 =	simm.s32 @!p0 $0x1BF5;
	p2 =	por !p2, p0  }
0x20: {  	[sflag:s8] =	ssyncset.s32 @!p0 $0xFFFFF086;
	s6 =	sadd.s32 @!p0 s3, s7;
	s7 =	simm.s32 @!p0 $0x108  }
0x21: {  	s3 =	sadd.s32 s3, s9;
	s6 =	sadd.s32 @!p0 $0x88, s6;
	s7 =	simm.s32 @p2 $0x1082  }
0x22: {  	[simem:s7], [sflag:s8] =	dma.local @!p0 [hbm:s6], $0xF7A  }
0x23: {  	s9 =	sor.u32 $0xD0000000, s2;
	s6 =	simm.s32 $0x108;
	_ =	swait.ge @!p0 [sflag:s8], $0x0  }
0x24: {  	s3 =	sadd.s32 $0x88, s3;
	s6 =	simm.s32 @!p1 $0x1082;
	[sflag:s4] =	ssyncset.s32 $0xFFFFF086  }
0x25: {  	[simem:s6], [sflag:s4] =	dma.local [hbm:s3], $0xF7A  }
0x26: {  	[smem:$0x3F93] =	sst s1;
	(tag) =	ssettag s2;
	_ =	strace s9  }
0x27: {  	s1 =	sld [smem:$0x3FA3]  }
0x28: {  	s2 =	sld [smem:$0x3FA4]  }
0x29: {  	s4 =	sld [smem:$0x3FA6]  }
0x2a: {  	p0 =	seq.s32 s5, $0x0;
	s5 =	sld [smem:$0x3FA7]  }
0x2b: {  	s6 =	sld [smem:$0x3FA8]  }
0x2c: {  	s7 =	sld [smem:$0x3FA9]  }
0x2d: {  	s3 =	simm.s32 $0x108;
	s8 =	sld [smem:$0x3FAA]  }
0x2e: {  	s3 =	simm.s32 @!p0 $0x1082;
	s9 =	sld [smem:$0x3FAB]  }
0x2f: {  	lr =	sadd.s32 s0, s3;
	s0 =	sld [smem:$0x3FA2]  }
0x30: {  	s3 =	sld [smem:$0x3FA5]  }
0x31: {  	[smem:$0x3FAE] =	sst s10  }
0x32: {  	s10 =	sld [smem:$0x3FAC];
	_ =	sdelay $0x3  }
0x33: {  	p0 =	seq.s32 s10, $0x1;
	s10 =	sld [smem:$0x3FAE];
	_ =	sdelay $0x3  }
0x34: {  	[smem:$0x3FAE] =	sst s10  }
0x35: {  	s10 =	sld [smem:$0x3FAD];
	_ =	sdelay $0x3  }
0x36: {  	p1 =	seq.s32 s10, $0x1;
	s10 =	sld [smem:$0x3FAE];
	_ =	sdelay $0x3  }
0x37: {  	[smem:$0x3FAE] =	sst s10  }
0x38: {  	s10 =	sld [smem:$0x3FAF]  }
0x39: {  	_ = 	snop;
	(pc) =	sbr.ind lr, $3  }
0x3a: {  	_ = 	snop  }
0x3b: {  	_ = 	snop  }
0x3c: {  	p2 =	seq.s32 s10, $0x1;
	s10 =	sld [smem:$0x3FAE]  }
0x3d: {  	_ =	shalt  }
0x3e: {  	_ =	shalt  }
0x3f: {  	_ =	shalt  }
0x40: {  	_ =	shalt  }
0x41: {  	_ =	shalt  }
0x42: {  	_ =	shalt  }
0x43: {  	_ =	shalt  }
0x44: {  	_ =	shalt  }
0x45: {  	_ =	shalt  }
0x46: {  	_ =	shalt  }
0x47: {  	_ =	shalt  }
0x48: {  	_ =	shalt  }
0x49: {  	_ =	shalt  }
0x4a: {  	_ =	shalt  }
0x4b: {  	_ =	shalt  }
0x4c: {  	_ =	shalt  }
0x4d: {  	_ =	shalt  }
0x4e: {  	_ =	shalt  }
0x4f: {  	_ =	shalt  }
0x50: {  	_ =	shalt  }
0x51: {  	_ =	shalt  }
0x52: {  	_ =	shalt  }
0x53: {  	_ =	shalt  }
0x54: {  	_ =	shalt  }
0x55: {  	_ =	shalt  }
0x56: {  	_ =	shalt  }
0x57: {  	_ =	shalt  }
0x58: {  	_ =	shalt  }
0x59: {  	_ =	shalt  }
0x5a: {  	_ =	shalt  }
0x5b: {  	_ =	shalt  }
0x5c: {  	_ =	shalt  }
0x5d: {  	_ =	shalt  }
0x5e: {  	_ =	shalt  }
0x5f: {  	_ =	shalt  }
0x60: {  	_ =	shalt  }
0x61: {  	_ =	shalt  }
0x62: {  	_ =	shalt  }
0x63: {  	_ =	shalt  }
0x64: {  	_ =	shalt  }
0x65: {  	_ =	shalt  }
0x66: {  	_ =	shalt  }
0x67: {  	_ =	shalt  }
0x68: {  	_ =	shalt  }
0x69: {  	_ =	shalt  }
0x6a: {  	_ =	shalt  }
0x6b: {  	_ =	shalt  }
0x6c: {  	_ =	shalt  }
0x6d: {  	_ =	shalt  }
0x6e: {  	_ =	shalt  }
0x6f: {  	_ =	shalt  }
0x70: {  	_ =	shalt  }
0x71: {  	_ =	shalt  }
0x72: {  	_ =	shalt  }
0x73: {  	_ =	shalt  }
0x74: {  	_ =	shalt  }
0x75: {  	_ =	shalt  }
0x76: {  	_ =	shalt  }
0x77: {  	_ =	shalt  }
0x78: {  	_ =	shalt  }
0x79: {  	_ =	shalt  }
0x7a: {  	_ =	shalt  }
0x7b: {  	_ =	shalt  }
0x7c: {  	_ =	shalt  }
0x7d: {  	_ =	shalt  }
0x7e: {  	_ =	shalt  }
0x7f: {  	_ =	shalt  }
0x80: {  	_ =	shalt  }
0x81: {  	_ =	shalt  }
0x82: {  	_ =	shalt  }
0x83: {  	_ =	shalt  }
0x84: {  	_ =	shalt  }
0x85: {  	_ =	shalt  }
0x86: {  	_ =	shalt  }
0x87: {  	_ =	shalt  }
.Lfunc_end0:
.L_simem_size_0:
called_computation.1_lowered:
.L_overlay_start_0:
0x88: {  	s2 =	sld [smem:$0x3FD9]  }
0x89: {  	s3 =	sld [smem:$0x3FFE];
	_ =	sdelay $0x1  }
0x8a: {  	s1 =	srdreg.scid  }
0x8b: {  	s0 =	sand.u32 $0x1, s1  }
0x8c: {  	s17 =	sshll.u32 s0, $0xA;
	s2 =	sadd.s32 s3, s2  }
0x8d: {  	s2 =	sadd.s32 s2, s17  }
0x8e: {  	[smem:$0x3FBA] =	sst s2  }
0x8f: {  	_ = 	snop  }
0x90: {  	s2 =	sld [smem:$0x3FD0];
	(tm) =	ssettm $0x1  }
0x91: {  	s18 =	sld [smem:$0x3FFB];
	_ =	sdelay $0x3  }
0x92: {  	_ =	strace s18  }
0x93: {  	s3 =	sld [smem:$0x3FFC];
	_ =	sdelay $0x3  }
0x94: {  	_ =	strace s3  }
0x95: {  	s3 =	sld [smem:$0x3FFD];
	_ =	sdelay $0x3  }
0x96: {  	_ =	strace s3  }
0x97: {  	_ =	strace $0x8FFFFFFF  }
0x98: {  	s19 =	sld [smem:$0x3FDB];
	_ =	sdelay $0x1  }
0x99: {  	s4 =	simm.s32 $_scs_section_size  }
0x9a: {  	s5 =	simm.s32 $_size__tile_overlayer_lowered;
	s6 =	simm.s32 $_tile_overlayer_lowered  }
0x9b: {  	s22 =	simm.s32 $0x1BFF;
	s21 =	sshll.u32 s6, $0x1;
	s3 =	sadd.s32 s4, s19  }
0x9c: {  	s7 =	simm.s32 $0x0;
	s20 =	sshll.u32 s5, $0x1;
	s5 =	sadd.s32 s21, s3  }
0x9d: {  	[timem:s7], [sflag:s22] =	dma.local [hbm:s5], s20  }
0x9e: {  	_ =	swait.ge [sflag:s22], s20  }
0x9f: {  	s4 =	ssub.s32 $0x0, s20;
	[sflag:s22] =	ssyncset.done $0x0  }
0xa0: {  	[sflag:s22] =	ssyncadd.s32 s4;
	_ =	sdelay $0x1  }
0xa1: {  	s23 =	simm.s32 $0x1B8B  }
0xa2: {  	_ =	swait.ge [sflag:s23], $0x1  }
0xa3: {  	[sflag:s23] =	ssyncset.done $0x0  }
0xa4: {  	s25 =	simm.s32 $0x1B8E;
	s24 =	sld [smem:$0x3FFE];
	[sflag:s23] =	ssyncadd.s32 $0xFFFFFFFF  }
0xa5: {  	s26 =	simm.s32 $execute0_lowered;
	[smem:$0x3FD2] =	sst s25  }
0xa6: {  	s5 =	sshll.u32 s26, $0x1;
	_ =	strace $0x80000046;
	[dreg:$0x1] =	wrdreg $0xFFFFFFFF  }
0xa7: {  	s28 =	simm.s32 $_size_execute0_lowered;
	s3 =	sadd.s32 s3, s5;
	[dreg:$0x0] =	wrdreg $0x0  }
0xa8: {  	s5 =	sshll.u32 s28, $0x1;
	[dreg:$0x2] =	wrdreg s3  }
0xa9: {  	[dreg:$0x3] =	wrdreg s5  }
0xaa: {  	[dreg:$0x4] =	wrdreg $0xC0  }
0xab: {  	_ =	task [dreg:s7], $0x5FFFF  }
0xac: {  	[dreg:$0x1] =	wrdreg $0xFFFFFFFF  }
0xad: {  	[dreg:$0x0] =	wrdreg $0x60  }
0xae: {  	[dreg:$0x2] =	wrdreg s24  }
0xaf: {  	[dreg:$0x3] =	wrdreg s2  }
0xb0: {  	[dreg:$0x4] =	wrdreg $0xA  }
0xb1: {  	_ =	task.clear_ibuf [dreg:s7], $0x5FFFF;
	_ =	strace $0x90000046  }
0xb2: {  	s29 =	simm.s32 $0xA;
	_ =	strace $0x80000048  }
0xb3: {  	_ =	swait.ge [sflag:s29], $0x1  }
0xb4: {  	[sflag:s29] =	ssyncadd.s32 $0xFFFFFFFF  }
0xb5: {  	_ =	strace $0x90000048  }
0xb6: {  	_ =	sfence  }
0xb7: {  	s30 =	sld [smem:$0x0];
	_ =	sdelay $0x2  }
0xb8: {  	s31 =	sshll.u32 s1, $0xD;
	s1 =	sshrl.u32 s1, $0x2  }
0xb9: {  	s3 =	sand.u32 $0x4000, s31;
	s1 =	sadd.s32 s1, s30  }
0xba: {  	s0 =	sor.u32 s3, s0;
	s1 =	sshll.u32 s1, $0x11  }
0xbb: {  	s0 =	sor.u32 s1, s0  }
0xbc: {  	s0 =	sadd.s32 $0x8F2B, s0  }
0xbd: {  	[sflag:s0] =	ssyncadd.remote.s32 $0x1  }
0xbe: {  	_ =	sfence.sel $0xFFFF  }
0xbf: {  	[dreg:$0x0] =	wrdreg $0xFFFFFFFF;
	(pc) =	sbr.abs _section_cstart, $3  }
0xc0: {  	[dreg:$0x1] =	wrdreg $0xFFFFFFFF  }
0xc1: {  	_ =	task.clear_ibuf [dreg:s7], $0x2FFFF;
	_ =	strace $0x9FFFFFFF  }
0xc2: {  	(tm) =	ssettm $0x7FFFFFFF  }
0xc3: {  	_ =	shalt  }
tec
execute0_lowered:
.L_overlay_start_1:
0x0: {  	(tag) =	ssettag $0x1  }
0x1: {  	s4 =	rddreg [dreg:$0x0]  }
0x2: {  	s0 =	stileid.u32;
	s1 =	srdreg.scid  }
0x3: {  	s6 =	rddreg [dreg:$0x1];
	s5 =	smul.u32 $0x4E200, s0  }
0x4: {  	s2 =	simm.s32 $0x0;
	s3 =	sand.u32 $0x1, s1;
	s8 =	smul.u32 $0x4E20, s0  }
0x5: {  	s11 =	simm.s32 $0x0;
	s1 =	rddreg [dreg:$0x2];
	s7 =	smul.u32 $0x27100, s3  }
0x6: {  	[smem:$0x7FF] =	sst s2;
	s9 =	ssub.s32 $0x2, s3;
	s10 =	smul.u32 $0x2710, s3  }
0x7: {  	s3 =	sadd.s32 $0x13400, s4;
	s4 =	sadd.s32 s5, s4;
	s30 =	sshrl.u32 s9, $0x1  }
0x8: {  	_ =	strace $0x80000047;
	s5 =	ssub.s32 s9, s30;
	s7 =	sadd.s32 s7, s4  }
0x9: {  	s8 =	sadd.s32 s10, s8;
	s9 =	simm.s32 $0x80;
	s10 =	simm.s32 $0x1  }
0xa: {  	s4 =	smax.u32 s5, $0x1;
	s5 =	sadd.s32 $0x88A00, s7;
	s31 =	sshrl.u32 s8, $0x3  }
0xb: {  	s7 =	simm.s32 $0x2;
	s8 =	simm.s32 $0x50;
	s6 =	sadd.s32 s31, s6  }
.LBB2_1:
0xc: {  	s12 =	sadd.s32 $0x0, s6  }
0xd: {  	[tilespmem:s2], [sflag:$0x2] =	stream.linear.gather [hbm4b:s12+s2], $0x50, $0x38;
	[tilespmem:$0x2880] =	vst v63  }
0xe: {  	_ =	swait.ge [sflag:s7], $0x50  }
0xf: {  	[sflag:s7] =	ssyncset.done $0x0  }
0x10: {  	[sflag:s7] =	ssyncadd.s32 $0xFFFFFFB0  }
0x11: {  	[tilespmem:s9], [sflag:$0x1] =	stream.indirect.gather [hbm4b:s3+s8], $0x80, s2, s8, $0xb8;
	[tilespmem:$0x2880] =	vst v63  }
0x12: {  	_ =	swait.ge [sflag:s10], $0x2800  }
0x13: {  	[sflag:s10] =	ssyncset.done $0x0  }
0x14: {  	[sflag:s10] =	ssyncadd.s32 $0xFFFFD800  }
0x15: {  	[hbm4b:s5+s2] =	stream.linear.scatter [tilespmem:s9], [sflag:$0x2], $0x2800, $0x38;
	[tilespmem:$0x2880] =	vst v63  }
0x16: {  	s13 =	simm.s32 $0xA;
	_ =	swait.ge [sflag:s7], $0x2800  }
0x17: {  	s14 =	simm.s32 $0x14;
	s12 =	sadd.s32 $0x500, s5;
	[sflag:s7] =	ssyncset.done $0x0  }
.LBB2_2:
0x18: {  	s15 =	sadd.s32 s13, s6  }
0x19: {  	[sflag:s7] =	ssyncadd.s32 $0xFFFFD800;
	s13 =	smov.u32 s14;
	s16 =	sadd.s32 $0xA, s14  }
0x1a: {  	[tilespmem:s2], [sflag:$0x2] =	stream.linear.gather [hbm4b:s15+s2], $0x50, $0x38;
	[tilespmem:$0x2880] =	vst v63  }
0x1b: {  	p0 =	sne.s32 s14, $0x4D8;
	_ =	swait.ge [sflag:s7], $0x50  }
0x1c: {  	[sflag:s7] =	ssyncset.done $0x0  }
0x1d: {  	[sflag:s7] =	ssyncadd.s32 $0xFFFFFFB0  }
0x1e: {  	[tilespmem:s9], [sflag:$0x1] =	stream.indirect.gather [hbm4b:s3+s8], $0x80, s2, s8, $0xb8;
	[tilespmem:$0x2880] =	vst v63  }
0x1f: {  	_ =	swait.ge [sflag:s10], $0x2800  }
.Ltmp0:
0x20: {  	[sflag:s10] =	ssyncset.done $0x0;
	(pc) =	sbr.rel @p0 .LBB2_2-.Ltmp0, $4  }
0x21: {  	[sflag:s10] =	ssyncadd.s32 $0xFFFFD800  }
0x22: {  	[hbm4b:s12+s2] =	stream.linear.scatter [tilespmem:s9], [sflag:$0x2], $0x2800, $0x38;
	[tilespmem:$0x2880] =	vst v63  }
0x23: {  	_ =	swait.ge [sflag:s7], $0x2800  }
0x24: {  	s14 =	smov.u32 s16;
	s12 =	sadd.s32 $0x500, s12;
	[sflag:s7] =	ssyncset.done $0x0  }
0x25: {  	s13 =	sadd.s32 s13, s6;
	[sflag:s7] =	ssyncadd.s32 $0xFFFFD800  }
0x26: {  	[tilespmem:s2], [sflag:$0x2] =	stream.linear.gather [hbm4b:s13+s2], $0x50, $0x38;
	[tilespmem:$0x2880] =	vst v63  }
0x27: {  	_ =	swait.ge [sflag:s7], $0x50  }
0x28: {  	[sflag:s7] =	ssyncset.done $0x0  }
0x29: {  	[sflag:s7] =	ssyncadd.s32 $0xFFFFFFB0  }
0x2a: {  	[tilespmem:s9], [sflag:$0x1] =	stream.indirect.gather [hbm4b:s3+s8], $0x80, s2, s8, $0xb8;
	[tilespmem:$0x2880] =	vst v63  }
0x2b: {  	s11 =	sadd.s32 $0x1, s11;
	_ =	swait.ge [sflag:s10], $0x2800  }
0x2c: {  	p0 =	sne.s32 s11, s4;
	[sflag:s10] =	ssyncset.done $0x0  }
.Ltmp1:
0x2d: {  	[sflag:s10] =	ssyncadd.s32 $0xFFFFD800;
	(pc) =	sbr.rel @p0 .LBB2_1-.Ltmp1, $4  }
0x2e: {  	[hbm4b:s12+s2] =	stream.linear.scatter [tilespmem:s9], [sflag:$0x2], $0x2800, $0x38;
	[tilespmem:$0x2880] =	vst v63  }
0x2f: {  	_ =	swait.ge [sflag:s7], $0x2800  }
0x30: {  	[sflag:s7] =	ssyncset.done $0x0  }
0x31: {  	[sflag:s7] =	ssyncadd.s32 $0xFFFFD800  }
0x32: {  	_ =	sfence.sel $0x180000  }
0x33: {  	[bflag:$0x0] =	sbarrier.arrive $0xFFFF  }
0x34: {  	p0 =	sne.s32 s0, $0x0;
	_ =	strace $0x90000047  }
0x35: {  	s0 =	sadd.s32 @!p0 $0x100000, s1;
	[bflag:$0x2] =	sbarrier.arrive $0xFFFF  }
0x36: {  	[sflag:s0] =	ssyncadd.tile.s32 @!p0 $0x1;
	_ =	shalt  }
.Lfunc_end2:
_tile_overlayer_lowered:
.L_overlay_start_2:
0x37: {  	(tag) =	ssettag $0x2  }
0x38: {  	s0 =	rddreg [dreg:$0x0];
	s2 =	stileid.u32  }
0x39: {  	s1 =	rddreg [dreg:$0x1];
	p0 =	sne.s32 s2, $0x0  }
0x3a: {  	s3 =	rddreg [dreg:$0x2];
	[bflag:$0x3] =	sbarrier.arrive $0xFFFF;
	s2 =	simm.s32 @!p0 $0x1C02  }
0x3b: {  	[timem:s3], [sflag:s2] =	dma.local @!p0 [hbm:s0], s1  }
0x3c: {  	s0 =	simm.s32 @!p0 $0x2  }
0x3d: {  	_ =	swait.ge @!p0 [sflag:s0], s1  }
0x3e: {  	s1 =	ssub.s32 @!p0 $0x0, s1;
	[sflag:s0] =	ssyncset.done @!p0 $0x0  }
0x3f: {  	[sflag:s0] =	ssyncadd.s32 @!p0 s1  }
0x40: {  	[bflag:$0x3] =	sbarrier.arrive $0xFFFF  }
0x41: {  	_ =	shalt  }

// kernel: kernel.30.cloned.1.call-start
scs
__scs_entry_jumppad:
0x0: {  	(pc) =	sbr.rel $0x88, $3  }
0x1: {  	(tag) =	ssettag $0x0;
	lr =	simm.s32 $0x1  }
0x2: {  	[smem:$0x3F93] =	sst lr;
	_ =	strace $0xD0000000  }
0x3: {  	_ = 	snop  }
0x4: {  	_ = 	snop  }
0x5: {  	_ = 	snop  }
0x6: {  	_ = 	snop  }
0x7: {  	_ = 	snop  }
__scs_overlays_trampoline_lowered:
0x8: {  	[smem:$0x3FA2] =	sst s0  }
0x9: {  	[smem:$0x3FA3] =	sst s1  }
0xa: {  	[smem:$0x3FA4] =	sst s2  }
0xb: {  	[smem:$0x3FA5] =	sst s3  }
0xc: {  	[smem:$0x3FA6] =	sst s4  }
0xd: {  	[smem:$0x3FA7] =	sst s5  }
0xe: {  	[smem:$0x3FA8] =	sst s6  }
0xf: {  	[smem:$0x3FA9] =	sst s7  }
0x10: {  	[smem:$0x3FAA] =	sst s8  }
0x11: {  	[smem:$0x3FAB] =	sst s9;
	s0 =	simm.s32 @!p0 $0x0  }
0x12: {  	s1 =	sld [smem:$0x3F91];
	s0 =	simm.s32 @p0 $0x1  }
0x13: {  	[smem:$0x3FAC] =	sst s0;
	s0 =	simm.s32 @!p1 $0x0  }
0x14: {  	s2 =	sld [smem:$0x3F90];
	s0 =	simm.s32 @p1 $0x1  }
0x15: {  	[smem:$0x3FAD] =	sst s0;
	s0 =	simm.s32 @!p2 $0x0  }
0x16: {  	s3 =	sld [smem:$0x3FDB];
	s0 =	simm.s32 @p2 $0x1  }
0x17: {  	s4 =	simm.s32 $0x1BF5;
	[smem:$0x3FAF] =	sst s0  }
0x18: {  	s0 =	sld [smem:$0x3F92];
	_ =	swait.ge [sflag:s4], $0x0  }
0x19: {  	s7 =	sld [smem:$0x3F93]  }
0x1a: {  	s8 =	sadd.s32 $0xFFFFE003, lr  }
0x1b: {  	s9 =	sadd.s32 $0xFFFFFEF7, lr;
	s5 =	simm.s32 $0xFFFFFFFF;
	p2 =	slt.u32 s8, $0xFFFFF086  }
0x1c: {  	p1 =	slt.u32 s9, $0xF7A;
	s5 =	simm.s32 @!p2 $0x0  }
0x1d: {  	s5 =	simm.s32 @p1 $0x1;
	p0 =	seq.s32 s7, s2  }
0x1e: {  	s7 =	smul.u32 @!p0 $0xF7A, s2;
	p2 =	seq.s32 @!p0 s5, $0x0  }
0x1f: {  	s9 =	smul.u32 $0xF7A, s1;
	s8 =	simm.s32 @!p0 $0x1BF5;
	p2 =	por !p2, p0  }
0x20: {  	[sflag:s8] =	ssyncset.s32 @!p0 $0xFFFFF086;
	s6 =	sadd.s32 @!p0 s3, s7;
	s7 =	simm.s32 @!p0 $0x108  }
0x21: {  	s3 =	sadd.s32 s3, s9;
	s6 =	sadd.s32 @!p0 $0x88, s6;
	s7 =	simm.s32 @p2 $0x1082  }
0x22: {  	[simem:s7], [sflag:s8] =	dma.local @!p0 [hbm:s6], $0xF7A  }
0x23: {  	s9 =	sor.u32 $0xD0000000, s2;
	s6 =	simm.s32 $0x108;
	_ =	swait.ge @!p0 [sflag:s8], $0x0  }
0x24: {  	s3 =	sadd.s32 $0x88, s3;
	s6 =	simm.s32 @!p1 $0x1082;
	[sflag:s4] =	ssyncset.s32 $0xFFFFF086  }
0x25: {  	[simem:s6], [sflag:s4] =	dma.local [hbm:s3], $0xF7A  }
0x26: {  	[smem:$0x3F93] =	sst s1;
	(tag) =	ssettag s2;
	_ =	strace s9  }
0x27: {  	s1 =	sld [smem:$0x3FA3]  }
0x28: {  	s2 =	sld [smem:$0x3FA4]  }
0x29: {  	s4 =	sld [smem:$0x3FA6]  }
0x2a: {  	p0 =	seq.s32 s5, $0x0;
	s5 =	sld [smem:$0x3FA7]  }
0x2b: {  	s6 =	sld [smem:$0x3FA8]  }
0x2c: {  	s7 =	sld [smem:$0x3FA9]  }
0x2d: {  	s3 =	simm.s32 $0x108;
	s8 =	sld [smem:$0x3FAA]  }
0x2e: {  	s3 =	simm.s32 @!p0 $0x1082;
	s9 =	sld [smem:$0x3FAB]  }
0x2f: {  	lr =	sadd.s32 s0, s3;
	s0 =	sld [smem:$0x3FA2]  }
0x30: {  	s3 =	sld [smem:$0x3FA5]  }
0x31: {  	[smem:$0x3FAE] =	sst s10  }
0x32: {  	s10 =	sld [smem:$0x3FAC];
	_ =	sdelay $0x3  }
0x33: {  	p0 =	seq.s32 s10, $0x1;
	s10 =	sld [smem:$0x3FAE];
	_ =	sdelay $0x3  }
0x34: {  	[smem:$0x3FAE] =	sst s10  }
0x35: {  	s10 =	sld [smem:$0x3FAD];
	_ =	sdelay $0x3  }
0x36: {  	p1 =	seq.s32 s10, $0x1;
	s10 =	sld [smem:$0x3FAE];
	_ =	sdelay $0x3  }
0x37: {  	[smem:$0x3FAE] =	sst s10  }
0x38: {  	s10 =	sld [smem:$0x3FAF]  }
0x39: {  	_ = 	snop;
	(pc) =	sbr.ind lr, $3  }
0x3a: {  	_ = 	snop  }
0x3b: {  	_ = 	snop  }
0x3c: {  	p2 =	seq.s32 s10, $0x1;
	s10 =	sld [smem:$0x3FAE]  }
0x3d: {  	_ =	shalt  }
0x3e: {  	_ =	shalt  }
0x3f: {  	_ =	shalt  }
0x40: {  	_ =	shalt  }
0x41: {  	_ =	shalt  }
0x42: {  	_ =	shalt  }
0x43: {  	_ =	shalt  }
0x44: {  	_ =	shalt  }
0x45: {  	_ =	shalt  }
0x46: {  	_ =	shalt  }
0x47: {  	_ =	shalt  }
0x48: {  	_ =	shalt  }
0x49: {  	_ =	shalt  }
0x4a: {  	_ =	shalt  }
0x4b: {  	_ =	shalt  }
0x4c: {  	_ =	shalt  }
0x4d: {  	_ =	shalt  }
0x4e: {  	_ =	shalt  }
0x4f: {  	_ =	shalt  }
0x50: {  	_ =	shalt  }
0x51: {  	_ =	shalt  }
0x52: {  	_ =	shalt  }
0x53: {  	_ =	shalt  }
0x54: {  	_ =	shalt  }
0x55: {  	_ =	shalt  }
0x56: {  	_ =	shalt  }
0x57: {  	_ =	shalt  }
0x58: {  	_ =	shalt  }
0x59: {  	_ =	shalt  }
0x5a: {  	_ =	shalt  }
0x5b: {  	_ =	shalt  }
0x5c: {  	_ =	shalt  }
0x5d: {  	_ =	shalt  }
0x5e: {  	_ =	shalt  }
0x5f: {  	_ =	shalt  }
0x60: {  	_ =	shalt  }
0x61: {  	_ =	shalt  }
0x62: {  	_ =	shalt  }
0x63: {  	_ =	shalt  }
0x64: {  	_ =	shalt  }
0x65: {  	_ =	shalt  }
0x66: {  	_ =	shalt  }
0x67: {  	_ =	shalt  }
0x68: {  	_ =	shalt  }
0x69: {  	_ =	shalt  }
0x6a: {  	_ =	shalt  }
0x6b: {  	_ =	shalt  }
0x6c: {  	_ =	shalt  }
0x6d: {  	_ =	shalt  }
0x6e: {  	_ =	shalt  }
0x6f: {  	_ =	shalt  }
0x70: {  	_ =	shalt  }
0x71: {  	_ =	shalt  }
0x72: {  	_ =	shalt  }
0x73: {  	_ =	shalt  }
0x74: {  	_ =	shalt  }
0x75: {  	_ =	shalt  }
0x76: {  	_ =	shalt  }
0x77: {  	_ =	shalt  }
0x78: {  	_ =	shalt  }
0x79: {  	_ =	shalt  }
0x7a: {  	_ =	shalt  }
0x7b: {  	_ =	shalt  }
0x7c: {  	_ =	shalt  }
0x7d: {  	_ =	shalt  }
0x7e: {  	_ =	shalt  }
0x7f: {  	_ =	shalt  }
0x80: {  	_ =	shalt  }
0x81: {  	_ =	shalt  }
0x82: {  	_ =	shalt  }
0x83: {  	_ =	shalt  }
0x84: {  	_ =	shalt  }
0x85: {  	_ =	shalt  }
0x86: {  	_ =	shalt  }
0x87: {  	_ =	shalt  }
.Lfunc_end0:
.L_simem_size_0:
called_computation.2_lowered:
.L_overlay_start_0:
0x88: {  	s2 =	sld [smem:$0x3FD9]  }
0x89: {  	s3 =	sld [smem:$0x3FFE];
	_ =	sdelay $0x1  }
0x8a: {  	s1 =	srdreg.scid  }
0x8b: {  	s0 =	sand.u32 $0x1, s1  }
0x8c: {  	s17 =	sshll.u32 s0, $0xA;
	s2 =	sadd.s32 s3, s2  }
0x8d: {  	s2 =	sadd.s32 s2, s17  }
0x8e: {  	[smem:$0x3FBA] =	sst s2  }
0x8f: {  	_ = 	snop  }
0x90: {  	s18 =	sld [smem:$0x3FD0];
	(tm) =	ssettm $0x1  }
0x91: {  	s19 =	sld [smem:$0x3FFB];
	_ =	sdelay $0x3  }
0x92: {  	_ =	strace s19  }
0x93: {  	s2 =	sld [smem:$0x3FFC];
	_ =	sdelay $0x3  }
0x94: {  	_ =	strace s2  }
0x95: {  	s2 =	sld [smem:$0x3FFD];
	_ =	sdelay $0x3  }
0x96: {  	_ =	strace s2  }
0x97: {  	_ =	strace $0x8FFFFFFF  }
0x98: {  	s20 =	sld [smem:$0x3FDB];
	_ =	sdelay $0x1  }
0x99: {  	s4 =	simm.s32 $_scs_section_size  }
0x9a: {  	s5 =	simm.s32 $_size__tile_overlayer_lowered;
	s6 =	simm.s32 $_tile_overlayer_lowered  }
0x9b: {  	s7 =	simm.s32 $0x1BFF;
	s21 =	sshll.u32 s6, $0x1;
	s4 =	sadd.s32 s4, s20  }
0x9c: {  	s22 =	simm.s32 $0x0;
	s5 =	sshll.u32 s5, $0x1;
	s6 =	sadd.s32 s21, s4  }
0x9d: {  	[timem:s22], [sflag:s7] =	dma.local [hbm:s6], s5  }
0x9e: {  	_ =	swait.ge [sflag:s7], s5  }
0x9f: {  	s5 =	ssub.s32 $0x0, s5;
	[sflag:s7] =	ssyncset.done $0x0  }
0xa0: {  	[sflag:s7] =	ssyncadd.s32 s5;
	_ =	sdelay $0x1  }
0xa1: {  	s23 =	simm.s32 $0x1B8B  }
0xa2: {  	_ =	swait.ge [sflag:s23], $0x1  }
0xa3: {  	[sflag:s23] =	ssyncset.done $0x0  }
0xa4: {  	[sflag:s23] =	ssyncadd.s32 $0xFFFFFFFF  }
0xa5: {  	s5 =	sld [smem:$0x0]  }
0xa6: {  	s6 =	sand.u32 $0xFFFFFFFE, s1  }
0xa7: {  	p0 =	sne.s32 s1, s6  }
0xa8: {  	s6 =	sshll.u32 @p0 s6, $0xE  }
0xa9: {  	s6 =	sadd.s32 @p0 $0x11B8D, s6;
	s7 =	sshll.u32 @p0 s5, $0x11  }
0xaa: {  	s6 =	sor.u32 @p0 s7, s6  }
0xab: {  	[sflag:s6] =	ssyncadd.remote.s32 @p0 $0x1;
	_ =	sdelay $0x1  }
0xac: {  	s6 =	simm.s32 @p0 $0x1B8D  }
0xad: {  	_ =	swait.eq @p0 [sflag:s6], $0x1  }
0xae: {  	[sflag:s6] =	ssyncadd.s32 @p0 $0xFFFFFFFF  }
0xaf: {  	s7 =	sshll.u32 @!p0 s1, $0xE  }
0xb0: {  	s7 =	sor.u32 @!p0 $0x4000, s7;
	s6 =	simm.s32 @!p0 $0x1B8D  }
0xb1: {  	s5 =	sshll.u32 @!p0 s5, $0x11;
	s7 =	sadd.s32 @!p0 $0x11B8D, s7;
	_ =	swait.eq @!p0 [sflag:s6], $0x1  }
0xb2: {  	s5 =	sor.u32 @!p0 s5, s7;
	[sflag:s6] =	ssyncadd.s32 @!p0 $0xFFFFFFFF  }
0xb3: {  	s25 =	simm.s32 $0x1B8E;
	s24 =	sld [smem:$0x3FFE];
	[sflag:s5] =	ssyncadd.remote.s32 @!p0 $0x1  }
0xb4: {  	s26 =	simm.s32 $execute0_lowered;
	[smem:$0x3FD2] =	sst s25  }
0xb5: {  	s6 =	sshll.u32 s26, $0x1;
	_ =	strace $0x8000004F;
	[dreg:$0x1] =	wrdreg $0xFFFFFFFF  }
0xb6: {  	s28 =	simm.s32 $_size_execute0_lowered;
	s4 =	sadd.s32 s4, s6;
	[dreg:$0x0] =	wrdreg $0x0  }
0xb7: {  	s6 =	sshll.u32 s28, $0x1;
	[dreg:$0x2] =	wrdreg s4  }
0xb8: {  	[dreg:$0x3] =	wrdreg s6  }
0xb9: {  	[dreg:$0x4] =	wrdreg $0xC0  }
0xba: {  	_ =	task [dreg:s22], $0x5FFFF  }
0xbb: {  	[dreg:$0x1] =	wrdreg $0xFFFFFFFF  }
0xbc: {  	[dreg:$0x0] =	wrdreg $0x60  }
0xbd: {  	[dreg:$0x2] =	wrdreg s24  }
0xbe: {  	[dreg:$0x3] =	wrdreg s18  }
0xbf: {  	[dreg:$0x4] =	wrdreg $0x28800  }
0xc0: {  	[dreg:$0x5] =	wrdreg $0x9  }
0xc1: {  	_ =	task.clear_ibuf [dreg:s22], $0x6FFFF;
	_ =	strace $0x9000004F  }
0xc2: {  	s29 =	simm.s32 $0x9;
	_ =	strace $0x80000051  }
0xc3: {  	_ =	swait.ge [sflag:s29], $0x1  }
0xc4: {  	[sflag:s29] =	ssyncadd.s32 $0xFFFFFFFF  }
0xc5: {  	_ =	strace $0x90000051  }
0xc6: {  	_ =	sfence  }
0xc7: {  	s30 =	sld [smem:$0x0];
	_ =	sdelay $0x2  }
0xc8: {  	s31 =	sshll.u32 s1, $0xD;
	s1 =	sshrl.u32 s1, $0x2  }
0xc9: {  	s4 =	sand.u32 $0x4000, s31;
	s1 =	sadd.s32 s1, s30  }
0xca: {  	s0 =	sor.u32 s4, s0;
	s1 =	sshll.u32 s1, $0x11  }
0xcb: {  	s0 =	sor.u32 s1, s0  }
0xcc: {  	s0 =	sadd.s32 $0x8F2B, s0  }
0xcd: {  	[sflag:s0] =	ssyncadd.remote.s32 $0x1  }
0xce: {  	_ =	sfence.sel $0xFFFF  }
0xcf: {  	[dreg:$0x0] =	wrdreg $0xFFFFFFFF;
	(pc) =	sbr.abs _section_cstart, $3  }
0xd0: {  	[dreg:$0x1] =	wrdreg $0xFFFFFFFF  }
0xd1: {  	_ =	task.clear_ibuf [dreg:s22], $0x2FFFF;
	_ =	strace $0x9FFFFFFF  }
0xd2: {  	(tm) =	ssettm $0x7FFFFFFF  }
0xd3: {  	_ =	shalt  }
tec
execute0_lowered:
.L_overlay_start_1:
0x0: {  	(tag) =	ssettag $0x1  }
0x1: {  	s4 =	rddreg [dreg:$0x0]  }
0x2: {  	s7 =	rddreg [dreg:$0x1]  }
0x3: {  	s1 =	rddreg [dreg:$0x2]  }
0x4: {  	s0 =	rddreg [dreg:$0x3];
	s2 =	simm.s32 $0x0;
	s6 =	stileid.u32  }
0x5: {  	s3 =	srdreg.scid;
	s14 =	simm.s32 $0x0;
	s5 =	smul.u32 $0x9C400, s6  }
0x6: {  	[smem:$0x7FF] =	sst s2;
	s8 =	sand.u32 $0x1, s3;
	s11 =	smul.u32 $0x4E20, s6  }
0x7: {  	s3 =	sadd.s32 $0x13400, s4;
	p0 =	sne.s32 s6, $0x0;
	s9 =	smul.u32 $0x27100, s8  }
0x8: {  	_ =	strace $0x80000050;
	s30 =	ssub.s32 $0x2, s8;
	s13 =	smul.u32 $0x2710, s8  }
0x9: {  	s8 =	smul.u32 $0x4E200, s8;
	s10 =	sadd.s32 s5, s4;
	s12 =	sshrl.u32 s30, $0x1  }
0xa: {  	s4 =	sadd.s32 s9, s4;
	s5 =	ssub.s32 s30, s12;
	s31 =	sadd.s32 s13, s11  }
0xb: {  	s8 =	sadd.s32 s8, s10;
	s10 =	simm.s32 $0x400;
	s11 =	simm.s32 $0x800  }
0xc: {  	s12 =	simm.s32 $0x80;
	s13 =	simm.s32 $0x50;
	s4 =	sadd.s32 $0x88800, s4  }
0xd: {  	s5 =	smax.u32 s5, $0x1;
	s9 =	sshrl.u32 s31, $0x3;
	s6 =	sadd.s32 $0xF2EC00, s8  }
0xe: {  	s8 =	sshrl.u32 @!p0 s1, $0x3;
	s7 =	sadd.s32 s9, s7;
	s9 =	simm.s32 $0x1  }
.LBB2_1:
0xf: {  	s15 =	simm.s32 @!p0 $0x1C01  }
0x10: {  	[spmem:s8], [sflag:s15] =	dma.local @!p0 [hbm:s3], $0x27100  }
0x11: {  	s15 =	simm.s32 @!p0 $0x1  }
0x12: {  	_ =	swait.ge @!p0 [sflag:s15], $0x27100  }
0x13: {  	[sflag:s15] =	ssyncset.done @!p0 $0x0  }
0x14: {  	[sflag:s15] =	ssyncadd.s32 @!p0 $0xFFFD8F00  }
0x15: {  	s31 =	sadd.s32 $0x0, s7;
	[bflag:$0x0] =	sbarrier.arrive $0xFFFF  }
0x16: {  	[tilespmem:s2], [sflag:$0x1] =	stream.linear.gather [hbm4b:s31+s2], $0x50, $0x38;
	[tilespmem:$0x16100] =	vst v63  }
0x17: {  	_ =	swait.ge [sflag:s9], $0x50  }
0x18: {  	[sflag:s9] =	ssyncset.done $0x0  }
0x19: {  	[sflag:s9] =	ssyncadd.s32 $0xFFFFFFB0  }
0x1a: {  	[tilespmem:s12], [sflag:$0x1] =	stream.strided.gather [hbm4b:s6+s10], $0x2800, s11, s10, $0x38;
	[tilespmem:$0x16100] =	vst v63  }
0x1b: {  	_ =	swait.ge [sflag:s9], $0x2800  }
0x1c: {  	[sflag:s9] =	ssyncset.done $0x0  }
0x1d: {  	[sflag:s9] =	ssyncadd.s32 $0xFFFFD800  }
0x1e: {  	[spmem:s1] =	stream.indirect.scatter.add.f32 [tilespmem:s12], [sflag:$0x1], $0x80, s2, s13, $0xb8;
	[tilespmem:$0x16100] =	vst v63  }
0x1f: {  	s16 =	simm.s32 $0xA;
	_ =	swait.ge [sflag:s9], $0x2800  }
0x20: {  	s17 =	simm.s32 $0x14;
	s15 =	sadd.s32 $0xA00, s6;
	[sflag:s9] =	ssyncset.done $0x0  }
.LBB2_2:
0x21: {  	s18 =	sadd.s32 s16, s7  }
0x22: {  	[sflag:s9] =	ssyncadd.s32 $0xFFFFD800;
	s16 =	smov.u32 s17;
	s19 =	sadd.s32 $0xA, s17  }
0x23: {  	[tilespmem:s2], [sflag:$0x1] =	stream.linear.gather [hbm4b:s18+s2], $0x50, $0x38;
	[tilespmem:$0x16100] =	vst v63  }
0x24: {  	p1 =	sne.s32 s17, $0x4D8;
	_ =	swait.ge [sflag:s9], $0x50  }
0x25: {  	[sflag:s9] =	ssyncset.done $0x0  }
0x26: {  	[sflag:s9] =	ssyncadd.s32 $0xFFFFFFB0  }
0x27: {  	[tilespmem:s12], [sflag:$0x1] =	stream.strided.gather [hbm4b:s15+s10], $0x2800, s11, s10, $0x38;
	[tilespmem:$0x16100] =	vst v63  }
0x28: {  	_ =	swait.ge [sflag:s9], $0x2800  }
.Ltmp0:
0x29: {  	[sflag:s9] =	ssyncset.done $0x0;
	(pc) =	sbr.rel @p1 .LBB2_2-.Ltmp0, $4  }
0x2a: {  	[sflag:s9] =	ssyncadd.s32 $0xFFFFD800  }
0x2b: {  	[spmem:s1] =	stream.indirect.scatter.add.f32 [tilespmem:s12], [sflag:$0x1], $0x80, s2, s13, $0xb8;
	[tilespmem:$0x16100] =	vst v63  }
0x2c: {  	_ =	swait.ge [sflag:s9], $0x2800  }
0x2d: {  	s17 =	smov.u32 s19;
	s15 =	sadd.s32 $0xA00, s15;
	[sflag:s9] =	ssyncset.done $0x0  }
0x2e: {  	s16 =	sadd.s32 s16, s7;
	[sflag:s9] =	ssyncadd.s32 $0xFFFFD800  }
0x2f: {  	[tilespmem:s2], [sflag:$0x1] =	stream.linear.gather [hbm4b:s16+s2], $0x50, $0x38;
	[tilespmem:$0x16100] =	vst v63  }
0x30: {  	_ =	swait.ge [sflag:s9], $0x50  }
0x31: {  	[sflag:s9] =	ssyncset.done $0x0  }
0x32: {  	[sflag:s9] =	ssyncadd.s32 $0xFFFFFFB0  }
0x33: {  	[tilespmem:s12], [sflag:$0x1] =	stream.strided.gather [hbm4b:s15+s10], $0x2800, s11, s10, $0x38;
	[tilespmem:$0x16100] =	vst v63  }
0x34: {  	_ =	swait.ge [sflag:s9], $0x2800  }
0x35: {  	[sflag:s9] =	ssyncset.done $0x0  }
0x36: {  	[sflag:s9] =	ssyncadd.s32 $0xFFFFD800  }
0x37: {  	[spmem:s1] =	stream.indirect.scatter.add.f32 [tilespmem:s12], [sflag:$0x1], $0x80, s2, s13, $0xb8;
	[tilespmem:$0x16100] =	vst v63  }
0x38: {  	_ =	swait.ge [sflag:s9], $0x2800  }
0x39: {  	[sflag:s9] =	ssyncset.done $0x0  }
0x3a: {  	s14 =	sadd.s32 $0x1, s14;
	[sflag:s9] =	ssyncadd.s32 $0xFFFFD800  }
0x3b: {  	p1 =	sne.s32 s14, s5;
	s15 =	simm.s32 @!p0 $0x1C01;
	[bflag:$0x0] =	sbarrier.arrive $0xFFFF  }
0x3c: {  	[hbm:s4], [sflag:s15] =	dma.local @!p0 [spmem:s8], $0x27100  }
.Ltmp1:
0x3d: {  	_ = 	snop;
	(pc) =	sbr.rel @p1 .LBB2_1-.Ltmp1, $4  }
0x3e: {  	s15 =	simm.s32 @!p0 $0x1  }
0x3f: {  	_ =	swait.ge @!p0 [sflag:s15], $0x27100  }
0x40: {  	[sflag:s15] =	ssyncset.done @!p0 $0x0  }
0x41: {  	[sflag:s15] =	ssyncadd.s32 @!p0 $0xFFFD8F00  }
0x42: {  	_ =	sfence.sel $0x180000  }
0x43: {  	[bflag:$0x0] =	sbarrier.arrive $0xFFFF  }
0x44: {  	_ =	strace $0x90000050  }
0x45: {  	s0 =	sadd.s32 @!p0 $0x100000, s0;
	[bflag:$0x2] =	sbarrier.arrive $0xFFFF  }
0x46: {  	[sflag:s0] =	ssyncadd.tile.s32 @!p0 $0x1;
	_ =	shalt  }
.Lfunc_end2:
_tile_overlayer_lowered:
.L_overlay_start_2:
0x47: {  	(tag) =	ssettag $0x2  }
0x48: {  	s0 =	rddreg [dreg:$0x0];
	s2 =	stileid.u32  }
0x49: {  	s1 =	rddreg [dreg:$0x1];
	p0 =	sne.s32 s2, $0x0  }
0x4a: {  	s3 =	rddreg [dreg:$0x2];
	[bflag:$0x3] =	sbarrier.arrive $0xFFFF;
	s2 =	simm.s32 @!p0 $0x1C01  }
0x4b: {  	[timem:s3], [sflag:s2] =	dma.local @!p0 [hbm:s0], s1  }
0x4c: {  	s0 =	simm.s32 @!p0 $0x1  }
0x4d: {  	_ =	swait.ge @!p0 [sflag:s0], s1  }
0x4e: {  	s1 =	ssub.s32 @!p0 $0x0, s1;
	[sflag:s0] =	ssyncset.done @!p0 $0x0  }
0x4f: {  	[sflag:s0] =	ssyncadd.s32 @!p0 s1  }
0x50: {  	[bflag:$0x3] =	sbarrier.arrive $0xFFFF  }
0x51: {  	_ =	shalt  }

// kernel: kernel.33.cloned.1.call-start
scs
__scs_entry_jumppad:
0x0: {  	(pc) =	sbr.rel $0x88, $3  }
0x1: {  	(tag) =	ssettag $0x0;
	lr =	simm.s32 $0x1  }
0x2: {  	[smem:$0x3F93] =	sst lr;
	_ =	strace $0xD0000000  }
0x3: {  	_ = 	snop  }
0x4: {  	_ = 	snop  }
0x5: {  	_ = 	snop  }
0x6: {  	_ = 	snop  }
0x7: {  	_ = 	snop  }
__scs_overlays_trampoline_lowered:
0x8: {  	[smem:$0x3FA2] =	sst s0  }
0x9: {  	[smem:$0x3FA3] =	sst s1  }
0xa: {  	[smem:$0x3FA4] =	sst s2  }
0xb: {  	[smem:$0x3FA5] =	sst s3  }
0xc: {  	[smem:$0x3FA6] =	sst s4  }
0xd: {  	[smem:$0x3FA7] =	sst s5  }
0xe: {  	[smem:$0x3FA8] =	sst s6  }
0xf: {  	[smem:$0x3FA9] =	sst s7  }
0x10: {  	[smem:$0x3FAA] =	sst s8  }
0x11: {  	[smem:$0x3FAB] =	sst s9;
	s0 =	simm.s32 @!p0 $0x0  }
0x12: {  	s1 =	sld [smem:$0x3F91];
	s0 =	simm.s32 @p0 $0x1  }
0x13: {  	[smem:$0x3FAC] =	sst s0;
	s0 =	simm.s32 @!p1 $0x0  }
0x14: {  	s2 =	sld [smem:$0x3F90];
	s0 =	simm.s32 @p1 $0x1  }
0x15: {  	[smem:$0x3FAD] =	sst s0;
	s0 =	simm.s32 @!p2 $0x0  }
0x16: {  	s3 =	sld [smem:$0x3FDB];
	s0 =	simm.s32 @p2 $0x1  }
0x17: {  	s4 =	simm.s32 $0x1BF5;
	[smem:$0x3FAF] =	sst s0  }
0x18: {  	s0 =	sld [smem:$0x3F92];
	_ =	swait.ge [sflag:s4], $0x0  }
0x19: {  	s7 =	sld [smem:$0x3F93]  }
0x1a: {  	s8 =	sadd.s32 $0xFFFFE003, lr  }
0x1b: {  	s9 =	sadd.s32 $0xFFFFFEF7, lr;
	s5 =	simm.s32 $0xFFFFFFFF;
	p2 =	slt.u32 s8, $0xFFFFF086  }
0x1c: {  	p1 =	slt.u32 s9, $0xF7A;
	s5 =	simm.s32 @!p2 $0x0  }
0x1d: {  	s5 =	simm.s32 @p1 $0x1;
	p0 =	seq.s32 s7, s2  }
0x1e: {  	s7 =	smul.u32 @!p0 $0xF7A, s2;
	p2 =	seq.s32 @!p0 s5, $0x0  }
0x1f: {  	s9 =	smul.u32 $0xF7A, s1;
	s8 =	simm.s32 @!p0 $0x1BF5;
	p2 =	por !p2, p0  }
0x20: {  	[sflag:s8] =	ssyncset.s32 @!p0 $0xFFFFF086;
	s6 =	sadd.s32 @!p0 s3, s7;
	s7 =	simm.s32 @!p0 $0x108  }
0x21: {  	s3 =	sadd.s32 s3, s9;
	s6 =	sadd.s32 @!p0 $0x88, s6;
	s7 =	simm.s32 @p2 $0x1082  }
0x22: {  	[simem:s7], [sflag:s8] =	dma.local @!p0 [hbm:s6], $0xF7A  }
0x23: {  	s9 =	sor.u32 $0xD0000000, s2;
	s6 =	simm.s32 $0x108;
	_ =	swait.ge @!p0 [sflag:s8], $0x0  }
0x24: {  	s3 =	sadd.s32 $0x88, s3;
	s6 =	simm.s32 @!p1 $0x1082;
	[sflag:s4] =	ssyncset.s32 $0xFFFFF086  }
0x25: {  	[simem:s6], [sflag:s4] =	dma.local [hbm:s3], $0xF7A  }
0x26: {  	[smem:$0x3F93] =	sst s1;
	(tag) =	ssettag s2;
	_ =	strace s9  }
0x27: {  	s1 =	sld [smem:$0x3FA3]  }
0x28: {  	s2 =	sld [smem:$0x3FA4]  }
0x29: {  	s4 =	sld [smem:$0x3FA6]  }
0x2a: {  	p0 =	seq.s32 s5, $0x0;
	s5 =	sld [smem:$0x3FA7]  }
0x2b: {  	s6 =	sld [smem:$0x3FA8]  }
0x2c: {  	s7 =	sld [smem:$0x3FA9]  }
0x2d: {  	s3 =	simm.s32 $0x108;
	s8 =	sld [smem:$0x3FAA]  }
0x2e: {  	s3 =	simm.s32 @!p0 $0x1082;
	s9 =	sld [smem:$0x3FAB]  }
0x2f: {  	lr =	sadd.s32 s0, s3;
	s0 =	sld [smem:$0x3FA2]  }
0x30: {  	s3 =	sld [smem:$0x3FA5]  }
0x31: {  	[smem:$0x3FAE] =	sst s10  }
0x32: {  	s10 =	sld [smem:$0x3FAC];
	_ =	sdelay $0x3  }
0x33: {  	p0 =	seq.s32 s10, $0x1;
	s10 =	sld [smem:$0x3FAE];
	_ =	sdelay $0x3  }
0x34: {  	[smem:$0x3FAE] =	sst s10  }
0x35: {  	s10 =	sld [smem:$0x3FAD];
	_ =	sdelay $0x3  }
0x36: {  	p1 =	seq.s32 s10, $0x1;
	s10 =	sld [smem:$0x3FAE];
	_ =	sdelay $0x3  }
0x37: {  	[smem:$0x3FAE] =	sst s10  }
0x38: {  	s10 =	sld [smem:$0x3FAF]  }
0x39: {  	_ = 	snop;
	(pc) =	sbr.ind lr, $3  }
0x3a: {  	_ = 	snop  }
0x3b: {  	_ = 	snop  }
0x3c: {  	p2 =	seq.s32 s10, $0x1;
	s10 =	sld [smem:$0x3FAE]  }
0x3d: {  	_ =	shalt  }
0x3e: {  	_ =	shalt  }
0x3f: {  	_ =	shalt  }
0x40: {  	_ =	shalt  }
0x41: {  	_ =	shalt  }
0x42: {  	_ =	shalt  }
0x43: {  	_ =	shalt  }
0x44: {  	_ =	shalt  }
0x45: {  	_ =	shalt  }
0x46: {  	_ =	shalt  }
0x47: {  	_ =	shalt  }
0x48: {  	_ =	shalt  }
0x49: {  	_ =	shalt  }
0x4a: {  	_ =	shalt  }
0x4b: {  	_ =	shalt  }
0x4c: {  	_ =	shalt  }
0x4d: {  	_ =	shalt  }
0x4e: {  	_ =	shalt  }
0x4f: {  	_ =	shalt  }
0x50: {  	_ =	shalt  }
0x51: {  	_ =	shalt  }
0x52: {  	_ =	shalt  }
0x53: {  	_ =	shalt  }
0x54: {  	_ =	shalt  }
0x55: {  	_ =	shalt  }
0x56: {  	_ =	shalt  }
0x57: {  	_ =	shalt  }
0x58: {  	_ =	shalt  }
0x59: {  	_ =	shalt  }
0x5a: {  	_ =	shalt  }
0x5b: {  	_ =	shalt  }
0x5c: {  	_ =	shalt  }
0x5d: {  	_ =	shalt  }
0x5e: {  	_ =	shalt  }
0x5f: {  	_ =	shalt  }
0x60: {  	_ =	shalt  }
0x61: {  	_ =	shalt  }
0x62: {  	_ =	shalt  }
0x63: {  	_ =	shalt  }
0x64: {  	_ =	shalt  }
0x65: {  	_ =	shalt  }
0x66: {  	_ =	shalt  }
0x67: {  	_ =	shalt  }
0x68: {  	_ =	shalt  }
0x69: {  	_ =	shalt  }
0x6a: {  	_ =	shalt  }
0x6b: {  	_ =	shalt  }
0x6c: {  	_ =	shalt  }
0x6d: {  	_ =	shalt  }
0x6e: {  	_ =	shalt  }
0x6f: {  	_ =	shalt  }
0x70: {  	_ =	shalt  }
0x71: {  	_ =	shalt  }
0x72: {  	_ =	shalt  }
0x73: {  	_ =	shalt  }
0x74: {  	_ =	shalt  }
0x75: {  	_ =	shalt  }
0x76: {  	_ =	shalt  }
0x77: {  	_ =	shalt  }
0x78: {  	_ =	shalt  }
0x79: {  	_ =	shalt  }
0x7a: {  	_ =	shalt  }
0x7b: {  	_ =	shalt  }
0x7c: {  	_ =	shalt  }
0x7d: {  	_ =	shalt  }
0x7e: {  	_ =	shalt  }
0x7f: {  	_ =	shalt  }
0x80: {  	_ =	shalt  }
0x81: {  	_ =	shalt  }
0x82: {  	_ =	shalt  }
0x83: {  	_ =	shalt  }
0x84: {  	_ =	shalt  }
0x85: {  	_ =	shalt  }
0x86: {  	_ =	shalt  }
0x87: {  	_ =	shalt  }
.Lfunc_end0:
.L_simem_size_0:
called_computation.3_lowered:
.L_overlay_start_0:
0x88: {  	s2 =	sld [smem:$0x3FD9]  }
0x89: {  	s3 =	sld [smem:$0x3FFE];
	_ =	sdelay $0x1  }
0x8a: {  	s1 =	srdreg.scid  }
0x8b: {  	s0 =	sand.u32 $0x1, s1  }
0x8c: {  	s17 =	sshll.u32 s0, $0xA;
	s2 =	sadd.s32 s3, s2  }
0x8d: {  	s2 =	sadd.s32 s2, s17  }
0x8e: {  	[smem:$0x3FBA] =	sst s2  }
0x8f: {  	_ = 	snop  }
0x90: {  	s2 =	sld [smem:$0x3FD0];
	(tm) =	ssettm $0x1  }
0x91: {  	s18 =	sld [smem:$0x3FFB];
	_ =	sdelay $0x3  }
0x92: {  	_ =	strace s18  }
0x93: {  	s3 =	sld [smem:$0x3FFC];
	_ =	sdelay $0x3  }
0x94: {  	_ =	strace s3  }
0x95: {  	s3 =	sld [smem:$0x3FFD];
	_ =	sdelay $0x3  }
0x96: {  	_ =	strace s3  }
0x97: {  	_ =	strace $0x8FFFFFFF  }
0x98: {  	s19 =	sld [smem:$0x3FDB];
	_ =	sdelay $0x1  }
0x99: {  	s4 =	simm.s32 $_scs_section_size  }
0x9a: {  	s5 =	simm.s32 $_size__tile_overlayer_lowered;
	s6 =	simm.s32 $_tile_overlayer_lowered  }
0x9b: {  	s22 =	simm.s32 $0x1BFF;
	s21 =	sshll.u32 s6, $0x1;
	s3 =	sadd.s32 s4, s19  }
0x9c: {  	s7 =	simm.s32 $0x0;
	s20 =	sshll.u32 s5, $0x1;
	s5 =	sadd.s32 s21, s3  }
0x9d: {  	[timem:s7], [sflag:s22] =	dma.local [hbm:s5], s20  }
0x9e: {  	_ =	swait.ge [sflag:s22], s20  }
0x9f: {  	s4 =	ssub.s32 $0x0, s20;
	[sflag:s22] =	ssyncset.done $0x0  }
0xa0: {  	[sflag:s22] =	ssyncadd.s32 s4;
	_ =	sdelay $0x1  }
0xa1: {  	s23 =	simm.s32 $0x1B8B  }
0xa2: {  	_ =	swait.ge [sflag:s23], $0x1  }
0xa3: {  	[sflag:s23] =	ssyncset.done $0x0  }
0xa4: {  	s25 =	simm.s32 $0x1B8E;
	s24 =	sld [smem:$0x3FFE];
	[sflag:s23] =	ssyncadd.s32 $0xFFFFFFFF  }
0xa5: {  	s26 =	simm.s32 $execute0_lowered;
	[smem:$0x3FD2] =	sst s25  }
0xa6: {  	s5 =	sshll.u32 s26, $0x1;
	_ =	strace $0x8000004C;
	[dreg:$0x1] =	wrdreg $0xFFFFFFFF  }
0xa7: {  	s28 =	simm.s32 $_size_execute0_lowered;
	s3 =	sadd.s32 s3, s5;
	[dreg:$0x0] =	wrdreg $0x0  }
0xa8: {  	s5 =	sshll.u32 s28, $0x1;
	[dreg:$0x2] =	wrdreg s3  }
0xa9: {  	[dreg:$0x3] =	wrdreg s5  }
0xaa: {  	[dreg:$0x4] =	wrdreg $0xC0  }
0xab: {  	_ =	task [dreg:s7], $0x5FFFF  }
0xac: {  	[dreg:$0x1] =	wrdreg $0xFFFFFFFF  }
0xad: {  	[dreg:$0x0] =	wrdreg $0x60  }
0xae: {  	[dreg:$0x2] =	wrdreg s24  }
0xaf: {  	[dreg:$0x3] =	wrdreg s2  }
0xb0: {  	[dreg:$0x4] =	wrdreg $0x28800  }
0xb1: {  	[dreg:$0x5] =	wrdreg $0xA  }
0xb2: {  	_ =	task.clear_ibuf [dreg:s7], $0x6FFFF;
	_ =	strace $0x9000004C  }
0xb3: {  	s29 =	simm.s32 $0xA;
	_ =	strace $0x8000004E  }
0xb4: {  	_ =	swait.ge [sflag:s29], $0x1  }
0xb5: {  	[sflag:s29] =	ssyncadd.s32 $0xFFFFFFFF  }
0xb6: {  	_ =	strace $0x9000004E  }
0xb7: {  	_ =	sfence  }
0xb8: {  	s30 =	sld [smem:$0x0];
	_ =	sdelay $0x2  }
0xb9: {  	s31 =	sshll.u32 s1, $0xD;
	s1 =	sshrl.u32 s1, $0x2  }
0xba: {  	s3 =	sand.u32 $0x4000, s31;
	s1 =	sadd.s32 s1, s30  }
0xbb: {  	s0 =	sor.u32 s3, s0;
	s1 =	sshll.u32 s1, $0x11  }
0xbc: {  	s0 =	sor.u32 s1, s0  }
0xbd: {  	s0 =	sadd.s32 $0x8F2B, s0  }
0xbe: {  	[sflag:s0] =	ssyncadd.remote.s32 $0x1  }
0xbf: {  	_ =	sfence.sel $0xFFFF  }
0xc0: {  	[dreg:$0x0] =	wrdreg $0xFFFFFFFF;
	(pc) =	sbr.abs _section_cstart, $3  }
0xc1: {  	[dreg:$0x1] =	wrdreg $0xFFFFFFFF  }
0xc2: {  	_ =	task.clear_ibuf [dreg:s7], $0x2FFFF;
	_ =	strace $0x9FFFFFFF  }
0xc3: {  	(tm) =	ssettm $0x7FFFFFFF  }
tec
execute0_lowered:
.L_overlay_start_1:
0x0: {  	(tag) =	ssettag $0x1  }
0x1: {  	s4 =	rddreg [dreg:$0x0]  }
0x2: {  	s7 =	rddreg [dreg:$0x1]  }
0x3: {  	s1 =	rddreg [dreg:$0x2]  }
0x4: {  	s0 =	rddreg [dreg:$0x3];
	s2 =	simm.s32 $0x0;
	s6 =	stileid.u32  }
0x5: {  	s3 =	srdreg.scid;
	s14 =	simm.s32 $0x0;
	s5 =	smul.u32 $0x9C400, s6  }
0x6: {  	[smem:$0x7FF] =	sst s2;
	s8 =	sand.u32 $0x1, s3;
	s11 =	smul.u32 $0x4E20, s6  }
0x7: {  	s3 =	sadd.s32 $0x13400, s4;
	p0 =	sne.s32 s6, $0x0;
	s9 =	smul.u32 $0x27100, s8  }
0x8: {  	_ =	strace $0x8000004D;
	s30 =	ssub.s32 $0x2, s8;
	s13 =	smul.u32 $0x2710, s8  }
0x9: {  	s8 =	smul.u32 $0x4E200, s8;
	s10 =	sadd.s32 s5, s4;
	s12 =	sshrl.u32 s30, $0x1  }
0xa: {  	s4 =	sadd.s32 s9, s4;
	s5 =	ssub.s32 s30, s12;
	s31 =	sadd.s32 s13, s11  }
0xb: {  	s8 =	sadd.s32 s8, s10;
	s10 =	simm.s32 $0x400;
	s11 =	simm.s32 $0x800  }
0xc: {  	s12 =	simm.s32 $0x80;
	s13 =	simm.s32 $0x50;
	s4 =	sadd.s32 $0x3A600, s4  }
0xd: {  	s5 =	smax.u32 s5, $0x1;
	s9 =	sshrl.u32 s31, $0x3;
	s6 =	sadd.s32 $0xF2EC80, s8  }
0xe: {  	s8 =	sshrl.u32 @!p0 s1, $0x3;
	s7 =	sadd.s32 s9, s7;
	s9 =	simm.s32 $0x1  }
.LBB2_1:
0xf: {  	s15 =	simm.s32 @!p0 $0x1C01  }
0x10: {  	[spmem:s8], [sflag:s15] =	dma.local @!p0 [hbm:s3], $0x27100  }
0x11: {  	s15 =	simm.s32 @!p0 $0x1  }
0x12: {  	_ =	swait.ge @!p0 [sflag:s15], $0x27100  }
0x13: {  	[sflag:s15] =	ssyncset.done @!p0 $0x0  }
0x14: {  	[sflag:s15] =	ssyncadd.s32 @!p0 $0xFFFD8F00  }
0x15: {  	s31 =	sadd.s32 $0x0, s7;
	[bflag:$0x0] =	sbarrier.arrive $0xFFFF  }
0x16: {  	[tilespmem:s2], [sflag:$0x1] =	stream.linear.gather [hbm4b:s31+s2], $0x50, $0x38;
	[tilespmem:$0x16100] =	vst v63  }
0x17: {  	_ =	swait.ge [sflag:s9], $0x50  }
0x18: {  	[sflag:s9] =	ssyncset.done $0x0  }
0x19: {  	[sflag:s9] =	ssyncadd.s32 $0xFFFFFFB0  }
0x1a: {  	[tilespmem:s12], [sflag:$0x1] =	stream.strided.gather [hbm4b:s6+s10], $0x2800, s11, s10, $0x38;
	[tilespmem:$0x16100] =	vst v63  }
0x1b: {  	_ =	swait.ge [sflag:s9], $0x2800  }
0x1c: {  	[sflag:s9] =	ssyncset.done $0x0  }
0x1d: {  	[sflag:s9] =	ssyncadd.s32 $0xFFFFD800  }
0x1e: {  	[spmem:s1] =	stream.indirect.scatter.add.f32 [tilespmem:s12], [sflag:$0x1], $0x80, s2, s13, $0xb8;
	[tilespmem:$0x16100] =	vst v63  }
0x1f: {  	s16 =	simm.s32 $0xA;
	_ =	swait.ge [sflag:s9], $0x2800  }
0x20: {  	s17 =	simm.s32 $0x14;
	s15 =	sadd.s32 $0xA00, s6;
	[sflag:s9] =	ssyncset.done $0x0  }
.LBB2_2:
0x21: {  	s18 =	sadd.s32 s16, s7  }
0x22: {  	[sflag:s9] =	ssyncadd.s32 $0xFFFFD800;
	s16 =	smov.u32 s17;
	s19 =	sadd.s32 $0xA, s17  }
0x23: {  	[tilespmem:s2], [sflag:$0x1] =	stream.linear.gather [hbm4b:s18+s2], $0x50, $0x38;
	[tilespmem:$0x16100] =	vst v63  }
0x24: {  	p1 =	sne.s32 s17, $0x4D8;
	_ =	swait.ge [sflag:s9], $0x50  }
0x25: {  	[sflag:s9] =	ssyncset.done $0x0  }
0x26: {  	[sflag:s9] =	ssyncadd.s32 $0xFFFFFFB0  }
0x27: {  	[tilespmem:s12], [sflag:$0x1] =	stream.strided.gather [hbm4b:s15+s10], $0x2800, s11, s10, $0x38;
	[tilespmem:$0x16100] =	vst v63  }
0x28: {  	_ =	swait.ge [sflag:s9], $0x2800  }
.Ltmp0:
0x29: {  	[sflag:s9] =	ssyncset.done $0x0;
	(pc) =	sbr.rel @p1 .LBB2_2-.Ltmp0, $4  }
0x2a: {  	[sflag:s9] =	ssyncadd.s32 $0xFFFFD800  }
0x2b: {  	[spmem:s1] =	stream.indirect.scatter.add.f32 [tilespmem:s12], [sflag:$0x1], $0x80, s2, s13, $0xb8;
	[tilespmem:$0x16100] =	vst v63  }
0x2c: {  	_ =	swait.ge [sflag:s9], $0x2800  }
0x2d: {  	s17 =	smov.u32 s19;
	s15 =	sadd.s32 $0xA00, s15;
	[sflag:s9] =	ssyncset.done $0x0  }
0x2e: {  	s16 =	sadd.s32 s16, s7;
	[sflag:s9] =	ssyncadd.s32 $0xFFFFD800  }
0x2f: {  	[tilespmem:s2], [sflag:$0x1] =	stream.linear.gather [hbm4b:s16+s2], $0x50, $0x38;
	[tilespmem:$0x16100] =	vst v63  }
0x30: {  	_ =	swait.ge [sflag:s9], $0x50  }
0x31: {  	[sflag:s9] =	ssyncset.done $0x0  }
0x32: {  	[sflag:s9] =	ssyncadd.s32 $0xFFFFFFB0  }
0x33: {  	[tilespmem:s12], [sflag:$0x1] =	stream.strided.gather [hbm4b:s15+s10], $0x2800, s11, s10, $0x38;
	[tilespmem:$0x16100] =	vst v63  }
0x34: {  	_ =	swait.ge [sflag:s9], $0x2800  }
0x35: {  	[sflag:s9] =	ssyncset.done $0x0  }
0x36: {  	[sflag:s9] =	ssyncadd.s32 $0xFFFFD800  }
0x37: {  	[spmem:s1] =	stream.indirect.scatter.add.f32 [tilespmem:s12], [sflag:$0x1], $0x80, s2, s13, $0xb8;
	[tilespmem:$0x16100] =	vst v63  }
0x38: {  	_ =	swait.ge [sflag:s9], $0x2800  }
0x39: {  	[sflag:s9] =	ssyncset.done $0x0  }
0x3a: {  	s14 =	sadd.s32 $0x1, s14;
	[sflag:s9] =	ssyncadd.s32 $0xFFFFD800  }
0x3b: {  	p1 =	sne.s32 s14, s5;
	s15 =	simm.s32 @!p0 $0x1C01;
	[bflag:$0x0] =	sbarrier.arrive $0xFFFF  }
0x3c: {  	[hbm:s4], [sflag:s15] =	dma.local @!p0 [spmem:s8], $0x27100  }
.Ltmp1:
0x3d: {  	_ = 	snop;
	(pc) =	sbr.rel @p1 .LBB2_1-.Ltmp1, $4  }
0x3e: {  	s15 =	simm.s32 @!p0 $0x1  }
0x3f: {  	_ =	swait.ge @!p0 [sflag:s15], $0x27100  }
0x40: {  	[sflag:s15] =	ssyncset.done @!p0 $0x0  }
0x41: {  	[sflag:s15] =	ssyncadd.s32 @!p0 $0xFFFD8F00  }
0x42: {  	_ =	sfence.sel $0x180000  }
0x43: {  	[bflag:$0x0] =	sbarrier.arrive $0xFFFF  }
0x44: {  	_ =	strace $0x9000004D  }
0x45: {  	s0 =	sadd.s32 @!p0 $0x100000, s0;
	[bflag:$0x2] =	sbarrier.arrive $0xFFFF  }
0x46: {  	[sflag:s0] =	ssyncadd.tile.s32 @!p0 $0x1;
	_ =	shalt  }
.Lfunc_end2:
_tile_overlayer_lowered:
.L_overlay_start_2:
0x47: {  	(tag) =	ssettag $0x2  }
0x48: {  	s0 =	rddreg [dreg:$0x0];
	s2 =	stileid.u32  }
0x49: {  	s1 =	rddreg [dreg:$0x1];
	p0 =	sne.s32 s2, $0x0  }
0x4a: {  	s3 =	rddreg [dreg:$0x2];
	[bflag:$0x3] =	sbarrier.arrive $0xFFFF;
	s2 =	simm.s32 @!p0 $0x1C01  }
0x4b: {  	[timem:s3], [sflag:s2] =	dma.local @!p0 [hbm:s0], s1  }
0x4c: {  	s0 =	simm.s32 @!p0 $0x1  }
0x4d: {  	_ =	swait.ge @!p0 [sflag:s0], s1  }
0x4e: {  	s1 =	ssub.s32 @!p0 $0x0, s1;
	[sflag:s0] =	ssyncset.done @!p0 $0x0  }
0x4f: {  	[sflag:s0] =	ssyncadd.s32 @!p0 s1  }
0x50: {  	[bflag:$0x3] =	sbarrier.arrive $0xFFFF  }
0x51: {  	_ =	shalt  }

// kernel: kernel.36.cloned.1.call-start
scs
__scs_entry_jumppad:
0x0: {  	(pc) =	sbr.rel $0x88, $3  }
0x1: {  	(tag) =	ssettag $0x0;
	lr =	simm.s32 $0x1  }
0x2: {  	[smem:$0x3F93] =	sst lr;
	_ =	strace $0xD0000000  }
0x3: {  	_ = 	snop  }
0x4: {  	_ = 	snop  }
0x5: {  	_ = 	snop  }
0x6: {  	_ = 	snop  }
0x7: {  	_ = 	snop  }
__scs_overlays_trampoline_lowered:
0x8: {  	[smem:$0x3FA2] =	sst s0  }
0x9: {  	[smem:$0x3FA3] =	sst s1  }
0xa: {  	[smem:$0x3FA4] =	sst s2  }
0xb: {  	[smem:$0x3FA5] =	sst s3  }
0xc: {  	[smem:$0x3FA6] =	sst s4  }
0xd: {  	[smem:$0x3FA7] =	sst s5  }
0xe: {  	[smem:$0x3FA8] =	sst s6  }
0xf: {  	[smem:$0x3FA9] =	sst s7  }
0x10: {  	[smem:$0x3FAA] =	sst s8  }
0x11: {  	[smem:$0x3FAB] =	sst s9;
	s0 =	simm.s32 @!p0 $0x0  }
0x12: {  	s1 =	sld [smem:$0x3F91];
	s0 =	simm.s32 @p0 $0x1  }
0x13: {  	[smem:$0x3FAC] =	sst s0;
	s0 =	simm.s32 @!p1 $0x0  }
0x14: {  	s2 =	sld [smem:$0x3F90];
	s0 =	simm.s32 @p1 $0x1  }
0x15: {  	[smem:$0x3FAD] =	sst s0;
	s0 =	simm.s32 @!p2 $0x0  }
0x16: {  	s3 =	sld [smem:$0x3FDB];
	s0 =	simm.s32 @p2 $0x1  }
0x17: {  	s4 =	simm.s32 $0x1BF5;
	[smem:$0x3FAF] =	sst s0  }
0x18: {  	s0 =	sld [smem:$0x3F92];
	_ =	swait.ge [sflag:s4], $0x0  }
0x19: {  	s7 =	sld [smem:$0x3F93]  }
0x1a: {  	s8 =	sadd.s32 $0xFFFFE003, lr  }
0x1b: {  	s9 =	sadd.s32 $0xFFFFFEF7, lr;
	s5 =	simm.s32 $0xFFFFFFFF;
	p2 =	slt.u32 s8, $0xFFFFF086  }
0x1c: {  	p1 =	slt.u32 s9, $0xF7A;
	s5 =	simm.s32 @!p2 $0x0  }
0x1d: {  	s5 =	simm.s32 @p1 $0x1;
	p0 =	seq.s32 s7, s2  }
0x1e: {  	s7 =	smul.u32 @!p0 $0xF7A, s2;
	p2 =	seq.s32 @!p0 s5, $0x0  }
0x1f: {  	s9 =	smul.u32 $0xF7A, s1;
	s8 =	simm.s32 @!p0 $0x1BF5;
	p2 =	por !p2, p0  }
0x20: {  	[sflag:s8] =	ssyncset.s32 @!p0 $0xFFFFF086;
	s6 =	sadd.s32 @!p0 s3, s7;
	s7 =	simm.s32 @!p0 $0x108  }
0x21: {  	s3 =	sadd.s32 s3, s9;
	s6 =	sadd.s32 @!p0 $0x88, s6;
	s7 =	simm.s32 @p2 $0x1082  }
0x22: {  	[simem:s7], [sflag:s8] =	dma.local @!p0 [hbm:s6], $0xF7A  }
0x23: {  	s9 =	sor.u32 $0xD0000000, s2;
	s6 =	simm.s32 $0x108;
	_ =	swait.ge @!p0 [sflag:s8], $0x0  }
0x24: {  	s3 =	sadd.s32 $0x88, s3;
	s6 =	simm.s32 @!p1 $0x1082;
	[sflag:s4] =	ssyncset.s32 $0xFFFFF086  }
0x25: {  	[simem:s6], [sflag:s4] =	dma.local [hbm:s3], $0xF7A  }
0x26: {  	[smem:$0x3F93] =	sst s1;
	(tag) =	ssettag s2;
	_ =	strace s9  }
0x27: {  	s1 =	sld [smem:$0x3FA3]  }
0x28: {  	s2 =	sld [smem:$0x3FA4]  }
0x29: {  	s4 =	sld [smem:$0x3FA6]  }
0x2a: {  	p0 =	seq.s32 s5, $0x0;
	s5 =	sld [smem:$0x3FA7]  }
0x2b: {  	s6 =	sld [smem:$0x3FA8]  }
0x2c: {  	s7 =	sld [smem:$0x3FA9]  }
0x2d: {  	s3 =	simm.s32 $0x108;
	s8 =	sld [smem:$0x3FAA]  }
0x2e: {  	s3 =	simm.s32 @!p0 $0x1082;
	s9 =	sld [smem:$0x3FAB]  }
0x2f: {  	lr =	sadd.s32 s0, s3;
	s0 =	sld [smem:$0x3FA2]  }
0x30: {  	s3 =	sld [smem:$0x3FA5]  }
0x31: {  	[smem:$0x3FAE] =	sst s10  }
0x32: {  	s10 =	sld [smem:$0x3FAC];
	_ =	sdelay $0x3  }
0x33: {  	p0 =	seq.s32 s10, $0x1;
	s10 =	sld [smem:$0x3FAE];
	_ =	sdelay $0x3  }
0x34: {  	[smem:$0x3FAE] =	sst s10  }
0x35: {  	s10 =	sld [smem:$0x3FAD];
	_ =	sdelay $0x3  }
0x36: {  	p1 =	seq.s32 s10, $0x1;
	s10 =	sld [smem:$0x3FAE];
	_ =	sdelay $0x3  }
0x37: {  	[smem:$0x3FAE] =	sst s10  }
0x38: {  	s10 =	sld [smem:$0x3FAF]  }
0x39: {  	_ = 	snop;
	(pc) =	sbr.ind lr, $3  }
0x3a: {  	_ = 	snop  }
0x3b: {  	_ = 	snop  }
0x3c: {  	p2 =	seq.s32 s10, $0x1;
	s10 =	sld [smem:$0x3FAE]  }
0x3d: {  	_ =	shalt  }
0x3e: {  	_ =	shalt  }
0x3f: {  	_ =	shalt  }
0x40: {  	_ =	shalt  }
0x41: {  	_ =	shalt  }
0x42: {  	_ =	shalt  }
0x43: {  	_ =	shalt  }
0x44: {  	_ =	shalt  }
0x45: {  	_ =	shalt  }
0x46: {  	_ =	shalt  }
0x47: {  	_ =	shalt  }
0x48: {  	_ =	shalt  }
0x49: {  	_ =	shalt  }
0x4a: {  	_ =	shalt  }
0x4b: {  	_ =	shalt  }
0x4c: {  	_ =	shalt  }
0x4d: {  	_ =	shalt  }
0x4e: {  	_ =	shalt  }
0x4f: {  	_ =	shalt  }
0x50: {  	_ =	shalt  }
0x51: {  	_ =	shalt  }
0x52: {  	_ =	shalt  }
0x53: {  	_ =	shalt  }
0x54: {  	_ =	shalt  }
0x55: {  	_ =	shalt  }
0x56: {  	_ =	shalt  }
0x57: {  	_ =	shalt  }
0x58: {  	_ =	shalt  }
0x59: {  	_ =	shalt  }
0x5a: {  	_ =	shalt  }
0x5b: {  	_ =	shalt  }
0x5c: {  	_ =	shalt  }
0x5d: {  	_ =	shalt  }
0x5e: {  	_ =	shalt  }
0x5f: {  	_ =	shalt  }
0x60: {  	_ =	shalt  }
0x61: {  	_ =	shalt  }
0x62: {  	_ =	shalt  }
0x63: {  	_ =	shalt  }
0x64: {  	_ =	shalt  }
0x65: {  	_ =	shalt  }
0x66: {  	_ =	shalt  }
0x67: {  	_ =	shalt  }
0x68: {  	_ =	shalt  }
0x69: {  	_ =	shalt  }
0x6a: {  	_ =	shalt  }
0x6b: {  	_ =	shalt  }
0x6c: {  	_ =	shalt  }
0x6d: {  	_ =	shalt  }
0x6e: {  	_ =	shalt  }
0x6f: {  	_ =	shalt  }
0x70: {  	_ =	shalt  }
0x71: {  	_ =	shalt  }
0x72: {  	_ =	shalt  }
0x73: {  	_ =	shalt  }
0x74: {  	_ =	shalt  }
0x75: {  	_ =	shalt  }
0x76: {  	_ =	shalt  }
0x77: {  	_ =	shalt  }
0x78: {  	_ =	shalt  }
0x79: {  	_ =	shalt  }
0x7a: {  	_ =	shalt  }
0x7b: {  	_ =	shalt  }
0x7c: {  	_ =	shalt  }
0x7d: {  	_ =	shalt  }
0x7e: {  	_ =	shalt  }
0x7f: {  	_ =	shalt  }
0x80: {  	_ =	shalt  }
0x81: {  	_ =	shalt  }
0x82: {  	_ =	shalt  }
0x83: {  	_ =	shalt  }
0x84: {  	_ =	shalt  }
0x85: {  	_ =	shalt  }
0x86: {  	_ =	shalt  }
0x87: {  	_ =	shalt  }
.Lfunc_end0:
.L_simem_size_0:
called_computation.4_lowered:
.L_overlay_start_0:
0x88: {  	s2 =	sld [smem:$0x3FD9]  }
0x89: {  	s3 =	sld [smem:$0x3FFE];
	_ =	sdelay $0x1  }
0x8a: {  	s1 =	srdreg.scid  }
0x8b: {  	s0 =	sand.u32 $0x1, s1  }
0x8c: {  	s17 =	sshll.u32 s0, $0xA;
	s2 =	sadd.s32 s3, s2  }
0x8d: {  	s2 =	sadd.s32 s2, s17  }
0x8e: {  	[smem:$0x3FBA] =	sst s2  }
0x8f: {  	_ = 	snop  }
0x90: {  	(tm) =	ssettm $0x1  }
0x91: {  	s18 =	sld [smem:$0x3FFB];
	_ =	sdelay $0x3  }
0x92: {  	_ =	strace s18  }
0x93: {  	s2 =	sld [smem:$0x3FFC];
	_ =	sdelay $0x3  }
0x94: {  	_ =	strace s2  }
0x95: {  	s2 =	sld [smem:$0x3FFD];
	_ =	sdelay $0x3  }
0x96: {  	_ =	strace s2  }
0x97: {  	_ =	strace $0x8FFFFFFF  }
0x98: {  	s19 =	sld [smem:$0x3FDB];
	_ =	sdelay $0x1  }
0x99: {  	s20 =	simm.s32 $_scs_section_size  }
0x9a: {  	s4 =	simm.s32 $_size__tile_overlayer_lowered;
	s5 =	simm.s32 $_tile_overlayer_lowered  }
0x9b: {  	s6 =	simm.s32 $0x1BFF;
	s21 =	sshll.u32 s5, $0x1;
	s3 =	sadd.s32 s20, s19  }
0x9c: {  	s22 =	simm.s32 $0x0;
	s4 =	sshll.u32 s4, $0x1;
	s5 =	sadd.s32 s21, s3  }
0x9d: {  	[timem:s22], [sflag:s6] =	dma.local [hbm:s5], s4  }
0x9e: {  	_ =	swait.ge [sflag:s6], s4  }
0x9f: {  	s4 =	ssub.s32 $0x0, s4;
	[sflag:s6] =	ssyncset.done $0x0  }
0xa0: {  	[sflag:s6] =	ssyncadd.s32 s4;
	_ =	sdelay $0x1  }
0xa1: {  	s23 =	simm.s32 $0x1B8B  }
0xa2: {  	_ =	swait.ge [sflag:s23], $0x1  }
0xa3: {  	[sflag:s23] =	ssyncset.done $0x0  }
0xa4: {  	[sflag:s23] =	ssyncadd.s32 $0xFFFFFFFF  }
0xa5: {  	s4 =	sld [smem:$0x0]  }
0xa6: {  	s5 =	sand.u32 $0xFFFFFFFE, s1  }
0xa7: {  	p0 =	sne.s32 s1, s5  }
0xa8: {  	s5 =	sshll.u32 @p0 s5, $0xE  }
0xa9: {  	s5 =	sadd.s32 @p0 $0x11B8D, s5;
	s6 =	sshll.u32 @p0 s4, $0x11  }
0xaa: {  	s5 =	sor.u32 @p0 s6, s5  }
0xab: {  	[sflag:s5] =	ssyncadd.remote.s32 @p0 $0x1;
	_ =	sdelay $0x1  }
0xac: {  	s5 =	simm.s32 @p0 $0x1B8D  }
0xad: {  	_ =	swait.eq @p0 [sflag:s5], $0x1  }
0xae: {  	[sflag:s5] =	ssyncadd.s32 @p0 $0xFFFFFFFF  }
0xaf: {  	s6 =	sshll.u32 @!p0 s1, $0xE  }
0xb0: {  	s6 =	sor.u32 @!p0 $0x4000, s6;
	s5 =	simm.s32 @!p0 $0x1B8D  }
0xb1: {  	s4 =	sshll.u32 @!p0 s4, $0x11;
	s6 =	sadd.s32 @!p0 $0x11B8D, s6;
	_ =	swait.eq @!p0 [sflag:s5], $0x1  }
0xb2: {  	s4 =	sor.u32 @!p0 s4, s6;
	[sflag:s5] =	ssyncadd.s32 @!p0 $0xFFFFFFFF  }
0xb3: {  	s25 =	simm.s32 $0x1B8E;
	s24 =	sld [smem:$0x3FFE];
	[sflag:s4] =	ssyncadd.remote.s32 @!p0 $0x1  }
0xb4: {  	s26 =	simm.s32 $execute0_lowered;
	[smem:$0x3FD2] =	sst s25  }
0xb5: {  	s5 =	sshll.u32 s26, $0x1;
	_ =	strace $0x80000055;
	[dreg:$0x1] =	wrdreg $0xFFFFFFFF  }
0xb6: {  	s28 =	simm.s32 $_size_execute0_lowered;
	s3 =	sadd.s32 s3, s5;
	[dreg:$0x0] =	wrdreg $0x0  }
0xb7: {  	s5 =	sshll.u32 s28, $0x1;
	[dreg:$0x2] =	wrdreg s3  }
0xb8: {  	[dreg:$0x3] =	wrdreg s5  }
0xb9: {  	[dreg:$0x4] =	wrdreg $0xC0  }
0xba: {  	_ =	task [dreg:s22], $0x5FFFF  }
0xbb: {  	[dreg:$0x1] =	wrdreg $0xFFFFFFFF  }
0xbc: {  	[dreg:$0x0] =	wrdreg $0x60  }
0xbd: {  	[dreg:$0x2] =	wrdreg s24  }
0xbe: {  	[dreg:$0x3] =	wrdreg $0x9  }
0xbf: {  	_ =	task.clear_ibuf [dreg:s22], $0x4FFFF;
	_ =	strace $0x90000055  }
0xc0: {  	s29 =	simm.s32 $0x9;
	_ =	strace $0x80000057  }
0xc1: {  	_ =	swait.ge [sflag:s29], $0x1  }
0xc2: {  	[sflag:s29] =	ssyncadd.s32 $0xFFFFFFFF  }
0xc3: {  	_ =	strace $0x90000057  }
0xc4: {  	_ =	sfence  }
0xc5: {  	s30 =	sld [smem:$0x0];
	_ =	sdelay $0x2  }
0xc6: {  	s31 =	sshll.u32 s1, $0xD;
	s1 =	sshrl.u32 s1, $0x2  }
0xc7: {  	s4 =	sand.u32 $0x4000, s31;
	s1 =	sadd.s32 s1, s30  }
0xc8: {  	s0 =	sor.u32 s4, s0;
	s1 =	sshll.u32 s1, $0x11  }
0xc9: {  	s0 =	sor.u32 s1, s0  }
0xca: {  	s0 =	sadd.s32 $0x8F2B, s0  }
0xcb: {  	[sflag:s0] =	ssyncadd.remote.s32 $0x1  }
0xcc: {  	_ =	sfence.sel $0xFFFF  }
0xcd: {  	[dreg:$0x0] =	wrdreg $0xFFFFFFFF;
	(pc) =	sbr.abs _section_cstart, $3  }
0xce: {  	[dreg:$0x1] =	wrdreg $0xFFFFFFFF  }
0xcf: {  	_ =	task.clear_ibuf [dreg:s22], $0x2FFFF;
	_ =	strace $0x9FFFFFFF  }
0xd0: {  	(tm) =	ssettm $0x7FFFFFFF  }
0xd1: {  	_ =	shalt  }
tec
execute0_lowered:
.L_overlay_start_1:
0x0: {  	(tag) =	ssettag $0x1  }
0x1: {  	s4 =	rddreg [dreg:$0x0]  }
0x2: {  	s0 =	rddreg [dreg:$0x1];
	s2 =	simm.s32 $0x0;
	s3 =	srdreg.scid  }
0x3: {  	s1 =	stileid.u32;
	s10 =	simm.s32 $0x1080;
	s11 =	simm.s32 $0x1880  }
0x4: {  	s12 =	simm.s32 $0x2080;
	s13 =	simm.s32 $0x2880;
	s14 =	simm.s32 $0x3080  }
0x5: {  	s15 =	simm.s32 $0x3880;
	s16 =	simm.s32 $0x4080;
	s17 =	simm.s32 $0x4880  }
0x6: {  	s18 =	simm.s32 $0x1;
	s19 =	simm.s32 $0x0;
	s6 =	smul.u32 $0x4E20, s1  }
0x7: {  	[smem:$0x7FF] =	sst s2;
	s5 =	sand.u32 $0x1, s3;
	s8 =	smul.u32 $0x9C400, s1  }
0x8: {  	s3 =	sadd.s32 $0x88A00, s4;
	s7 =	smul.u32 $0x2710, s5;
	s9 =	ssub.s32 $0x2, s5  }
0x9: {  	_ =	strace $0x80000056;
	s5 =	smul.u32 $0x4E200, s5;
	s31 =	sshrl.u32 s9, $0x1  }
0xa: {  	s8 =	sadd.s32 s8, s4;
	s6 =	sadd.s32 s7, s6;
	s7 =	ssub.s32 s9, s31  }
0xb: {  	v2 =	vlaneseq.u32;
	s5 =	sadd.s32 s5, s8;
	s8 =	simm.s32 $0x80;
	s6 =	sshrl.u32 s6, $0x3  }
0xc: {  	vm0 =	vmmov $0xffff;
	v1 =	vshrl.u32 v2, $0x3;
	s9 =	simm.s32 $0x880;
	s5 =	sadd.s32 $0xF2EC00, s5;
	s6 =	sadd.s32 s6, s4  }
0xd: {  	v0 =	vand.u32 $0x7, v2;
	v2 =	vor.u32 $0x8, v2;
	v1 =	vmul.u32 $0x8, v1;
	s4 =	smax.u32 s7, $0x1;
	s7 =	simm.s32 $0x2;
	s6 =	sadd.s32 $0x8600, s6  }
.LBB2_1:
0xe: {  	s20 =	smov.u32 s5;
	s21 =	simm.s32 $0x0  }
.LBB2_2:
0xf: {  	s22 =	sadd.s32 s21, s6  }
0x10: {  	[tilespmem:s2], [sflag:$0x2] =	stream.linear.gather [hbm4b:s22+s2], $0x50, $0x38;
	[tilespmem:$0x5080] =	vst v63  }
0x11: {  	_ =	swait.ge [sflag:s7], $0x50  }
0x12: {  	[sflag:s7] =	ssyncset.done $0x0  }
0x13: {  	[sflag:s7] =	ssyncadd.s32 $0xFFFFFFB0  }
0x14: {  	v3 =	vld [tilespmem:$0x0];
	_ =	sdelay $0x4  }
0x15: {  	v4 =	vshll.u32 v3, $0x1  }
0x16: {  	v3 =	vand.u32 $0x7, v3;
	v4 =	vand.u32 $0xFFFFFFF0, v4  }
0x17: {  	v3 =	vor.u32 v3, v4  }
0x18: {  	v4 =	vperm.xlane v3, v0;
	_ =	sdelay $0x1  }
0x19: {  	v3 =	vperm.xlane v3, v2;
	v4 =	vadd.s32 v1, v4;
	_ =	sdelay $0x1  }
0x1a: {  	v3 =	vadd.s32 v1, v3;
	_ =	sdelay $0x2  }
0x1b: {  	[tilespmem:s8], [sflag:$0x1] =	stream.indirect_vreg.gather [hbm4b:s3+s2], $0x80, v4, vm0, $0xb8;
	[tilespmem:$0x5080] =	vst v63  }
0x1c: {  	_ = 	snop  }
0x1d: {  	[tilespmem:s9], [sflag:$0x1] =	stream.indirect_vreg.gather [hbm4b:s3+s2], $0x80, v3, vm0, $0xb8;
	[tilespmem:$0x5080] =	vst v63  }
0x1e: {  	v3 =	vld [tilespmem:$0x10];
	_ =	sdelay $0x4  }
0x1f: {  	v60 =	vshll.u32 v3, $0x1  }
0x20: {  	v3 =	vand.u32 $0x7, v3;
	v4 =	vand.u32 $0xFFFFFFF0, v60  }
0x21: {  	v3 =	vor.u32 v3, v4  }
0x22: {  	v4 =	vperm.xlane v3, v0;
	_ =	sdelay $0x1  }
0x23: {  	v3 =	vperm.xlane v3, v2;
	v4 =	vadd.s32 v1, v4;
	_ =	sdelay $0x1  }
0x24: {  	v3 =	vadd.s32 v1, v3;
	_ =	sdelay $0x2  }
0x25: {  	[tilespmem:s10], [sflag:$0x1] =	stream.indirect_vreg.gather [hbm4b:s3+s2], $0x80, v4, vm0, $0xb8;
	[tilespmem:$0x5080] =	vst v63  }
0x26: {  	_ = 	snop  }
0x27: {  	[tilespmem:s11], [sflag:$0x1] =	stream.indirect_vreg.gather [hbm4b:s3+s2], $0x80, v3, vm0, $0xb8;
	[tilespmem:$0x5080] =	vst v63  }
0x28: {  	v3 =	vld [tilespmem:$0x20];
	_ =	sdelay $0x4  }
0x29: {  	v61 =	vshll.u32 v3, $0x1  }
0x2a: {  	v3 =	vand.u32 $0x7, v3;
	v4 =	vand.u32 $0xFFFFFFF0, v61  }
0x2b: {  	v3 =	vor.u32 v3, v4  }
0x2c: {  	v4 =	vperm.xlane v3, v0;
	_ =	sdelay $0x1  }
0x2d: {  	v3 =	vperm.xlane v3, v2;
	v4 =	vadd.s32 v1, v4;
	_ =	sdelay $0x1  }
0x2e: {  	v3 =	vadd.s32 v1, v3;
	_ =	sdelay $0x2  }
0x2f: {  	[tilespmem:s12], [sflag:$0x1] =	stream.indirect_vreg.gather [hbm4b:s3+s2], $0x80, v4, vm0, $0xb8;
	[tilespmem:$0x5080] =	vst v63  }
0x30: {  	_ = 	snop  }
0x31: {  	[tilespmem:s13], [sflag:$0x1] =	stream.indirect_vreg.gather [hbm4b:s3+s2], $0x80, v3, vm0, $0xb8;
	[tilespmem:$0x5080] =	vst v63  }
0x32: {  	v3 =	vld [tilespmem:$0x30];
	_ =	sdelay $0x4  }
0x33: {  	v62 =	vshll.u32 v3, $0x1  }
0x34: {  	v3 =	vand.u32 $0x7, v3;
	v4 =	vand.u32 $0xFFFFFFF0, v62  }
0x35: {  	v3 =	vor.u32 v3, v4  }
0x36: {  	v4 =	vperm.xlane v3, v0;
	_ =	sdelay $0x1  }
0x37: {  	v3 =	vperm.xlane v3, v2;
	v4 =	vadd.s32 v1, v4;
	_ =	sdelay $0x1  }
0x38: {  	v3 =	vadd.s32 v1, v3;
	_ =	sdelay $0x2  }
0x39: {  	[tilespmem:s14], [sflag:$0x1] =	stream.indirect_vreg.gather [hbm4b:s3+s2], $0x80, v4, vm0, $0xb8;
	[tilespmem:$0x5080] =	vst v63  }
0x3a: {  	_ = 	snop  }
0x3b: {  	[tilespmem:s15], [sflag:$0x1] =	stream.indirect_vreg.gather [hbm4b:s3+s2], $0x80, v3, vm0, $0xb8;
	[tilespmem:$0x5080] =	vst v63  }
0x3c: {  	v3 =	vld [tilespmem:$0x40];
	_ =	sdelay $0x4  }
0x3d: {  	v63 =	vshll.u32 v3, $0x1  }
0x3e: {  	v3 =	vand.u32 $0x7, v3;
	v4 =	vand.u32 $0xFFFFFFF0, v63  }
0x3f: {  	v3 =	vor.u32 v3, v4  }
0x40: {  	v4 =	vperm.xlane v3, v0;
	_ =	sdelay $0x1  }
0x41: {  	v3 =	vperm.xlane v3, v2;
	v4 =	vadd.s32 v1, v4;
	_ =	sdelay $0x1  }
0x42: {  	v3 =	vadd.s32 v1, v3;
	_ =	sdelay $0x2  }
0x43: {  	[tilespmem:s16], [sflag:$0x1] =	stream.indirect_vreg.gather [hbm4b:s3+s2], $0x80, v4, vm0, $0xb8;
	[tilespmem:$0x5080] =	vst v63  }
0x44: {  	_ = 	snop  }
0x45: {  	[tilespmem:s17], [sflag:$0x1] =	stream.indirect_vreg.gather [hbm4b:s3+s2], $0x80, v3, vm0, $0xb8;
	[tilespmem:$0x5080] =	vst v63  }
0x46: {  	_ =	swait.ge [sflag:s18], $0x5000  }
0x47: {  	p0 =	sne.s32 s21, $0x4D8;
	[sflag:s18] =	ssyncset.done $0x0  }
.Ltmp0:
0x48: {  	[sflag:s18] =	ssyncadd.s32 $0xFFFFB000;
	(pc) =	sbr.rel @p0 .LBB2_2-.Ltmp0, $4  }
0x49: {  	[hbm4b:s20+s2] =	stream.linear.scatter [tilespmem:s8], [sflag:$0x2], $0x5000, $0x38;
	[tilespmem:$0x5080] =	vst v63  }
0x4a: {  	_ =	swait.ge [sflag:s7], $0x5000  }
0x4b: {  	[sflag:s7] =	ssyncset.done $0x0  }
0x4c: {  	s21 =	sadd.s32 $0xA, s21;
	s20 =	sadd.s32 $0xA00, s20;
	[sflag:s7] =	ssyncadd.s32 $0xFFFFB000  }
0x4d: {  	s19 =	sadd.s32 $0x1, s19  }
0x4e: {  	p0 =	sne.s32 s19, s4  }
.Ltmp1:
0x4f: {  	_ = 	snop;
	(pc) =	sbr.rel @p0 .LBB2_1-.Ltmp1, $1  }
0x50: {  	_ =	sdelay $0x3  }
0x51: {  	_ =	sfence.sel $0x180000  }
0x52: {  	[bflag:$0x0] =	sbarrier.arrive $0xFFFF  }
0x53: {  	p0 =	sne.s32 s1, $0x0;
	_ =	strace $0x90000056  }
0x54: {  	s0 =	sadd.s32 @!p0 $0x100000, s0;
	[bflag:$0x2] =	sbarrier.arrive $0xFFFF  }
0x55: {  	[sflag:s0] =	ssyncadd.tile.s32 @!p0 $0x1;
	_ =	shalt  }
.Lfunc_end2:
_tile_overlayer_lowered:
.L_overlay_start_2:
0x56: {  	(tag) =	ssettag $0x2  }
0x57: {  	s0 =	rddreg [dreg:$0x0];
	s2 =	stileid.u32  }
0x58: {  	s1 =	rddreg [dreg:$0x1];
	p0 =	sne.s32 s2, $0x0  }
0x59: {  	s3 =	rddreg [dreg:$0x2];
	[bflag:$0x3] =	sbarrier.arrive $0xFFFF;
	s2 =	simm.s32 @!p0 $0x1C02  }
0x5a: {  	[timem:s3], [sflag:s2] =	dma.local @!p0 [hbm:s0], s1  }
0x5b: {  	s0 =	simm.s32 @!p0 $0x2  }
0x5c: {  	_ =	swait.ge @!p0 [sflag:s0], s1  }
0x5d: {  	s1 =	ssub.s32 @!p0 $0x0, s1;
	[sflag:s0] =	ssyncset.done @!p0 $0x0  }
0x5e: {  	[sflag:s0] =	ssyncadd.s32 @!p0 s1  }
0x5f: {  	[bflag:$0x3] =	sbarrier.arrive $0xFFFF  }
0x60: {  	_ =	shalt  }

// kernel: kernel.39.cloned.1.call-start
scs
__scs_entry_jumppad:
0x0: {  	(pc) =	sbr.rel $0x88, $3  }
0x1: {  	(tag) =	ssettag $0x0;
	lr =	simm.s32 $0x1  }
0x2: {  	[smem:$0x3F93] =	sst lr;
	_ =	strace $0xD0000000  }
0x3: {  	_ = 	snop  }
0x4: {  	_ = 	snop  }
0x5: {  	_ = 	snop  }
0x6: {  	_ = 	snop  }
0x7: {  	_ = 	snop  }
__scs_overlays_trampoline_lowered:
0x8: {  	[smem:$0x3FA2] =	sst s0  }
0x9: {  	[smem:$0x3FA3] =	sst s1  }
0xa: {  	[smem:$0x3FA4] =	sst s2  }
0xb: {  	[smem:$0x3FA5] =	sst s3  }
0xc: {  	[smem:$0x3FA6] =	sst s4  }
0xd: {  	[smem:$0x3FA7] =	sst s5  }
0xe: {  	[smem:$0x3FA8] =	sst s6  }
0xf: {  	[smem:$0x3FA9] =	sst s7  }
0x10: {  	[smem:$0x3FAA] =	sst s8  }
0x11: {  	[smem:$0x3FAB] =	sst s9;
	s0 =	simm.s32 @!p0 $0x0  }
0x12: {  	s1 =	sld [smem:$0x3F91];
	s0 =	simm.s32 @p0 $0x1  }
0x13: {  	[smem:$0x3FAC] =	sst s0;
	s0 =	simm.s32 @!p1 $0x0  }
0x14: {  	s2 =	sld [smem:$0x3F90];
	s0 =	simm.s32 @p1 $0x1  }
0x15: {  	[smem:$0x3FAD] =	sst s0;
	s0 =	simm.s32 @!p2 $0x0  }
0x16: {  	s3 =	sld [smem:$0x3FDB];
	s0 =	simm.s32 @p2 $0x1  }
0x17: {  	s4 =	simm.s32 $0x1BF5;
	[smem:$0x3FAF] =	sst s0  }
0x18: {  	s0 =	sld [smem:$0x3F92];
	_ =	swait.ge [sflag:s4], $0x0  }
0x19: {  	s7 =	sld [smem:$0x3F93]  }
0x1a: {  	s8 =	sadd.s32 $0xFFFFE003, lr  }
0x1b: {  	s9 =	sadd.s32 $0xFFFFFEF7, lr;
	s5 =	simm.s32 $0xFFFFFFFF;
	p2 =	slt.u32 s8, $0xFFFFF086  }
0x1c: {  	p1 =	slt.u32 s9, $0xF7A;
	s5 =	simm.s32 @!p2 $0x0  }
0x1d: {  	s5 =	simm.s32 @p1 $0x1;
	p0 =	seq.s32 s7, s2  }
0x1e: {  	s7 =	smul.u32 @!p0 $0xF7A, s2;
	p2 =	seq.s32 @!p0 s5, $0x0  }
0x1f: {  	s9 =	smul.u32 $0xF7A, s1;
	s8 =	simm.s32 @!p0 $0x1BF5;
	p2 =	por !p2, p0  }
0x20: {  	[sflag:s8] =	ssyncset.s32 @!p0 $0xFFFFF086;
	s6 =	sadd.s32 @!p0 s3, s7;
	s7 =	simm.s32 @!p0 $0x108  }
0x21: {  	s3 =	sadd.s32 s3, s9;
	s6 =	sadd.s32 @!p0 $0x88, s6;
	s7 =	simm.s32 @p2 $0x1082  }
0x22: {  	[simem:s7], [sflag:s8] =	dma.local @!p0 [hbm:s6], $0xF7A  }
0x23: {  	s9 =	sor.u32 $0xD0000000, s2;
	s6 =	simm.s32 $0x108;
	_ =	swait.ge @!p0 [sflag:s8], $0x0  }
0x24: {  	s3 =	sadd.s32 $0x88, s3;
	s6 =	simm.s32 @!p1 $0x1082;
	[sflag:s4] =	ssyncset.s32 $0xFFFFF086  }
0x25: {  	[simem:s6], [sflag:s4] =	dma.local [hbm:s3], $0xF7A  }
0x26: {  	[smem:$0x3F93] =	sst s1;
	(tag) =	ssettag s2;
	_ =	strace s9  }
0x27: {  	s1 =	sld [smem:$0x3FA3]  }
0x28: {  	s2 =	sld [smem:$0x3FA4]  }
0x29: {  	s4 =	sld [smem:$0x3FA6]  }
0x2a: {  	p0 =	seq.s32 s5, $0x0;
	s5 =	sld [smem:$0x3FA7]  }
0x2b: {  	s6 =	sld [smem:$0x3FA8]  }
0x2c: {  	s7 =	sld [smem:$0x3FA9]  }
0x2d: {  	s3 =	simm.s32 $0x108;
	s8 =	sld [smem:$0x3FAA]  }
0x2e: {  	s3 =	simm.s32 @!p0 $0x1082;
	s9 =	sld [smem:$0x3FAB]  }
0x2f: {  	lr =	sadd.s32 s0, s3;
	s0 =	sld [smem:$0x3FA2]  }
0x30: {  	s3 =	sld [smem:$0x3FA5]  }
0x31: {  	[smem:$0x3FAE] =	sst s10  }
0x32: {  	s10 =	sld [smem:$0x3FAC];
	_ =	sdelay $0x3  }
0x33: {  	p0 =	seq.s32 s10, $0x1;
	s10 =	sld [smem:$0x3FAE];
	_ =	sdelay $0x3  }
0x34: {  	[smem:$0x3FAE] =	sst s10  }
0x35: {  	s10 =	sld [smem:$0x3FAD];
	_ =	sdelay $0x3  }
0x36: {  	p1 =	seq.s32 s10, $0x1;
	s10 =	sld [smem:$0x3FAE];
	_ =	sdelay $0x3  }
0x37: {  	[smem:$0x3FAE] =	sst s10  }
0x38: {  	s10 =	sld [smem:$0x3FAF]  }
0x39: {  	_ = 	snop;
	(pc) =	sbr.ind lr, $3  }
0x3a: {  	_ = 	snop  }
0x3b: {  	_ = 	snop  }
0x3c: {  	p2 =	seq.s32 s10, $0x1;
	s10 =	sld [smem:$0x3FAE]  }
0x3d: {  	_ =	shalt  }
0x3e: {  	_ =	shalt  }
0x3f: {  	_ =	shalt  }
0x40: {  	_ =	shalt  }
0x41: {  	_ =	shalt  }
0x42: {  	_ =	shalt  }
0x43: {  	_ =	shalt  }
0x44: {  	_ =	shalt  }
0x45: {  	_ =	shalt  }
0x46: {  	_ =	shalt  }
0x47: {  	_ =	shalt  }
0x48: {  	_ =	shalt  }
0x49: {  	_ =	shalt  }
0x4a: {  	_ =	shalt  }
0x4b: {  	_ =	shalt  }
0x4c: {  	_ =	shalt  }
0x4d: {  	_ =	shalt  }
0x4e: {  	_ =	shalt  }
0x4f: {  	_ =	shalt  }
0x50: {  	_ =	shalt  }
0x51: {  	_ =	shalt  }
0x52: {  	_ =	shalt  }
0x53: {  	_ =	shalt  }
0x54: {  	_ =	shalt  }
0x55: {  	_ =	shalt  }
0x56: {  	_ =	shalt  }
0x57: {  	_ =	shalt  }
0x58: {  	_ =	shalt  }
0x59: {  	_ =	shalt  }
0x5a: {  	_ =	shalt  }
0x5b: {  	_ =	shalt  }
0x5c: {  	_ =	shalt  }
0x5d: {  	_ =	shalt  }
0x5e: {  	_ =	shalt  }
0x5f: {  	_ =	shalt  }
0x60: {  	_ =	shalt  }
0x61: {  	_ =	shalt  }
0x62: {  	_ =	shalt  }
0x63: {  	_ =	shalt  }
0x64: {  	_ =	shalt  }
0x65: {  	_ =	shalt  }
0x66: {  	_ =	shalt  }
0x67: {  	_ =	shalt  }
0x68: {  	_ =	shalt  }
0x69: {  	_ =	shalt  }
0x6a: {  	_ =	shalt  }
0x6b: {  	_ =	shalt  }
0x6c: {  	_ =	shalt  }
0x6d: {  	_ =	shalt  }
0x6e: {  	_ =	shalt  }
0x6f: {  	_ =	shalt  }
0x70: {  	_ =	shalt  }
0x71: {  	_ =	shalt  }
0x72: {  	_ =	shalt  }
0x73: {  	_ =	shalt  }
0x74: {  	_ =	shalt  }
0x75: {  	_ =	shalt  }
0x76: {  	_ =	shalt  }
0x77: {  	_ =	shalt  }
0x78: {  	_ =	shalt  }
0x79: {  	_ =	shalt  }
0x7a: {  	_ =	shalt  }
0x7b: {  	_ =	shalt  }
0x7c: {  	_ =	shalt  }
0x7d: {  	_ =	shalt  }
0x7e: {  	_ =	shalt  }
0x7f: {  	_ =	shalt  }
0x80: {  	_ =	shalt  }
0x81: {  	_ =	shalt  }
0x82: {  	_ =	shalt  }
0x83: {  	_ =	shalt  }
0x84: {  	_ =	shalt  }
0x85: {  	_ =	shalt  }
0x86: {  	_ =	shalt  }
0x87: {  	_ =	shalt  }
.Lfunc_end0:
.L_simem_size_0:
called_computation.5_lowered:
.L_overlay_start_0:
0x88: {  	s2 =	sld [smem:$0x3FD9]  }
0x89: {  	s3 =	sld [smem:$0x3FFE];
	_ =	sdelay $0x1  }
0x8a: {  	s1 =	srdreg.scid  }
0x8b: {  	s0 =	sand.u32 $0x1, s1  }
0x8c: {  	s17 =	sshll.u32 s0, $0xA;
	s2 =	sadd.s32 s3, s2  }
0x8d: {  	s2 =	sadd.s32 s2, s17  }
0x8e: {  	[smem:$0x3FBA] =	sst s2  }
0x8f: {  	_ = 	snop  }
0x90: {  	s2 =	sld [smem:$0x3FD0];
	(tm) =	ssettm $0x1  }
0x91: {  	s18 =	sld [smem:$0x3FFB];
	_ =	sdelay $0x3  }
0x92: {  	_ =	strace s18  }
0x93: {  	s3 =	sld [smem:$0x3FFC];
	_ =	sdelay $0x3  }
0x94: {  	_ =	strace s3  }
0x95: {  	s3 =	sld [smem:$0x3FFD];
	_ =	sdelay $0x3  }
0x96: {  	_ =	strace s3  }
0x97: {  	_ =	strace $0x8FFFFFFF  }
0x98: {  	s19 =	sld [smem:$0x3FDB];
	_ =	sdelay $0x1  }
0x99: {  	s4 =	simm.s32 $_scs_section_size  }
0x9a: {  	s5 =	simm.s32 $_size__tile_overlayer_lowered;
	s6 =	simm.s32 $_tile_overlayer_lowered  }
0x9b: {  	s22 =	simm.s32 $0x1BFF;
	s21 =	sshll.u32 s6, $0x1;
	s3 =	sadd.s32 s4, s19  }
0x9c: {  	s7 =	simm.s32 $0x0;
	s20 =	sshll.u32 s5, $0x1;
	s5 =	sadd.s32 s21, s3  }
0x9d: {  	[timem:s7], [sflag:s22] =	dma.local [hbm:s5], s20  }
0x9e: {  	_ =	swait.ge [sflag:s22], s20  }
0x9f: {  	s4 =	ssub.s32 $0x0, s20;
	[sflag:s22] =	ssyncset.done $0x0  }
0xa0: {  	[sflag:s22] =	ssyncadd.s32 s4;
	_ =	sdelay $0x1  }
0xa1: {  	s23 =	simm.s32 $0x1B8B  }
0xa2: {  	_ =	swait.ge [sflag:s23], $0x1  }
0xa3: {  	[sflag:s23] =	ssyncset.done $0x0  }
0xa4: {  	s25 =	simm.s32 $0x1B8E;
	s24 =	sld [smem:$0x3FFE];
	[sflag:s23] =	ssyncadd.s32 $0xFFFFFFFF  }
0xa5: {  	s26 =	simm.s32 $execute0_lowered;
	[smem:$0x3FD2] =	sst s25  }
0xa6: {  	s5 =	sshll.u32 s26, $0x1;
	_ =	strace $0x80000052;
	[dreg:$0x1] =	wrdreg $0xFFFFFFFF  }
0xa7: {  	s28 =	simm.s32 $_size_execute0_lowered;
	s3 =	sadd.s32 s3, s5;
	[dreg:$0x0] =	wrdreg $0x0  }
0xa8: {  	s5 =	sshll.u32 s28, $0x1;
	[dreg:$0x2] =	wrdreg s3  }
0xa9: {  	[dreg:$0x3] =	wrdreg s5  }
0xaa: {  	[dreg:$0x4] =	wrdreg $0xC0  }
0xab: {  	_ =	task [dreg:s7], $0x5FFFF  }
0xac: {  	[dreg:$0x1] =	wrdreg $0xFFFFFFFF  }
0xad: {  	[dreg:$0x0] =	wrdreg $0x60  }
0xae: {  	[dreg:$0x2] =	wrdreg s24  }
0xaf: {  	[dreg:$0x3] =	wrdreg s2  }
0xb0: {  	[dreg:$0x4] =	wrdreg $0xA  }
0xb1: {  	_ =	task.clear_ibuf [dreg:s7], $0x5FFFF;
	_ =	strace $0x90000052  }
0xb2: {  	s29 =	simm.s32 $0xA;
	_ =	strace $0x80000054  }
0xb3: {  	_ =	swait.ge [sflag:s29], $0x1  }
0xb4: {  	[sflag:s29] =	ssyncadd.s32 $0xFFFFFFFF  }
0xb5: {  	_ =	strace $0x90000054  }
0xb6: {  	_ =	sfence  }
0xb7: {  	s30 =	sld [smem:$0x0];
	_ =	sdelay $0x2  }
0xb8: {  	s31 =	sshll.u32 s1, $0xD;
	s1 =	sshrl.u32 s1, $0x2  }
0xb9: {  	s3 =	sand.u32 $0x4000, s31;
	s1 =	sadd.s32 s1, s30  }
0xba: {  	s0 =	sor.u32 s3, s0;
	s1 =	sshll.u32 s1, $0x11  }
0xbb: {  	s0 =	sor.u32 s1, s0  }
0xbc: {  	s0 =	sadd.s32 $0x8F2B, s0  }
0xbd: {  	[sflag:s0] =	ssyncadd.remote.s32 $0x1  }
0xbe: {  	_ =	sfence.sel $0xFFFF  }
0xbf: {  	[dreg:$0x0] =	wrdreg $0xFFFFFFFF;
	(pc) =	sbr.abs _section_cstart, $3  }
0xc0: {  	[dreg:$0x1] =	wrdreg $0xFFFFFFFF  }
0xc1: {  	_ =	task.clear_ibuf [dreg:s7], $0x2FFFF;
	_ =	strace $0x9FFFFFFF  }
0xc2: {  	(tm) =	ssettm $0x7FFFFFFF  }
0xc3: {  	_ =	shalt  }
tec
execute0_lowered:
.L_overlay_start_1:
0x0: {  	(tag) =	ssettag $0x1  }
0x1: {  	s4 =	rddreg [dreg:$0x0]  }
0x2: {  	s0 =	stileid.u32;
	s1 =	srdreg.scid  }
0x3: {  	s6 =	rddreg [dreg:$0x1];
	s5 =	smul.u32 $0x4E200, s0  }
0x4: {  	s2 =	simm.s32 $0x0;
	s3 =	sand.u32 $0x1, s1;
	s8 =	smul.u32 $0x4E20, s0  }
0x5: {  	s11 =	simm.s32 $0x0;
	s1 =	rddreg [dreg:$0x2];
	s7 =	smul.u32 $0x27100, s3  }
0x6: {  	[smem:$0x7FF] =	sst s2;
	s9 =	ssub.s32 $0x2, s3;
	s10 =	smul.u32 $0x2710, s3  }
0x7: {  	s3 =	sadd.s32 $0x61800, s4;
	s4 =	sadd.s32 s5, s4;
	s30 =	sshrl.u32 s9, $0x1  }
0x8: {  	_ =	strace $0x80000053;
	s5 =	ssub.s32 s9, s30;
	s7 =	sadd.s32 s7, s4  }
0x9: {  	s8 =	sadd.s32 s10, s8;
	s9 =	simm.s32 $0x80;
	s10 =	simm.s32 $0x1  }
0xa: {  	s4 =	smax.u32 s5, $0x1;
	s5 =	sadd.s32 $0xD6C00, s7;
	s31 =	sshrl.u32 s8, $0x3  }
0xb: {  	s7 =	simm.s32 $0x2;
	s8 =	simm.s32 $0x50;
	s6 =	sadd.s32 s31, s6  }
.LBB2_1:
0xc: {  	s12 =	sadd.s32 $0x0, s6  }
0xd: {  	[tilespmem:s2], [sflag:$0x2] =	stream.linear.gather [hbm4b:s12+s2], $0x50, $0x38;
	[tilespmem:$0x2880] =	vst v63  }
0xe: {  	_ =	swait.ge [sflag:s7], $0x50  }
0xf: {  	[sflag:s7] =	ssyncset.done $0x0  }
0x10: {  	[sflag:s7] =	ssyncadd.s32 $0xFFFFFFB0  }
0x11: {  	[tilespmem:s9], [sflag:$0x1] =	stream.indirect.gather [hbm4b:s3+s8], $0x80, s2, s8, $0xb8;
	[tilespmem:$0x2880] =	vst v63  }
0x12: {  	_ =	swait.ge [sflag:s10], $0x2800  }
0x13: {  	[sflag:s10] =	ssyncset.done $0x0  }
0x14: {  	[sflag:s10] =	ssyncadd.s32 $0xFFFFD800  }
0x15: {  	[hbm4b:s5+s2] =	stream.linear.scatter [tilespmem:s9], [sflag:$0x2], $0x2800, $0x38;
	[tilespmem:$0x2880] =	vst v63  }
0x16: {  	s13 =	simm.s32 $0xA;
	_ =	swait.ge [sflag:s7], $0x2800  }
0x17: {  	s14 =	simm.s32 $0x14;
	s12 =	sadd.s32 $0x500, s5;
	[sflag:s7] =	ssyncset.done $0x0  }
.LBB2_2:
0x18: {  	s15 =	sadd.s32 s13, s6  }
0x19: {  	[sflag:s7] =	ssyncadd.s32 $0xFFFFD800;
	s13 =	smov.u32 s14;
	s16 =	sadd.s32 $0xA, s14  }
0x1a: {  	[tilespmem:s2], [sflag:$0x2] =	stream.linear.gather [hbm4b:s15+s2], $0x50, $0x38;
	[tilespmem:$0x2880] =	vst v63  }
0x1b: {  	p0 =	sne.s32 s14, $0x4D8;
	_ =	swait.ge [sflag:s7], $0x50  }
0x1c: {  	[sflag:s7] =	ssyncset.done $0x0  }
0x1d: {  	[sflag:s7] =	ssyncadd.s32 $0xFFFFFFB0  }
0x1e: {  	[tilespmem:s9], [sflag:$0x1] =	stream.indirect.gather [hbm4b:s3+s8], $0x80, s2, s8, $0xb8;
	[tilespmem:$0x2880] =	vst v63  }
0x1f: {  	_ =	swait.ge [sflag:s10], $0x2800  }
.Ltmp0:
0x20: {  	[sflag:s10] =	ssyncset.done $0x0;
	(pc) =	sbr.rel @p0 .LBB2_2-.Ltmp0, $4  }
0x21: {  	[sflag:s10] =	ssyncadd.s32 $0xFFFFD800  }
0x22: {  	[hbm4b:s12+s2] =	stream.linear.scatter [tilespmem:s9], [sflag:$0x2], $0x2800, $0x38;
	[tilespmem:$0x2880] =	vst v63  }
0x23: {  	_ =	swait.ge [sflag:s7], $0x2800  }
0x24: {  	s14 =	smov.u32 s16;
	s12 =	sadd.s32 $0x500, s12;
	[sflag:s7] =	ssyncset.done $0x0  }
0x25: {  	s13 =	sadd.s32 s13, s6;
	[sflag:s7] =	ssyncadd.s32 $0xFFFFD800  }
0x26: {  	[tilespmem:s2], [sflag:$0x2] =	stream.linear.gather [hbm4b:s13+s2], $0x50, $0x38;
	[tilespmem:$0x2880] =	vst v63  }
0x27: {  	_ =	swait.ge [sflag:s7], $0x50  }
0x28: {  	[sflag:s7] =	ssyncset.done $0x0  }
0x29: {  	[sflag:s7] =	ssyncadd.s32 $0xFFFFFFB0  }
0x2a: {  	[tilespmem:s9], [sflag:$0x1] =	stream.indirect.gather [hbm4b:s3+s8], $0x80, s2, s8, $0xb8;
	[tilespmem:$0x2880] =	vst v63  }
0x2b: {  	s11 =	sadd.s32 $0x1, s11;
	_ =	swait.ge [sflag:s10], $0x2800  }
0x2c: {  	p0 =	sne.s32 s11, s4;
	[sflag:s10] =	ssyncset.done $0x0  }
.Ltmp1:
0x2d: {  	[sflag:s10] =	ssyncadd.s32 $0xFFFFD800;
	(pc) =	sbr.rel @p0 .LBB2_1-.Ltmp1, $4  }
0x2e: {  	[hbm4b:s12+s2] =	stream.linear.scatter [tilespmem:s9], [sflag:$0x2], $0x2800, $0x38;
	[tilespmem:$0x2880] =	vst v63  }
0x2f: {  	_ =	swait.ge [sflag:s7], $0x2800  }
0x30: {  	[sflag:s7] =	ssyncset.done $0x0  }
0x31: {  	[sflag:s7] =	ssyncadd.s32 $0xFFFFD800  }
0x32: {  	_ =	sfence.sel $0x180000  }
0x33: {  	[bflag:$0x0] =	sbarrier.arrive $0xFFFF  }
0x34: {  	p0 =	sne.s32 s0, $0x0;
	_ =	strace $0x90000053  }
0x35: {  	s0 =	sadd.s32 @!p0 $0x100000, s1;
	[bflag:$0x2] =	sbarrier.arrive $0xFFFF  }
0x36: {  	[sflag:s0] =	ssyncadd.tile.s32 @!p0 $0x1;
	_ =	shalt  }
.Lfunc_end2:
_tile_overlayer_lowered:
.L_overlay_start_2:
0x37: {  	(tag) =	ssettag $0x2  }
0x38: {  	s0 =	rddreg [dreg:$0x0];
	s2 =	stileid.u32  }
0x39: {  	s1 =	rddreg [dreg:$0x1];
	p0 =	sne.s32 s2, $0x0  }
0x3a: {  	s3 =	rddreg [dreg:$0x2];
	[bflag:$0x3] =	sbarrier.arrive $0xFFFF;
	s2 =	simm.s32 @!p0 $0x1C02  }
0x3b: {  	[timem:s3], [sflag:s2] =	dma.local @!p0 [hbm:s0], s1  }
0x3c: {  	s0 =	simm.s32 @!p0 $0x2  }
0x3d: {  	_ =	swait.ge @!p0 [sflag:s0], s1  }
0x3e: {  	s1 =	ssub.s32 @!p0 $0x0, s1;
	[sflag:s0] =	ssyncset.done @!p0 $0x0  }
0x3f: {  	[sflag:s0] =	ssyncadd.s32 @!p0 s1  }
0x40: {  	[bflag:$0x3] =	sbarrier.arrive $0xFFFF  }
0x41: {  	_ =	shalt  }

// kernel: kernel.42.cloned.1.call-start
scs
__scs_entry_jumppad:
0x0: {  	(pc) =	sbr.rel $0x88, $3  }
0x1: {  	(tag) =	ssettag $0x0;
	lr =	simm.s32 $0x1  }
0x2: {  	[smem:$0x3F93] =	sst lr;
	_ =	strace $0xD0000000  }
0x3: {  	_ = 	snop  }
0x4: {  	_ = 	snop  }
0x5: {  	_ = 	snop  }
0x6: {  	_ = 	snop  }
0x7: {  	_ = 	snop  }
__scs_overlays_trampoline_lowered:
0x8: {  	[smem:$0x3FA2] =	sst s0  }
0x9: {  	[smem:$0x3FA3] =	sst s1  }
0xa: {  	[smem:$0x3FA4] =	sst s2  }
0xb: {  	[smem:$0x3FA5] =	sst s3  }
0xc: {  	[smem:$0x3FA6] =	sst s4  }
0xd: {  	[smem:$0x3FA7] =	sst s5  }
0xe: {  	[smem:$0x3FA8] =	sst s6  }
0xf: {  	[smem:$0x3FA9] =	sst s7  }
0x10: {  	[smem:$0x3FAA] =	sst s8  }
0x11: {  	[smem:$0x3FAB] =	sst s9;
	s0 =	simm.s32 @!p0 $0x0  }
0x12: {  	s1 =	sld [smem:$0x3F91];
	s0 =	simm.s32 @p0 $0x1  }
0x13: {  	[smem:$0x3FAC] =	sst s0;
	s0 =	simm.s32 @!p1 $0x0  }
0x14: {  	s2 =	sld [smem:$0x3F90];
	s0 =	simm.s32 @p1 $0x1  }
0x15: {  	[smem:$0x3FAD] =	sst s0;
	s0 =	simm.s32 @!p2 $0x0  }
0x16: {  	s3 =	sld [smem:$0x3FDB];
	s0 =	simm.s32 @p2 $0x1  }
0x17: {  	s4 =	simm.s32 $0x1BF5;
	[smem:$0x3FAF] =	sst s0  }
0x18: {  	s0 =	sld [smem:$0x3F92];
	_ =	swait.ge [sflag:s4], $0x0  }
0x19: {  	s7 =	sld [smem:$0x3F93]  }
0x1a: {  	s8 =	sadd.s32 $0xFFFFE003, lr  }
0x1b: {  	s9 =	sadd.s32 $0xFFFFFEF7, lr;
	s5 =	simm.s32 $0xFFFFFFFF;
	p2 =	slt.u32 s8, $0xFFFFF086  }
0x1c: {  	p1 =	slt.u32 s9, $0xF7A;
	s5 =	simm.s32 @!p2 $0x0  }
0x1d: {  	s5 =	simm.s32 @p1 $0x1;
	p0 =	seq.s32 s7, s2  }
0x1e: {  	s7 =	smul.u32 @!p0 $0xF7A, s2;
	p2 =	seq.s32 @!p0 s5, $0x0  }
0x1f: {  	s9 =	smul.u32 $0xF7A, s1;
	s8 =	simm.s32 @!p0 $0x1BF5;
	p2 =	por !p2, p0  }
0x20: {  	[sflag:s8] =	ssyncset.s32 @!p0 $0xFFFFF086;
	s6 =	sadd.s32 @!p0 s3, s7;
	s7 =	simm.s32 @!p0 $0x108  }
0x21: {  	s3 =	sadd.s32 s3, s9;
	s6 =	sadd.s32 @!p0 $0x88, s6;
	s7 =	simm.s32 @p2 $0x1082  }
0x22: {  	[simem:s7], [sflag:s8] =	dma.local @!p0 [hbm:s6], $0xF7A  }
0x23: {  	s9 =	sor.u32 $0xD0000000, s2;
	s6 =	simm.s32 $0x108;
	_ =	swait.ge @!p0 [sflag:s8], $0x0  }
0x24: {  	s3 =	sadd.s32 $0x88, s3;
	s6 =	simm.s32 @!p1 $0x1082;
	[sflag:s4] =	ssyncset.s32 $0xFFFFF086  }
0x25: {  	[simem:s6], [sflag:s4] =	dma.local [hbm:s3], $0xF7A  }
0x26: {  	[smem:$0x3F93] =	sst s1;
	(tag) =	ssettag s2;
	_ =	strace s9  }
0x27: {  	s1 =	sld [smem:$0x3FA3]  }
0x28: {  	s2 =	sld [smem:$0x3FA4]  }
0x29: {  	s4 =	sld [smem:$0x3FA6]  }
0x2a: {  	p0 =	seq.s32 s5, $0x0;
	s5 =	sld [smem:$0x3FA7]  }
0x2b: {  	s6 =	sld [smem:$0x3FA8]  }
0x2c: {  	s7 =	sld [smem:$0x3FA9]  }
0x2d: {  	s3 =	simm.s32 $0x108;
	s8 =	sld [smem:$0x3FAA]  }
0x2e: {  	s3 =	simm.s32 @!p0 $0x1082;
	s9 =	sld [smem:$0x3FAB]  }
0x2f: {  	lr =	sadd.s32 s0, s3;
	s0 =	sld [smem:$0x3FA2]  }
0x30: {  	s3 =	sld [smem:$0x3FA5]  }
0x31: {  	[smem:$0x3FAE] =	sst s10  }
0x32: {  	s10 =	sld [smem:$0x3FAC];
	_ =	sdelay $0x3  }
0x33: {  	p0 =	seq.s32 s10, $0x1;
	s10 =	sld [smem:$0x3FAE];
	_ =	sdelay $0x3  }
0x34: {  	[smem:$0x3FAE] =	sst s10  }
0x35: {  	s10 =	sld [smem:$0x3FAD];
	_ =	sdelay $0x3  }
0x36: {  	p1 =	seq.s32 s10, $0x1;
	s10 =	sld [smem:$0x3FAE];
	_ =	sdelay $0x3  }
0x37: {  	[smem:$0x3FAE] =	sst s10  }
0x38: {  	s10 =	sld [smem:$0x3FAF]  }
0x39: {  	_ = 	snop;
	(pc) =	sbr.ind lr, $3  }
0x3a: {  	_ = 	snop  }
0x3b: {  	_ = 	snop  }
0x3c: {  	p2 =	seq.s32 s10, $0x1;
	s10 =	sld [smem:$0x3FAE]  }
0x3d: {  	_ =	shalt  }
0x3e: {  	_ =	shalt  }
0x3f: {  	_ =	shalt  }
0x40: {  	_ =	shalt  }
0x41: {  	_ =	shalt  }
0x42: {  	_ =	shalt  }
0x43: {  	_ =	shalt  }
0x44: {  	_ =	shalt  }
0x45: {  	_ =	shalt  }
0x46: {  	_ =	shalt  }
0x47: {  	_ =	shalt  }
0x48: {  	_ =	shalt  }
0x49: {  	_ =	shalt  }
0x4a: {  	_ =	shalt  }
0x4b: {  	_ =	shalt  }
0x4c: {  	_ =	shalt  }
0x4d: {  	_ =	shalt  }
0x4e: {  	_ =	shalt  }
0x4f: {  	_ =	shalt  }
0x50: {  	_ =	shalt  }
0x51: {  	_ =	shalt  }
0x52: {  	_ =	shalt  }
0x53: {  	_ =	shalt  }
0x54: {  	_ =	shalt  }
0x55: {  	_ =	shalt  }
0x56: {  	_ =	shalt  }
0x57: {  	_ =	shalt  }
0x58: {  	_ =	shalt  }
0x59: {  	_ =	shalt  }
0x5a: {  	_ =	shalt  }
0x5b: {  	_ =	shalt  }
0x5c: {  	_ =	shalt  }
0x5d: {  	_ =	shalt  }
0x5e: {  	_ =	shalt  }
0x5f: {  	_ =	shalt  }
0x60: {  	_ =	shalt  }
0x61: {  	_ =	shalt  }
0x62: {  	_ =	shalt  }
0x63: {  	_ =	shalt  }
0x64: {  	_ =	shalt  }
0x65: {  	_ =	shalt  }
0x66: {  	_ =	shalt  }
0x67: {  	_ =	shalt  }
0x68: {  	_ =	shalt  }
0x69: {  	_ =	shalt  }
0x6a: {  	_ =	shalt  }
0x6b: {  	_ =	shalt  }
0x6c: {  	_ =	shalt  }
0x6d: {  	_ =	shalt  }
0x6e: {  	_ =	shalt  }
0x6f: {  	_ =	shalt  }
0x70: {  	_ =	shalt  }
0x71: {  	_ =	shalt  }
0x72: {  	_ =	shalt  }
0x73: {  	_ =	shalt  }
0x74: {  	_ =	shalt  }
0x75: {  	_ =	shalt  }
0x76: {  	_ =	shalt  }
0x77: {  	_ =	shalt  }
0x78: {  	_ =	shalt  }
0x79: {  	_ =	shalt  }
0x7a: {  	_ =	shalt  }
0x7b: {  	_ =	shalt  }
0x7c: {  	_ =	shalt  }
0x7d: {  	_ =	shalt  }
0x7e: {  	_ =	shalt  }
0x7f: {  	_ =	shalt  }
0x80: {  	_ =	shalt  }
0x81: {  	_ =	shalt  }
0x82: {  	_ =	shalt  }
0x83: {  	_ =	shalt  }
0x84: {  	_ =	shalt  }
0x85: {  	_ =	shalt  }
0x86: {  	_ =	shalt  }
0x87: {  	_ =	shalt  }
.Lfunc_end0:
.L_simem_size_0:
called_computation.6_lowered:
.L_overlay_start_0:
0x88: {  	s2 =	sld [smem:$0x3FD9]  }
0x89: {  	s3 =	sld [smem:$0x3FFE];
	_ =	sdelay $0x1  }
0x8a: {  	s1 =	srdreg.scid  }
0x8b: {  	s0 =	sand.u32 $0x1, s1  }
0x8c: {  	s17 =	sshll.u32 s0, $0xA;
	s2 =	sadd.s32 s3, s2  }
0x8d: {  	s2 =	sadd.s32 s2, s17  }
0x8e: {  	[smem:$0x3FBA] =	sst s2  }
0x8f: {  	_ = 	snop  }
0x90: {  	s18 =	sld [smem:$0x3FD0];
	(tm) =	ssettm $0x1  }
0x91: {  	s19 =	sld [smem:$0x3FFB];
	_ =	sdelay $0x3  }
0x92: {  	_ =	strace s19  }
0x93: {  	s2 =	sld [smem:$0x3FFC];
	_ =	sdelay $0x3  }
0x94: {  	_ =	strace s2  }
0x95: {  	s2 =	sld [smem:$0x3FFD];
	_ =	sdelay $0x3  }
0x96: {  	_ =	strace s2  }
0x97: {  	_ =	strace $0x8FFFFFFF  }
0x98: {  	s20 =	sld [smem:$0x3FDB];
	_ =	sdelay $0x1  }
0x99: {  	s4 =	simm.s32 $_scs_section_size  }
0x9a: {  	s5 =	simm.s32 $_size__tile_overlayer_lowered;
	s6 =	simm.s32 $_tile_overlayer_lowered  }
0x9b: {  	s7 =	simm.s32 $0x1BFF;
	s21 =	sshll.u32 s6, $0x1;
	s4 =	sadd.s32 s4, s20  }
0x9c: {  	s22 =	simm.s32 $0x0;
	s5 =	sshll.u32 s5, $0x1;
	s6 =	sadd.s32 s21, s4  }
0x9d: {  	[timem:s22], [sflag:s7] =	dma.local [hbm:s6], s5  }
0x9e: {  	_ =	swait.ge [sflag:s7], s5  }
0x9f: {  	s5 =	ssub.s32 $0x0, s5;
	[sflag:s7] =	ssyncset.done $0x0  }
0xa0: {  	[sflag:s7] =	ssyncadd.s32 s5;
	_ =	sdelay $0x1  }
0xa1: {  	s23 =	simm.s32 $0x1B8B  }
0xa2: {  	_ =	swait.ge [sflag:s23], $0x1  }
0xa3: {  	[sflag:s23] =	ssyncset.done $0x0  }
0xa4: {  	[sflag:s23] =	ssyncadd.s32 $0xFFFFFFFF  }
0xa5: {  	s5 =	sld [smem:$0x0]  }
0xa6: {  	s6 =	sand.u32 $0xFFFFFFFE, s1  }
0xa7: {  	p0 =	sne.s32 s1, s6  }
0xa8: {  	s6 =	sshll.u32 @p0 s6, $0xE  }
0xa9: {  	s6 =	sadd.s32 @p0 $0x11B8D, s6;
	s7 =	sshll.u32 @p0 s5, $0x11  }
0xaa: {  	s6 =	sor.u32 @p0 s7, s6  }
0xab: {  	[sflag:s6] =	ssyncadd.remote.s32 @p0 $0x1;
	_ =	sdelay $0x1  }
0xac: {  	s6 =	simm.s32 @p0 $0x1B8D  }
0xad: {  	_ =	swait.eq @p0 [sflag:s6], $0x1  }
0xae: {  	[sflag:s6] =	ssyncadd.s32 @p0 $0xFFFFFFFF  }
0xaf: {  	s7 =	sshll.u32 @!p0 s1, $0xE  }
0xb0: {  	s7 =	sor.u32 @!p0 $0x4000, s7;
	s6 =	simm.s32 @!p0 $0x1B8D  }
0xb1: {  	s5 =	sshll.u32 @!p0 s5, $0x11;
	s7 =	sadd.s32 @!p0 $0x11B8D, s7;
	_ =	swait.eq @!p0 [sflag:s6], $0x1  }
0xb2: {  	s5 =	sor.u32 @!p0 s5, s7;
	[sflag:s6] =	ssyncadd.s32 @!p0 $0xFFFFFFFF  }
0xb3: {  	s25 =	simm.s32 $0x1B8E;
	s24 =	sld [smem:$0x3FFE];
	[sflag:s5] =	ssyncadd.remote.s32 @!p0 $0x1  }
0xb4: {  	s26 =	simm.s32 $execute0_lowered;
	[smem:$0x3FD2] =	sst s25  }
0xb5: {  	s6 =	sshll.u32 s26, $0x1;
	_ =	strace $0x8000005B;
	[dreg:$0x1] =	wrdreg $0xFFFFFFFF  }
0xb6: {  	s28 =	simm.s32 $_size_execute0_lowered;
	s4 =	sadd.s32 s4, s6;
	[dreg:$0x0] =	wrdreg $0x0  }
0xb7: {  	s6 =	sshll.u32 s28, $0x1;
	[dreg:$0x2] =	wrdreg s4  }
0xb8: {  	[dreg:$0x3] =	wrdreg s6  }
0xb9: {  	[dreg:$0x4] =	wrdreg $0xC0  }
0xba: {  	_ =	task [dreg:s22], $0x5FFFF  }
0xbb: {  	[dreg:$0x1] =	wrdreg $0xFFFFFFFF  }
0xbc: {  	[dreg:$0x0] =	wrdreg $0x60  }
0xbd: {  	[dreg:$0x2] =	wrdreg s24  }
0xbe: {  	[dreg:$0x3] =	wrdreg s18  }
0xbf: {  	[dreg:$0x4] =	wrdreg $0x28800  }
0xc0: {  	[dreg:$0x5] =	wrdreg $0x9  }
0xc1: {  	_ =	task.clear_ibuf [dreg:s22], $0x6FFFF;
	_ =	strace $0x9000005B  }
0xc2: {  	s29 =	simm.s32 $0x9;
	_ =	strace $0x8000005D  }
0xc3: {  	_ =	swait.ge [sflag:s29], $0x1  }
0xc4: {  	[sflag:s29] =	ssyncadd.s32 $0xFFFFFFFF  }
0xc5: {  	_ =	strace $0x9000005D  }
0xc6: {  	_ =	sfence  }
0xc7: {  	s30 =	sld [smem:$0x0];
	_ =	sdelay $0x2  }
0xc8: {  	s31 =	sshll.u32 s1, $0xD;
	s1 =	sshrl.u32 s1, $0x2  }
0xc9: {  	s4 =	sand.u32 $0x4000, s31;
	s1 =	sadd.s32 s1, s30  }
0xca: {  	s0 =	sor.u32 s4, s0;
	s1 =	sshll.u32 s1, $0x11  }
0xcb: {  	s0 =	sor.u32 s1, s0  }
0xcc: {  	s0 =	sadd.s32 $0x8F2B, s0  }
0xcd: {  	[sflag:s0] =	ssyncadd.remote.s32 $0x1  }
0xce: {  	_ =	sfence.sel $0xFFFF  }
0xcf: {  	[dreg:$0x0] =	wrdreg $0xFFFFFFFF;
	(pc) =	sbr.abs _section_cstart, $3  }
0xd0: {  	[dreg:$0x1] =	wrdreg $0xFFFFFFFF  }
0xd1: {  	_ =	task.clear_ibuf [dreg:s22], $0x2FFFF;
	_ =	strace $0x9FFFFFFF  }
0xd2: {  	(tm) =	ssettm $0x7FFFFFFF  }
0xd3: {  	_ =	shalt  }
tec
execute0_lowered:
.L_overlay_start_1:
0x0: {  	(tag) =	ssettag $0x1  }
0x1: {  	s4 =	rddreg [dreg:$0x0]  }
0x2: {  	s7 =	rddreg [dreg:$0x1]  }
0x3: {  	s1 =	rddreg [dreg:$0x2]  }
0x4: {  	s0 =	rddreg [dreg:$0x3];
	s2 =	simm.s32 $0x0;
	s6 =	stileid.u32  }
0x5: {  	s3 =	srdreg.scid;
	s14 =	simm.s32 $0x0;
	s5 =	smul.u32 $0x9C400, s6  }
0x6: {  	[smem:$0x7FF] =	sst s2;
	s8 =	sand.u32 $0x1, s3;
	s11 =	smul.u32 $0x4E20, s6  }
0x7: {  	s3 =	sadd.s32 $0x13400, s4;
	p0 =	sne.s32 s6, $0x0;
	s9 =	smul.u32 $0x27100, s8  }
0x8: {  	_ =	strace $0x8000005C;
	s30 =	ssub.s32 $0x2, s8;
	s13 =	smul.u32 $0x2710, s8  }
0x9: {  	s8 =	smul.u32 $0x4E200, s8;
	s10 =	sadd.s32 s5, s4;
	s12 =	sshrl.u32 s30, $0x1  }
0xa: {  	s4 =	sadd.s32 s9, s4;
	s5 =	ssub.s32 s30, s12;
	s31 =	sadd.s32 s13, s11  }
0xb: {  	s8 =	sadd.s32 s8, s10;
	s10 =	simm.s32 $0x400;
	s11 =	simm.s32 $0x800  }
0xc: {  	s12 =	simm.s32 $0x80;
	s13 =	simm.s32 $0x50;
	s4 =	sadd.s32 $0xF7CE00, s4  }
0xd: {  	s5 =	smax.u32 s5, $0x1;
	s9 =	sshrl.u32 s31, $0x3;
	s6 =	sadd.s32 $0x18F2C00, s8  }
0xe: {  	s8 =	sshrl.u32 @!p0 s1, $0x3;
	s7 =	sadd.s32 s9, s7;
	s9 =	simm.s32 $0x1  }
.LBB2_1:
0xf: {  	s15 =	simm.s32 @!p0 $0x1C01  }
0x10: {  	[spmem:s8], [sflag:s15] =	dma.local @!p0 [hbm:s3], $0x27100  }
0x11: {  	s15 =	simm.s32 @!p0 $0x1  }
0x12: {  	_ =	swait.ge @!p0 [sflag:s15], $0x27100  }
0x13: {  	[sflag:s15] =	ssyncset.done @!p0 $0x0  }
0x14: {  	[sflag:s15] =	ssyncadd.s32 @!p0 $0xFFFD8F00  }
0x15: {  	s31 =	sadd.s32 $0x0, s7;
	[bflag:$0x0] =	sbarrier.arrive $0xFFFF  }
0x16: {  	[tilespmem:s2], [sflag:$0x1] =	stream.linear.gather [hbm4b:s31+s2], $0x50, $0x38;
	[tilespmem:$0x16100] =	vst v63  }
0x17: {  	_ =	swait.ge [sflag:s9], $0x50  }
0x18: {  	[sflag:s9] =	ssyncset.done $0x0  }
0x19: {  	[sflag:s9] =	ssyncadd.s32 $0xFFFFFFB0  }
0x1a: {  	[tilespmem:s12], [sflag:$0x1] =	stream.strided.gather [hbm4b:s6+s10], $0x2800, s11, s10, $0x38;
	[tilespmem:$0x16100] =	vst v63  }
0x1b: {  	_ =	swait.ge [sflag:s9], $0x2800  }
0x1c: {  	[sflag:s9] =	ssyncset.done $0x0  }
0x1d: {  	[sflag:s9] =	ssyncadd.s32 $0xFFFFD800  }
0x1e: {  	[spmem:s1] =	stream.indirect.scatter.add.f32 [tilespmem:s12], [sflag:$0x1], $0x80, s2, s13, $0xb8;
	[tilespmem:$0x16100] =	vst v63  }
0x1f: {  	s16 =	simm.s32 $0xA;
	_ =	swait.ge [sflag:s9], $0x2800  }
0x20: {  	s17 =	simm.s32 $0x14;
	s15 =	sadd.s32 $0xA00, s6;
	[sflag:s9] =	ssyncset.done $0x0  }
.LBB2_2:
0x21: {  	s18 =	sadd.s32 s16, s7  }
0x22: {  	[sflag:s9] =	ssyncadd.s32 $0xFFFFD800;
	s16 =	smov.u32 s17;
	s19 =	sadd.s32 $0xA, s17  }
0x23: {  	[tilespmem:s2], [sflag:$0x1] =	stream.linear.gather [hbm4b:s18+s2], $0x50, $0x38;
	[tilespmem:$0x16100] =	vst v63  }
0x24: {  	p1 =	sne.s32 s17, $0x4D8;
	_ =	swait.ge [sflag:s9], $0x50  }
0x25: {  	[sflag:s9] =	ssyncset.done $0x0  }
0x26: {  	[sflag:s9] =	ssyncadd.s32 $0xFFFFFFB0  }
0x27: {  	[tilespmem:s12], [sflag:$0x1] =	stream.strided.gather [hbm4b:s15+s10], $0x2800, s11, s10, $0x38;
	[tilespmem:$0x16100] =	vst v63  }
0x28: {  	_ =	swait.ge [sflag:s9], $0x2800  }
.Ltmp0:
0x29: {  	[sflag:s9] =	ssyncset.done $0x0;
	(pc) =	sbr.rel @p1 .LBB2_2-.Ltmp0, $4  }
0x2a: {  	[sflag:s9] =	ssyncadd.s32 $0xFFFFD800  }
0x2b: {  	[spmem:s1] =	stream.indirect.scatter.add.f32 [tilespmem:s12], [sflag:$0x1], $0x80, s2, s13, $0xb8;
	[tilespmem:$0x16100] =	vst v63  }
0x2c: {  	_ =	swait.ge [sflag:s9], $0x2800  }
0x2d: {  	s17 =	smov.u32 s19;
	s15 =	sadd.s32 $0xA00, s15;
	[sflag:s9] =	ssyncset.done $0x0  }
0x2e: {  	s16 =	sadd.s32 s16, s7;
	[sflag:s9] =	ssyncadd.s32 $0xFFFFD800  }
0x2f: {  	[tilespmem:s2], [sflag:$0x1] =	stream.linear.gather [hbm4b:s16+s2], $0x50, $0x38;
	[tilespmem:$0x16100] =	vst v63  }
0x30: {  	_ =	swait.ge [sflag:s9], $0x50  }
0x31: {  	[sflag:s9] =	ssyncset.done $0x0  }
0x32: {  	[sflag:s9] =	ssyncadd.s32 $0xFFFFFFB0  }
0x33: {  	[tilespmem:s12], [sflag:$0x1] =	stream.strided.gather [hbm4b:s15+s10], $0x2800, s11, s10, $0x38;
	[tilespmem:$0x16100] =	vst v63  }
0x34: {  	_ =	swait.ge [sflag:s9], $0x2800  }
0x35: {  	[sflag:s9] =	ssyncset.done $0x0  }
0x36: {  	[sflag:s9] =	ssyncadd.s32 $0xFFFFD800  }
0x37: {  	[spmem:s1] =	stream.indirect.scatter.add.f32 [tilespmem:s12], [sflag:$0x1], $0x80, s2, s13, $0xb8;
	[tilespmem:$0x16100] =	vst v63  }
0x38: {  	_ =	swait.ge [sflag:s9], $0x2800  }
0x39: {  	[sflag:s9] =	ssyncset.done $0x0  }
0x3a: {  	s14 =	sadd.s32 $0x1, s14;
	[sflag:s9] =	ssyncadd.s32 $0xFFFFD800  }
0x3b: {  	p1 =	sne.s32 s14, s5;
	s15 =	simm.s32 @!p0 $0x1C01;
	[bflag:$0x0] =	sbarrier.arrive $0xFFFF  }
0x3c: {  	[hbm:s4], [sflag:s15] =	dma.local @!p0 [spmem:s8], $0x27100  }
.Ltmp1:
0x3d: {  	_ = 	snop;
	(pc) =	sbr.rel @p1 .LBB2_1-.Ltmp1, $4  }
0x3e: {  	s15 =	simm.s32 @!p0 $0x1  }
0x3f: {  	_ =	swait.ge @!p0 [sflag:s15], $0x27100  }
0x40: {  	[sflag:s15] =	ssyncset.done @!p0 $0x0  }
0x41: {  	[sflag:s15] =	ssyncadd.s32 @!p0 $0xFFFD8F00  }
0x42: {  	_ =	sfence.sel $0x180000  }
0x43: {  	[bflag:$0x0] =	sbarrier.arrive $0xFFFF  }
0x44: {  	_ =	strace $0x9000005C  }
0x45: {  	s0 =	sadd.s32 @!p0 $0x100000, s0;
	[bflag:$0x2] =	sbarrier.arrive $0xFFFF  }
0x46: {  	[sflag:s0] =	ssyncadd.tile.s32 @!p0 $0x1;
	_ =	shalt  }
.Lfunc_end2:
_tile_overlayer_lowered:
.L_overlay_start_2:
0x47: {  	(tag) =	ssettag $0x2  }
0x48: {  	s0 =	rddreg [dreg:$0x0];
	s2 =	stileid.u32  }
0x49: {  	s1 =	rddreg [dreg:$0x1];
	p0 =	sne.s32 s2, $0x0  }
0x4a: {  	s3 =	rddreg [dreg:$0x2];
	[bflag:$0x3] =	sbarrier.arrive $0xFFFF;
	s2 =	simm.s32 @!p0 $0x1C01  }
0x4b: {  	[timem:s3], [sflag:s2] =	dma.local @!p0 [hbm:s0], s1  }
0x4c: {  	s0 =	simm.s32 @!p0 $0x1  }
0x4d: {  	_ =	swait.ge @!p0 [sflag:s0], s1  }
0x4e: {  	s1 =	ssub.s32 @!p0 $0x0, s1;
	[sflag:s0] =	ssyncset.done @!p0 $0x0  }
0x4f: {  	[sflag:s0] =	ssyncadd.s32 @!p0 s1  }
0x50: {  	[bflag:$0x3] =	sbarrier.arrive $0xFFFF  }
0x51: {  	_ =	shalt  }

// kernel: kernel.45.cloned.1.call-start
scs
__scs_entry_jumppad:
0x0: {  	(pc) =	sbr.rel $0x88, $3  }
0x1: {  	(tag) =	ssettag $0x0;
	lr =	simm.s32 $0x1  }
0x2: {  	[smem:$0x3F93] =	sst lr;
	_ =	strace $0xD0000000  }
0x3: {  	_ = 	snop  }
0x4: {  	_ = 	snop  }
0x5: {  	_ = 	snop  }
0x6: {  	_ = 	snop  }
0x7: {  	_ = 	snop  }
__scs_overlays_trampoline_lowered:
0x8: {  	[smem:$0x3FA2] =	sst s0  }
0x9: {  	[smem:$0x3FA3] =	sst s1  }
0xa: {  	[smem:$0x3FA4] =	sst s2  }
0xb: {  	[smem:$0x3FA5] =	sst s3  }
0xc: {  	[smem:$0x3FA6] =	sst s4  }
0xd: {  	[smem:$0x3FA7] =	sst s5  }
0xe: {  	[smem:$0x3FA8] =	sst s6  }
0xf: {  	[smem:$0x3FA9] =	sst s7  }
0x10: {  	[smem:$0x3FAA] =	sst s8  }
0x11: {  	[smem:$0x3FAB] =	sst s9;
	s0 =	simm.s32 @!p0 $0x0  }
0x12: {  	s1 =	sld [smem:$0x3F91];
	s0 =	simm.s32 @p0 $0x1  }
0x13: {  	[smem:$0x3FAC] =	sst s0;
	s0 =	simm.s32 @!p1 $0x0  }
0x14: {  	s2 =	sld [smem:$0x3F90];
	s0 =	simm.s32 @p1 $0x1  }
0x15: {  	[smem:$0x3FAD] =	sst s0;
	s0 =	simm.s32 @!p2 $0x0  }
0x16: {  	s3 =	sld [smem:$0x3FDB];
	s0 =	simm.s32 @p2 $0x1  }
0x17: {  	s4 =	simm.s32 $0x1BF5;
	[smem:$0x3FAF] =	sst s0  }
0x18: {  	s0 =	sld [smem:$0x3F92];
	_ =	swait.ge [sflag:s4], $0x0  }
0x19: {  	s7 =	sld [smem:$0x3F93]  }
0x1a: {  	s8 =	sadd.s32 $0xFFFFE003, lr  }
0x1b: {  	s9 =	sadd.s32 $0xFFFFFEF7, lr;
	s5 =	simm.s32 $0xFFFFFFFF;
	p2 =	slt.u32 s8, $0xFFFFF086  }
0x1c: {  	p1 =	slt.u32 s9, $0xF7A;
	s5 =	simm.s32 @!p2 $0x0  }
0x1d: {  	s5 =	simm.s32 @p1 $0x1;
	p0 =	seq.s32 s7, s2  }
0x1e: {  	s7 =	smul.u32 @!p0 $0xF7A, s2;
	p2 =	seq.s32 @!p0 s5, $0x0  }
0x1f: {  	s9 =	smul.u32 $0xF7A, s1;
	s8 =	simm.s32 @!p0 $0x1BF5;
	p2 =	por !p2, p0  }
0x20: {  	[sflag:s8] =	ssyncset.s32 @!p0 $0xFFFFF086;
	s6 =	sadd.s32 @!p0 s3, s7;
	s7 =	simm.s32 @!p0 $0x108  }
0x21: {  	s3 =	sadd.s32 s3, s9;
	s6 =	sadd.s32 @!p0 $0x88, s6;
	s7 =	simm.s32 @p2 $0x1082  }
0x22: {  	[simem:s7], [sflag:s8] =	dma.local @!p0 [hbm:s6], $0xF7A  }
0x23: {  	s9 =	sor.u32 $0xD0000000, s2;
	s6 =	simm.s32 $0x108;
	_ =	swait.ge @!p0 [sflag:s8], $0x0  }
0x24: {  	s3 =	sadd.s32 $0x88, s3;
	s6 =	simm.s32 @!p1 $0x1082;
	[sflag:s4] =	ssyncset.s32 $0xFFFFF086  }
0x25: {  	[simem:s6], [sflag:s4] =	dma.local [hbm:s3], $0xF7A  }
0x26: {  	[smem:$0x3F93] =	sst s1;
	(tag) =	ssettag s2;
	_ =	strace s9  }
0x27: {  	s1 =	sld [smem:$0x3FA3]  }
0x28: {  	s2 =	sld [smem:$0x3FA4]  }
0x29: {  	s4 =	sld [smem:$0x3FA6]  }
0x2a: {  	p0 =	seq.s32 s5, $0x0;
	s5 =	sld [smem:$0x3FA7]  }
0x2b: {  	s6 =	sld [smem:$0x3FA8]  }
0x2c: {  	s7 =	sld [smem:$0x3FA9]  }
0x2d: {  	s3 =	simm.s32 $0x108;
	s8 =	sld [smem:$0x3FAA]  }
0x2e: {  	s3 =	simm.s32 @!p0 $0x1082;
	s9 =	sld [smem:$0x3FAB]  }
0x2f: {  	lr =	sadd.s32 s0, s3;
	s0 =	sld [smem:$0x3FA2]  }
0x30: {  	s3 =	sld [smem:$0x3FA5]  }
0x31: {  	[smem:$0x3FAE] =	sst s10  }
0x32: {  	s10 =	sld [smem:$0x3FAC];
	_ =	sdelay $0x3  }
0x33: {  	p0 =	seq.s32 s10, $0x1;
	s10 =	sld [smem:$0x3FAE];
	_ =	sdelay $0x3  }
0x34: {  	[smem:$0x3FAE] =	sst s10  }
0x35: {  	s10 =	sld [smem:$0x3FAD];
	_ =	sdelay $0x3  }
0x36: {  	p1 =	seq.s32 s10, $0x1;
	s10 =	sld [smem:$0x3FAE];
	_ =	sdelay $0x3  }
0x37: {  	[smem:$0x3FAE] =	sst s10  }
0x38: {  	s10 =	sld [smem:$0x3FAF]  }
0x39: {  	_ = 	snop;
	(pc) =	sbr.ind lr, $3  }
0x3a: {  	_ = 	snop  }
0x3b: {  	_ = 	snop  }
0x3c: {  	p2 =	seq.s32 s10, $0x1;
	s10 =	sld [smem:$0x3FAE]  }
0x3d: {  	_ =	shalt  }
0x3e: {  	_ =	shalt  }
0x3f: {  	_ =	shalt  }
0x40: {  	_ =	shalt  }
0x41: {  	_ =	shalt  }
0x42: {  	_ =	shalt  }
0x43: {  	_ =	shalt  }
0x44: {  	_ =	shalt  }
0x45: {  	_ =	shalt  }
0x46: {  	_ =	shalt  }
0x47: {  	_ =	shalt  }
0x48: {  	_ =	shalt  }
0x49: {  	_ =	shalt  }
0x4a: {  	_ =	shalt  }
0x4b: {  	_ =	shalt  }
0x4c: {  	_ =	shalt  }
0x4d: {  	_ =	shalt  }
0x4e: {  	_ =	shalt  }
0x4f: {  	_ =	shalt  }
0x50: {  	_ =	shalt  }
0x51: {  	_ =	shalt  }
0x52: {  	_ =	shalt  }
0x53: {  	_ =	shalt  }
0x54: {  	_ =	shalt  }
0x55: {  	_ =	shalt  }
0x56: {  	_ =	shalt  }
0x57: {  	_ =	shalt  }
0x58: {  	_ =	shalt  }
0x59: {  	_ =	shalt  }
0x5a: {  	_ =	shalt  }
0x5b: {  	_ =	shalt  }
0x5c: {  	_ =	shalt  }
0x5d: {  	_ =	shalt  }
0x5e: {  	_ =	shalt  }
0x5f: {  	_ =	shalt  }
0x60: {  	_ =	shalt  }
0x61: {  	_ =	shalt  }
0x62: {  	_ =	shalt  }
0x63: {  	_ =	shalt  }
0x64: {  	_ =	shalt  }
0x65: {  	_ =	shalt  }
0x66: {  	_ =	shalt  }
0x67: {  	_ =	shalt  }
0x68: {  	_ =	shalt  }
0x69: {  	_ =	shalt  }
0x6a: {  	_ =	shalt  }
0x6b: {  	_ =	shalt  }
0x6c: {  	_ =	shalt  }
0x6d: {  	_ =	shalt  }
0x6e: {  	_ =	shalt  }
0x6f: {  	_ =	shalt  }
0x70: {  	_ =	shalt  }
0x71: {  	_ =	shalt  }
0x72: {  	_ =	shalt  }
0x73: {  	_ =	shalt  }
0x74: {  	_ =	shalt  }
0x75: {  	_ =	shalt  }
0x76: {  	_ =	shalt  }
0x77: {  	_ =	shalt  }
0x78: {  	_ =	shalt  }
0x79: {  	_ =	shalt  }
0x7a: {  	_ =	shalt  }
0x7b: {  	_ =	shalt  }
0x7c: {  	_ =	shalt  }
0x7d: {  	_ =	shalt  }
0x7e: {  	_ =	shalt  }
0x7f: {  	_ =	shalt  }
0x80: {  	_ =	shalt  }
0x81: {  	_ =	shalt  }
0x82: {  	_ =	shalt  }
0x83: {  	_ =	shalt  }
0x84: {  	_ =	shalt  }
0x85: {  	_ =	shalt  }
0x86: {  	_ =	shalt  }
0x87: {  	_ =	shalt  }
.Lfunc_end0:
.L_simem_size_0:
called_computation.7_lowered:
.L_overlay_start_0:
0x88: {  	s2 =	sld [smem:$0x3FD9]  }
0x89: {  	s3 =	sld [smem:$0x3FFE];
	_ =	sdelay $0x1  }
0x8a: {  	s1 =	srdreg.scid  }
0x8b: {  	s0 =	sand.u32 $0x1, s1  }
0x8c: {  	s17 =	sshll.u32 s0, $0xA;
	s2 =	sadd.s32 s3, s2  }
0x8d: {  	s2 =	sadd.s32 s2, s17  }
0x8e: {  	[smem:$0x3FBA] =	sst s2  }
0x8f: {  	_ = 	snop  }
0x90: {  	s2 =	sld [smem:$0x3FD0];
	(tm) =	ssettm $0x1  }
0x91: {  	s18 =	sld [smem:$0x3FFB];
	_ =	sdelay $0x3  }
0x92: {  	_ =	strace s18  }
0x93: {  	s3 =	sld [smem:$0x3FFC];
	_ =	sdelay $0x3  }
0x94: {  	_ =	strace s3  }
0x95: {  	s3 =	sld [smem:$0x3FFD];
	_ =	sdelay $0x3  }
0x96: {  	_ =	strace s3  }
0x97: {  	_ =	strace $0x8FFFFFFF  }
0x98: {  	s19 =	sld [smem:$0x3FDB];
	_ =	sdelay $0x1  }
0x99: {  	s4 =	simm.s32 $_scs_section_size  }
0x9a: {  	s5 =	simm.s32 $_size__tile_overlayer_lowered;
	s6 =	simm.s32 $_tile_overlayer_lowered  }
0x9b: {  	s22 =	simm.s32 $0x1BFF;
	s21 =	sshll.u32 s6, $0x1;
	s3 =	sadd.s32 s4, s19  }
0x9c: {  	s7 =	simm.s32 $0x0;
	s20 =	sshll.u32 s5, $0x1;
	s5 =	sadd.s32 s21, s3  }
0x9d: {  	[timem:s7], [sflag:s22] =	dma.local [hbm:s5], s20  }
0x9e: {  	_ =	swait.ge [sflag:s22], s20  }
0x9f: {  	s4 =	ssub.s32 $0x0, s20;
	[sflag:s22] =	ssyncset.done $0x0  }
0xa0: {  	[sflag:s22] =	ssyncadd.s32 s4;
	_ =	sdelay $0x1  }
0xa1: {  	s23 =	simm.s32 $0x1B8B  }
0xa2: {  	_ =	swait.ge [sflag:s23], $0x1  }
0xa3: {  	[sflag:s23] =	ssyncset.done $0x0  }
0xa4: {  	s25 =	simm.s32 $0x1B8E;
	s24 =	sld [smem:$0x3FFE];
	[sflag:s23] =	ssyncadd.s32 $0xFFFFFFFF  }
0xa5: {  	s26 =	simm.s32 $execute0_lowered;
	[smem:$0x3FD2] =	sst s25  }
0xa6: {  	s5 =	sshll.u32 s26, $0x1;
	_ =	strace $0x80000058;
	[dreg:$0x1] =	wrdreg $0xFFFFFFFF  }
0xa7: {  	s28 =	simm.s32 $_size_execute0_lowered;
	s3 =	sadd.s32 s3, s5;
	[dreg:$0x0] =	wrdreg $0x0  }
0xa8: {  	s5 =	sshll.u32 s28, $0x1;
	[dreg:$0x2] =	wrdreg s3  }
0xa9: {  	[dreg:$0x3] =	wrdreg s5  }
0xaa: {  	[dreg:$0x4] =	wrdreg $0xC0  }
0xab: {  	_ =	task [dreg:s7], $0x5FFFF  }
0xac: {  	[dreg:$0x1] =	wrdreg $0xFFFFFFFF  }
0xad: {  	[dreg:$0x0] =	wrdreg $0x60  }
0xae: {  	[dreg:$0x2] =	wrdreg s24  }
0xaf: {  	[dreg:$0x3] =	wrdreg s2  }
0xb0: {  	[dreg:$0x4] =	wrdreg $0x28800  }
0xb1: {  	[dreg:$0x5] =	wrdreg $0xA  }
0xb2: {  	_ =	task.clear_ibuf [dreg:s7], $0x6FFFF;
	_ =	strace $0x90000058  }
0xb3: {  	s29 =	simm.s32 $0xA;
	_ =	strace $0x8000005A  }
0xb4: {  	_ =	swait.ge [sflag:s29], $0x1  }
0xb5: {  	[sflag:s29] =	ssyncadd.s32 $0xFFFFFFFF  }
0xb6: {  	_ =	strace $0x9000005A  }
0xb7: {  	_ =	sfence  }
0xb8: {  	s30 =	sld [smem:$0x0];
	_ =	sdelay $0x2  }
0xb9: {  	s31 =	sshll.u32 s1, $0xD;
	s1 =	sshrl.u32 s1, $0x2  }
0xba: {  	s3 =	sand.u32 $0x4000, s31;
	s1 =	sadd.s32 s1, s30  }
0xbb: {  	s0 =	sor.u32 s3, s0;
	s1 =	sshll.u32 s1, $0x11  }
0xbc: {  	s0 =	sor.u32 s1, s0  }
0xbd: {  	s0 =	sadd.s32 $0x8F2B, s0  }
0xbe: {  	[sflag:s0] =	ssyncadd.remote.s32 $0x1  }
0xbf: {  	_ =	sfence.sel $0xFFFF  }
0xc0: {  	[dreg:$0x0] =	wrdreg $0xFFFFFFFF;
	(pc) =	sbr.abs _section_cstart, $3  }
0xc1: {  	[dreg:$0x1] =	wrdreg $0xFFFFFFFF  }
0xc2: {  	_ =	task.clear_ibuf [dreg:s7], $0x2FFFF;
	_ =	strace $0x9FFFFFFF  }
0xc3: {  	(tm) =	ssettm $0x7FFFFFFF  }
tec
execute0_lowered:
.L_overlay_start_1:
0x0: {  	(tag) =	ssettag $0x1  }
0x1: {  	s4 =	rddreg [dreg:$0x0]  }
0x2: {  	s7 =	rddreg [dreg:$0x1]  }
0x3: {  	s1 =	rddreg [dreg:$0x2]  }
0x4: {  	s0 =	rddreg [dreg:$0x3];
	s2 =	simm.s32 $0x0;
	s6 =	stileid.u32  }
0x5: {  	s3 =	srdreg.scid;
	s14 =	simm.s32 $0x0;
	s5 =	smul.u32 $0x9C400, s6  }
0x6: {  	[smem:$0x7FF] =	sst s2;
	s8 =	sand.u32 $0x1, s3;
	s11 =	smul.u32 $0x4E20, s6  }
0x7: {  	s3 =	sadd.s32 $0x13400, s4;
	p0 =	sne.s32 s6, $0x0;
	s9 =	smul.u32 $0x27100, s8  }
0x8: {  	_ =	strace $0x80000059;
	s30 =	ssub.s32 $0x2, s8;
	s13 =	smul.u32 $0x2710, s8  }
0x9: {  	s8 =	smul.u32 $0x4E200, s8;
	s10 =	sadd.s32 s5, s4;
	s12 =	sshrl.u32 s30, $0x1  }
0xa: {  	s4 =	sadd.s32 s9, s4;
	s5 =	ssub.s32 s30, s12;
	s31 =	sadd.s32 s13, s11  }
0xb: {  	s8 =	sadd.s32 s8, s10;
	s10 =	simm.s32 $0x400;
	s11 =	simm.s32 $0x800  }
0xc: {  	s12 =	simm.s32 $0x80;
	s13 =	simm.s32 $0x50;
	s4 =	sadd.s32 $0xF2EC00, s4  }
0xd: {  	s5 =	smax.u32 s5, $0x1;
	s9 =	sshrl.u32 s31, $0x3;
	s6 =	sadd.s32 $0x18F2C80, s8  }
0xe: {  	s8 =	sshrl.u32 @!p0 s1, $0x3;
	s7 =	sadd.s32 s9, s7;
	s9 =	simm.s32 $0x1  }
.LBB2_1:
0xf: {  	s15 =	simm.s32 @!p0 $0x1C01  }
0x10: {  	[spmem:s8], [sflag:s15] =	dma.local @!p0 [hbm:s3], $0x27100  }
0x11: {  	s15 =	simm.s32 @!p0 $0x1  }
0x12: {  	_ =	swait.ge @!p0 [sflag:s15], $0x27100  }
0x13: {  	[sflag:s15] =	ssyncset.done @!p0 $0x0  }
0x14: {  	[sflag:s15] =	ssyncadd.s32 @!p0 $0xFFFD8F00  }
0x15: {  	s31 =	sadd.s32 $0x0, s7;
	[bflag:$0x0] =	sbarrier.arrive $0xFFFF  }
0x16: {  	[tilespmem:s2], [sflag:$0x1] =	stream.linear.gather [hbm4b:s31+s2], $0x50, $0x38;
	[tilespmem:$0x16100] =	vst v63  }
0x17: {  	_ =	swait.ge [sflag:s9], $0x50  }
0x18: {  	[sflag:s9] =	ssyncset.done $0x0  }
0x19: {  	[sflag:s9] =	ssyncadd.s32 $0xFFFFFFB0  }
0x1a: {  	[tilespmem:s12], [sflag:$0x1] =	stream.strided.gather [hbm4b:s6+s10], $0x2800, s11, s10, $0x38;
	[tilespmem:$0x16100] =	vst v63  }
0x1b: {  	_ =	swait.ge [sflag:s9], $0x2800  }
0x1c: {  	[sflag:s9] =	ssyncset.done $0x0  }
0x1d: {  	[sflag:s9] =	ssyncadd.s32 $0xFFFFD800  }
0x1e: {  	[spmem:s1] =	stream.indirect.scatter.add.f32 [tilespmem:s12], [sflag:$0x1], $0x80, s2, s13, $0xb8;
	[tilespmem:$0x16100] =	vst v63  }
0x1f: {  	s16 =	simm.s32 $0xA;
	_ =	swait.ge [sflag:s9], $0x2800  }
0x20: {  	s17 =	simm.s32 $0x14;
	s15 =	sadd.s32 $0xA00, s6;
	[sflag:s9] =	ssyncset.done $0x0  }
.LBB2_2:
0x21: {  	s18 =	sadd.s32 s16, s7  }
0x22: {  	[sflag:s9] =	ssyncadd.s32 $0xFFFFD800;
	s16 =	smov.u32 s17;
	s19 =	sadd.s32 $0xA, s17  }
0x23: {  	[tilespmem:s2], [sflag:$0x1] =	stream.linear.gather [hbm4b:s18+s2], $0x50, $0x38;
	[tilespmem:$0x16100] =	vst v63  }
0x24: {  	p1 =	sne.s32 s17, $0x4D8;
	_ =	swait.ge [sflag:s9], $0x50  }
0x25: {  	[sflag:s9] =	ssyncset.done $0x0  }
0x26: {  	[sflag:s9] =	ssyncadd.s32 $0xFFFFFFB0  }
0x27: {  	[tilespmem:s12], [sflag:$0x1] =	stream.strided.gather [hbm4b:s15+s10], $0x2800, s11, s10, $0x38;
	[tilespmem:$0x16100] =	vst v63  }
0x28: {  	_ =	swait.ge [sflag:s9], $0x2800  }
.Ltmp0:
0x29: {  	[sflag:s9] =	ssyncset.done $0x0;
	(pc) =	sbr.rel @p1 .LBB2_2-.Ltmp0, $4  }
0x2a: {  	[sflag:s9] =	ssyncadd.s32 $0xFFFFD800  }
0x2b: {  	[spmem:s1] =	stream.indirect.scatter.add.f32 [tilespmem:s12], [sflag:$0x1], $0x80, s2, s13, $0xb8;
	[tilespmem:$0x16100] =	vst v63  }
0x2c: {  	_ =	swait.ge [sflag:s9], $0x2800  }
0x2d: {  	s17 =	smov.u32 s19;
	s15 =	sadd.s32 $0xA00, s15;
	[sflag:s9] =	ssyncset.done $0x0  }
0x2e: {  	s16 =	sadd.s32 s16, s7;
	[sflag:s9] =	ssyncadd.s32 $0xFFFFD800  }
0x2f: {  	[tilespmem:s2], [sflag:$0x1] =	stream.linear.gather [hbm4b:s16+s2], $0x50, $0x38;
	[tilespmem:$0x16100] =	vst v63  }
0x30: {  	_ =	swait.ge [sflag:s9], $0x50  }
0x31: {  	[sflag:s9] =	ssyncset.done $0x0  }
0x32: {  	[sflag:s9] =	ssyncadd.s32 $0xFFFFFFB0  }
0x33: {  	[tilespmem:s12], [sflag:$0x1] =	stream.strided.gather [hbm4b:s15+s10], $0x2800, s11, s10, $0x38;
	[tilespmem:$0x16100] =	vst v63  }
0x34: {  	_ =	swait.ge [sflag:s9], $0x2800  }
0x35: {  	[sflag:s9] =	ssyncset.done $0x0  }
0x36: {  	[sflag:s9] =	ssyncadd.s32 $0xFFFFD800  }
0x37: {  	[spmem:s1] =	stream.indirect.scatter.add.f32 [tilespmem:s12], [sflag:$0x1], $0x80, s2, s13, $0xb8;
	[tilespmem:$0x16100] =	vst v63  }
0x38: {  	_ =	swait.ge [sflag:s9], $0x2800  }
0x39: {  	[sflag:s9] =	ssyncset.done $0x0  }
0x3a: {  	s14 =	sadd.s32 $0x1, s14;
	[sflag:s9] =	ssyncadd.s32 $0xFFFFD800  }
0x3b: {  	p1 =	sne.s32 s14, s5;
	s15 =	simm.s32 @!p0 $0x1C01;
	[bflag:$0x0] =	sbarrier.arrive $0xFFFF  }
0x3c: {  	[hbm:s4], [sflag:s15] =	dma.local @!p0 [spmem:s8], $0x27100  }
.Ltmp1:
0x3d: {  	_ = 	snop;
	(pc) =	sbr.rel @p1 .LBB2_1-.Ltmp1, $4  }
0x3e: {  	s15 =	simm.s32 @!p0 $0x1  }
0x3f: {  	_ =	swait.ge @!p0 [sflag:s15], $0x27100  }
0x40: {  	[sflag:s15] =	ssyncset.done @!p0 $0x0  }
0x41: {  	[sflag:s15] =	ssyncadd.s32 @!p0 $0xFFFD8F00  }
0x42: {  	_ =	sfence.sel $0x180000  }
0x43: {  	[bflag:$0x0] =	sbarrier.arrive $0xFFFF  }
0x44: {  	_ =	strace $0x90000059  }
0x45: {  	s0 =	sadd.s32 @!p0 $0x100000, s0;
	[bflag:$0x2] =	sbarrier.arrive $0xFFFF  }
0x46: {  	[sflag:s0] =	ssyncadd.tile.s32 @!p0 $0x1;
	_ =	shalt  }
.Lfunc_end2:
_tile_overlayer_lowered:
.L_overlay_start_2:
0x47: {  	(tag) =	ssettag $0x2  }
0x48: {  	s0 =	rddreg [dreg:$0x0];
	s2 =	stileid.u32  }
0x49: {  	s1 =	rddreg [dreg:$0x1];
	p0 =	sne.s32 s2, $0x0  }
0x4a: {  	s3 =	rddreg [dreg:$0x2];
	[bflag:$0x3] =	sbarrier.arrive $0xFFFF;
	s2 =	simm.s32 @!p0 $0x1C01  }
0x4b: {  	[timem:s3], [sflag:s2] =	dma.local @!p0 [hbm:s0], s1  }
0x4c: {  	s0 =	simm.s32 @!p0 $0x1  }
0x4d: {  	_ =	swait.ge @!p0 [sflag:s0], s1  }
0x4e: {  	s1 =	ssub.s32 @!p0 $0x0, s1;
	[sflag:s0] =	ssyncset.done @!p0 $0x0  }
0x4f: {  	[sflag:s0] =	ssyncadd.s32 @!p0 s1  }
0x50: {  	[bflag:$0x3] =	sbarrier.arrive $0xFFFF  }
0x51: {  	_ =	shalt  }

// kernel: kernel.48.cloned.1.call-start
scs
__scs_entry_jumppad:
0x0: {  	(pc) =	sbr.rel $0x88, $3  }
0x1: {  	(tag) =	ssettag $0x0;
	lr =	simm.s32 $0x1  }
0x2: {  	[smem:$0x3F93] =	sst lr;
	_ =	strace $0xD0000000  }
0x3: {  	_ = 	snop  }
0x4: {  	_ = 	snop  }
0x5: {  	_ = 	snop  }
0x6: {  	_ = 	snop  }
0x7: {  	_ = 	snop  }
__scs_overlays_trampoline_lowered:
0x8: {  	[smem:$0x3FA2] =	sst s0  }
0x9: {  	[smem:$0x3FA3] =	sst s1  }
0xa: {  	[smem:$0x3FA4] =	sst s2  }
0xb: {  	[smem:$0x3FA5] =	sst s3  }
0xc: {  	[smem:$0x3FA6] =	sst s4  }
0xd: {  	[smem:$0x3FA7] =	sst s5  }
0xe: {  	[smem:$0x3FA8] =	sst s6  }
0xf: {  	[smem:$0x3FA9] =	sst s7  }
0x10: {  	[smem:$0x3FAA] =	sst s8  }
0x11: {  	[smem:$0x3FAB] =	sst s9;
	s0 =	simm.s32 @!p0 $0x0  }
0x12: {  	s1 =	sld [smem:$0x3F91];
	s0 =	simm.s32 @p0 $0x1  }
0x13: {  	[smem:$0x3FAC] =	sst s0;
	s0 =	simm.s32 @!p1 $0x0  }
0x14: {  	s2 =	sld [smem:$0x3F90];
	s0 =	simm.s32 @p1 $0x1  }
0x15: {  	[smem:$0x3FAD] =	sst s0;
	s0 =	simm.s32 @!p2 $0x0  }
0x16: {  	s3 =	sld [smem:$0x3FDB];
	s0 =	simm.s32 @p2 $0x1  }
0x17: {  	s4 =	simm.s32 $0x1BF5;
	[smem:$0x3FAF] =	sst s0  }
0x18: {  	s0 =	sld [smem:$0x3F92];
	_ =	swait.ge [sflag:s4], $0x0  }
0x19: {  	s7 =	sld [smem:$0x3F93]  }
0x1a: {  	s8 =	sadd.s32 $0xFFFFE003, lr  }
0x1b: {  	s9 =	sadd.s32 $0xFFFFFEF7, lr;
	s5 =	simm.s32 $0xFFFFFFFF;
	p2 =	slt.u32 s8, $0xFFFFF086  }
0x1c: {  	p1 =	slt.u32 s9, $0xF7A;
	s5 =	simm.s32 @!p2 $0x0  }
0x1d: {  	s5 =	simm.s32 @p1 $0x1;
	p0 =	seq.s32 s7, s2  }
0x1e: {  	s7 =	smul.u32 @!p0 $0xF7A, s2;
	p2 =	seq.s32 @!p0 s5, $0x0  }
0x1f: {  	s9 =	smul.u32 $0xF7A, s1;
	s8 =	simm.s32 @!p0 $0x1BF5;
	p2 =	por !p2, p0  }
0x20: {  	[sflag:s8] =	ssyncset.s32 @!p0 $0xFFFFF086;
	s6 =	sadd.s32 @!p0 s3, s7;
	s7 =	simm.s32 @!p0 $0x108  }
0x21: {  	s3 =	sadd.s32 s3, s9;
	s6 =	sadd.s32 @!p0 $0x88, s6;
	s7 =	simm.s32 @p2 $0x1082  }
0x22: {  	[simem:s7], [sflag:s8] =	dma.local @!p0 [hbm:s6], $0xF7A  }
0x23: {  	s9 =	sor.u32 $0xD0000000, s2;
	s6 =	simm.s32 $0x108;
	_ =	swait.ge @!p0 [sflag:s8], $0x0  }
0x24: {  	s3 =	sadd.s32 $0x88, s3;
	s6 =	simm.s32 @!p1 $0x1082;
	[sflag:s4] =	ssyncset.s32 $0xFFFFF086  }
0x25: {  	[simem:s6], [sflag:s4] =	dma.local [hbm:s3], $0xF7A  }
0x26: {  	[smem:$0x3F93] =	sst s1;
	(tag) =	ssettag s2;
	_ =	strace s9  }
0x27: {  	s1 =	sld [smem:$0x3FA3]  }
0x28: {  	s2 =	sld [smem:$0x3FA4]  }
0x29: {  	s4 =	sld [smem:$0x3FA6]  }
0x2a: {  	p0 =	seq.s32 s5, $0x0;
	s5 =	sld [smem:$0x3FA7]  }
0x2b: {  	s6 =	sld [smem:$0x3FA8]  }
0x2c: {  	s7 =	sld [smem:$0x3FA9]  }
0x2d: {  	s3 =	simm.s32 $0x108;
	s8 =	sld [smem:$0x3FAA]  }
0x2e: {  	s3 =	simm.s32 @!p0 $0x1082;
	s9 =	sld [smem:$0x3FAB]  }
0x2f: {  	lr =	sadd.s32 s0, s3;
	s0 =	sld [smem:$0x3FA2]  }
0x30: {  	s3 =	sld [smem:$0x3FA5]  }
0x31: {  	[smem:$0x3FAE] =	sst s10  }
0x32: {  	s10 =	sld [smem:$0x3FAC];
	_ =	sdelay $0x3  }
0x33: {  	p0 =	seq.s32 s10, $0x1;
	s10 =	sld [smem:$0x3FAE];
	_ =	sdelay $0x3  }
0x34: {  	[smem:$0x3FAE] =	sst s10  }
0x35: {  	s10 =	sld [smem:$0x3FAD];
	_ =	sdelay $0x3  }
0x36: {  	p1 =	seq.s32 s10, $0x1;
	s10 =	sld [smem:$0x3FAE];
	_ =	sdelay $0x3  }
0x37: {  	[smem:$0x3FAE] =	sst s10  }
0x38: {  	s10 =	sld [smem:$0x3FAF]  }
0x39: {  	_ = 	snop;
	(pc) =	sbr.ind lr, $3  }
0x3a: {  	_ = 	snop  }
0x3b: {  	_ = 	snop  }
0x3c: {  	p2 =	seq.s32 s10, $0x1;
	s10 =	sld [smem:$0x3FAE]  }
0x3d: {  	_ =	shalt  }
0x3e: {  	_ =	shalt  }
0x3f: {  	_ =	shalt  }
0x40: {  	_ =	shalt  }
0x41: {  	_ =	shalt  }
0x42: {  	_ =	shalt  }
0x43: {  	_ =	shalt  }
0x44: {  	_ =	shalt  }
0x45: {  	_ =	shalt  }
0x46: {  	_ =	shalt  }
0x47: {  	_ =	shalt  }
0x48: {  	_ =	shalt  }
0x49: {  	_ =	shalt  }
0x4a: {  	_ =	shalt  }
0x4b: {  	_ =	shalt  }
0x4c: {  	_ =	shalt  }
0x4d: {  	_ =	shalt  }
0x4e: {  	_ =	shalt  }
0x4f: {  	_ =	shalt  }
0x50: {  	_ =	shalt  }
0x51: {  	_ =	shalt  }
0x52: {  	_ =	shalt  }
0x53: {  	_ =	shalt  }
0x54: {  	_ =	shalt  }
0x55: {  	_ =	shalt  }
0x56: {  	_ =	shalt  }
0x57: {  	_ =	shalt  }
0x58: {  	_ =	shalt  }
0x59: {  	_ =	shalt  }
0x5a: {  	_ =	shalt  }
0x5b: {  	_ =	shalt  }
0x5c: {  	_ =	shalt  }
0x5d: {  	_ =	shalt  }
0x5e: {  	_ =	shalt  }
0x5f: {  	_ =	shalt  }
0x60: {  	_ =	shalt  }
0x61: {  	_ =	shalt  }
0x62: {  	_ =	shalt  }
0x63: {  	_ =	shalt  }
0x64: {  	_ =	shalt  }
0x65: {  	_ =	shalt  }
0x66: {  	_ =	shalt  }
0x67: {  	_ =	shalt  }
0x68: {  	_ =	shalt  }
0x69: {  	_ =	shalt  }
0x6a: {  	_ =	shalt  }
0x6b: {  	_ =	shalt  }
0x6c: {  	_ =	shalt  }
0x6d: {  	_ =	shalt  }
0x6e: {  	_ =	shalt  }
0x6f: {  	_ =	shalt  }
0x70: {  	_ =	shalt  }
0x71: {  	_ =	shalt  }
0x72: {  	_ =	shalt  }
0x73: {  	_ =	shalt  }
0x74: {  	_ =	shalt  }
0x75: {  	_ =	shalt  }
0x76: {  	_ =	shalt  }
0x77: {  	_ =	shalt  }
0x78: {  	_ =	shalt  }
0x79: {  	_ =	shalt  }
0x7a: {  	_ =	shalt  }
0x7b: {  	_ =	shalt  }
0x7c: {  	_ =	shalt  }
0x7d: {  	_ =	shalt  }
0x7e: {  	_ =	shalt  }
0x7f: {  	_ =	shalt  }
0x80: {  	_ =	shalt  }
0x81: {  	_ =	shalt  }
0x82: {  	_ =	shalt  }
0x83: {  	_ =	shalt  }
0x84: {  	_ =	shalt  }
0x85: {  	_ =	shalt  }
0x86: {  	_ =	shalt  }
0x87: {  	_ =	shalt  }
.Lfunc_end0:
.L_simem_size_0:
called_computation.8_lowered:
.L_overlay_start_0:
0x88: {  	s2 =	sld [smem:$0x3FD9]  }
0x89: {  	s3 =	sld [smem:$0x3FFE];
	_ =	sdelay $0x1  }
0x8a: {  	s1 =	srdreg.scid  }
0x8b: {  	s0 =	sand.u32 $0x1, s1  }
0x8c: {  	s17 =	sshll.u32 s0, $0xA;
	s2 =	sadd.s32 s3, s2  }
0x8d: {  	s2 =	sadd.s32 s2, s17  }
0x8e: {  	[smem:$0x3FBA] =	sst s2  }
0x8f: {  	_ = 	snop  }
0x90: {  	(tm) =	ssettm $0x1  }
0x91: {  	s18 =	sld [smem:$0x3FFB];
	_ =	sdelay $0x3  }
0x92: {  	_ =	strace s18  }
0x93: {  	s2 =	sld [smem:$0x3FFC];
	_ =	sdelay $0x3  }
0x94: {  	_ =	strace s2  }
0x95: {  	s2 =	sld [smem:$0x3FFD];
	_ =	sdelay $0x3  }
0x96: {  	_ =	strace s2  }
0x97: {  	_ =	strace $0x8FFFFFFF  }
0x98: {  	s19 =	sld [smem:$0x3FDB];
	_ =	sdelay $0x1  }
0x99: {  	s20 =	simm.s32 $_scs_section_size  }
0x9a: {  	s4 =	simm.s32 $_size__tile_overlayer_lowered;
	s5 =	simm.s32 $_tile_overlayer_lowered  }
0x9b: {  	s6 =	simm.s32 $0x1BFF;
	s21 =	sshll.u32 s5, $0x1;
	s3 =	sadd.s32 s20, s19  }
0x9c: {  	s22 =	simm.s32 $0x0;
	s4 =	sshll.u32 s4, $0x1;
	s5 =	sadd.s32 s21, s3  }
0x9d: {  	[timem:s22], [sflag:s6] =	dma.local [hbm:s5], s4  }
0x9e: {  	_ =	swait.ge [sflag:s6], s4  }
0x9f: {  	s4 =	ssub.s32 $0x0, s4;
	[sflag:s6] =	ssyncset.done $0x0  }
0xa0: {  	[sflag:s6] =	ssyncadd.s32 s4;
	_ =	sdelay $0x1  }
0xa1: {  	s23 =	simm.s32 $0x1B8B  }
0xa2: {  	_ =	swait.ge [sflag:s23], $0x1  }
0xa3: {  	[sflag:s23] =	ssyncset.done $0x0  }
0xa4: {  	[sflag:s23] =	ssyncadd.s32 $0xFFFFFFFF  }
0xa5: {  	s4 =	sld [smem:$0x0]  }
0xa6: {  	s5 =	sand.u32 $0xFFFFFFFE, s1  }
0xa7: {  	p0 =	sne.s32 s1, s5  }
0xa8: {  	s5 =	sshll.u32 @p0 s5, $0xE  }
0xa9: {  	s5 =	sadd.s32 @p0 $0x11B8D, s5;
	s6 =	sshll.u32 @p0 s4, $0x11  }
0xaa: {  	s5 =	sor.u32 @p0 s6, s5  }
0xab: {  	[sflag:s5] =	ssyncadd.remote.s32 @p0 $0x1;
	_ =	sdelay $0x1  }
0xac: {  	s5 =	simm.s32 @p0 $0x1B8D  }
0xad: {  	_ =	swait.eq @p0 [sflag:s5], $0x1  }
0xae: {  	[sflag:s5] =	ssyncadd.s32 @p0 $0xFFFFFFFF  }
0xaf: {  	s6 =	sshll.u32 @!p0 s1, $0xE  }
0xb0: {  	s6 =	sor.u32 @!p0 $0x4000, s6;
	s5 =	simm.s32 @!p0 $0x1B8D  }
0xb1: {  	s4 =	sshll.u32 @!p0 s4, $0x11;
	s6 =	sadd.s32 @!p0 $0x11B8D, s6;
	_ =	swait.eq @!p0 [sflag:s5], $0x1  }
0xb2: {  	s4 =	sor.u32 @!p0 s4, s6;
	[sflag:s5] =	ssyncadd.s32 @!p0 $0xFFFFFFFF  }
0xb3: {  	s25 =	simm.s32 $0x1B8E;
	s24 =	sld [smem:$0x3FFE];
	[sflag:s4] =	ssyncadd.remote.s32 @!p0 $0x1  }
0xb4: {  	s26 =	simm.s32 $execute0_lowered;
	[smem:$0x3FD2] =	sst s25  }
0xb5: {  	s5 =	sshll.u32 s26, $0x1;
	_ =	strace $0x80000061;
	[dreg:$0x1] =	wrdreg $0xFFFFFFFF  }
0xb6: {  	s28 =	simm.s32 $_size_execute0_lowered;
	s3 =	sadd.s32 s3, s5;
	[dreg:$0x0] =	wrdreg $0x0  }
0xb7: {  	s5 =	sshll.u32 s28, $0x1;
	[dreg:$0x2] =	wrdreg s3  }
0xb8: {  	[dreg:$0x3] =	wrdreg s5  }
0xb9: {  	[dreg:$0x4] =	wrdreg $0xC0  }
0xba: {  	_ =	task [dreg:s22], $0x5FFFF  }
0xbb: {  	[dreg:$0x1] =	wrdreg $0xFFFFFFFF  }
0xbc: {  	[dreg:$0x0] =	wrdreg $0x60  }
0xbd: {  	[dreg:$0x2] =	wrdreg s24  }
0xbe: {  	[dreg:$0x3] =	wrdreg $0x9  }
0xbf: {  	_ =	task.clear_ibuf [dreg:s22], $0x4FFFF;
	_ =	strace $0x90000061  }
0xc0: {  	s29 =	simm.s32 $0x9;
	_ =	strace $0x80000063  }
0xc1: {  	_ =	swait.ge [sflag:s29], $0x1  }
0xc2: {  	[sflag:s29] =	ssyncadd.s32 $0xFFFFFFFF  }
0xc3: {  	_ =	strace $0x90000063  }
0xc4: {  	_ =	sfence  }
0xc5: {  	s30 =	sld [smem:$0x0];
	_ =	sdelay $0x2  }
0xc6: {  	s31 =	sshll.u32 s1, $0xD;
	s1 =	sshrl.u32 s1, $0x2  }
0xc7: {  	s4 =	sand.u32 $0x4000, s31;
	s1 =	sadd.s32 s1, s30  }
0xc8: {  	s0 =	sor.u32 s4, s0;
	s1 =	sshll.u32 s1, $0x11  }
0xc9: {  	s0 =	sor.u32 s1, s0  }
0xca: {  	s0 =	sadd.s32 $0x8F2B, s0  }
0xcb: {  	[sflag:s0] =	ssyncadd.remote.s32 $0x1  }
0xcc: {  	_ =	sfence.sel $0xFFFF  }
0xcd: {  	[dreg:$0x0] =	wrdreg $0xFFFFFFFF;
	(pc) =	sbr.abs _section_cstart, $3  }
0xce: {  	[dreg:$0x1] =	wrdreg $0xFFFFFFFF  }
0xcf: {  	_ =	task.clear_ibuf [dreg:s22], $0x2FFFF;
	_ =	strace $0x9FFFFFFF  }
0xd0: {  	(tm) =	ssettm $0x7FFFFFFF  }
0xd1: {  	_ =	shalt  }
tec
execute0_lowered:
.L_overlay_start_1:
0x0: {  	(tag) =	ssettag $0x1  }
0x1: {  	s1 =	srdreg.scid  }
0x2: {  	s0 =	stileid.u32;
	s5 =	rddreg [dreg:$0x0];
	s2 =	simm.s32 $0x0  }
0x3: {  	s8 =	simm.s32 $0x80;
	s9 =	simm.s32 $0x880;
	s10 =	simm.s32 $0xC80  }
0x4: {  	s11 =	simm.s32 $0x1480;
	s12 =	simm.s32 $0x1880;
	s13 =	simm.s32 $0x2080  }
0x5: {  	s14 =	simm.s32 $0x2480;
	s15 =	simm.s32 $0x2C80;
	s16 =	simm.s32 $0x3080  }
0x6: {  	s17 =	simm.s32 $0x3880;
	s18 =	simm.s32 $0x3C80;
	s19 =	simm.s32 $0x4480  }
0x7: {  	s20 =	simm.s32 $0x4880;
	s21 =	simm.s32 $0x5080;
	s22 =	simm.s32 $0x5480  }
0x8: {  	s23 =	simm.s32 $0x5C80;
	s1 =	sand.u32 $0x1, s1;
	s3 =	smul.u32 $0x4E20, s0  }
0x9: {  	s24 =	simm.s32 $0x6080;
	s25 =	simm.s32 $0x6880;
	s4 =	smul.u32 $0x2710, s1  }
0xa: {  	s28 =	simm.s32 $0x7480;
	s29 =	simm.s32 $0x1;
	s30 =	simm.s32 $0x0  }
0xb: {  	[smem:$0x7FF] =	sst s2;
	s1 =	ssub.s32 $0x2, s1;
	s3 =	sadd.s32 s4, s3  }
0xc: {  	_ =	strace $0x80000062;
	s26 =	sshrl.u32 s1, $0x1;
	s4 =	sshrl.u32 s3, $0x3  }
0xd: {  	s1 =	ssub.s32 s1, s26;
	s26 =	simm.s32 $0x6C80;
	s6 =	smul.u32 $0x180, s4  }
0xe: {  	v2 =	vlaneseq.u32;
	s3 =	sadd.s32 $0x3A600, s5;
	s7 =	sadd.s32 s4, s5;
	s4 =	sadd.s32 $0x3A700, s5  }
0xf: {  	vm0 =	vmmov $0xffff;
	vm1 =	vmmov $0xff;
	v1 =	vshrl.u32 v2, $0x3;
	s31 =	sadd.s32 $0x8600, s7;
	s7 =	simm.s32 $0x2;
	s6 =	sadd.s32 s6, s5  }
0x10: {  	v0 =	vand.u32 $0x7, v2;
	v2 =	vor.u32 $0x8, v2;
	v1 =	vmul.u32 $0x8, v1;
	s5 =	smax.u32 s1, $0x1;
	[dreg:$0x2] =	wrdreg s31;
	s6 =	sadd.s32 $0x5B8C00, s6  }
.LBB2_1:
0x11: {  	s31 =	smov.u32 s6;
	s1 =	simm.s32 $0x0  }
.LBB2_2:
0x12: {  	s0 =	rddreg [dreg:$0x2]  }
0x13: {  	s0 =	sadd.s32 s1, s0  }
0x14: {  	[tilespmem:s2], [sflag:$0x2] =	stream.linear.gather [hbm4b:s0+s2], $0x50, $0x38;
	[tilespmem:$0x7880] =	vst v63  }
0x15: {  	_ =	swait.ge [sflag:s7], $0x50  }
0x16: {  	[sflag:s7] =	ssyncset.done $0x0  }
0x17: {  	[sflag:s7] =	ssyncadd.s32 $0xFFFFFFB0  }
0x18: {  	v3 =	vld [tilespmem:$0x0];
	_ =	sdelay $0x4  }
0x19: {  	v4 =	vshrl.u32 v3, $0x3  }
0x1a: {  	v4 =	vmul.u32 $0x18, v4  }
0x1b: {  	v3 =	vand.u32 $0x7, v3  }
0x1c: {  	v3 =	vor.u32 v3, v4  }
0x1d: {  	v4 =	vperm.xlane v3, v0;
	_ =	sdelay $0x1  }
0x1e: {  	v4 =	vadd.s32 v1, v4;
	_ =	sdelay $0x1  }
0x1f: {  	v3 =	vperm.xlane v3, v2;
	_ =	sdelay $0x1  }
0x20: {  	v3 =	vadd.s32 v1, v3  }
0x21: {  	[tilespmem:s8], [sflag:$0x1] =	stream.indirect_vreg.gather [hbm4b:s3+s2], $0x80, v4, vm0, $0xb8;
	[tilespmem:$0x7880] =	vst v63  }
0x22: {  	_ = 	snop  }
0x23: {  	[tilespmem:s9], [sflag:$0x1] =	stream.indirect_vreg.gather [hbm4b:s4+s2], $0x80, v4, vm1, $0xb8;
	[tilespmem:$0x7880] =	vst v63  }
0x24: {  	_ = 	snop  }
0x25: {  	[tilespmem:s10], [sflag:$0x1] =	stream.indirect_vreg.gather [hbm4b:s3+s2], $0x80, v3, vm0, $0xb8;
	[tilespmem:$0x7880] =	vst v63  }
0x26: {  	_ = 	snop  }
0x27: {  	[tilespmem:s11], [sflag:$0x1] =	stream.indirect_vreg.gather [hbm4b:s4+s2], $0x80, v3, vm1, $0xb8;
	[tilespmem:$0x7880] =	vst v63  }
0x28: {  	v3 =	vld [tilespmem:$0x10];
	_ =	sdelay $0x4  }
0x29: {  	v60 =	vshrl.u32 v3, $0x3  }
0x2a: {  	v4 =	vmul.u32 $0x18, v60  }
0x2b: {  	v3 =	vand.u32 $0x7, v3  }
0x2c: {  	v3 =	vor.u32 v3, v4  }
0x2d: {  	v4 =	vperm.xlane v3, v0;
	_ =	sdelay $0x1  }
0x2e: {  	v4 =	vadd.s32 v1, v4;
	_ =	sdelay $0x1  }
0x2f: {  	v3 =	vperm.xlane v3, v2;
	_ =	sdelay $0x1  }
0x30: {  	v3 =	vadd.s32 v1, v3  }
0x31: {  	[tilespmem:s12], [sflag:$0x1] =	stream.indirect_vreg.gather [hbm4b:s3+s2], $0x80, v4, vm0, $0xb8;
	[tilespmem:$0x7880] =	vst v63  }
0x32: {  	_ = 	snop  }
0x33: {  	[tilespmem:s13], [sflag:$0x1] =	stream.indirect_vreg.gather [hbm4b:s4+s2], $0x80, v4, vm1, $0xb8;
	[tilespmem:$0x7880] =	vst v63  }
0x34: {  	_ = 	snop  }
0x35: {  	[tilespmem:s14], [sflag:$0x1] =	stream.indirect_vreg.gather [hbm4b:s3+s2], $0x80, v3, vm0, $0xb8;
	[tilespmem:$0x7880] =	vst v63  }
0x36: {  	_ = 	snop  }
0x37: {  	[tilespmem:s15], [sflag:$0x1] =	stream.indirect_vreg.gather [hbm4b:s4+s2], $0x80, v3, vm1, $0xb8;
	[tilespmem:$0x7880] =	vst v63  }
0x38: {  	v3 =	vld [tilespmem:$0x20];
	_ =	sdelay $0x4  }
0x39: {  	v61 =	vshrl.u32 v3, $0x3  }
0x3a: {  	v4 =	vmul.u32 $0x18, v61  }
0x3b: {  	v3 =	vand.u32 $0x7, v3  }
0x3c: {  	v3 =	vor.u32 v3, v4  }
0x3d: {  	v4 =	vperm.xlane v3, v0;
	_ =	sdelay $0x1  }
0x3e: {  	v4 =	vadd.s32 v1, v4;
	_ =	sdelay $0x1  }
0x3f: {  	v3 =	vperm.xlane v3, v2;
	_ =	sdelay $0x1  }
0x40: {  	v3 =	vadd.s32 v1, v3  }
0x41: {  	[tilespmem:s16], [sflag:$0x1] =	stream.indirect_vreg.gather [hbm4b:s3+s2], $0x80, v4, vm0, $0xb8;
	[tilespmem:$0x7880] =	vst v63  }
0x42: {  	_ = 	snop  }
0x43: {  	[tilespmem:s17], [sflag:$0x1] =	stream.indirect_vreg.gather [hbm4b:s4+s2], $0x80, v4, vm1, $0xb8;
	[tilespmem:$0x7880] =	vst v63  }
0x44: {  	_ = 	snop  }
0x45: {  	[tilespmem:s18], [sflag:$0x1] =	stream.indirect_vreg.gather [hbm4b:s3+s2], $0x80, v3, vm0, $0xb8;
	[tilespmem:$0x7880] =	vst v63  }
0x46: {  	_ = 	snop  }
0x47: {  	[tilespmem:s19], [sflag:$0x1] =	stream.indirect_vreg.gather [hbm4b:s4+s2], $0x80, v3, vm1, $0xb8;
	[tilespmem:$0x7880] =	vst v63  }
0x48: {  	v3 =	vld [tilespmem:$0x30];
	_ =	sdelay $0x4  }
0x49: {  	v62 =	vshrl.u32 v3, $0x3  }
0x4a: {  	v4 =	vmul.u32 $0x18, v62  }
0x4b: {  	v3 =	vand.u32 $0x7, v3  }
0x4c: {  	v3 =	vor.u32 v3, v4  }
0x4d: {  	v4 =	vperm.xlane v3, v0;
	_ =	sdelay $0x1  }
0x4e: {  	v4 =	vadd.s32 v1, v4;
	_ =	sdelay $0x1  }
0x4f: {  	v3 =	vperm.xlane v3, v2;
	_ =	sdelay $0x1  }
0x50: {  	v3 =	vadd.s32 v1, v3  }
0x51: {  	[tilespmem:s20], [sflag:$0x1] =	stream.indirect_vreg.gather [hbm4b:s3+s2], $0x80, v4, vm0, $0xb8;
	[tilespmem:$0x7880] =	vst v63  }
0x52: {  	_ = 	snop  }
0x53: {  	[tilespmem:s21], [sflag:$0x1] =	stream.indirect_vreg.gather [hbm4b:s4+s2], $0x80, v4, vm1, $0xb8;
	[tilespmem:$0x7880] =	vst v63  }
0x54: {  	_ = 	snop  }
0x55: {  	[tilespmem:s22], [sflag:$0x1] =	stream.indirect_vreg.gather [hbm4b:s3+s2], $0x80, v3, vm0, $0xb8;
	[tilespmem:$0x7880] =	vst v63  }
0x56: {  	_ = 	snop  }
0x57: {  	[tilespmem:s23], [sflag:$0x1] =	stream.indirect_vreg.gather [hbm4b:s4+s2], $0x80, v3, vm1, $0xb8;
	[tilespmem:$0x7880] =	vst v63  }
0x58: {  	v3 =	vld [tilespmem:$0x40];
	_ =	sdelay $0x4  }
0x59: {  	v63 =	vshrl.u32 v3, $0x3  }
0x5a: {  	v4 =	vmul.u32 $0x18, v63  }
0x5b: {  	v3 =	vand.u32 $0x7, v3  }
0x5c: {  	v3 =	vor.u32 v3, v4  }
0x5d: {  	v4 =	vperm.xlane v3, v0;
	_ =	sdelay $0x1  }
0x5e: {  	v4 =	vadd.s32 v1, v4;
	_ =	sdelay $0x1  }
0x5f: {  	v3 =	vperm.xlane v3, v2;
	_ =	sdelay $0x1  }
0x60: {  	v3 =	vadd.s32 v1, v3  }
0x61: {  	[tilespmem:s24], [sflag:$0x1] =	stream.indirect_vreg.gather [hbm4b:s3+s2], $0x80, v4, vm0, $0xb8;
	[tilespmem:$0x7880] =	vst v63  }
0x62: {  	_ = 	snop  }
0x63: {  	[tilespmem:s25], [sflag:$0x1] =	stream.indirect_vreg.gather [hbm4b:s4+s2], $0x80, v4, vm1, $0xb8;
	[tilespmem:$0x7880] =	vst v63  }
0x64: {  	_ = 	snop  }
0x65: {  	[tilespmem:s26], [sflag:$0x1] =	stream.indirect_vreg.gather [hbm4b:s3+s2], $0x80, v3, vm0, $0xb8;
	[tilespmem:$0x7880] =	vst v63  }
0x66: {  	_ = 	snop  }
0x67: {  	[tilespmem:s28], [sflag:$0x1] =	stream.indirect_vreg.gather [hbm4b:s4+s2], $0x80, v3, vm1, $0xb8;
	[tilespmem:$0x7880] =	vst v63  }
0x68: {  	_ =	swait.ge [sflag:s29], $0x7800  }
0x69: {  	p0 =	sne.s32 s1, $0x4D8;
	[sflag:s29] =	ssyncset.done $0x0  }
.Ltmp0:
0x6a: {  	[sflag:s29] =	ssyncadd.s32 $0xFFFF8800;
	(pc) =	sbr.rel @p0 .LBB2_2-.Ltmp0, $4  }
0x6b: {  	[hbm4b:s31+s2] =	stream.linear.scatter [tilespmem:s8], [sflag:$0x2], $0x7800, $0x38;
	[tilespmem:$0x7880] =	vst v63  }
0x6c: {  	_ =	swait.ge [sflag:s7], $0x7800  }
0x6d: {  	[sflag:s7] =	ssyncset.done $0x0  }
0x6e: {  	s1 =	sadd.s32 $0xA, s1;
	s31 =	sadd.s32 $0xF00, s31;
	[sflag:s7] =	ssyncadd.s32 $0xFFFF8800  }
0x6f: {  	s30 =	sadd.s32 $0x1, s30  }
0x70: {  	p0 =	sne.s32 s30, s5  }
.Ltmp1:
0x71: {  	_ = 	snop;
	(pc) =	sbr.rel @p0 .LBB2_1-.Ltmp1, $1  }
0x72: {  	_ =	sdelay $0x3  }
0x73: {  	_ =	sfence.sel $0x180000  }
0x74: {  	[bflag:$0x0] =	sbarrier.arrive $0xFFFF  }
0x75: {  	_ =	strace $0x90000062  }
0x76: {  	s0 =	stileid.u32;
	[bflag:$0x2] =	sbarrier.arrive $0xFFFF  }
0x77: {  	p0 =	sne.s32 s0, $0x0;
	s0 =	rddreg [dreg:$0x1]  }
0x78: {  	s0 =	sadd.s32 @!p0 $0x100000, s0  }
0x79: {  	[sflag:s0] =	ssyncadd.tile.s32 @!p0 $0x1;
	_ =	shalt  }
.Lfunc_end2:
_tile_overlayer_lowered:
.L_overlay_start_2:
0x7a: {  	(tag) =	ssettag $0x2  }
0x7b: {  	s0 =	rddreg [dreg:$0x0];
	s2 =	stileid.u32  }
0x7c: {  	s1 =	rddreg [dreg:$0x1];
	p0 =	sne.s32 s2, $0x0  }
0x7d: {  	s3 =	rddreg [dreg:$0x2];
	[bflag:$0x3] =	sbarrier.arrive $0xFFFF;
	s2 =	simm.s32 @!p0 $0x1C02  }
0x7e: {  	[timem:s3], [sflag:s2] =	dma.local @!p0 [hbm:s0], s1  }
0x7f: {  	s0 =	simm.s32 @!p0 $0x2  }
0x80: {  	_ =	swait.ge @!p0 [sflag:s0], s1  }
0x81: {  	s1 =	ssub.s32 @!p0 $0x0, s1;
	[sflag:s0] =	ssyncset.done @!p0 $0x0  }
0x82: {  	[sflag:s0] =	ssyncadd.s32 @!p0 s1  }
0x83: {  	[bflag:$0x3] =	sbarrier.arrive $0xFFFF  }
0x84: {  	_ =	shalt  }

// kernel: kernel.51.cloned.1.call-start
scs
__scs_entry_jumppad:
0x0: {  	(pc) =	sbr.rel $0x88, $3  }
0x1: {  	(tag) =	ssettag $0x0;
	lr =	simm.s32 $0x1  }
0x2: {  	[smem:$0x3F93] =	sst lr;
	_ =	strace $0xD0000000  }
0x3: {  	_ = 	snop  }
0x4: {  	_ = 	snop  }
0x5: {  	_ = 	snop  }
0x6: {  	_ = 	snop  }
0x7: {  	_ = 	snop  }
__scs_overlays_trampoline_lowered:
0x8: {  	[smem:$0x3FA2] =	sst s0  }
0x9: {  	[smem:$0x3FA3] =	sst s1  }
0xa: {  	[smem:$0x3FA4] =	sst s2  }
0xb: {  	[smem:$0x3FA5] =	sst s3  }
0xc: {  	[smem:$0x3FA6] =	sst s4  }
0xd: {  	[smem:$0x3FA7] =	sst s5  }
0xe: {  	[smem:$0x3FA8] =	sst s6  }
0xf: {  	[smem:$0x3FA9] =	sst s7  }
0x10: {  	[smem:$0x3FAA] =	sst s8  }
0x11: {  	[smem:$0x3FAB] =	sst s9;
	s0 =	simm.s32 @!p0 $0x0  }
0x12: {  	s1 =	sld [smem:$0x3F91];
	s0 =	simm.s32 @p0 $0x1  }
0x13: {  	[smem:$0x3FAC] =	sst s0;
	s0 =	simm.s32 @!p1 $0x0  }
0x14: {  	s2 =	sld [smem:$0x3F90];
	s0 =	simm.s32 @p1 $0x1  }
0x15: {  	[smem:$0x3FAD] =	sst s0;
	s0 =	simm.s32 @!p2 $0x0  }
0x16: {  	s3 =	sld [smem:$0x3FDB];
	s0 =	simm.s32 @p2 $0x1  }
0x17: {  	s4 =	simm.s32 $0x1BF5;
	[smem:$0x3FAF] =	sst s0  }
0x18: {  	s0 =	sld [smem:$0x3F92];
	_ =	swait.ge [sflag:s4], $0x0  }
0x19: {  	s7 =	sld [smem:$0x3F93]  }
0x1a: {  	s8 =	sadd.s32 $0xFFFFE003, lr  }
0x1b: {  	s9 =	sadd.s32 $0xFFFFFEF7, lr;
	s5 =	simm.s32 $0xFFFFFFFF;
	p2 =	slt.u32 s8, $0xFFFFF086  }
0x1c: {  	p1 =	slt.u32 s9, $0xF7A;
	s5 =	simm.s32 @!p2 $0x0  }
0x1d: {  	s5 =	simm.s32 @p1 $0x1;
	p0 =	seq.s32 s7, s2  }
0x1e: {  	s7 =	smul.u32 @!p0 $0xF7A, s2;
	p2 =	seq.s32 @!p0 s5, $0x0  }
0x1f: {  	s9 =	smul.u32 $0xF7A, s1;
	s8 =	simm.s32 @!p0 $0x1BF5;
	p2 =	por !p2, p0  }
0x20: {  	[sflag:s8] =	ssyncset.s32 @!p0 $0xFFFFF086;
	s6 =	sadd.s32 @!p0 s3, s7;
	s7 =	simm.s32 @!p0 $0x108  }
0x21: {  	s3 =	sadd.s32 s3, s9;
	s6 =	sadd.s32 @!p0 $0x88, s6;
	s7 =	simm.s32 @p2 $0x1082  }
0x22: {  	[simem:s7], [sflag:s8] =	dma.local @!p0 [hbm:s6], $0xF7A  }
0x23: {  	s9 =	sor.u32 $0xD0000000, s2;
	s6 =	simm.s32 $0x108;
	_ =	swait.ge @!p0 [sflag:s8], $0x0  }
0x24: {  	s3 =	sadd.s32 $0x88, s3;
	s6 =	simm.s32 @!p1 $0x1082;
	[sflag:s4] =	ssyncset.s32 $0xFFFFF086  }
0x25: {  	[simem:s6], [sflag:s4] =	dma.local [hbm:s3], $0xF7A  }
0x26: {  	[smem:$0x3F93] =	sst s1;
	(tag) =	ssettag s2;
	_ =	strace s9  }
0x27: {  	s1 =	sld [smem:$0x3FA3]  }
0x28: {  	s2 =	sld [smem:$0x3FA4]  }
0x29: {  	s4 =	sld [smem:$0x3FA6]  }
0x2a: {  	p0 =	seq.s32 s5, $0x0;
	s5 =	sld [smem:$0x3FA7]  }
0x2b: {  	s6 =	sld [smem:$0x3FA8]  }
0x2c: {  	s7 =	sld [smem:$0x3FA9]  }
0x2d: {  	s3 =	simm.s32 $0x108;
	s8 =	sld [smem:$0x3FAA]  }
0x2e: {  	s3 =	simm.s32 @!p0 $0x1082;
	s9 =	sld [smem:$0x3FAB]  }
0x2f: {  	lr =	sadd.s32 s0, s3;
	s0 =	sld [smem:$0x3FA2]  }
0x30: {  	s3 =	sld [smem:$0x3FA5]  }
0x31: {  	[smem:$0x3FAE] =	sst s10  }
0x32: {  	s10 =	sld [smem:$0x3FAC];
	_ =	sdelay $0x3  }
0x33: {  	p0 =	seq.s32 s10, $0x1;
	s10 =	sld [smem:$0x3FAE];
	_ =	sdelay $0x3  }
0x34: {  	[smem:$0x3FAE] =	sst s10  }
0x35: {  	s10 =	sld [smem:$0x3FAD];
	_ =	sdelay $0x3  }
0x36: {  	p1 =	seq.s32 s10, $0x1;
	s10 =	sld [smem:$0x3FAE];
	_ =	sdelay $0x3  }
0x37: {  	[smem:$0x3FAE] =	sst s10  }
0x38: {  	s10 =	sld [smem:$0x3FAF]  }
0x39: {  	_ = 	snop;
	(pc) =	sbr.ind lr, $3  }
0x3a: {  	_ = 	snop  }
0x3b: {  	_ = 	snop  }
0x3c: {  	p2 =	seq.s32 s10, $0x1;
	s10 =	sld [smem:$0x3FAE]  }
0x3d: {  	_ =	shalt  }
0x3e: {  	_ =	shalt  }
0x3f: {  	_ =	shalt  }
0x40: {  	_ =	shalt  }
0x41: {  	_ =	shalt  }
0x42: {  	_ =	shalt  }
0x43: {  	_ =	shalt  }
0x44: {  	_ =	shalt  }
0x45: {  	_ =	shalt  }
0x46: {  	_ =	shalt  }
0x47: {  	_ =	shalt  }
0x48: {  	_ =	shalt  }
0x49: {  	_ =	shalt  }
0x4a: {  	_ =	shalt  }
0x4b: {  	_ =	shalt  }
0x4c: {  	_ =	shalt  }
0x4d: {  	_ =	shalt  }
0x4e: {  	_ =	shalt  }
0x4f: {  	_ =	shalt  }
0x50: {  	_ =	shalt  }
0x51: {  	_ =	shalt  }
0x52: {  	_ =	shalt  }
0x53: {  	_ =	shalt  }
0x54: {  	_ =	shalt  }
0x55: {  	_ =	shalt  }
0x56: {  	_ =	shalt  }
0x57: {  	_ =	shalt  }
0x58: {  	_ =	shalt  }
0x59: {  	_ =	shalt  }
0x5a: {  	_ =	shalt  }
0x5b: {  	_ =	shalt  }
0x5c: {  	_ =	shalt  }
0x5d: {  	_ =	shalt  }
0x5e: {  	_ =	shalt  }
0x5f: {  	_ =	shalt  }
0x60: {  	_ =	shalt  }
0x61: {  	_ =	shalt  }
0x62: {  	_ =	shalt  }
0x63: {  	_ =	shalt  }
0x64: {  	_ =	shalt  }
0x65: {  	_ =	shalt  }
0x66: {  	_ =	shalt  }
0x67: {  	_ =	shalt  }
0x68: {  	_ =	shalt  }
0x69: {  	_ =	shalt  }
0x6a: {  	_ =	shalt  }
0x6b: {  	_ =	shalt  }
0x6c: {  	_ =	shalt  }
0x6d: {  	_ =	shalt  }
0x6e: {  	_ =	shalt  }
0x6f: {  	_ =	shalt  }
0x70: {  	_ =	shalt  }
0x71: {  	_ =	shalt  }
0x72: {  	_ =	shalt  }
0x73: {  	_ =	shalt  }
0x74: {  	_ =	shalt  }
0x75: {  	_ =	shalt  }
0x76: {  	_ =	shalt  }
0x77: {  	_ =	shalt  }
0x78: {  	_ =	shalt  }
0x79: {  	_ =	shalt  }
0x7a: {  	_ =	shalt  }
0x7b: {  	_ =	shalt  }
0x7c: {  	_ =	shalt  }
0x7d: {  	_ =	shalt  }
0x7e: {  	_ =	shalt  }
0x7f: {  	_ =	shalt  }
0x80: {  	_ =	shalt  }
0x81: {  	_ =	shalt  }
0x82: {  	_ =	shalt  }
0x83: {  	_ =	shalt  }
0x84: {  	_ =	shalt  }
0x85: {  	_ =	shalt  }
0x86: {  	_ =	shalt  }
0x87: {  	_ =	shalt  }
.Lfunc_end0:
.L_simem_size_0:
called_computation.9_lowered:
.L_overlay_start_0:
0x88: {  	s2 =	sld [smem:$0x3FD9]  }
0x89: {  	s3 =	sld [smem:$0x3FFE];
	_ =	sdelay $0x1  }
0x8a: {  	s1 =	srdreg.scid  }
0x8b: {  	s0 =	sand.u32 $0x1, s1  }
0x8c: {  	s17 =	sshll.u32 s0, $0xA;
	s2 =	sadd.s32 s3, s2  }
0x8d: {  	s2 =	sadd.s32 s2, s17  }
0x8e: {  	[smem:$0x3FBA] =	sst s2  }
0x8f: {  	_ = 	snop  }
0x90: {  	s2 =	sld [smem:$0x3FD0];
	(tm) =	ssettm $0x1  }
0x91: {  	s18 =	sld [smem:$0x3FFB];
	_ =	sdelay $0x3  }
0x92: {  	_ =	strace s18  }
0x93: {  	s3 =	sld [smem:$0x3FFC];
	_ =	sdelay $0x3  }
0x94: {  	_ =	strace s3  }
0x95: {  	s3 =	sld [smem:$0x3FFD];
	_ =	sdelay $0x3  }
0x96: {  	_ =	strace s3  }
0x97: {  	_ =	strace $0x8FFFFFFF  }
0x98: {  	s19 =	sld [smem:$0x3FDB];
	_ =	sdelay $0x1  }
0x99: {  	s4 =	simm.s32 $_scs_section_size  }
0x9a: {  	s5 =	simm.s32 $_size__tile_overlayer_lowered;
	s6 =	simm.s32 $_tile_overlayer_lowered  }
0x9b: {  	s22 =	simm.s32 $0x1BFF;
	s21 =	sshll.u32 s6, $0x1;
	s3 =	sadd.s32 s4, s19  }
0x9c: {  	s7 =	simm.s32 $0x0;
	s20 =	sshll.u32 s5, $0x1;
	s5 =	sadd.s32 s21, s3  }
0x9d: {  	[timem:s7], [sflag:s22] =	dma.local [hbm:s5], s20  }
0x9e: {  	_ =	swait.ge [sflag:s22], s20  }
0x9f: {  	s4 =	ssub.s32 $0x0, s20;
	[sflag:s22] =	ssyncset.done $0x0  }
0xa0: {  	[sflag:s22] =	ssyncadd.s32 s4;
	_ =	sdelay $0x1  }
0xa1: {  	s23 =	simm.s32 $0x1B8B  }
0xa2: {  	_ =	swait.ge [sflag:s23], $0x1  }
0xa3: {  	[sflag:s23] =	ssyncset.done $0x0  }
0xa4: {  	s25 =	simm.s32 $0x1B8E;
	s24 =	sld [smem:$0x3FFE];
	[sflag:s23] =	ssyncadd.s32 $0xFFFFFFFF  }
0xa5: {  	s26 =	simm.s32 $execute0_lowered;
	[smem:$0x3FD2] =	sst s25  }
0xa6: {  	s5 =	sshll.u32 s26, $0x1;
	_ =	strace $0x8000005E;
	[dreg:$0x1] =	wrdreg $0xFFFFFFFF  }
0xa7: {  	s28 =	simm.s32 $_size_execute0_lowered;
	s3 =	sadd.s32 s3, s5;
	[dreg:$0x0] =	wrdreg $0x0  }
0xa8: {  	s5 =	sshll.u32 s28, $0x1;
	[dreg:$0x2] =	wrdreg s3  }
0xa9: {  	[dreg:$0x3] =	wrdreg s5  }
0xaa: {  	[dreg:$0x4] =	wrdreg $0xC0  }
0xab: {  	_ =	task [dreg:s7], $0x5FFFF  }
0xac: {  	[dreg:$0x1] =	wrdreg $0xFFFFFFFF  }
0xad: {  	[dreg:$0x0] =	wrdreg $0x60  }
0xae: {  	[dreg:$0x2] =	wrdreg s24  }
0xaf: {  	[dreg:$0x3] =	wrdreg s2  }
0xb0: {  	[dreg:$0x4] =	wrdreg $0xA  }
0xb1: {  	_ =	task.clear_ibuf [dreg:s7], $0x5FFFF;
	_ =	strace $0x9000005E  }
0xb2: {  	s29 =	simm.s32 $0xA;
	_ =	strace $0x80000060  }
0xb3: {  	_ =	swait.ge [sflag:s29], $0x1  }
0xb4: {  	[sflag:s29] =	ssyncadd.s32 $0xFFFFFFFF  }
0xb5: {  	_ =	strace $0x90000060  }
0xb6: {  	_ =	sfence  }
0xb7: {  	s30 =	sld [smem:$0x0];
	_ =	sdelay $0x2  }
0xb8: {  	s31 =	sshll.u32 s1, $0xD;
	s1 =	sshrl.u32 s1, $0x2  }
0xb9: {  	s3 =	sand.u32 $0x4000, s31;
	s1 =	sadd.s32 s1, s30  }
0xba: {  	s0 =	sor.u32 s3, s0;
	s1 =	sshll.u32 s1, $0x11  }
0xbb: {  	s0 =	sor.u32 s1, s0  }
0xbc: {  	s0 =	sadd.s32 $0x8F2B, s0  }
0xbd: {  	[sflag:s0] =	ssyncadd.remote.s32 $0x1  }
0xbe: {  	_ =	sfence.sel $0xFFFF  }
0xbf: {  	[dreg:$0x0] =	wrdreg $0xFFFFFFFF;
	(pc) =	sbr.abs _section_cstart, $3  }
0xc0: {  	[dreg:$0x1] =	wrdreg $0xFFFFFFFF  }
0xc1: {  	_ =	task.clear_ibuf [dreg:s7], $0x2FFFF;
	_ =	strace $0x9FFFFFFF  }
0xc2: {  	(tm) =	ssettm $0x7FFFFFFF  }
0xc3: {  	_ =	shalt  }
tec
execute0_lowered:
.L_overlay_start_1:
0x0: {  	(tag) =	ssettag $0x1  }
0x1: {  	s4 =	rddreg [dreg:$0x0]  }
0x2: {  	s0 =	stileid.u32;
	s1 =	srdreg.scid  }
0x3: {  	s6 =	rddreg [dreg:$0x1];
	s5 =	smul.u32 $0x4E200, s0  }
0x4: {  	s2 =	simm.s32 $0x0;
	s3 =	sand.u32 $0x1, s1;
	s8 =	smul.u32 $0x4E20, s0  }
0x5: {  	s11 =	simm.s32 $0x0;
	s1 =	rddreg [dreg:$0x2];
	s7 =	smul.u32 $0x27100, s3  }
0x6: {  	[smem:$0x7FF] =	sst s2;
	s9 =	ssub.s32 $0x2, s3;
	s10 =	smul.u32 $0x2710, s3  }
0x7: {  	s3 =	sadd.s32 $0xAFA00, s4;
	s4 =	sadd.s32 s5, s4;
	s30 =	sshrl.u32 s9, $0x1  }
0x8: {  	_ =	strace $0x8000005F;
	s5 =	ssub.s32 s9, s30;
	s7 =	sadd.s32 s7, s4  }
0x9: {  	s8 =	sadd.s32 s10, s8;
	s9 =	simm.s32 $0x80;
	s10 =	simm.s32 $0x1  }
0xa: {  	s4 =	smax.u32 s5, $0x1;
	s5 =	sadd.s32 $0xD6C00, s7;
	s31 =	sshrl.u32 s8, $0x3  }
0xb: {  	s7 =	simm.s32 $0x2;
	s8 =	simm.s32 $0x50;
	s6 =	sadd.s32 s31, s6  }
.LBB2_1:
0xc: {  	s12 =	sadd.s32 $0x0, s6  }
0xd: {  	[tilespmem:s2], [sflag:$0x2] =	stream.linear.gather [hbm4b:s12+s2], $0x50, $0x38;
	[tilespmem:$0x2880] =	vst v63  }
0xe: {  	_ =	swait.ge [sflag:s7], $0x50  }
0xf: {  	[sflag:s7] =	ssyncset.done $0x0  }
0x10: {  	[sflag:s7] =	ssyncadd.s32 $0xFFFFFFB0  }
0x11: {  	[tilespmem:s9], [sflag:$0x1] =	stream.indirect.gather [hbm4b:s3+s8], $0x80, s2, s8, $0xb8;
	[tilespmem:$0x2880] =	vst v63  }
0x12: {  	_ =	swait.ge [sflag:s10], $0x2800  }
0x13: {  	[sflag:s10] =	ssyncset.done $0x0  }
0x14: {  	[sflag:s10] =	ssyncadd.s32 $0xFFFFD800  }
0x15: {  	[hbm4b:s5+s2] =	stream.linear.scatter [tilespmem:s9], [sflag:$0x2], $0x2800, $0x38;
	[tilespmem:$0x2880] =	vst v63  }
0x16: {  	s13 =	simm.s32 $0xA;
	_ =	swait.ge [sflag:s7], $0x2800  }
0x17: {  	s14 =	simm.s32 $0x14;
	s12 =	sadd.s32 $0x500, s5;
	[sflag:s7] =	ssyncset.done $0x0  }
.LBB2_2:
0x18: {  	s15 =	sadd.s32 s13, s6  }
0x19: {  	[sflag:s7] =	ssyncadd.s32 $0xFFFFD800;
	s13 =	smov.u32 s14;
	s16 =	sadd.s32 $0xA, s14  }
0x1a: {  	[tilespmem:s2], [sflag:$0x2] =	stream.linear.gather [hbm4b:s15+s2], $0x50, $0x38;
	[tilespmem:$0x2880] =	vst v63  }
0x1b: {  	p0 =	sne.s32 s14, $0x4D8;
	_ =	swait.ge [sflag:s7], $0x50  }
0x1c: {  	[sflag:s7] =	ssyncset.done $0x0  }
0x1d: {  	[sflag:s7] =	ssyncadd.s32 $0xFFFFFFB0  }
0x1e: {  	[tilespmem:s9], [sflag:$0x1] =	stream.indirect.gather [hbm4b:s3+s8], $0x80, s2, s8, $0xb8;
	[tilespmem:$0x2880] =	vst v63  }
0x1f: {  	_ =	swait.ge [sflag:s10], $0x2800  }
.Ltmp0:
0x20: {  	[sflag:s10] =	ssyncset.done $0x0;
	(pc) =	sbr.rel @p0 .LBB2_2-.Ltmp0, $4  }
0x21: {  	[sflag:s10] =	ssyncadd.s32 $0xFFFFD800  }
0x22: {  	[hbm4b:s12+s2] =	stream.linear.scatter [tilespmem:s9], [sflag:$0x2], $0x2800, $0x38;
	[tilespmem:$0x2880] =	vst v63  }
0x23: {  	_ =	swait.ge [sflag:s7], $0x2800  }
0x24: {  	s14 =	smov.u32 s16;
	s12 =	sadd.s32 $0x500, s12;
	[sflag:s7] =	ssyncset.done $0x0  }
0x25: {  	s13 =	sadd.s32 s13, s6;
	[sflag:s7] =	ssyncadd.s32 $0xFFFFD800  }
0x26: {  	[tilespmem:s2], [sflag:$0x2] =	stream.linear.gather [hbm4b:s13+s2], $0x50, $0x38;
	[tilespmem:$0x2880] =	vst v63  }
0x27: {  	_ =	swait.ge [sflag:s7], $0x50  }
0x28: {  	[sflag:s7] =	ssyncset.done $0x0  }
0x29: {  	[sflag:s7] =	ssyncadd.s32 $0xFFFFFFB0  }
0x2a: {  	[tilespmem:s9], [sflag:$0x1] =	stream.indirect.gather [hbm4b:s3+s8], $0x80, s2, s8, $0xb8;
	[tilespmem:$0x2880] =	vst v63  }
0x2b: {  	s11 =	sadd.s32 $0x1, s11;
	_ =	swait.ge [sflag:s10], $0x2800  }
0x2c: {  	p0 =	sne.s32 s11, s4;
	[sflag:s10] =	ssyncset.done $0x0  }
.Ltmp1:
0x2d: {  	[sflag:s10] =	ssyncadd.s32 $0xFFFFD800;
	(pc) =	sbr.rel @p0 .LBB2_1-.Ltmp1, $4  }
0x2e: {  	[hbm4b:s12+s2] =	stream.linear.scatter [tilespmem:s9], [sflag:$0x2], $0x2800, $0x38;
	[tilespmem:$0x2880] =	vst v63  }
0x2f: {  	_ =	swait.ge [sflag:s7], $0x2800  }
0x30: {  	[sflag:s7] =	ssyncset.done $0x0  }
0x31: {  	[sflag:s7] =	ssyncadd.s32 $0xFFFFD800  }
0x32: {  	_ =	sfence.sel $0x180000  }
0x33: {  	[bflag:$0x0] =	sbarrier.arrive $0xFFFF  }
0x34: {  	p0 =	sne.s32 s0, $0x0;
	_ =	strace $0x9000005F  }
0x35: {  	s0 =	sadd.s32 @!p0 $0x100000, s1;
	[bflag:$0x2] =	sbarrier.arrive $0xFFFF  }
0x36: {  	[sflag:s0] =	ssyncadd.tile.s32 @!p0 $0x1;
	_ =	shalt  }
.Lfunc_end2:
_tile_overlayer_lowered:
.L_overlay_start_2:
0x37: {  	(tag) =	ssettag $0x2  }
0x38: {  	s0 =	rddreg [dreg:$0x0];
	s2 =	stileid.u32  }
0x39: {  	s1 =	rddreg [dreg:$0x1];
	p0 =	sne.s32 s2, $0x0  }
0x3a: {  	s3 =	rddreg [dreg:$0x2];
	[bflag:$0x3] =	sbarrier.arrive $0xFFFF;
	s2 =	simm.s32 @!p0 $0x1C02  }
0x3b: {  	[timem:s3], [sflag:s2] =	dma.local @!p0 [hbm:s0], s1  }
0x3c: {  	s0 =	simm.s32 @!p0 $0x2  }
0x3d: {  	_ =	swait.ge @!p0 [sflag:s0], s1  }
0x3e: {  	s1 =	ssub.s32 @!p0 $0x0, s1;
	[sflag:s0] =	ssyncset.done @!p0 $0x0  }
0x3f: {  	[sflag:s0] =	ssyncadd.s32 @!p0 s1  }
0x40: {  	[bflag:$0x3] =	sbarrier.arrive $0xFFFF  }
0x41: {  	_ =	shalt  }

// kernel: kernel.54.cloned.1.call-start
scs
__scs_entry_jumppad:
0x0: {  	(pc) =	sbr.rel $0x88, $3  }
0x1: {  	(tag) =	ssettag $0x0;
	lr =	simm.s32 $0x1  }
0x2: {  	[smem:$0x3F93] =	sst lr;
	_ =	strace $0xD0000000  }
0x3: {  	_ = 	snop  }
0x4: {  	_ = 	snop  }
0x5: {  	_ = 	snop  }
0x6: {  	_ = 	snop  }
0x7: {  	_ = 	snop  }
__scs_overlays_trampoline_lowered:
0x8: {  	[smem:$0x3FA2] =	sst s0  }
0x9: {  	[smem:$0x3FA3] =	sst s1  }
0xa: {  	[smem:$0x3FA4] =	sst s2  }
0xb: {  	[smem:$0x3FA5] =	sst s3  }
0xc: {  	[smem:$0x3FA6] =	sst s4  }
0xd: {  	[smem:$0x3FA7] =	sst s5  }
0xe: {  	[smem:$0x3FA8] =	sst s6  }
0xf: {  	[smem:$0x3FA9] =	sst s7  }
0x10: {  	[smem:$0x3FAA] =	sst s8  }
0x11: {  	[smem:$0x3FAB] =	sst s9;
	s0 =	simm.s32 @!p0 $0x0  }
0x12: {  	s1 =	sld [smem:$0x3F91];
	s0 =	simm.s32 @p0 $0x1  }
0x13: {  	[smem:$0x3FAC] =	sst s0;
	s0 =	simm.s32 @!p1 $0x0  }
0x14: {  	s2 =	sld [smem:$0x3F90];
	s0 =	simm.s32 @p1 $0x1  }
0x15: {  	[smem:$0x3FAD] =	sst s0;
	s0 =	simm.s32 @!p2 $0x0  }
0x16: {  	s3 =	sld [smem:$0x3FDB];
	s0 =	simm.s32 @p2 $0x1  }
0x17: {  	s4 =	simm.s32 $0x1BF5;
	[smem:$0x3FAF] =	sst s0  }
0x18: {  	s0 =	sld [smem:$0x3F92];
	_ =	swait.ge [sflag:s4], $0x0  }
0x19: {  	s7 =	sld [smem:$0x3F93]  }
0x1a: {  	s8 =	sadd.s32 $0xFFFFE003, lr  }
0x1b: {  	s9 =	sadd.s32 $0xFFFFFEF7, lr;
	s5 =	simm.s32 $0xFFFFFFFF;
	p2 =	slt.u32 s8, $0xFFFFF086  }
0x1c: {  	p1 =	slt.u32 s9, $0xF7A;
	s5 =	simm.s32 @!p2 $0x0  }
0x1d: {  	s5 =	simm.s32 @p1 $0x1;
	p0 =	seq.s32 s7, s2  }
0x1e: {  	s7 =	smul.u32 @!p0 $0xF7A, s2;
	p2 =	seq.s32 @!p0 s5, $0x0  }
0x1f: {  	s9 =	smul.u32 $0xF7A, s1;
	s8 =	simm.s32 @!p0 $0x1BF5;
	p2 =	por !p2, p0  }
0x20: {  	[sflag:s8] =	ssyncset.s32 @!p0 $0xFFFFF086;
	s6 =	sadd.s32 @!p0 s3, s7;
	s7 =	simm.s32 @!p0 $0x108  }
0x21: {  	s3 =	sadd.s32 s3, s9;
	s6 =	sadd.s32 @!p0 $0x88, s6;
	s7 =	simm.s32 @p2 $0x1082  }
0x22: {  	[simem:s7], [sflag:s8] =	dma.local @!p0 [hbm:s6], $0xF7A  }
0x23: {  	s9 =	sor.u32 $0xD0000000, s2;
	s6 =	simm.s32 $0x108;
	_ =	swait.ge @!p0 [sflag:s8], $0x0  }
0x24: {  	s3 =	sadd.s32 $0x88, s3;
	s6 =	simm.s32 @!p1 $0x1082;
	[sflag:s4] =	ssyncset.s32 $0xFFFFF086  }
0x25: {  	[simem:s6], [sflag:s4] =	dma.local [hbm:s3], $0xF7A  }
0x26: {  	[smem:$0x3F93] =	sst s1;
	(tag) =	ssettag s2;
	_ =	strace s9  }
0x27: {  	s1 =	sld [smem:$0x3FA3]  }
0x28: {  	s2 =	sld [smem:$0x3FA4]  }
0x29: {  	s4 =	sld [smem:$0x3FA6]  }
0x2a: {  	p0 =	seq.s32 s5, $0x0;
	s5 =	sld [smem:$0x3FA7]  }
0x2b: {  	s6 =	sld [smem:$0x3FA8]  }
0x2c: {  	s7 =	sld [smem:$0x3FA9]  }
0x2d: {  	s3 =	simm.s32 $0x108;
	s8 =	sld [smem:$0x3FAA]  }
0x2e: {  	s3 =	simm.s32 @!p0 $0x1082;
	s9 =	sld [smem:$0x3FAB]  }
0x2f: {  	lr =	sadd.s32 s0, s3;
	s0 =	sld [smem:$0x3FA2]  }
0x30: {  	s3 =	sld [smem:$0x3FA5]  }
0x31: {  	[smem:$0x3FAE] =	sst s10  }
0x32: {  	s10 =	sld [smem:$0x3FAC];
	_ =	sdelay $0x3  }
0x33: {  	p0 =	seq.s32 s10, $0x1;
	s10 =	sld [smem:$0x3FAE];
	_ =	sdelay $0x3  }
0x34: {  	[smem:$0x3FAE] =	sst s10  }
0x35: {  	s10 =	sld [smem:$0x3FAD];
	_ =	sdelay $0x3  }
0x36: {  	p1 =	seq.s32 s10, $0x1;
	s10 =	sld [smem:$0x3FAE];
	_ =	sdelay $0x3  }
0x37: {  	[smem:$0x3FAE] =	sst s10  }
0x38: {  	s10 =	sld [smem:$0x3FAF]  }
0x39: {  	_ = 	snop;
	(pc) =	sbr.ind lr, $3  }
0x3a: {  	_ = 	snop  }
0x3b: {  	_ = 	snop  }
0x3c: {  	p2 =	seq.s32 s10, $0x1;
	s10 =	sld [smem:$0x3FAE]  }
0x3d: {  	_ =	shalt  }
0x3e: {  	_ =	shalt  }
0x3f: {  	_ =	shalt  }
0x40: {  	_ =	shalt  }
0x41: {  	_ =	shalt  }
0x42: {  	_ =	shalt  }
0x43: {  	_ =	shalt  }
0x44: {  	_ =	shalt  }
0x45: {  	_ =	shalt  }
0x46: {  	_ =	shalt  }
0x47: {  	_ =	shalt  }
0x48: {  	_ =	shalt  }
0x49: {  	_ =	shalt  }
0x4a: {  	_ =	shalt  }
0x4b: {  	_ =	shalt  }
0x4c: {  	_ =	shalt  }
0x4d: {  	_ =	shalt  }
0x4e: {  	_ =	shalt  }
0x4f: {  	_ =	shalt  }
0x50: {  	_ =	shalt  }
0x51: {  	_ =	shalt  }
0x52: {  	_ =	shalt  }
0x53: {  	_ =	shalt  }
0x54: {  	_ =	shalt  }
0x55: {  	_ =	shalt  }
0x56: {  	_ =	shalt  }
0x57: {  	_ =	shalt  }
0x58: {  	_ =	shalt  }
0x59: {  	_ =	shalt  }
0x5a: {  	_ =	shalt  }
0x5b: {  	_ =	shalt  }
0x5c: {  	_ =	shalt  }
0x5d: {  	_ =	shalt  }
0x5e: {  	_ =	shalt  }
0x5f: {  	_ =	shalt  }
0x60: {  	_ =	shalt  }
0x61: {  	_ =	shalt  }
0x62: {  	_ =	shalt  }
0x63: {  	_ =	shalt  }
0x64: {  	_ =	shalt  }
0x65: {  	_ =	shalt  }
0x66: {  	_ =	shalt  }
0x67: {  	_ =	shalt  }
0x68: {  	_ =	shalt  }
0x69: {  	_ =	shalt  }
0x6a: {  	_ =	shalt  }
0x6b: {  	_ =	shalt  }
0x6c: {  	_ =	shalt  }
0x6d: {  	_ =	shalt  }
0x6e: {  	_ =	shalt  }
0x6f: {  	_ =	shalt  }
0x70: {  	_ =	shalt  }
0x71: {  	_ =	shalt  }
0x72: {  	_ =	shalt  }
0x73: {  	_ =	shalt  }
0x74: {  	_ =	shalt  }
0x75: {  	_ =	shalt  }
0x76: {  	_ =	shalt  }
0x77: {  	_ =	shalt  }
0x78: {  	_ =	shalt  }
0x79: {  	_ =	shalt  }
0x7a: {  	_ =	shalt  }
0x7b: {  	_ =	shalt  }
0x7c: {  	_ =	shalt  }
0x7d: {  	_ =	shalt  }
0x7e: {  	_ =	shalt  }
0x7f: {  	_ =	shalt  }
0x80: {  	_ =	shalt  }
0x81: {  	_ =	shalt  }
0x82: {  	_ =	shalt  }
0x83: {  	_ =	shalt  }
0x84: {  	_ =	shalt  }
0x85: {  	_ =	shalt  }
0x86: {  	_ =	shalt  }
0x87: {  	_ =	shalt  }
.Lfunc_end0:
.L_simem_size_0:
called_computation.10_lowered:
.L_overlay_start_0:
0x88: {  	s2 =	sld [smem:$0x3FD9]  }
0x89: {  	s3 =	sld [smem:$0x3FFE];
	_ =	sdelay $0x1  }
0x8a: {  	s1 =	srdreg.scid  }
0x8b: {  	s0 =	sand.u32 $0x1, s1  }
0x8c: {  	s17 =	sshll.u32 s0, $0xA;
	s2 =	sadd.s32 s3, s2  }
0x8d: {  	s2 =	sadd.s32 s2, s17  }
0x8e: {  	[smem:$0x3FBA] =	sst s2  }
0x8f: {  	_ = 	snop  }
0x90: {  	s18 =	sld [smem:$0x3FD0];
	(tm) =	ssettm $0x1  }
0x91: {  	s19 =	sld [smem:$0x3FFB];
	_ =	sdelay $0x3  }
0x92: {  	_ =	strace s19  }
0x93: {  	s2 =	sld [smem:$0x3FFC];
	_ =	sdelay $0x3  }
0x94: {  	_ =	strace s2  }
0x95: {  	s2 =	sld [smem:$0x3FFD];
	_ =	sdelay $0x3  }
0x96: {  	_ =	strace s2  }
0x97: {  	_ =	strace $0x8FFFFFFF  }
0x98: {  	s20 =	sld [smem:$0x3FDB];
	_ =	sdelay $0x1  }
0x99: {  	s4 =	simm.s32 $_scs_section_size  }
0x9a: {  	s5 =	simm.s32 $_size__tile_overlayer_lowered;
	s6 =	simm.s32 $_tile_overlayer_lowered  }
0x9b: {  	s7 =	simm.s32 $0x1BFF;
	s21 =	sshll.u32 s6, $0x1;
	s4 =	sadd.s32 s4, s20  }
0x9c: {  	s22 =	simm.s32 $0x0;
	s5 =	sshll.u32 s5, $0x1;
	s6 =	sadd.s32 s21, s4  }
0x9d: {  	[timem:s22], [sflag:s7] =	dma.local [hbm:s6], s5  }
0x9e: {  	_ =	swait.ge [sflag:s7], s5  }
0x9f: {  	s5 =	ssub.s32 $0x0, s5;
	[sflag:s7] =	ssyncset.done $0x0  }
0xa0: {  	[sflag:s7] =	ssyncadd.s32 s5;
	_ =	sdelay $0x1  }
0xa1: {  	s23 =	simm.s32 $0x1B8B  }
0xa2: {  	_ =	swait.ge [sflag:s23], $0x1  }
0xa3: {  	[sflag:s23] =	ssyncset.done $0x0  }
0xa4: {  	[sflag:s23] =	ssyncadd.s32 $0xFFFFFFFF  }
0xa5: {  	s5 =	sld [smem:$0x0]  }
0xa6: {  	s6 =	sand.u32 $0xFFFFFFFE, s1  }
0xa7: {  	p0 =	sne.s32 s1, s6  }
0xa8: {  	s6 =	sshll.u32 @p0 s6, $0xE  }
0xa9: {  	s6 =	sadd.s32 @p0 $0x11B8D, s6;
	s7 =	sshll.u32 @p0 s5, $0x11  }
0xaa: {  	s6 =	sor.u32 @p0 s7, s6  }
0xab: {  	[sflag:s6] =	ssyncadd.remote.s32 @p0 $0x1;
	_ =	sdelay $0x1  }
0xac: {  	s6 =	simm.s32 @p0 $0x1B8D  }
0xad: {  	_ =	swait.eq @p0 [sflag:s6], $0x1  }
0xae: {  	[sflag:s6] =	ssyncadd.s32 @p0 $0xFFFFFFFF  }
0xaf: {  	s7 =	sshll.u32 @!p0 s1, $0xE  }
0xb0: {  	s7 =	sor.u32 @!p0 $0x4000, s7;
	s6 =	simm.s32 @!p0 $0x1B8D  }
0xb1: {  	s5 =	sshll.u32 @!p0 s5, $0x11;
	s7 =	sadd.s32 @!p0 $0x11B8D, s7;
	_ =	swait.eq @!p0 [sflag:s6], $0x1  }
0xb2: {  	s5 =	sor.u32 @!p0 s5, s7;
	[sflag:s6] =	ssyncadd.s32 @!p0 $0xFFFFFFFF  }
0xb3: {  	s25 =	simm.s32 $0x1B8E;
	s24 =	sld [smem:$0x3FFE];
	[sflag:s5] =	ssyncadd.remote.s32 @!p0 $0x1  }
0xb4: {  	s26 =	simm.s32 $execute0_lowered;
	[smem:$0x3FD2] =	sst s25  }
0xb5: {  	s6 =	sshll.u32 s26, $0x1;
	_ =	strace $0x8000006A;
	[dreg:$0x1] =	wrdreg $0xFFFFFFFF  }
0xb6: {  	s28 =	simm.s32 $_size_execute0_lowered;
	s4 =	sadd.s32 s4, s6;
	[dreg:$0x0] =	wrdreg $0x0  }
0xb7: {  	s6 =	sshll.u32 s28, $0x1;
	[dreg:$0x2] =	wrdreg s4  }
0xb8: {  	[dreg:$0x3] =	wrdreg s6  }
0xb9: {  	[dreg:$0x4] =	wrdreg $0xC0  }
0xba: {  	_ =	task [dreg:s22], $0x5FFFF  }
0xbb: {  	[dreg:$0x1] =	wrdreg $0xFFFFFFFF  }
0xbc: {  	[dreg:$0x0] =	wrdreg $0x60  }
0xbd: {  	[dreg:$0x2] =	wrdreg s24  }
0xbe: {  	[dreg:$0x3] =	wrdreg s18  }
0xbf: {  	[dreg:$0x4] =	wrdreg $0x28800  }
0xc0: {  	[dreg:$0x5] =	wrdreg $0x9  }
0xc1: {  	_ =	task.clear_ibuf [dreg:s22], $0x6FFFF;
	_ =	strace $0x9000006A  }
0xc2: {  	s29 =	simm.s32 $0x9;
	_ =	strace $0x8000006C  }
0xc3: {  	_ =	swait.ge [sflag:s29], $0x1  }
0xc4: {  	[sflag:s29] =	ssyncadd.s32 $0xFFFFFFFF  }
0xc5: {  	_ =	strace $0x9000006C  }
0xc6: {  	_ =	sfence  }
0xc7: {  	s30 =	sld [smem:$0x0];
	_ =	sdelay $0x2  }
0xc8: {  	s31 =	sshll.u32 s1, $0xD;
	s1 =	sshrl.u32 s1, $0x2  }
0xc9: {  	s4 =	sand.u32 $0x4000, s31;
	s1 =	sadd.s32 s1, s30  }
0xca: {  	s0 =	sor.u32 s4, s0;
	s1 =	sshll.u32 s1, $0x11  }
0xcb: {  	s0 =	sor.u32 s1, s0  }
0xcc: {  	s0 =	sadd.s32 $0x8F2B, s0  }
0xcd: {  	[sflag:s0] =	ssyncadd.remote.s32 $0x1  }
0xce: {  	_ =	sfence.sel $0xFFFF  }
0xcf: {  	[dreg:$0x0] =	wrdreg $0xFFFFFFFF;
	(pc) =	sbr.abs _section_cstart, $3  }
0xd0: {  	[dreg:$0x1] =	wrdreg $0xFFFFFFFF  }
0xd1: {  	_ =	task.clear_ibuf [dreg:s22], $0x2FFFF;
	_ =	strace $0x9FFFFFFF  }
0xd2: {  	(tm) =	ssettm $0x7FFFFFFF  }
0xd3: {  	_ =	shalt  }
tec
execute0_lowered:
.L_overlay_start_1:
0x0: {  	(tag) =	ssettag $0x1  }
0x1: {  	s0 =	srdreg.scid;
	s4 =	rddreg [dreg:$0x0]  }
0x2: {  	s6 =	stileid.u32;
	s7 =	rddreg [dreg:$0x1]  }
0x3: {  	s2 =	simm.s32 $0x0;
	s3 =	sand.u32 $0x1, s0;
	s30 =	smul.u32 $0x4E20, s6  }
0x4: {  	s12 =	simm.s32 $0x80;
	s13 =	simm.s32 $0x50;
	s1 =	smul.u32 $0x2710, s3  }
0x5: {  	s14 =	simm.s32 $0x0;
	[smem:$0x7FF] =	sst s2;
	p0 =	sne.s32 s6, $0x0  }
0x6: {  	s9 =	smul.u32 $0x27100, s3;
	s10 =	ssub.s32 $0x2, s3;
	s0 =	sadd.s32 s1, s30  }
0x7: {  	s3 =	sadd.s32 $0x13400, s4;
	s1 =	rddreg [dreg:$0x2];
	s8 =	sshrl.u32 s0, $0x3  }
0x8: {  	s31 =	sshrl.u32 s10, $0x1;
	s0 =	rddreg [dreg:$0x3];
	s5 =	smul.u32 $0x180, s8  }
0x9: {  	_ =	strace $0x8000006B;
	s7 =	sadd.s32 s8, s7;
	s8 =	sshrl.u32 @!p0 s1, $0x3  }
0xa: {  	s11 =	sadd.s32 s5, s4;
	s4 =	sadd.s32 s9, s4;
	s5 =	ssub.s32 s10, s31  }
0xb: {  	s9 =	simm.s32 $0x1;
	s10 =	simm.s32 $0x400;
	s4 =	sadd.s32 $0xD6A00, s4  }
0xc: {  	s5 =	smax.u32 s5, $0x1;
	s6 =	sadd.s32 $0x145EC00, s11;
	s11 =	simm.s32 $0xC00  }
.LBB2_1:
0xd: {  	s15 =	simm.s32 @!p0 $0x1C01  }
0xe: {  	[spmem:s8], [sflag:s15] =	dma.local @!p0 [hbm:s3], $0x27100  }
0xf: {  	s15 =	simm.s32 @!p0 $0x1  }
0x10: {  	_ =	swait.ge @!p0 [sflag:s15], $0x27100  }
0x11: {  	[sflag:s15] =	ssyncset.done @!p0 $0x0  }
0x12: {  	[sflag:s15] =	ssyncadd.s32 @!p0 $0xFFFD8F00  }
0x13: {  	s31 =	sadd.s32 $0x0, s7;
	[bflag:$0x0] =	sbarrier.arrive $0xFFFF  }
0x14: {  	[tilespmem:s2], [sflag:$0x1] =	stream.linear.gather [hbm4b:s31+s2], $0x50, $0x38;
	[tilespmem:$0x16100] =	vst v63  }
0x15: {  	_ =	swait.ge [sflag:s9], $0x50  }
0x16: {  	[sflag:s9] =	ssyncset.done $0x0  }
0x17: {  	[sflag:s9] =	ssyncadd.s32 $0xFFFFFFB0  }
0x18: {  	[tilespmem:s12], [sflag:$0x1] =	stream.strided.gather [hbm4b:s6+s10], $0x2800, s11, s10, $0x38;
	[tilespmem:$0x16100] =	vst v63  }
0x19: {  	_ =	swait.ge [sflag:s9], $0x2800  }
0x1a: {  	[sflag:s9] =	ssyncset.done $0x0  }
0x1b: {  	[sflag:s9] =	ssyncadd.s32 $0xFFFFD800  }
0x1c: {  	[spmem:s1] =	stream.indirect.scatter.add.f32 [tilespmem:s12], [sflag:$0x1], $0x80, s2, s13, $0xb8;
	[tilespmem:$0x16100] =	vst v63  }
0x1d: {  	s16 =	simm.s32 $0xA;
	_ =	swait.ge [sflag:s9], $0x2800  }
0x1e: {  	s17 =	simm.s32 $0x14;
	s15 =	sadd.s32 $0xF00, s6;
	[sflag:s9] =	ssyncset.done $0x0  }
.LBB2_2:
0x1f: {  	s18 =	sadd.s32 s16, s7  }
0x20: {  	[sflag:s9] =	ssyncadd.s32 $0xFFFFD800;
	s16 =	smov.u32 s17;
	s19 =	sadd.s32 $0xA, s17  }
0x21: {  	[tilespmem:s2], [sflag:$0x1] =	stream.linear.gather [hbm4b:s18+s2], $0x50, $0x38;
	[tilespmem:$0x16100] =	vst v63  }
0x22: {  	p1 =	sne.s32 s17, $0x4D8;
	_ =	swait.ge [sflag:s9], $0x50  }
0x23: {  	[sflag:s9] =	ssyncset.done $0x0  }
0x24: {  	[sflag:s9] =	ssyncadd.s32 $0xFFFFFFB0  }
0x25: {  	[tilespmem:s12], [sflag:$0x1] =	stream.strided.gather [hbm4b:s15+s10], $0x2800, s11, s10, $0x38;
	[tilespmem:$0x16100] =	vst v63  }
0x26: {  	_ =	swait.ge [sflag:s9], $0x2800  }
.Ltmp0:
0x27: {  	[sflag:s9] =	ssyncset.done $0x0;
	(pc) =	sbr.rel @p1 .LBB2_2-.Ltmp0, $4  }
0x28: {  	[sflag:s9] =	ssyncadd.s32 $0xFFFFD800  }
0x29: {  	[spmem:s1] =	stream.indirect.scatter.add.f32 [tilespmem:s12], [sflag:$0x1], $0x80, s2, s13, $0xb8;
	[tilespmem:$0x16100] =	vst v63  }
0x2a: {  	_ =	swait.ge [sflag:s9], $0x2800  }
0x2b: {  	s17 =	smov.u32 s19;
	s15 =	sadd.s32 $0xF00, s15;
	[sflag:s9] =	ssyncset.done $0x0  }
0x2c: {  	s16 =	sadd.s32 s16, s7;
	[sflag:s9] =	ssyncadd.s32 $0xFFFFD800  }
0x2d: {  	[tilespmem:s2], [sflag:$0x1] =	stream.linear.gather [hbm4b:s16+s2], $0x50, $0x38;
	[tilespmem:$0x16100] =	vst v63  }
0x2e: {  	_ =	swait.ge [sflag:s9], $0x50  }
0x2f: {  	[sflag:s9] =	ssyncset.done $0x0  }
0x30: {  	[sflag:s9] =	ssyncadd.s32 $0xFFFFFFB0  }
0x31: {  	[tilespmem:s12], [sflag:$0x1] =	stream.strided.gather [hbm4b:s15+s10], $0x2800, s11, s10, $0x38;
	[tilespmem:$0x16100] =	vst v63  }
0x32: {  	_ =	swait.ge [sflag:s9], $0x2800  }
0x33: {  	[sflag:s9] =	ssyncset.done $0x0  }
0x34: {  	[sflag:s9] =	ssyncadd.s32 $0xFFFFD800  }
0x35: {  	[spmem:s1] =	stream.indirect.scatter.add.f32 [tilespmem:s12], [sflag:$0x1], $0x80, s2, s13, $0xb8;
	[tilespmem:$0x16100] =	vst v63  }
0x36: {  	_ =	swait.ge [sflag:s9], $0x2800  }
0x37: {  	[sflag:s9] =	ssyncset.done $0x0  }
0x38: {  	s14 =	sadd.s32 $0x1, s14;
	[sflag:s9] =	ssyncadd.s32 $0xFFFFD800  }
0x39: {  	p1 =	sne.s32 s14, s5;
	s15 =	simm.s32 @!p0 $0x1C01;
	[bflag:$0x0] =	sbarrier.arrive $0xFFFF  }
0x3a: {  	[hbm:s4], [sflag:s15] =	dma.local @!p0 [spmem:s8], $0x27100  }
.Ltmp1:
0x3b: {  	_ = 	snop;
	(pc) =	sbr.rel @p1 .LBB2_1-.Ltmp1, $4  }
0x3c: {  	s15 =	simm.s32 @!p0 $0x1  }
0x3d: {  	_ =	swait.ge @!p0 [sflag:s15], $0x27100  }
0x3e: {  	[sflag:s15] =	ssyncset.done @!p0 $0x0  }
0x3f: {  	[sflag:s15] =	ssyncadd.s32 @!p0 $0xFFFD8F00  }
0x40: {  	_ =	sfence.sel $0x180000  }
0x41: {  	[bflag:$0x0] =	sbarrier.arrive $0xFFFF  }
0x42: {  	_ =	strace $0x9000006B  }
0x43: {  	s0 =	sadd.s32 @!p0 $0x100000, s0;
	[bflag:$0x2] =	sbarrier.arrive $0xFFFF  }
0x44: {  	[sflag:s0] =	ssyncadd.tile.s32 @!p0 $0x1;
	_ =	shalt  }
.Lfunc_end2:
_tile_overlayer_lowered:
.L_overlay_start_2:
0x45: {  	(tag) =	ssettag $0x2  }
0x46: {  	s0 =	rddreg [dreg:$0x0];
	s2 =	stileid.u32  }
0x47: {  	s1 =	rddreg [dreg:$0x1];
	p0 =	sne.s32 s2, $0x0  }
0x48: {  	s3 =	rddreg [dreg:$0x2];
	[bflag:$0x3] =	sbarrier.arrive $0xFFFF;
	s2 =	simm.s32 @!p0 $0x1C01  }
0x49: {  	[timem:s3], [sflag:s2] =	dma.local @!p0 [hbm:s0], s1  }
0x4a: {  	s0 =	simm.s32 @!p0 $0x1  }
0x4b: {  	_ =	swait.ge @!p0 [sflag:s0], s1  }
0x4c: {  	s1 =	ssub.s32 @!p0 $0x0, s1;
	[sflag:s0] =	ssyncset.done @!p0 $0x0  }
0x4d: {  	[sflag:s0] =	ssyncadd.s32 @!p0 s1  }
0x4e: {  	[bflag:$0x3] =	sbarrier.arrive $0xFFFF  }
0x4f: {  	_ =	shalt  }

// kernel: kernel.57.cloned.1.call-start
scs
__scs_entry_jumppad:
0x0: {  	(pc) =	sbr.rel $0x88, $3  }
0x1: {  	(tag) =	ssettag $0x0;
	lr =	simm.s32 $0x1  }
0x2: {  	[smem:$0x3F93] =	sst lr;
	_ =	strace $0xD0000000  }
0x3: {  	_ = 	snop  }
0x4: {  	_ = 	snop  }
0x5: {  	_ = 	snop  }
0x6: {  	_ = 	snop  }
0x7: {  	_ = 	snop  }
__scs_overlays_trampoline_lowered:
0x8: {  	[smem:$0x3FA2] =	sst s0  }
0x9: {  	[smem:$0x3FA3] =	sst s1  }
0xa: {  	[smem:$0x3FA4] =	sst s2  }
0xb: {  	[smem:$0x3FA5] =	sst s3  }
0xc: {  	[smem:$0x3FA6] =	sst s4  }
0xd: {  	[smem:$0x3FA7] =	sst s5  }
0xe: {  	[smem:$0x3FA8] =	sst s6  }
0xf: {  	[smem:$0x3FA9] =	sst s7  }
0x10: {  	[smem:$0x3FAA] =	sst s8  }
0x11: {  	[smem:$0x3FAB] =	sst s9;
	s0 =	simm.s32 @!p0 $0x0  }
0x12: {  	s1 =	sld [smem:$0x3F91];
	s0 =	simm.s32 @p0 $0x1  }
0x13: {  	[smem:$0x3FAC] =	sst s0;
	s0 =	simm.s32 @!p1 $0x0  }
0x14: {  	s2 =	sld [smem:$0x3F90];
	s0 =	simm.s32 @p1 $0x1  }
0x15: {  	[smem:$0x3FAD] =	sst s0;
	s0 =	simm.s32 @!p2 $0x0  }
0x16: {  	s3 =	sld [smem:$0x3FDB];
	s0 =	simm.s32 @p2 $0x1  }
0x17: {  	s4 =	simm.s32 $0x1BF5;
	[smem:$0x3FAF] =	sst s0  }
0x18: {  	s0 =	sld [smem:$0x3F92];
	_ =	swait.ge [sflag:s4], $0x0  }
0x19: {  	s7 =	sld [smem:$0x3F93]  }
0x1a: {  	s8 =	sadd.s32 $0xFFFFE003, lr  }
0x1b: {  	s9 =	sadd.s32 $0xFFFFFEF7, lr;
	s5 =	simm.s32 $0xFFFFFFFF;
	p2 =	slt.u32 s8, $0xFFFFF086  }
0x1c: {  	p1 =	slt.u32 s9, $0xF7A;
	s5 =	simm.s32 @!p2 $0x0  }
0x1d: {  	s5 =	simm.s32 @p1 $0x1;
	p0 =	seq.s32 s7, s2  }
0x1e: {  	s7 =	smul.u32 @!p0 $0xF7A, s2;
	p2 =	seq.s32 @!p0 s5, $0x0  }
0x1f: {  	s9 =	smul.u32 $0xF7A, s1;
	s8 =	simm.s32 @!p0 $0x1BF5;
	p2 =	por !p2, p0  }
0x20: {  	[sflag:s8] =	ssyncset.s32 @!p0 $0xFFFFF086;
	s6 =	sadd.s32 @!p0 s3, s7;
	s7 =	simm.s32 @!p0 $0x108  }
0x21: {  	s3 =	sadd.s32 s3, s9;
	s6 =	sadd.s32 @!p0 $0x88, s6;
	s7 =	simm.s32 @p2 $0x1082  }
0x22: {  	[simem:s7], [sflag:s8] =	dma.local @!p0 [hbm:s6], $0xF7A  }
0x23: {  	s9 =	sor.u32 $0xD0000000, s2;
	s6 =	simm.s32 $0x108;
	_ =	swait.ge @!p0 [sflag:s8], $0x0  }
0x24: {  	s3 =	sadd.s32 $0x88, s3;
	s6 =	simm.s32 @!p1 $0x1082;
	[sflag:s4] =	ssyncset.s32 $0xFFFFF086  }
0x25: {  	[simem:s6], [sflag:s4] =	dma.local [hbm:s3], $0xF7A  }
0x26: {  	[smem:$0x3F93] =	sst s1;
	(tag) =	ssettag s2;
	_ =	strace s9  }
0x27: {  	s1 =	sld [smem:$0x3FA3]  }
0x28: {  	s2 =	sld [smem:$0x3FA4]  }
0x29: {  	s4 =	sld [smem:$0x3FA6]  }
0x2a: {  	p0 =	seq.s32 s5, $0x0;
	s5 =	sld [smem:$0x3FA7]  }
0x2b: {  	s6 =	sld [smem:$0x3FA8]  }
0x2c: {  	s7 =	sld [smem:$0x3FA9]  }
0x2d: {  	s3 =	simm.s32 $0x108;
	s8 =	sld [smem:$0x3FAA]  }
0x2e: {  	s3 =	simm.s32 @!p0 $0x1082;
	s9 =	sld [smem:$0x3FAB]  }
0x2f: {  	lr =	sadd.s32 s0, s3;
	s0 =	sld [smem:$0x3FA2]  }
0x30: {  	s3 =	sld [smem:$0x3FA5]  }
0x31: {  	[smem:$0x3FAE] =	sst s10  }
0x32: {  	s10 =	sld [smem:$0x3FAC];
	_ =	sdelay $0x3  }
0x33: {  	p0 =	seq.s32 s10, $0x1;
	s10 =	sld [smem:$0x3FAE];
	_ =	sdelay $0x3  }
0x34: {  	[smem:$0x3FAE] =	sst s10  }
0x35: {  	s10 =	sld [smem:$0x3FAD];
	_ =	sdelay $0x3  }
0x36: {  	p1 =	seq.s32 s10, $0x1;
	s10 =	sld [smem:$0x3FAE];
	_ =	sdelay $0x3  }
0x37: {  	[smem:$0x3FAE] =	sst s10  }
0x38: {  	s10 =	sld [smem:$0x3FAF]  }
0x39: {  	_ = 	snop;
	(pc) =	sbr.ind lr, $3  }
0x3a: {  	_ = 	snop  }
0x3b: {  	_ = 	snop  }
0x3c: {  	p2 =	seq.s32 s10, $0x1;
	s10 =	sld [smem:$0x3FAE]  }
0x3d: {  	_ =	shalt  }
0x3e: {  	_ =	shalt  }
0x3f: {  	_ =	shalt  }
0x40: {  	_ =	shalt  }
0x41: {  	_ =	shalt  }
0x42: {  	_ =	shalt  }
0x43: {  	_ =	shalt  }
0x44: {  	_ =	shalt  }
0x45: {  	_ =	shalt  }
0x46: {  	_ =	shalt  }
0x47: {  	_ =	shalt  }
0x48: {  	_ =	shalt  }
0x49: {  	_ =	shalt  }
0x4a: {  	_ =	shalt  }
0x4b: {  	_ =	shalt  }
0x4c: {  	_ =	shalt  }
0x4d: {  	_ =	shalt  }
0x4e: {  	_ =	shalt  }
0x4f: {  	_ =	shalt  }
0x50: {  	_ =	shalt  }
0x51: {  	_ =	shalt  }
0x52: {  	_ =	shalt  }
0x53: {  	_ =	shalt  }
0x54: {  	_ =	shalt  }
0x55: {  	_ =	shalt  }
0x56: {  	_ =	shalt  }
0x57: {  	_ =	shalt  }
0x58: {  	_ =	shalt  }
0x59: {  	_ =	shalt  }
0x5a: {  	_ =	shalt  }
0x5b: {  	_ =	shalt  }
0x5c: {  	_ =	shalt  }
0x5d: {  	_ =	shalt  }
0x5e: {  	_ =	shalt  }
0x5f: {  	_ =	shalt  }
0x60: {  	_ =	shalt  }
0x61: {  	_ =	shalt  }
0x62: {  	_ =	shalt  }
0x63: {  	_ =	shalt  }
0x64: {  	_ =	shalt  }
0x65: {  	_ =	shalt  }
0x66: {  	_ =	shalt  }
0x67: {  	_ =	shalt  }
0x68: {  	_ =	shalt  }
0x69: {  	_ =	shalt  }
0x6a: {  	_ =	shalt  }
0x6b: {  	_ =	shalt  }
0x6c: {  	_ =	shalt  }
0x6d: {  	_ =	shalt  }
0x6e: {  	_ =	shalt  }
0x6f: {  	_ =	shalt  }
0x70: {  	_ =	shalt  }
0x71: {  	_ =	shalt  }
0x72: {  	_ =	shalt  }
0x73: {  	_ =	shalt  }
0x74: {  	_ =	shalt  }
0x75: {  	_ =	shalt  }
0x76: {  	_ =	shalt  }
0x77: {  	_ =	shalt  }
0x78: {  	_ =	shalt  }
0x79: {  	_ =	shalt  }
0x7a: {  	_ =	shalt  }
0x7b: {  	_ =	shalt  }
0x7c: {  	_ =	shalt  }
0x7d: {  	_ =	shalt  }
0x7e: {  	_ =	shalt  }
0x7f: {  	_ =	shalt  }
0x80: {  	_ =	shalt  }
0x81: {  	_ =	shalt  }
0x82: {  	_ =	shalt  }
0x83: {  	_ =	shalt  }
0x84: {  	_ =	shalt  }
0x85: {  	_ =	shalt  }
0x86: {  	_ =	shalt  }
0x87: {  	_ =	shalt  }
.Lfunc_end0:
.L_simem_size_0:
called_computation.11_lowered:
.L_overlay_start_0:
0x88: {  	s2 =	sld [smem:$0x3FD9]  }
0x89: {  	s3 =	sld [smem:$0x3FFE];
	_ =	sdelay $0x1  }
0x8a: {  	s1 =	srdreg.scid  }
0x8b: {  	s0 =	sand.u32 $0x1, s1  }
0x8c: {  	s17 =	sshll.u32 s0, $0xA;
	s2 =	sadd.s32 s3, s2  }
0x8d: {  	s2 =	sadd.s32 s2, s17  }
0x8e: {  	[smem:$0x3FBA] =	sst s2  }
0x8f: {  	_ = 	snop  }
0x90: {  	s18 =	sld [smem:$0x3FD0];
	(tm) =	ssettm $0x1  }
0x91: {  	s19 =	sld [smem:$0x3FFB];
	_ =	sdelay $0x3  }
0x92: {  	_ =	strace s19  }
0x93: {  	s2 =	sld [smem:$0x3FFC];
	_ =	sdelay $0x3  }
0x94: {  	_ =	strace s2  }
0x95: {  	s2 =	sld [smem:$0x3FFD];
	_ =	sdelay $0x3  }
0x96: {  	_ =	strace s2  }
0x97: {  	_ =	strace $0x8FFFFFFF  }
0x98: {  	s20 =	sld [smem:$0x3FDB];
	_ =	sdelay $0x1  }
0x99: {  	s4 =	simm.s32 $_scs_section_size  }
0x9a: {  	s5 =	simm.s32 $_size__tile_overlayer_lowered;
	s6 =	simm.s32 $_tile_overlayer_lowered  }
0x9b: {  	s7 =	simm.s32 $0x1BFF;
	s21 =	sshll.u32 s6, $0x1;
	s4 =	sadd.s32 s4, s20  }
0x9c: {  	s22 =	simm.s32 $0x0;
	s5 =	sshll.u32 s5, $0x1;
	s6 =	sadd.s32 s21, s4  }
0x9d: {  	[timem:s22], [sflag:s7] =	dma.local [hbm:s6], s5  }
0x9e: {  	_ =	swait.ge [sflag:s7], s5  }
0x9f: {  	s5 =	ssub.s32 $0x0, s5;
	[sflag:s7] =	ssyncset.done $0x0  }
0xa0: {  	[sflag:s7] =	ssyncadd.s32 s5;
	_ =	sdelay $0x1  }
0xa1: {  	s23 =	simm.s32 $0x1B8B  }
0xa2: {  	_ =	swait.ge [sflag:s23], $0x1  }
0xa3: {  	[sflag:s23] =	ssyncset.done $0x0  }
0xa4: {  	[sflag:s23] =	ssyncadd.s32 $0xFFFFFFFF  }
0xa5: {  	s5 =	sld [smem:$0x0]  }
0xa6: {  	s6 =	sand.u32 $0xFFFFFFFE, s1  }
0xa7: {  	p0 =	sne.s32 s1, s6  }
0xa8: {  	s6 =	sshll.u32 @p0 s6, $0xE  }
0xa9: {  	s6 =	sadd.s32 @p0 $0x11B8D, s6;
	s7 =	sshll.u32 @p0 s5, $0x11  }
0xaa: {  	s6 =	sor.u32 @p0 s7, s6  }
0xab: {  	[sflag:s6] =	ssyncadd.remote.s32 @p0 $0x1;
	_ =	sdelay $0x1  }
0xac: {  	s6 =	simm.s32 @p0 $0x1B8D  }
0xad: {  	_ =	swait.eq @p0 [sflag:s6], $0x1  }
0xae: {  	[sflag:s6] =	ssyncadd.s32 @p0 $0xFFFFFFFF  }
0xaf: {  	s7 =	sshll.u32 @!p0 s1, $0xE  }
0xb0: {  	s7 =	sor.u32 @!p0 $0x4000, s7;
	s6 =	simm.s32 @!p0 $0x1B8D  }
0xb1: {  	s5 =	sshll.u32 @!p0 s5, $0x11;
	s7 =	sadd.s32 @!p0 $0x11B8D, s7;
	_ =	swait.eq @!p0 [sflag:s6], $0x1  }
0xb2: {  	s5 =	sor.u32 @!p0 s5, s7;
	[sflag:s6] =	ssyncadd.s32 @!p0 $0xFFFFFFFF  }
0xb3: {  	s25 =	simm.s32 $0x1B8E;
	s24 =	sld [smem:$0x3FFE];
	[sflag:s5] =	ssyncadd.remote.s32 @!p0 $0x1  }
0xb4: {  	s26 =	simm.s32 $execute0_lowered;
	[smem:$0x3FD2] =	sst s25  }
0xb5: {  	s6 =	sshll.u32 s26, $0x1;
	_ =	strace $0x80000067;
	[dreg:$0x1] =	wrdreg $0xFFFFFFFF  }
0xb6: {  	s28 =	simm.s32 $_size_execute0_lowered;
	s4 =	sadd.s32 s4, s6;
	[dreg:$0x0] =	wrdreg $0x0  }
0xb7: {  	s6 =	sshll.u32 s28, $0x1;
	[dreg:$0x2] =	wrdreg s4  }
0xb8: {  	[dreg:$0x3] =	wrdreg s6  }
0xb9: {  	[dreg:$0x4] =	wrdreg $0xC0  }
0xba: {  	_ =	task [dreg:s22], $0x5FFFF  }
0xbb: {  	[dreg:$0x1] =	wrdreg $0xFFFFFFFF  }
0xbc: {  	[dreg:$0x0] =	wrdreg $0x60  }
0xbd: {  	[dreg:$0x2] =	wrdreg s24  }
0xbe: {  	[dreg:$0x3] =	wrdreg s18  }
0xbf: {  	[dreg:$0x4] =	wrdreg $0x28800  }
0xc0: {  	[dreg:$0x5] =	wrdreg $0xA  }
0xc1: {  	_ =	task.clear_ibuf [dreg:s22], $0x6FFFF;
	_ =	strace $0x90000067  }
0xc2: {  	s29 =	simm.s32 $0xA;
	_ =	strace $0x80000069  }
0xc3: {  	_ =	swait.ge [sflag:s29], $0x1  }
0xc4: {  	[sflag:s29] =	ssyncadd.s32 $0xFFFFFFFF  }
0xc5: {  	_ =	strace $0x90000069  }
0xc6: {  	_ =	sfence  }
0xc7: {  	s30 =	sld [smem:$0x0];
	_ =	sdelay $0x2  }
0xc8: {  	s31 =	sshll.u32 s1, $0xD;
	s1 =	sshrl.u32 s1, $0x2  }
0xc9: {  	s4 =	sand.u32 $0x4000, s31;
	s1 =	sadd.s32 s1, s30  }
0xca: {  	s0 =	sor.u32 s4, s0;
	s1 =	sshll.u32 s1, $0x11  }
0xcb: {  	s0 =	sor.u32 s1, s0  }
0xcc: {  	s0 =	sadd.s32 $0x8F2B, s0  }
0xcd: {  	[sflag:s0] =	ssyncadd.remote.s32 $0x1  }
0xce: {  	_ =	sfence.sel $0xFFFF  }
0xcf: {  	[dreg:$0x0] =	wrdreg $0xFFFFFFFF;
	(pc) =	sbr.abs _section_cstart, $3  }
0xd0: {  	[dreg:$0x1] =	wrdreg $0xFFFFFFFF  }
0xd1: {  	_ =	task.clear_ibuf [dreg:s22], $0x2FFFF;
	_ =	strace $0x9FFFFFFF  }
0xd2: {  	(tm) =	ssettm $0x7FFFFFFF  }
0xd3: {  	_ =	shalt  }
tec
execute0_lowered:
.L_overlay_start_1:
0x0: {  	(tag) =	ssettag $0x1  }
0x1: {  	s0 =	srdreg.scid;
	s4 =	rddreg [dreg:$0x0]  }
0x2: {  	s6 =	stileid.u32;
	s7 =	rddreg [dreg:$0x1]  }
0x3: {  	s2 =	simm.s32 $0x0;
	s3 =	sand.u32 $0x1, s0;
	s30 =	smul.u32 $0x4E20, s6  }
0x4: {  	s12 =	simm.s32 $0x80;
	s13 =	simm.s32 $0x50;
	s1 =	smul.u32 $0x2710, s3  }
0x5: {  	s14 =	simm.s32 $0x0;
	[smem:$0x7FF] =	sst s2;
	p0 =	sne.s32 s6, $0x0  }
0x6: {  	s9 =	smul.u32 $0x27100, s3;
	s10 =	ssub.s32 $0x2, s3;
	s0 =	sadd.s32 s1, s30  }
0x7: {  	s3 =	sadd.s32 $0x13400, s4;
	s1 =	rddreg [dreg:$0x2];
	s8 =	sshrl.u32 s0, $0x3  }
0x8: {  	s31 =	sshrl.u32 s10, $0x1;
	s0 =	rddreg [dreg:$0x3];
	s5 =	smul.u32 $0x180, s8  }
0x9: {  	_ =	strace $0x80000068;
	s7 =	sadd.s32 s8, s7;
	s8 =	sshrl.u32 @!p0 s1, $0x3  }
0xa: {  	s11 =	sadd.s32 s5, s4;
	s4 =	sadd.s32 s9, s4;
	s5 =	ssub.s32 s10, s31  }
0xb: {  	s9 =	simm.s32 $0x1;
	s10 =	simm.s32 $0x400;
	s4 =	sadd.s32 $0x88800, s4  }
0xc: {  	s5 =	smax.u32 s5, $0x1;
	s6 =	sadd.s32 $0x145EC80, s11;
	s11 =	simm.s32 $0xC00  }
.LBB2_1:
0xd: {  	s15 =	simm.s32 @!p0 $0x1C01  }
0xe: {  	[spmem:s8], [sflag:s15] =	dma.local @!p0 [hbm:s3], $0x27100  }
0xf: {  	s15 =	simm.s32 @!p0 $0x1  }
0x10: {  	_ =	swait.ge @!p0 [sflag:s15], $0x27100  }
0x11: {  	[sflag:s15] =	ssyncset.done @!p0 $0x0  }
0x12: {  	[sflag:s15] =	ssyncadd.s32 @!p0 $0xFFFD8F00  }
0x13: {  	s31 =	sadd.s32 $0x0, s7;
	[bflag:$0x0] =	sbarrier.arrive $0xFFFF  }
0x14: {  	[tilespmem:s2], [sflag:$0x1] =	stream.linear.gather [hbm4b:s31+s2], $0x50, $0x38;
	[tilespmem:$0x16100] =	vst v63  }
0x15: {  	_ =	swait.ge [sflag:s9], $0x50  }
0x16: {  	[sflag:s9] =	ssyncset.done $0x0  }
0x17: {  	[sflag:s9] =	ssyncadd.s32 $0xFFFFFFB0  }
0x18: {  	[tilespmem:s12], [sflag:$0x1] =	stream.strided.gather [hbm4b:s6+s10], $0x2800, s11, s10, $0x38;
	[tilespmem:$0x16100] =	vst v63  }
0x19: {  	_ =	swait.ge [sflag:s9], $0x2800  }
0x1a: {  	[sflag:s9] =	ssyncset.done $0x0  }
0x1b: {  	[sflag:s9] =	ssyncadd.s32 $0xFFFFD800  }
0x1c: {  	[spmem:s1] =	stream.indirect.scatter.add.f32 [tilespmem:s12], [sflag:$0x1], $0x80, s2, s13, $0xb8;
	[tilespmem:$0x16100] =	vst v63  }
0x1d: {  	s16 =	simm.s32 $0xA;
	_ =	swait.ge [sflag:s9], $0x2800  }
0x1e: {  	s17 =	simm.s32 $0x14;
	s15 =	sadd.s32 $0xF00, s6;
	[sflag:s9] =	ssyncset.done $0x0  }
.LBB2_2:
0x1f: {  	s18 =	sadd.s32 s16, s7  }
0x20: {  	[sflag:s9] =	ssyncadd.s32 $0xFFFFD800;
	s16 =	smov.u32 s17;
	s19 =	sadd.s32 $0xA, s17  }
0x21: {  	[tilespmem:s2], [sflag:$0x1] =	stream.linear.gather [hbm4b:s18+s2], $0x50, $0x38;
	[tilespmem:$0x16100] =	vst v63  }
0x22: {  	p1 =	sne.s32 s17, $0x4D8;
	_ =	swait.ge [sflag:s9], $0x50  }
0x23: {  	[sflag:s9] =	ssyncset.done $0x0  }
0x24: {  	[sflag:s9] =	ssyncadd.s32 $0xFFFFFFB0  }
0x25: {  	[tilespmem:s12], [sflag:$0x1] =	stream.strided.gather [hbm4b:s15+s10], $0x2800, s11, s10, $0x38;
	[tilespmem:$0x16100] =	vst v63  }
0x26: {  	_ =	swait.ge [sflag:s9], $0x2800  }
.Ltmp0:
0x27: {  	[sflag:s9] =	ssyncset.done $0x0;
	(pc) =	sbr.rel @p1 .LBB2_2-.Ltmp0, $4  }
0x28: {  	[sflag:s9] =	ssyncadd.s32 $0xFFFFD800  }
0x29: {  	[spmem:s1] =	stream.indirect.scatter.add.f32 [tilespmem:s12], [sflag:$0x1], $0x80, s2, s13, $0xb8;
	[tilespmem:$0x16100] =	vst v63  }
0x2a: {  	_ =	swait.ge [sflag:s9], $0x2800  }
0x2b: {  	s17 =	smov.u32 s19;
	s15 =	sadd.s32 $0xF00, s15;
	[sflag:s9] =	ssyncset.done $0x0  }
0x2c: {  	s16 =	sadd.s32 s16, s7;
	[sflag:s9] =	ssyncadd.s32 $0xFFFFD800  }
0x2d: {  	[tilespmem:s2], [sflag:$0x1] =	stream.linear.gather [hbm4b:s16+s2], $0x50, $0x38;
	[tilespmem:$0x16100] =	vst v63  }
0x2e: {  	_ =	swait.ge [sflag:s9], $0x50  }
0x2f: {  	[sflag:s9] =	ssyncset.done $0x0  }
0x30: {  	[sflag:s9] =	ssyncadd.s32 $0xFFFFFFB0  }
0x31: {  	[tilespmem:s12], [sflag:$0x1] =	stream.strided.gather [hbm4b:s15+s10], $0x2800, s11, s10, $0x38;
	[tilespmem:$0x16100] =	vst v63  }
0x32: {  	_ =	swait.ge [sflag:s9], $0x2800  }
0x33: {  	[sflag:s9] =	ssyncset.done $0x0  }
0x34: {  	[sflag:s9] =	ssyncadd.s32 $0xFFFFD800  }
0x35: {  	[spmem:s1] =	stream.indirect.scatter.add.f32 [tilespmem:s12], [sflag:$0x1], $0x80, s2, s13, $0xb8;
	[tilespmem:$0x16100] =	vst v63  }
0x36: {  	_ =	swait.ge [sflag:s9], $0x2800  }
0x37: {  	[sflag:s9] =	ssyncset.done $0x0  }
0x38: {  	s14 =	sadd.s32 $0x1, s14;
	[sflag:s9] =	ssyncadd.s32 $0xFFFFD800  }
0x39: {  	p1 =	sne.s32 s14, s5;
	s15 =	simm.s32 @!p0 $0x1C01;
	[bflag:$0x0] =	sbarrier.arrive $0xFFFF  }
0x3a: {  	[hbm:s4], [sflag:s15] =	dma.local @!p0 [spmem:s8], $0x27100  }
.Ltmp1:
0x3b: {  	_ = 	snop;
	(pc) =	sbr.rel @p1 .LBB2_1-.Ltmp1, $4  }
0x3c: {  	s15 =	simm.s32 @!p0 $0x1  }
0x3d: {  	_ =	swait.ge @!p0 [sflag:s15], $0x27100  }
0x3e: {  	[sflag:s15] =	ssyncset.done @!p0 $0x0  }
0x3f: {  	[sflag:s15] =	ssyncadd.s32 @!p0 $0xFFFD8F00  }
0x40: {  	_ =	sfence.sel $0x180000  }
0x41: {  	[bflag:$0x0] =	sbarrier.arrive $0xFFFF  }
0x42: {  	_ =	strace $0x90000068  }
0x43: {  	s0 =	sadd.s32 @!p0 $0x100000, s0;
	[bflag:$0x2] =	sbarrier.arrive $0xFFFF  }
0x44: {  	[sflag:s0] =	ssyncadd.tile.s32 @!p0 $0x1;
	_ =	shalt  }
.Lfunc_end2:
_tile_overlayer_lowered:
.L_overlay_start_2:
0x45: {  	(tag) =	ssettag $0x2  }
0x46: {  	s0 =	rddreg [dreg:$0x0];
	s2 =	stileid.u32  }
0x47: {  	s1 =	rddreg [dreg:$0x1];
	p0 =	sne.s32 s2, $0x0  }
0x48: {  	s3 =	rddreg [dreg:$0x2];
	[bflag:$0x3] =	sbarrier.arrive $0xFFFF;
	s2 =	simm.s32 @!p0 $0x1C01  }
0x49: {  	[timem:s3], [sflag:s2] =	dma.local @!p0 [hbm:s0], s1  }
0x4a: {  	s0 =	simm.s32 @!p0 $0x1  }
0x4b: {  	_ =	swait.ge @!p0 [sflag:s0], s1  }
0x4c: {  	s1 =	ssub.s32 @!p0 $0x0, s1;
	[sflag:s0] =	ssyncset.done @!p0 $0x0  }
0x4d: {  	[sflag:s0] =	ssyncadd.s32 @!p0 s1  }
0x4e: {  	[bflag:$0x3] =	sbarrier.arrive $0xFFFF  }
0x4f: {  	_ =	shalt  }

// kernel: kernel.60.cloned.1.call-start
scs
__scs_entry_jumppad:
0x0: {  	(pc) =	sbr.rel $0x88, $3  }
0x1: {  	(tag) =	ssettag $0x0;
	lr =	simm.s32 $0x1  }
0x2: {  	[smem:$0x3F93] =	sst lr;
	_ =	strace $0xD0000000  }
0x3: {  	_ = 	snop  }
0x4: {  	_ = 	snop  }
0x5: {  	_ = 	snop  }
0x6: {  	_ = 	snop  }
0x7: {  	_ = 	snop  }
__scs_overlays_trampoline_lowered:
0x8: {  	[smem:$0x3FA2] =	sst s0  }
0x9: {  	[smem:$0x3FA3] =	sst s1  }
0xa: {  	[smem:$0x3FA4] =	sst s2  }
0xb: {  	[smem:$0x3FA5] =	sst s3  }
0xc: {  	[smem:$0x3FA6] =	sst s4  }
0xd: {  	[smem:$0x3FA7] =	sst s5  }
0xe: {  	[smem:$0x3FA8] =	sst s6  }
0xf: {  	[smem:$0x3FA9] =	sst s7  }
0x10: {  	[smem:$0x3FAA] =	sst s8  }
0x11: {  	[smem:$0x3FAB] =	sst s9;
	s0 =	simm.s32 @!p0 $0x0  }
0x12: {  	s1 =	sld [smem:$0x3F91];
	s0 =	simm.s32 @p0 $0x1  }
0x13: {  	[smem:$0x3FAC] =	sst s0;
	s0 =	simm.s32 @!p1 $0x0  }
0x14: {  	s2 =	sld [smem:$0x3F90];
	s0 =	simm.s32 @p1 $0x1  }
0x15: {  	[smem:$0x3FAD] =	sst s0;
	s0 =	simm.s32 @!p2 $0x0  }
0x16: {  	s3 =	sld [smem:$0x3FDB];
	s0 =	simm.s32 @p2 $0x1  }
0x17: {  	s4 =	simm.s32 $0x1BF5;
	[smem:$0x3FAF] =	sst s0  }
0x18: {  	s0 =	sld [smem:$0x3F92];
	_ =	swait.ge [sflag:s4], $0x0  }
0x19: {  	s7 =	sld [smem:$0x3F93]  }
0x1a: {  	s8 =	sadd.s32 $0xFFFFE003, lr  }
0x1b: {  	s9 =	sadd.s32 $0xFFFFFEF7, lr;
	s5 =	simm.s32 $0xFFFFFFFF;
	p2 =	slt.u32 s8, $0xFFFFF086  }
0x1c: {  	p1 =	slt.u32 s9, $0xF7A;
	s5 =	simm.s32 @!p2 $0x0  }
0x1d: {  	s5 =	simm.s32 @p1 $0x1;
	p0 =	seq.s32 s7, s2  }
0x1e: {  	s7 =	smul.u32 @!p0 $0xF7A, s2;
	p2 =	seq.s32 @!p0 s5, $0x0  }
0x1f: {  	s9 =	smul.u32 $0xF7A, s1;
	s8 =	simm.s32 @!p0 $0x1BF5;
	p2 =	por !p2, p0  }
0x20: {  	[sflag:s8] =	ssyncset.s32 @!p0 $0xFFFFF086;
	s6 =	sadd.s32 @!p0 s3, s7;
	s7 =	simm.s32 @!p0 $0x108  }
0x21: {  	s3 =	sadd.s32 s3, s9;
	s6 =	sadd.s32 @!p0 $0x88, s6;
	s7 =	simm.s32 @p2 $0x1082  }
0x22: {  	[simem:s7], [sflag:s8] =	dma.local @!p0 [hbm:s6], $0xF7A  }
0x23: {  	s9 =	sor.u32 $0xD0000000, s2;
	s6 =	simm.s32 $0x108;
	_ =	swait.ge @!p0 [sflag:s8], $0x0  }
0x24: {  	s3 =	sadd.s32 $0x88, s3;
	s6 =	simm.s32 @!p1 $0x1082;
	[sflag:s4] =	ssyncset.s32 $0xFFFFF086  }
0x25: {  	[simem:s6], [sflag:s4] =	dma.local [hbm:s3], $0xF7A  }
0x26: {  	[smem:$0x3F93] =	sst s1;
	(tag) =	ssettag s2;
	_ =	strace s9  }
0x27: {  	s1 =	sld [smem:$0x3FA3]  }
0x28: {  	s2 =	sld [smem:$0x3FA4]  }
0x29: {  	s4 =	sld [smem:$0x3FA6]  }
0x2a: {  	p0 =	seq.s32 s5, $0x0;
	s5 =	sld [smem:$0x3FA7]  }
0x2b: {  	s6 =	sld [smem:$0x3FA8]  }
0x2c: {  	s7 =	sld [smem:$0x3FA9]  }
0x2d: {  	s3 =	simm.s32 $0x108;
	s8 =	sld [smem:$0x3FAA]  }
0x2e: {  	s3 =	simm.s32 @!p0 $0x1082;
	s9 =	sld [smem:$0x3FAB]  }
0x2f: {  	lr =	sadd.s32 s0, s3;
	s0 =	sld [smem:$0x3FA2]  }
0x30: {  	s3 =	sld [smem:$0x3FA5]  }
0x31: {  	[smem:$0x3FAE] =	sst s10  }
0x32: {  	s10 =	sld [smem:$0x3FAC];
	_ =	sdelay $0x3  }
0x33: {  	p0 =	seq.s32 s10, $0x1;
	s10 =	sld [smem:$0x3FAE];
	_ =	sdelay $0x3  }
0x34: {  	[smem:$0x3FAE] =	sst s10  }
0x35: {  	s10 =	sld [smem:$0x3FAD];
	_ =	sdelay $0x3  }
0x36: {  	p1 =	seq.s32 s10, $0x1;
	s10 =	sld [smem:$0x3FAE];
	_ =	sdelay $0x3  }
0x37: {  	[smem:$0x3FAE] =	sst s10  }
0x38: {  	s10 =	sld [smem:$0x3FAF]  }
0x39: {  	_ = 	snop;
	(pc) =	sbr.ind lr, $3  }
0x3a: {  	_ = 	snop  }
0x3b: {  	_ = 	snop  }
0x3c: {  	p2 =	seq.s32 s10, $0x1;
	s10 =	sld [smem:$0x3FAE]  }
0x3d: {  	_ =	shalt  }
0x3e: {  	_ =	shalt  }
0x3f: {  	_ =	shalt  }
0x40: {  	_ =	shalt  }
0x41: {  	_ =	shalt  }
0x42: {  	_ =	shalt  }
0x43: {  	_ =	shalt  }
0x44: {  	_ =	shalt  }
0x45: {  	_ =	shalt  }
0x46: {  	_ =	shalt  }
0x47: {  	_ =	shalt  }
0x48: {  	_ =	shalt  }
0x49: {  	_ =	shalt  }
0x4a: {  	_ =	shalt  }
0x4b: {  	_ =	shalt  }
0x4c: {  	_ =	shalt  }
0x4d: {  	_ =	shalt  }
0x4e: {  	_ =	shalt  }
0x4f: {  	_ =	shalt  }
0x50: {  	_ =	shalt  }
0x51: {  	_ =	shalt  }
0x52: {  	_ =	shalt  }
0x53: {  	_ =	shalt  }
0x54: {  	_ =	shalt  }
0x55: {  	_ =	shalt  }
0x56: {  	_ =	shalt  }
0x57: {  	_ =	shalt  }
0x58: {  	_ =	shalt  }
0x59: {  	_ =	shalt  }
0x5a: {  	_ =	shalt  }
0x5b: {  	_ =	shalt  }
0x5c: {  	_ =	shalt  }
0x5d: {  	_ =	shalt  }
0x5e: {  	_ =	shalt  }
0x5f: {  	_ =	shalt  }
0x60: {  	_ =	shalt  }
0x61: {  	_ =	shalt  }
0x62: {  	_ =	shalt  }
0x63: {  	_ =	shalt  }
0x64: {  	_ =	shalt  }
0x65: {  	_ =	shalt  }
0x66: {  	_ =	shalt  }
0x67: {  	_ =	shalt  }
0x68: {  	_ =	shalt  }
0x69: {  	_ =	shalt  }
0x6a: {  	_ =	shalt  }
0x6b: {  	_ =	shalt  }
0x6c: {  	_ =	shalt  }
0x6d: {  	_ =	shalt  }
0x6e: {  	_ =	shalt  }
0x6f: {  	_ =	shalt  }
0x70: {  	_ =	shalt  }
0x71: {  	_ =	shalt  }
0x72: {  	_ =	shalt  }
0x73: {  	_ =	shalt  }
0x74: {  	_ =	shalt  }
0x75: {  	_ =	shalt  }
0x76: {  	_ =	shalt  }
0x77: {  	_ =	shalt  }
0x78: {  	_ =	shalt  }
0x79: {  	_ =	shalt  }
0x7a: {  	_ =	shalt  }
0x7b: {  	_ =	shalt  }
0x7c: {  	_ =	shalt  }
0x7d: {  	_ =	shalt  }
0x7e: {  	_ =	shalt  }
0x7f: {  	_ =	shalt  }
0x80: {  	_ =	shalt  }
0x81: {  	_ =	shalt  }
0x82: {  	_ =	shalt  }
0x83: {  	_ =	shalt  }
0x84: {  	_ =	shalt  }
0x85: {  	_ =	shalt  }
0x86: {  	_ =	shalt  }
0x87: {  	_ =	shalt  }
.Lfunc_end0:
.L_simem_size_0:
called_computation.12_lowered:
.L_overlay_start_0:
0x88: {  	s2 =	sld [smem:$0x3FD9]  }
0x89: {  	s3 =	sld [smem:$0x3FFE];
	_ =	sdelay $0x1  }
0x8a: {  	s1 =	srdreg.scid  }
0x8b: {  	s0 =	sand.u32 $0x1, s1  }
0x8c: {  	s17 =	sshll.u32 s0, $0xA;
	s2 =	sadd.s32 s3, s2  }
0x8d: {  	s2 =	sadd.s32 s2, s17  }
0x8e: {  	[smem:$0x3FBA] =	sst s2  }
0x8f: {  	_ = 	snop  }
0x90: {  	s2 =	sld [smem:$0x3FD0];
	(tm) =	ssettm $0x1  }
0x91: {  	s18 =	sld [smem:$0x3FFB];
	_ =	sdelay $0x3  }
0x92: {  	_ =	strace s18  }
0x93: {  	s3 =	sld [smem:$0x3FFC];
	_ =	sdelay $0x3  }
0x94: {  	_ =	strace s3  }
0x95: {  	s3 =	sld [smem:$0x3FFD];
	_ =	sdelay $0x3  }
0x96: {  	_ =	strace s3  }
0x97: {  	_ =	strace $0x8FFFFFFF  }
0x98: {  	s19 =	sld [smem:$0x3FDB];
	_ =	sdelay $0x1  }
0x99: {  	s4 =	simm.s32 $_scs_section_size  }
0x9a: {  	s5 =	simm.s32 $_size__tile_overlayer_lowered;
	s6 =	simm.s32 $_tile_overlayer_lowered  }
0x9b: {  	s22 =	simm.s32 $0x1BFF;
	s21 =	sshll.u32 s6, $0x1;
	s3 =	sadd.s32 s4, s19  }
0x9c: {  	s7 =	simm.s32 $0x0;
	s20 =	sshll.u32 s5, $0x1;
	s5 =	sadd.s32 s21, s3  }
0x9d: {  	[timem:s7], [sflag:s22] =	dma.local [hbm:s5], s20  }
0x9e: {  	_ =	swait.ge [sflag:s22], s20  }
0x9f: {  	s4 =	ssub.s32 $0x0, s20;
	[sflag:s22] =	ssyncset.done $0x0  }
0xa0: {  	[sflag:s22] =	ssyncadd.s32 s4;
	_ =	sdelay $0x1  }
0xa1: {  	s23 =	simm.s32 $0x1B8B  }
0xa2: {  	_ =	swait.ge [sflag:s23], $0x1  }
0xa3: {  	[sflag:s23] =	ssyncset.done $0x0  }
0xa4: {  	s25 =	simm.s32 $0x1B8E;
	s24 =	sld [smem:$0x3FFE];
	[sflag:s23] =	ssyncadd.s32 $0xFFFFFFFF  }
0xa5: {  	s26 =	simm.s32 $execute0_lowered;
	[smem:$0x3FD2] =	sst s25  }
0xa6: {  	s5 =	sshll.u32 s26, $0x1;
	_ =	strace $0x80000064;
	[dreg:$0x1] =	wrdreg $0xFFFFFFFF  }
0xa7: {  	s28 =	simm.s32 $_size_execute0_lowered;
	s3 =	sadd.s32 s3, s5;
	[dreg:$0x0] =	wrdreg $0x0  }
0xa8: {  	s5 =	sshll.u32 s28, $0x1;
	[dreg:$0x2] =	wrdreg s3  }
0xa9: {  	[dreg:$0x3] =	wrdreg s5  }
0xaa: {  	[dreg:$0x4] =	wrdreg $0xC0  }
0xab: {  	_ =	task [dreg:s7], $0x5FFFF  }
0xac: {  	[dreg:$0x1] =	wrdreg $0xFFFFFFFF  }
0xad: {  	[dreg:$0x0] =	wrdreg $0x60  }
0xae: {  	[dreg:$0x2] =	wrdreg s24  }
0xaf: {  	[dreg:$0x3] =	wrdreg s2  }
0xb0: {  	[dreg:$0x4] =	wrdreg $0x28800  }
0xb1: {  	[dreg:$0x5] =	wrdreg $0xB  }
0xb2: {  	_ =	task.clear_ibuf [dreg:s7], $0x6FFFF;
	_ =	strace $0x90000064  }
0xb3: {  	s29 =	simm.s32 $0xB;
	_ =	strace $0x80000066  }
0xb4: {  	_ =	swait.ge [sflag:s29], $0x1  }
0xb5: {  	[sflag:s29] =	ssyncadd.s32 $0xFFFFFFFF  }
0xb6: {  	_ =	strace $0x90000066  }
0xb7: {  	_ =	sfence  }
0xb8: {  	s30 =	sld [smem:$0x0];
	_ =	sdelay $0x2  }
0xb9: {  	s31 =	sshll.u32 s1, $0xD;
	s1 =	sshrl.u32 s1, $0x2  }
0xba: {  	s3 =	sand.u32 $0x4000, s31;
	s1 =	sadd.s32 s1, s30  }
0xbb: {  	s0 =	sor.u32 s3, s0;
	s1 =	sshll.u32 s1, $0x11  }
0xbc: {  	s0 =	sor.u32 s1, s0  }
0xbd: {  	s0 =	sadd.s32 $0x8F2B, s0  }
0xbe: {  	[sflag:s0] =	ssyncadd.remote.s32 $0x1  }
0xbf: {  	_ =	sfence.sel $0xFFFF  }
0xc0: {  	[dreg:$0x0] =	wrdreg $0xFFFFFFFF;
	(pc) =	sbr.abs _section_cstart, $3  }
0xc1: {  	[dreg:$0x1] =	wrdreg $0xFFFFFFFF  }
0xc2: {  	_ =	task.clear_ibuf [dreg:s7], $0x2FFFF;
	_ =	strace $0x9FFFFFFF  }
0xc3: {  	(tm) =	ssettm $0x7FFFFFFF  }
tec
execute0_lowered:
.L_overlay_start_1:
0x0: {  	(tag) =	ssettag $0x1  }
0x1: {  	s0 =	srdreg.scid;
	s4 =	rddreg [dreg:$0x0]  }
0x2: {  	s6 =	stileid.u32;
	s7 =	rddreg [dreg:$0x1]  }
0x3: {  	s2 =	simm.s32 $0x0;
	s3 =	sand.u32 $0x1, s0;
	s30 =	smul.u32 $0x4E20, s6  }
0x4: {  	s12 =	simm.s32 $0x80;
	s13 =	simm.s32 $0x50;
	s1 =	smul.u32 $0x2710, s3  }
0x5: {  	s14 =	simm.s32 $0x0;
	[smem:$0x7FF] =	sst s2;
	p0 =	sne.s32 s6, $0x0  }
0x6: {  	s9 =	smul.u32 $0x27100, s3;
	s10 =	ssub.s32 $0x2, s3;
	s0 =	sadd.s32 s1, s30  }
0x7: {  	s3 =	sadd.s32 $0x13400, s4;
	s1 =	rddreg [dreg:$0x2];
	s8 =	sshrl.u32 s0, $0x3  }
0x8: {  	s31 =	sshrl.u32 s10, $0x1;
	s0 =	rddreg [dreg:$0x3];
	s5 =	smul.u32 $0x180, s8  }
0x9: {  	_ =	strace $0x80000065;
	s7 =	sadd.s32 s8, s7;
	s8 =	sshrl.u32 @!p0 s1, $0x3  }
0xa: {  	s11 =	sadd.s32 s5, s4;
	s4 =	sadd.s32 s9, s4;
	s5 =	ssub.s32 s10, s31  }
0xb: {  	s9 =	simm.s32 $0x1;
	s10 =	simm.s32 $0x400;
	s4 =	sadd.s32 $0x3A600, s4  }
0xc: {  	s5 =	smax.u32 s5, $0x1;
	s6 =	sadd.s32 $0x145ED00, s11;
	s11 =	simm.s32 $0xC00  }
.LBB2_1:
0xd: {  	s15 =	simm.s32 @!p0 $0x1C01  }
0xe: {  	[spmem:s8], [sflag:s15] =	dma.local @!p0 [hbm:s3], $0x27100  }
0xf: {  	s15 =	simm.s32 @!p0 $0x1  }
0x10: {  	_ =	swait.ge @!p0 [sflag:s15], $0x27100  }
0x11: {  	[sflag:s15] =	ssyncset.done @!p0 $0x0  }
0x12: {  	[sflag:s15] =	ssyncadd.s32 @!p0 $0xFFFD8F00  }
0x13: {  	s31 =	sadd.s32 $0x0, s7;
	[bflag:$0x0] =	sbarrier.arrive $0xFFFF  }
0x14: {  	[tilespmem:s2], [sflag:$0x1] =	stream.linear.gather [hbm4b:s31+s2], $0x50, $0x38;
	[tilespmem:$0x16100] =	vst v63  }
0x15: {  	_ =	swait.ge [sflag:s9], $0x50  }
0x16: {  	[sflag:s9] =	ssyncset.done $0x0  }
0x17: {  	[sflag:s9] =	ssyncadd.s32 $0xFFFFFFB0  }
0x18: {  	[tilespmem:s12], [sflag:$0x1] =	stream.strided.gather [hbm4b:s6+s10], $0x2800, s11, s10, $0x38;
	[tilespmem:$0x16100] =	vst v63  }
0x19: {  	_ =	swait.ge [sflag:s9], $0x2800  }
0x1a: {  	[sflag:s9] =	ssyncset.done $0x0  }
0x1b: {  	[sflag:s9] =	ssyncadd.s32 $0xFFFFD800  }
0x1c: {  	[spmem:s1] =	stream.indirect.scatter.add.f32 [tilespmem:s12], [sflag:$0x1], $0x80, s2, s13, $0xb8;
	[tilespmem:$0x16100] =	vst v63  }
0x1d: {  	s16 =	simm.s32 $0xA;
	_ =	swait.ge [sflag:s9], $0x2800  }
0x1e: {  	s17 =	simm.s32 $0x14;
	s15 =	sadd.s32 $0xF00, s6;
	[sflag:s9] =	ssyncset.done $0x0  }
.LBB2_2:
0x1f: {  	s18 =	sadd.s32 s16, s7  }
0x20: {  	[sflag:s9] =	ssyncadd.s32 $0xFFFFD800;
	s16 =	smov.u32 s17;
	s19 =	sadd.s32 $0xA, s17  }
0x21: {  	[tilespmem:s2], [sflag:$0x1] =	stream.linear.gather [hbm4b:s18+s2], $0x50, $0x38;
	[tilespmem:$0x16100] =	vst v63  }
0x22: {  	p1 =	sne.s32 s17, $0x4D8;
	_ =	swait.ge [sflag:s9], $0x50  }
0x23: {  	[sflag:s9] =	ssyncset.done $0x0  }
0x24: {  	[sflag:s9] =	ssyncadd.s32 $0xFFFFFFB0  }
0x25: {  	[tilespmem:s12], [sflag:$0x1] =	stream.strided.gather [hbm4b:s15+s10], $0x2800, s11, s10, $0x38;
	[tilespmem:$0x16100] =	vst v63  }
0x26: {  	_ =	swait.ge [sflag:s9], $0x2800  }
.Ltmp0:
0x27: {  	[sflag:s9] =	ssyncset.done $0x0;
	(pc) =	sbr.rel @p1 .LBB2_2-.Ltmp0, $4  }
0x28: {  	[sflag:s9] =	ssyncadd.s32 $0xFFFFD800  }
0x29: {  	[spmem:s1] =	stream.indirect.scatter.add.f32 [tilespmem:s12], [sflag:$0x1], $0x80, s2, s13, $0xb8;
	[tilespmem:$0x16100] =	vst v63  }
0x2a: {  	_ =	swait.ge [sflag:s9], $0x2800  }
0x2b: {  	s17 =	smov.u32 s19;
	s15 =	sadd.s32 $0xF00, s15;
	[sflag:s9] =	ssyncset.done $0x0  }
0x2c: {  	s16 =	sadd.s32 s16, s7;
	[sflag:s9] =	ssyncadd.s32 $0xFFFFD800  }
0x2d: {  	[tilespmem:s2], [sflag:$0x1] =	stream.linear.gather [hbm4b:s16+s2], $0x50, $0x38;
	[tilespmem:$0x16100] =	vst v63  }
0x2e: {  	_ =	swait.ge [sflag:s9], $0x50  }
0x2f: {  	[sflag:s9] =	ssyncset.done $0x0  }
0x30: {  	[sflag:s9] =	ssyncadd.s32 $0xFFFFFFB0  }
0x31: {  	[tilespmem:s12], [sflag:$0x1] =	stream.strided.gather [hbm4b:s15+s10], $0x2800, s11, s10, $0x38;
	[tilespmem:$0x16100] =	vst v63  }
0x32: {  	_ =	swait.ge [sflag:s9], $0x2800  }
0x33: {  	[sflag:s9] =	ssyncset.done $0x0  }
0x34: {  	[sflag:s9] =	ssyncadd.s32 $0xFFFFD800  }
0x35: {  	[spmem:s1] =	stream.indirect.scatter.add.f32 [tilespmem:s12], [sflag:$0x1], $0x80, s2, s13, $0xb8;
	[tilespmem:$0x16100] =	vst v63  }
0x36: {  	_ =	swait.ge [sflag:s9], $0x2800  }
0x37: {  	[sflag:s9] =	ssyncset.done $0x0  }
0x38: {  	s14 =	sadd.s32 $0x1, s14;
	[sflag:s9] =	ssyncadd.s32 $0xFFFFD800  }
0x39: {  	p1 =	sne.s32 s14, s5;
	s15 =	simm.s32 @!p0 $0x1C01;
	[bflag:$0x0] =	sbarrier.arrive $0xFFFF  }
0x3a: {  	[hbm:s4], [sflag:s15] =	dma.local @!p0 [spmem:s8], $0x27100  }
.Ltmp1:
0x3b: {  	_ = 	snop;
	(pc) =	sbr.rel @p1 .LBB2_1-.Ltmp1, $4  }
0x3c: {  	s15 =	simm.s32 @!p0 $0x1  }
0x3d: {  	_ =	swait.ge @!p0 [sflag:s15], $0x27100  }
0x3e: {  	[sflag:s15] =	ssyncset.done @!p0 $0x0  }
0x3f: {  	[sflag:s15] =	ssyncadd.s32 @!p0 $0xFFFD8F00  }
0x40: {  	_ =	sfence.sel $0x180000  }
0x41: {  	[bflag:$0x0] =	sbarrier.arrive $0xFFFF  }
0x42: {  	_ =	strace $0x90000065  }
0x43: {  	s0 =	sadd.s32 @!p0 $0x100000, s0;
	[bflag:$0x2] =	sbarrier.arrive $0xFFFF  }
0x44: {  	[sflag:s0] =	ssyncadd.tile.s32 @!p0 $0x1;
	_ =	shalt  }
.Lfunc_end2:
_tile_overlayer_lowered:
.L_overlay_start_2:
0x45: {  	(tag) =	ssettag $0x2  }
0x46: {  	s0 =	rddreg [dreg:$0x0];
	s2 =	stileid.u32  }
0x47: {  	s1 =	rddreg [dreg:$0x1];
	p0 =	sne.s32 s2, $0x0  }
0x48: {  	s3 =	rddreg [dreg:$0x2];
	[bflag:$0x3] =	sbarrier.arrive $0xFFFF;
	s2 =	simm.s32 @!p0 $0x1C01  }
0x49: {  	[timem:s3], [sflag:s2] =	dma.local @!p0 [hbm:s0], s1  }
0x4a: {  	s0 =	simm.s32 @!p0 $0x1  }
0x4b: {  	_ =	swait.ge @!p0 [sflag:s0], s1  }
0x4c: {  	s1 =	ssub.s32 @!p0 $0x0, s1;
	[sflag:s0] =	ssyncset.done @!p0 $0x0  }
0x4d: {  	[sflag:s0] =	ssyncadd.s32 @!p0 s1  }
0x4e: {  	[bflag:$0x3] =	sbarrier.arrive $0xFFFF  }
0x4f: {  	_ =	shalt  }

</sc_bundles>
